<compile_context>
chip_gen: v7x
topology: tpu7x:2x2x1
jax: 0.10.2.dev20260603
libtpu: 0.0.44.dev20260713+nightly
codegen_flags: <defaults>
</compile_context>

<pallas_src>
import functools

import jax
import jax.numpy as jnp
from jax import lax
from jax.experimental import pallas as pl
from jax.experimental.pallas import tpu as pltpu
from jax.experimental.pallas import tpu_sc as plsc

_NC = 2
_NS = 16
_NW = _NC * _NS
_CHUNK = 16
_TROWS = 24
_L = 2048


def _sc_body(seq_hbm, lens_hbm, tab_hbm, out_hbm,
             sbuf0, sbuf1, tbuf0, tbuf1, idx0, len_v,
             sem_in0, sem_in1, sem_tab0, sem_tab1, sem_out0, sem_out1):
    wid = lax.axis_index("s") * _NC + lax.axis_index("c")
    rows_per_w = seq_hbm.shape[0] // _NW
    n_chunks = rows_per_w // _CHUNK
    row0 = wid * rows_per_w
    b = row0 // _L
    l0 = row0 % _L
    D = sbuf0.shape[1]

    sbufs = (sbuf0, sbuf1)
    tbufs = (tbuf0, tbuf1)
    sems_in = (sem_in0, sem_in1)
    sems_tab = (sem_tab0, sem_tab1)
    sems_out = (sem_out0, sem_out1)

    idx0[...] = jnp.full((16,), b, dtype=jnp.int32)
    pltpu.async_copy(lens_hbm.at[idx0], len_v, sem_in0).wait()
    len_s = len_v[...][0]
    n_valid = jnp.clip(len_s - l0, 0, rows_per_w)

    def issue_in(c, p):
        base = row0 + c * _CHUNK
        pltpu.async_copy(
            seq_hbm.at[pl.ds(base, _CHUNK)], sbufs[p], sems_in[p])

    def issue_tab(c, p):
        @pl.when(c * _CHUNK < n_valid)
        def _():
            start = l0 + c * _CHUNK
            pltpu.async_copy(
                tab_hbm.at[pl.ds(start, _TROWS)], tbufs[p], sems_tab[p])

    def wait_out_p(p):
        pltpu.make_async_copy(
            sbufs[p], out_hbm.at[pl.ds(row0, _CHUNK)], sems_out[p]).wait()

    issue_in(0, 0)
    issue_tab(0, 0)

    def substep(c, k):
        @pl.when(c >= 1)
        def _():
            wait_out_p(1 - k)

        @pl.when(c + 1 < n_chunks)
        def _():
            issue_in(c + 1, 1 - k)
            issue_tab(c + 1, 1 - k)

        pltpu.make_async_copy(
            seq_hbm.at[pl.ds(row0, _CHUNK)], sbufs[k], sems_in[k]).wait()

        @pl.when(c * _CHUNK < n_valid)
        def _():
            pltpu.make_async_copy(
                tab_hbm.at[pl.ds(0, _TROWS)], tbufs[k], sems_tab[k]).wait()
            sb, tb = sbufs[k], tbufs[k]
            nrows = jnp.clip(n_valid - c * _CHUNK, 0, _CHUNK)

            @plsc.parallel_loop(0, nrows, step=1, unroll=4)
            def add_row(r):
                for j in range(D // 16):
                    o = j * 16
                    sb[r, pl.ds(o, 16)] = (
                        sb[r, pl.ds(o, 16)] + tb[r + 1, pl.ds(o, 16)])

        base = row0 + c * _CHUNK
        pltpu.async_copy(sbufs[k], out_hbm.at[pl.ds(base, _CHUNK)], sems_out[k])

    def pair(c2, carry):
        substep(2 * c2, 0)
        substep(2 * c2 + 1, 1)
        return carry

    lax.fori_loop(0, n_chunks // 2, pair, 0)
    wait_out_p(1)


def kernel(sequence, sequence_lenghts, pos_table):
    B, L, D = sequence.shape
    seq_flat = sequence.reshape(B * L, D)
    lens = sequence_lenghts.astype(jnp.int32)

    k = functools.partial(
        pl.kernel,
        out_type=jax.ShapeDtypeStruct((B * L, D), jnp.float32),
        mesh=plsc.VectorSubcoreMesh(core_axis_name="c", subcore_axis_name="s"),
        scratch_types=[
            pltpu.VMEM((_CHUNK, D), jnp.float32),
            pltpu.VMEM((_CHUNK, D), jnp.float32),
            pltpu.VMEM((_TROWS, D), jnp.float32),
            pltpu.VMEM((_TROWS, D), jnp.float32),
            pltpu.VMEM((16,), jnp.int32),
            pltpu.VMEM((16,), jnp.int32),
            pltpu.SemaphoreType.DMA,
            pltpu.SemaphoreType.DMA,
            pltpu.SemaphoreType.DMA,
            pltpu.SemaphoreType.DMA,
            pltpu.SemaphoreType.DMA,
            pltpu.SemaphoreType.DMA,
        ],
    )(_sc_body)
    out_flat = k(seq_flat, lens, pos_table)
    return out_flat.reshape(B, L, D)

# --- scband reference (transcript-rebuilt; emitter-appended) ---
"""Pipeline reference for scband-not-used-absolute-position-embeddings-31988916420967 (READ-ONLY COPY).

The authoritative reference and input builder live on the scoring server;
editing this copy changes nothing except your own understanding.
"""

import jax, jax.numpy as jnp
import numpy as np

MAX_SEQ_LEN = 2048
EMBED_DIM = 1024
BATCH = 4
SEQ_LEN = 2048


def _sinusoid_table(max_seq_len, dim):
    pos = np.arange(max_seq_len + 1, dtype=np.float64)[:, None]
    j = np.arange(dim, dtype=np.float64)[None, :]
    angle = pos / np.power(10000.0, 2.0 * (np.floor(j / 2.0)) / dim)
    pe = angle.copy()
    pe[1:, 0::2] = np.sin(angle[1:, 0::2])
    pe[1:, 1::2] = np.cos(angle[1:, 1::2])
    pe[0, :] = 0.0  # padding_idx=0 row is zeros
    return jnp.asarray(pe, dtype=jnp.float32)


def setup_inputs(seed: int = 0) -> dict:
    key = jax.random.key(seed)
    k1, k2 = jax.random.split(key)
    sequence = jax.random.normal(k1, (BATCH, SEQ_LEN, EMBED_DIM), dtype=jnp.float32)
    sequence_lenghts = jax.random.randint(k2, (BATCH,), 0, MAX_SEQ_LEN).astype(jnp.int64)
    pos_table = _sinusoid_table(MAX_SEQ_LEN, EMBED_DIM)
    return {"sequence": sequence, "sequence_lenghts": sequence_lenghts, "pos_table": pos_table}


def reference(sequence, sequence_lenghts, pos_table):
    # Faithful to the torch intent: position ids 1..len_i for valid tokens,
    # 0 (padding_idx -> zero embedding) for positions beyond the length.
    L = sequence.shape[1]
    pos = jnp.arange(1, L + 1, dtype=jnp.int32)[None, :]  # [1, L]
    lens = sequence_lenghts.astype(jnp.int32)[:, None]     # [B, 1]
    ids = jnp.where(pos <= lens, pos, 0)                    # [B, L]
    pe = jnp.take(pos_table, ids, axis=0)                   # gather -> [B, L, D]
    return sequence + pe

if __name__ == "__main__":
    import jax
    _d = setup_inputs()
    print(jax.jit(kernel)(*tuple(_d.values())))

</pallas_src>

<mosaic_0001>
#map = affine_map<(d0, d1) -> (0, 0)>
#map1 = affine_map<(d0, d1) -> (0)>
module attributes {stable_mosaic.version = 14 : i64} {
  func.func @_sc_body(%arg0: i32, %arg1: i32, %arg2: memref<8192x1024xf32, #tpu.memory_space<hbm>>, %arg3: memref<4xi32, #tpu.memory_space<hbm>>, %arg4: memref<2049x1024xf32, #tpu.memory_space<hbm>>, %arg5: memref<8192x1024xf32, #tpu.memory_space<hbm>>, %arg6: memref<16x1024xf32, #tpu.memory_space<vmem>>, %arg7: memref<16x1024xf32, #tpu.memory_space<vmem>>, %arg8: memref<24x1024xf32, #tpu.memory_space<vmem>>, %arg9: memref<24x1024xf32, #tpu.memory_space<vmem>>, %arg10: memref<16xi32, #tpu.memory_space<vmem>>, %arg11: memref<16xi32, #tpu.memory_space<vmem>>, %arg12: memref<!tpu.dma_semaphore, #tpu.memory_space<semaphore_mem>>, %arg13: memref<!tpu.dma_semaphore, #tpu.memory_space<semaphore_mem>>, %arg14: memref<!tpu.dma_semaphore, #tpu.memory_space<semaphore_mem>>, %arg15: memref<!tpu.dma_semaphore, #tpu.memory_space<semaphore_mem>>, %arg16: memref<!tpu.dma_semaphore, #tpu.memory_space<semaphore_mem>>, %arg17: memref<!tpu.dma_semaphore, #tpu.memory_space<semaphore_mem>>) attributes {dimension_semantics = [#tpu.dimension_semantics<core_parallel>, #tpu.dimension_semantics<subcore_parallel>], iteration_bounds = array<i64: 2, 16>, scalar_prefetch = 0 : i64, scratch_operands = 12 : i64, tpu.core_type = #tpu.core_type<sc_vector_subcore>, window_params = [{transform_indices = #map}, {transform_indices = #map1}, {transform_indices = #map}, {transform_indices = #map}]} {
    %mul3A = arith.constant 2 : i32
    %mul3A_0 = arith.muli %arg1, %mul3A : i32
    %add3A = arith.addi %mul3A_0, %arg0 : i32
    %mul3A_1 = arith.constant 256 : i32
    %mul3A_2 = arith.muli %add3A, %mul3A_1 : i32
    %jit3A = arith.constant 2048 : i32
    %div3A = arith.divsi %mul3A_2, %jit3A : i32
    %sign3A = arith.constant 0 : i32
    %sign3A_3 = arith.cmpi sgt, %mul3A_2, %sign3A : i32
    %sign3A_4 = arith.extui %sign3A_3 : i1 to i32
    %sign3A_5 = arith.constant 0 : i32
    %sign3A_6 = arith.cmpi slt, %mul3A_2, %sign3A_5 : i32
    %sign3A_7 = arith.extui %sign3A_6 : i1 to i32
    %sign3A_8 = arith.subi %sign3A_4, %sign3A_7 : i32
    %sign3A_9 = arith.constant 0 : i32
    %sign3A_10 = arith.cmpi sgt, %jit3A, %sign3A_9 : i32
    %sign3A_11 = arith.extui %sign3A_10 : i1 to i32
    %sign3A_12 = arith.constant 0 : i32
    %sign3A_13 = arith.cmpi slt, %jit3A, %sign3A_12 : i32
    %sign3A_14 = arith.extui %sign3A_13 : i1 to i32
    %sign3A_15 = arith.subi %sign3A_11, %sign3A_14 : i32
    %ne3A = arith.cmpi ne, %sign3A_8, %sign3A_15 : i32
    %rem3A = arith.remsi %mul3A_2, %jit3A : i32
    %ne3A_16 = arith.constant 0 : i32
    %ne3A_17 = arith.cmpi ne, %rem3A, %ne3A_16 : i32
    %and3A = arith.andi %ne3A, %ne3A_17 : i1
    %sub3A = arith.constant 1 : i32
    %sub3A_18 = arith.subi %div3A, %sub3A : i32
    %select_n3A = arith.select %and3A, %sub3A_18, %div3A : i32
    %jit3A_19 = arith.constant 2048 : i32
    %eq3A = arith.constant 0 : i32
    %eq3A_20 = arith.cmpi eq, %jit3A_19, %eq3A : i32
    %jit3A_21 = arith.constant 1 : i32
    %select_n3A_22 = arith.select %eq3A_20, %jit3A_21, %jit3A_19 : i32
    %rem3A_23 = arith.remsi %mul3A_2, %select_n3A_22 : i32
    %ne3A_24 = arith.constant 0 : i32
    %ne3A_25 = arith.cmpi ne, %rem3A_23, %ne3A_24 : i32
    %lt3A = arith.constant 0 : i32
    %lt3A_26 = arith.cmpi slt, %rem3A_23, %lt3A : i32
    %lt3A_27 = arith.constant 0 : i32
    %lt3A_28 = arith.cmpi slt, %select_n3A_22, %lt3A_27 : i32
    %ne3A_29 = arith.xori %lt3A_26, %lt3A_28 : i1
    %and3A_30 = arith.andi %ne3A_29, %ne3A_25 : i1
    %add3A_31 = arith.addi %rem3A_23, %select_n3A_22 : i32
    %select_n3A_32 = arith.select %and3A_30, %add3A_31, %rem3A_23 : i32
    %broadcast_in_dim3A = vector.broadcast %select_n3A : i32 to vector<16xi32>
    %swap3A = arith.constant 0 : index
    %swap3A_33 = tpu.vector_load %arg10[%swap3A] {strides = array<i32>} : memref<16xi32, #tpu.memory_space<vmem>>, vector<16xi32>,
    %swap3A_34 = vector.shape_cast %swap3A_33 : vector<16xi32> to vector<16xi32>
    %swap3A_35 = vector.shape_cast %broadcast_in_dim3A : vector<16xi32> to vector<16xi32>
    tpu.vector_store %arg10[%swap3A], %swap3A_35 {strides = array<i32>} : memref<16xi32, #tpu.memory_space<vmem>>, vector<16xi32>,
    %dma_start3A = arith.constant 0 : i32
    %dma_start3A_36 = tpu.memref_slice %arg3[%dma_start3A] : memref<4xi32, #tpu.memory_space<hbm>> -> memref<4xi32, #tpu.memory_space<hbm>>
    tpu.enqueue_indirect_dma source(%dma_start3A_36 : memref<4xi32, #tpu.memory_space<hbm>>) target(%arg11 : memref<16xi32, #tpu.memory_space<vmem>>) offsets(%arg10 : memref<16xi32, #tpu.memory_space<vmem>>) semaphore(%arg12 : memref<!tpu.dma_semaphore, #tpu.memory_space<semaphore_mem>>)
    %dma_wait3A = arith.constant 0 : i32
    %dma_wait3A_37 = tpu.memref_slice %arg3[%dma_wait3A] : memref<4xi32, #tpu.memory_space<hbm>> -> memref<4xi32, #tpu.memory_space<hbm>>
    tpu.wait_indirect_dma semaphore(%arg12 : memref<!tpu.dma_semaphore, #tpu.memory_space<semaphore_mem>>) src(%dma_wait3A_37 : memref<4xi32, #tpu.memory_space<hbm>>) dst(%arg11 : memref<16xi32, #tpu.memory_space<vmem>>)
    %get3A = arith.constant 0 : index
    %get3A_38 = tpu.vector_load %arg11[%get3A] {strides = array<i32>} : memref<16xi32, #tpu.memory_space<vmem>>, vector<16xi32>,
    %get3A_39 = vector.shape_cast %get3A_38 : vector<16xi32> to vector<16xi32>
    %slice3A = vector.extract_strided_slice %get3A_39 {offsets = [0], sizes = [1], strides = [1]} : vector<16xi32> to vector<1xi32>
    %squeeze3A = vector.extract %slice3A[0] : i32 from vector<1xi32>
    %sub3A_40 = arith.subi %squeeze3A, %select_n3A_32 : i32
    %jit3A_41 = arith.constant 0 : i32
    %jit3A_42 = arith.constant 256 : i32
    %max3A = arith.maxsi %jit3A_41, %sub3A_40 : i32
    %min3A = arith.minsi %jit3A_42, %max3A : i32
    %add3A_43 = arith.constant 0 : i32
    %add3A_44 = arith.addi %mul3A_2, %add3A_43 : i32
    %dma_start3A_45 = arith.constant 0 : i32
    %dma_start3A_46 = tpu.memref_slice %arg2[%add3A_44, %dma_start3A_45] : memref<8192x1024xf32, #tpu.memory_space<hbm>> -> memref<16x1024xf32, #tpu.memory_space<hbm>>
    %dma_start3A_47 = arith.constant 0 : i32
    %dma_start3A_48 = tpu.memref_slice %arg2[%add3A_44, %dma_start3A_47] : memref<8192x1024xf32, #tpu.memory_space<hbm>> -> memref<16x1024xf32, #tpu.memory_space<hbm>>
    tpu.enqueue_dma source(%dma_start3A_48 : memref<16x1024xf32, #tpu.memory_space<hbm>>) target(%arg6 : memref<16x1024xf32, #tpu.memory_space<vmem>>) target_semaphore(%arg12 : memref<!tpu.dma_semaphore, #tpu.memory_space<semaphore_mem>>)
    %gt3A = arith.constant 0 : i32
    %gt3A_49 = arith.cmpi sgt, %min3A, %gt3A : i32
    %convert_element_type3A = arith.extui %gt3A_49 : i1 to i32
    %cond3A = arith.constant 0 : i32
    %cond3A_50 = arith.cmpi ne, %convert_element_type3A, %cond3A : i32
    scf.if %cond3A_50 {
      %add3A_60 = arith.constant 0 : i32
      %add3A_61 = arith.addi %select_n3A_32, %add3A_60 : i32
      %dma_start3A_62 = arith.constant 0 : i32
      %dma_start3A_63 = tpu.memref_slice %arg4[%add3A_61, %dma_start3A_62] : memref<2049x1024xf32, #tpu.memory_space<hbm>> -> memref<24x1024xf32, #tpu.memory_space<hbm>>
      %dma_start3A_64 = arith.constant 0 : i32
      %dma_start3A_65 = tpu.memref_slice %arg4[%add3A_61, %dma_start3A_64] : memref<2049x1024xf32, #tpu.memory_space<hbm>> -> memref<24x1024xf32, #tpu.memory_space<hbm>>
      tpu.enqueue_dma source(%dma_start3A_65 : memref<24x1024xf32, #tpu.memory_space<hbm>>) target(%arg8 : memref<24x1024xf32, #tpu.memory_space<vmem>>) target_semaphore(%arg14 : memref<!tpu.dma_semaphore, #tpu.memory_space<semaphore_mem>>)
    } else {
    }
    %scan3A = arith.constant 0 : i32
    %scan3A_51 = arith.constant 0 : i32
    %scan3A_52 = arith.constant 8 : i32
    %scan3A_53 = arith.addi %scan3A_51, %scan3A_52 : i32
    %scan3A_54 = arith.constant 1 : i32
    scf.for %scan3A_60 = %scan3A_51 to %scan3A_53 step %scan3A_54  : i32 {
      %mul3A_61 = arith.constant 2 : i32
      %mul3A_62 = arith.muli %mul3A_61, %scan3A_60 : i32
      %ge3A = arith.constant 1 : i32
      %ge3A_63 = arith.cmpi sge, %mul3A_62, %ge3A : i32
      %convert_element_type3A_64 = arith.extui %ge3A_63 : i1 to i32
      %cond3A_65 = arith.constant 0 : i32
      %cond3A_66 = arith.cmpi ne, %convert_element_type3A_64, %cond3A_65 : i32
      scf.if %cond3A_66 {
        %dma_wait3A_124 = arith.constant 0 : i32
        %dma_wait3A_125 = tpu.memref_slice %arg5[%mul3A_2, %dma_wait3A_124] : memref<8192x1024xf32, #tpu.memory_space<hbm>> -> memref<16x1024xf32, #tpu.memory_space<hbm>>
        %dma_wait3A_126 = arith.constant 0 : i32
        %dma_wait3A_127 = tpu.memref_slice %arg5[%mul3A_2, %dma_wait3A_126] : memref<8192x1024xf32, #tpu.memory_space<hbm>> -> memref<16x1024xf32, #tpu.memory_space<hbm>>
        tpu.wait_dma2 semaphore(%arg17 : memref<!tpu.dma_semaphore, #tpu.memory_space<semaphore_mem>>) src(%arg7 : memref<16x1024xf32, #tpu.memory_space<vmem>>) dst(%dma_wait3A_127 : memref<16x1024xf32, #tpu.memory_space<hbm>>)
      } else {
      }
      %add3A_67 = arith.constant 1 : i32
      %add3A_68 = arith.addi %mul3A_62, %add3A_67 : i32
      %lt3A_69 = arith.constant 16 : i32
      %lt3A_70 = arith.cmpi slt, %add3A_68, %lt3A_69 : i32
      %convert_element_type3A_71 = arith.extui %lt3A_70 : i1 to i32
      %cond3A_72 = arith.constant 0 : i32
      %cond3A_73 = arith.cmpi ne, %convert_element_type3A_71, %cond3A_72 : i32
      scf.if %cond3A_73 {
        %add3A_124 = arith.constant 1 : i32
        %add3A_125 = arith.addi %mul3A_62, %add3A_124 : i32
        %mul3A_126 = arith.constant 16 : i32
        %mul3A_127 = arith.muli %add3A_125, %mul3A_126 : i32
        %add3A_128 = arith.addi %mul3A_2, %mul3A_127 : i32
        %dma_start3A_129 = arith.constant 0 : i32
        %dma_start3A_130 = tpu.memref_slice %arg2[%add3A_128, %dma_start3A_129] : memref<8192x1024xf32, #tpu.memory_space<hbm>> -> memref<16x1024xf32, #tpu.memory_space<hbm>>
        %dma_start3A_131 = arith.constant 0 : i32
        %dma_start3A_132 = tpu.memref_slice %arg2[%add3A_128, %dma_start3A_131] : memref<8192x1024xf32, #tpu.memory_space<hbm>> -> memref<16x1024xf32, #tpu.memory_space<hbm>>
        tpu.enqueue_dma source(%dma_start3A_132 : memref<16x1024xf32, #tpu.memory_space<hbm>>) target(%arg7 : memref<16x1024xf32, #tpu.memory_space<vmem>>) target_semaphore(%arg13 : memref<!tpu.dma_semaphore, #tpu.memory_space<semaphore_mem>>)
        %add3A_133 = arith.constant 1 : i32
        %add3A_134 = arith.addi %mul3A_62, %add3A_133 : i32
        %mul3A_135 = arith.constant 16 : i32
        %mul3A_136 = arith.muli %add3A_134, %mul3A_135 : i32
        %lt3A_137 = arith.cmpi slt, %mul3A_136, %min3A : i32
        %convert_element_type3A_138 = arith.extui %lt3A_137 : i1 to i32
        %cond3A_139 = arith.constant 0 : i32
        %cond3A_140 = arith.cmpi ne, %convert_element_type3A_138, %cond3A_139 : i32
        scf.if %cond3A_140 {
          %mul3A_141 = arith.constant 16 : i32
          %mul3A_142 = arith.muli %add3A_134, %mul3A_141 : i32
          %add3A_143 = arith.addi %select_n3A_32, %mul3A_142 : i32
          %dma_start3A_144 = arith.constant 0 : i32
          %dma_start3A_145 = tpu.memref_slice %arg4[%add3A_143, %dma_start3A_144] : memref<2049x1024xf32, #tpu.memory_space<hbm>> -> memref<24x1024xf32, #tpu.memory_space<hbm>>
          %dma_start3A_146 = arith.constant 0 : i32
          %dma_start3A_147 = tpu.memref_slice %arg4[%add3A_143, %dma_start3A_146] : memref<2049x1024xf32, #tpu.memory_space<hbm>> -> memref<24x1024xf32, #tpu.memory_space<hbm>>
          tpu.enqueue_dma source(%dma_start3A_147 : memref<24x1024xf32, #tpu.memory_space<hbm>>) target(%arg9 : memref<24x1024xf32, #tpu.memory_space<vmem>>) target_semaphore(%arg15 : memref<!tpu.dma_semaphore, #tpu.memory_space<semaphore_mem>>)
        } else {
        }
      } else {
      }
      %dma_wait3A_74 = arith.constant 0 : i32
      %dma_wait3A_75 = tpu.memref_slice %arg2[%mul3A_2, %dma_wait3A_74] : memref<8192x1024xf32, #tpu.memory_space<hbm>> -> memref<16x1024xf32, #tpu.memory_space<hbm>>
      %dma_wait3A_76 = arith.constant 0 : i32
      %dma_wait3A_77 = tpu.memref_slice %arg2[%mul3A_2, %dma_wait3A_76] : memref<8192x1024xf32, #tpu.memory_space<hbm>> -> memref<16x1024xf32, #tpu.memory_space<hbm>>
      tpu.wait_dma2 semaphore(%arg12 : memref<!tpu.dma_semaphore, #tpu.memory_space<semaphore_mem>>) src(%dma_wait3A_77 : memref<16x1024xf32, #tpu.memory_space<hbm>>) dst(%arg6 : memref<16x1024xf32, #tpu.memory_space<vmem>>)
      %mul3A_78 = arith.constant 16 : i32
      %mul3A_79 = arith.muli %mul3A_62, %mul3A_78 : i32
      %lt3A_80 = arith.cmpi slt, %mul3A_79, %min3A : i32
      %convert_element_type3A_81 = arith.extui %lt3A_80 : i1 to i32
      %cond3A_82 = arith.constant 0 : i32
      %cond3A_83 = arith.cmpi ne, %convert_element_type3A_81, %cond3A_82 : i32
      scf.if %cond3A_83 {
        %dma_wait3A_124 = arith.constant 0 : i32
        %dma_wait3A_125 = arith.constant 0 : i32
        %dma_wait3A_126 = tpu.memref_slice %arg4[%dma_wait3A_124, %dma_wait3A_125] : memref<2049x1024xf32, #tpu.memory_space<hbm>> -> memref<24x1024xf32, #tpu.memory_space<hbm>>
        %dma_wait3A_127 = arith.constant 0 : i32
        %dma_wait3A_128 = arith.constant 0 : i32
        %dma_wait3A_129 = tpu.memref_slice %arg4[%dma_wait3A_127, %dma_wait3A_128] : memref<2049x1024xf32, #tpu.memory_space<hbm>> -> memref<24x1024xf32, #tpu.memory_space<hbm>>
        tpu.wait_dma2 semaphore(%arg14 : memref<!tpu.dma_semaphore, #tpu.memory_space<semaphore_mem>>) src(%dma_wait3A_129 : memref<24x1024xf32, #tpu.memory_space<hbm>>) dst(%arg8 : memref<24x1024xf32, #tpu.memory_space<vmem>>)
        %mul3A_130 = arith.constant 16 : i32
        %mul3A_131 = arith.muli %mul3A_62, %mul3A_130 : i32
        %sub3A_132 = arith.subi %min3A, %mul3A_131 : i32
        %jit3A_133 = arith.constant 0 : i32
        %jit3A_134 = arith.constant 16 : i32
        %max3A_135 = arith.maxsi %jit3A_133, %sub3A_132 : i32
        %min3A_136 = arith.minsi %jit3A_134, %max3A_135 : i32
        %parallel_loop3A = arith.constant 0 : i32
        %parallel_loop3A_137 = arith.constant 1 : i32
        scf.for %parallel_loop3A_138 = %parallel_loop3A to %min3A_136 step %parallel_loop3A_137  : i32 {
          %parallel_loop3A_139 = arith.index_cast %parallel_loop3A_138 : i32 to index
          %parallel_loop3A_140 = arith.constant 0 : index
          %parallel_loop3A_141 = tpu.vector_load %arg6[%parallel_loop3A_139, %parallel_loop3A_140] {strides = array<i32>} : memref<16x1024xf32, #tpu.memory_space<vmem>>, vector<1x16xf32>,
          %parallel_loop3A_142 = vector.shape_cast %parallel_loop3A_141 : vector<1x16xf32> to vector<16xf32>
          %parallel_loop3A_143 = arith.constant 1 : i32
          %parallel_loop3A_144 = arith.addi %parallel_loop3A_138, %parallel_loop3A_143 : i32
          %parallel_loop3A_145 = arith.index_cast %parallel_loop3A_144 : i32 to index
          %parallel_loop3A_146 = arith.constant 0 : index
          %parallel_loop3A_147 = tpu.vector_load %arg8[%parallel_loop3A_145, %parallel_loop3A_146] {strides = array<i32>} : memref<24x1024xf32, #tpu.memory_space<vmem>>, vector<1x16xf32>,
          %parallel_loop3A_148 = vector.shape_cast %parallel_loop3A_147 : vector<1x16xf32> to vector<16xf32>
          %parallel_loop3A_149 = arith.addf %parallel_loop3A_142, %parallel_loop3A_148 : vector<16xf32>
          %parallel_loop3A_150 = arith.index_cast %parallel_loop3A_138 : i32 to index
          %parallel_loop3A_151 = arith.constant 0 : index
          %parallel_loop3A_152 = tpu.vector_load %arg6[%parallel_loop3A_150, %parallel_loop3A_151] {strides = array<i32>} : memref<16x1024xf32, #tpu.memory_space<vmem>>, vector<1x16xf32>,
          %parallel_loop3A_153 = vector.shape_cast %parallel_loop3A_152 : vector<1x16xf32> to vector<16xf32>
          %parallel_loop3A_154 = vector.shape_cast %parallel_loop3A_149 : vector<16xf32> to vector<1x16xf32>
          tpu.vector_store %arg6[%parallel_loop3A_150, %parallel_loop3A_151], %parallel_loop3A_154 {strides = array<i32>} : memref<16x1024xf32, #tpu.memory_space<vmem>>, vector<1x16xf32>,
          %parallel_loop3A_155 = arith.index_cast %parallel_loop3A_138 : i32 to index
          %parallel_loop3A_156 = arith.constant 16 : index
          %parallel_loop3A_157 = tpu.vector_load %arg6[%parallel_loop3A_155, %parallel_loop3A_156] {strides = array<i32>} : memref<16x1024xf32, #tpu.memory_space<vmem>>, vector<1x16xf32>,
          %parallel_loop3A_158 = vector.shape_cast %parallel_loop3A_157 : vector<1x16xf32> to vector<16xf32>
          %parallel_loop3A_159 = arith.constant 1 : i32
          %parallel_loop3A_160 = arith.addi %parallel_loop3A_138, %parallel_loop3A_159 : i32
          %parallel_loop3A_161 = arith.index_cast %parallel_loop3A_160 : i32 to index
          %parallel_loop3A_162 = arith.constant 16 : index
          %parallel_loop3A_163 = tpu.vector_load %arg8[%parallel_loop3A_161, %parallel_loop3A_162] {strides = array<i32>} : memref<24x1024xf32, #tpu.memory_space<vmem>>, vector<1x16xf32>,
          %parallel_loop3A_164 = vector.shape_cast %parallel_loop3A_163 : vector<1x16xf32> to vector<16xf32>
          %parallel_loop3A_165 = arith.addf %parallel_loop3A_158, %parallel_loop3A_164 : vector<16xf32>
          %parallel_loop3A_166 = arith.index_cast %parallel_loop3A_138 : i32 to index
          %parallel_loop3A_167 = arith.constant 16 : index
          %parallel_loop3A_168 = tpu.vector_load %arg6[%parallel_loop3A_166, %parallel_loop3A_167] {strides = array<i32>} : memref<16x1024xf32, #tpu.memory_space<vmem>>, vector<1x16xf32>,
          %parallel_loop3A_169 = vector.shape_cast %parallel_loop3A_168 : vector<1x16xf32> to vector<16xf32>
          %parallel_loop3A_170 = vector.shape_cast %parallel_loop3A_165 : vector<16xf32> to vector<1x16xf32>
          tpu.vector_store %arg6[%parallel_loop3A_166, %parallel_loop3A_167], %parallel_loop3A_170 {strides = array<i32>} : memref<16x1024xf32, #tpu.memory_space<vmem>>, vector<1x16xf32>,
          %parallel_loop3A_171 = arith.index_cast %parallel_loop3A_138 : i32 to index
          %parallel_loop3A_172 = arith.constant 32 : index
          %parallel_loop3A_173 = tpu.vector_load %arg6[%parallel_loop3A_171, %parallel_loop3A_172] {strides = array<i32>} : memref<16x1024xf32, #tpu.memory_space<vmem>>, vector<1x16xf32>,
          %parallel_loop3A_174 = vector.shape_cast %parallel_loop3A_173 : vector<1x16xf32> to vector<16xf32>
          %parallel_loop3A_175 = arith.constant 1 : i32
          %parallel_loop3A_176 = arith.addi %parallel_loop3A_138, %parallel_loop3A_175 : i32
          %parallel_loop3A_177 = arith.index_cast %parallel_loop3A_176 : i32 to index
          %parallel_loop3A_178 = arith.constant 32 : index
          %parallel_loop3A_179 = tpu.vector_load %arg8[%parallel_loop3A_177, %parallel_loop3A_178] {strides = array<i32>} : memref<24x1024xf32, #tpu.memory_space<vmem>>, vector<1x16xf32>,
          %parallel_loop3A_180 = vector.shape_cast %parallel_loop3A_179 : vector<1x16xf32> to vector<16xf32>
          %parallel_loop3A_181 = arith.addf %parallel_loop3A_174, %parallel_loop3A_180 : vector<16xf32>
          %parallel_loop3A_182 = arith.index_cast %parallel_loop3A_138 : i32 to index
          %parallel_loop3A_183 = arith.constant 32 : index
          %parallel_loop3A_184 = tpu.vector_load %arg6[%parallel_loop3A_182, %parallel_loop3A_183] {strides = array<i32>} : memref<16x1024xf32, #tpu.memory_space<vmem>>, vector<1x16xf32>,
          %parallel_loop3A_185 = vector.shape_cast %parallel_loop3A_184 : vector<1x16xf32> to vector<16xf32>
          %parallel_loop3A_186 = vector.shape_cast %parallel_loop3A_181 : vector<16xf32> to vector<1x16xf32>
          tpu.vector_store %arg6[%parallel_loop3A_182, %parallel_loop3A_183], %parallel_loop3A_186 {strides = array<i32>} : memref<16x1024xf32, #tpu.memory_space<vmem>>, vector<1x16xf32>,
          %parallel_loop3A_187 = arith.index_cast %parallel_loop3A_138 : i32 to index
          %parallel_loop3A_188 = arith.constant 48 : index
          %parallel_loop3A_189 = tpu.vector_load %arg6[%parallel_loop3A_187, %parallel_loop3A_188] {strides = array<i32>} : memref<16x1024xf32, #tpu.memory_space<vmem>>, vector<1x16xf32>,
          %parallel_loop3A_190 = vector.shape_cast %parallel_loop3A_189 : vector<1x16xf32> to vector<16xf32>
          %parallel_loop3A_191 = arith.constant 1 : i32
          %parallel_loop3A_192 = arith.addi %parallel_loop3A_138, %parallel_loop3A_191 : i32
          %parallel_loop3A_193 = arith.index_cast %parallel_loop3A_192 : i32 to index
          %parallel_loop3A_194 = arith.constant 48 : index
          %parallel_loop3A_195 = tpu.vector_load %arg8[%parallel_loop3A_193, %parallel_loop3A_194] {strides = array<i32>} : memref<24x1024xf32, #tpu.memory_space<vmem>>, vector<1x16xf32>,
          %parallel_loop3A_196 = vector.shape_cast %parallel_loop3A_195 : vector<1x16xf32> to vector<16xf32>
          %parallel_loop3A_197 = arith.addf %parallel_loop3A_190, %parallel_loop3A_196 : vector<16xf32>
          %parallel_loop3A_198 = arith.index_cast %parallel_loop3A_138 : i32 to index
          %parallel_loop3A_199 = arith.constant 48 : index
          %parallel_loop3A_200 = tpu.vector_load %arg6[%parallel_loop3A_198, %parallel_loop3A_199] {strides = array<i32>} : memref<16x1024xf32, #tpu.memory_space<vmem>>, vector<1x16xf32>,
          %parallel_loop3A_201 = vector.shape_cast %parallel_loop3A_200 : vector<1x16xf32> to vector<16xf32>
          %parallel_loop3A_202 = vector.shape_cast %parallel_loop3A_197 : vector<16xf32> to vector<1x16xf32>
          tpu.vector_store %arg6[%parallel_loop3A_198, %parallel_loop3A_199], %parallel_loop3A_202 {strides = array<i32>} : memref<16x1024xf32, #tpu.memory_space<vmem>>, vector<1x16xf32>,
          %parallel_loop3A_203 = arith.index_cast %parallel_loop3A_138 : i32 to index
          %parallel_loop3A_204 = arith.constant 64 : index
          %parallel_loop3A_205 = tpu.vector_load %arg6[%parallel_loop3A_203, %parallel_loop3A_204] {strides = array<i32>} : memref<16x1024xf32, #tpu.memory_space<vmem>>, vector<1x16xf32>,
          %parallel_loop3A_206 = vector.shape_cast %parallel_loop3A_205 : vector<1x16xf32> to vector<16xf32>
          %parallel_loop3A_207 = arith.constant 1 : i32
          %parallel_loop3A_208 = arith.addi %parallel_loop3A_138, %parallel_loop3A_207 : i32
          %parallel_loop3A_209 = arith.index_cast %parallel_loop3A_208 : i32 to index
          %parallel_loop3A_210 = arith.constant 64 : index
          %parallel_loop3A_211 = tpu.vector_load %arg8[%parallel_loop3A_209, %parallel_loop3A_210] {strides = array<i32>} : memref<24x1024xf32, #tpu.memory_space<vmem>>, vector<1x16xf32>,
          %parallel_loop3A_212 = vector.shape_cast %parallel_loop3A_211 : vector<1x16xf32> to vector<16xf32>
          %parallel_loop3A_213 = arith.addf %parallel_loop3A_206, %parallel_loop3A_212 : vector<16xf32>
          %parallel_loop3A_214 = arith.index_cast %parallel_loop3A_138 : i32 to index
          %parallel_loop3A_215 = arith.constant 64 : index
          %parallel_loop3A_216 = tpu.vector_load %arg6[%parallel_loop3A_214, %parallel_loop3A_215] {strides = array<i32>} : memref<16x1024xf32, #tpu.memory_space<vmem>>, vector<1x16xf32>,
          %parallel_loop3A_217 = vector.shape_cast %parallel_loop3A_216 : vector<1x16xf32> to vector<16xf32>
          %parallel_loop3A_218 = vector.shape_cast %parallel_loop3A_213 : vector<16xf32> to vector<1x16xf32>
          tpu.vector_store %arg6[%parallel_loop3A_214, %parallel_loop3A_215], %parallel_loop3A_218 {strides = array<i32>} : memref<16x1024xf32, #tpu.memory_space<vmem>>, vector<1x16xf32>,
          %parallel_loop3A_219 = arith.index_cast %parallel_loop3A_138 : i32 to index
          %parallel_loop3A_220 = arith.constant 80 : index
          %parallel_loop3A_221 = tpu.vector_load %arg6[%parallel_loop3A_219, %parallel_loop3A_220] {strides = array<i32>} : memref<16x1024xf32, #tpu.memory_space<vmem>>, vector<1x16xf32>,
          %parallel_loop3A_222 = vector.shape_cast %parallel_loop3A_221 : vector<1x16xf32> to vector<16xf32>
          %parallel_loop3A_223 = arith.constant 1 : i32
          %parallel_loop3A_224 = arith.addi %parallel_loop3A_138, %parallel_loop3A_223 : i32
          %parallel_loop3A_225 = arith.index_cast %parallel_loop3A_224 : i32 to index
          %parallel_loop3A_226 = arith.constant 80 : index
          %parallel_loop3A_227 = tpu.vector_load %arg8[%parallel_loop3A_225, %parallel_loop3A_226] {strides = array<i32>} : memref<24x1024xf32, #tpu.memory_space<vmem>>, vector<1x16xf32>,
          %parallel_loop3A_228 = vector.shape_cast %parallel_loop3A_227 : vector<1x16xf32> to vector<16xf32>
          %parallel_loop3A_229 = arith.addf %parallel_loop3A_222, %parallel_loop3A_228 : vector<16xf32>
          %parallel_loop3A_230 = arith.index_cast %parallel_loop3A_138 : i32 to index
          %parallel_loop3A_231 = arith.constant 80 : index
          %parallel_loop3A_232 = tpu.vector_load %arg6[%parallel_loop3A_230, %parallel_loop3A_231] {strides = array<i32>} : memref<16x1024xf32, #tpu.memory_space<vmem>>, vector<1x16xf32>,
          %parallel_loop3A_233 = vector.shape_cast %parallel_loop3A_232 : vector<1x16xf32> to vector<16xf32>
          %parallel_loop3A_234 = vector.shape_cast %parallel_loop3A_229 : vector<16xf32> to vector<1x16xf32>
          tpu.vector_store %arg6[%parallel_loop3A_230, %parallel_loop3A_231], %parallel_loop3A_234 {strides = array<i32>} : memref<16x1024xf32, #tpu.memory_space<vmem>>, vector<1x16xf32>,
          %parallel_loop3A_235 = arith.index_cast %parallel_loop3A_138 : i32 to index
          %parallel_loop3A_236 = arith.constant 96 : index
          %parallel_loop3A_237 = tpu.vector_load %arg6[%parallel_loop3A_235, %parallel_loop3A_236] {strides = array<i32>} : memref<16x1024xf32, #tpu.memory_space<vmem>>, vector<1x16xf32>,
          %parallel_loop3A_238 = vector.shape_cast %parallel_loop3A_237 : vector<1x16xf32> to vector<16xf32>
          %parallel_loop3A_239 = arith.constant 1 : i32
          %parallel_loop3A_240 = arith.addi %parallel_loop3A_138, %parallel_loop3A_239 : i32
          %parallel_loop3A_241 = arith.index_cast %parallel_loop3A_240 : i32 to index
          %parallel_loop3A_242 = arith.constant 96 : index
          %parallel_loop3A_243 = tpu.vector_load %arg8[%parallel_loop3A_241, %parallel_loop3A_242] {strides = array<i32>} : memref<24x1024xf32, #tpu.memory_space<vmem>>, vector<1x16xf32>,
          %parallel_loop3A_244 = vector.shape_cast %parallel_loop3A_243 : vector<1x16xf32> to vector<16xf32>
          %parallel_loop3A_245 = arith.addf %parallel_loop3A_238, %parallel_loop3A_244 : vector<16xf32>
          %parallel_loop3A_246 = arith.index_cast %parallel_loop3A_138 : i32 to index
          %parallel_loop3A_247 = arith.constant 96 : index
          %parallel_loop3A_248 = tpu.vector_load %arg6[%parallel_loop3A_246, %parallel_loop3A_247] {strides = array<i32>} : memref<16x1024xf32, #tpu.memory_space<vmem>>, vector<1x16xf32>,
          %parallel_loop3A_249 = vector.shape_cast %parallel_loop3A_248 : vector<1x16xf32> to vector<16xf32>
          %parallel_loop3A_250 = vector.shape_cast %parallel_loop3A_245 : vector<16xf32> to vector<1x16xf32>
          tpu.vector_store %arg6[%parallel_loop3A_246, %parallel_loop3A_247], %parallel_loop3A_250 {strides = array<i32>} : memref<16x1024xf32, #tpu.memory_space<vmem>>, vector<1x16xf32>,
          %parallel_loop3A_251 = arith.index_cast %parallel_loop3A_138 : i32 to index
          %parallel_loop3A_252 = arith.constant 112 : index
          %parallel_loop3A_253 = tpu.vector_load %arg6[%parallel_loop3A_251, %parallel_loop3A_252] {strides = array<i32>} : memref<16x1024xf32, #tpu.memory_space<vmem>>, vector<1x16xf32>,
          %parallel_loop3A_254 = vector.shape_cast %parallel_loop3A_253 : vector<1x16xf32> to vector<16xf32>
          %parallel_loop3A_255 = arith.constant 1 : i32
          %parallel_loop3A_256 = arith.addi %parallel_loop3A_138, %parallel_loop3A_255 : i32
          %parallel_loop3A_257 = arith.index_cast %parallel_loop3A_256 : i32 to index
          %parallel_loop3A_258 = arith.constant 112 : index
          %parallel_loop3A_259 = tpu.vector_load %arg8[%parallel_loop3A_257, %parallel_loop3A_258] {strides = array<i32>} : memref<24x1024xf32, #tpu.memory_space<vmem>>, vector<1x16xf32>,
          %parallel_loop3A_260 = vector.shape_cast %parallel_loop3A_259 : vector<1x16xf32> to vector<16xf32>
          %parallel_loop3A_261 = arith.addf %parallel_loop3A_254, %parallel_loop3A_260 : vector<16xf32>
          %parallel_loop3A_262 = arith.index_cast %parallel_loop3A_138 : i32 to index
          %parallel_loop3A_263 = arith.constant 112 : index
          %parallel_loop3A_264 = tpu.vector_load %arg6[%parallel_loop3A_262, %parallel_loop3A_263] {strides = array<i32>} : memref<16x1024xf32, #tpu.memory_space<vmem>>, vector<1x16xf32>,
          %parallel_loop3A_265 = vector.shape_cast %parallel_loop3A_264 : vector<1x16xf32> to vector<16xf32>
          %parallel_loop3A_266 = vector.shape_cast %parallel_loop3A_261 : vector<16xf32> to vector<1x16xf32>
          tpu.vector_store %arg6[%parallel_loop3A_262, %parallel_loop3A_263], %parallel_loop3A_266 {strides = array<i32>} : memref<16x1024xf32, #tpu.memory_space<vmem>>, vector<1x16xf32>,
          %parallel_loop3A_267 = arith.index_cast %parallel_loop3A_138 : i32 to index
          %parallel_loop3A_268 = arith.constant 128 : index
          %parallel_loop3A_269 = tpu.vector_load %arg6[%parallel_loop3A_267, %parallel_loop3A_268] {strides = array<i32>} : memref<16x1024xf32, #tpu.memory_space<vmem>>, vector<1x16xf32>,
          %parallel_loop3A_270 = vector.shape_cast %parallel_loop3A_269 : vector<1x16xf32> to vector<16xf32>
          %parallel_loop3A_271 = arith.constant 1 : i32
          %parallel_loop3A_272 = arith.addi %parallel_loop3A_138, %parallel_loop3A_271 : i32
          %parallel_loop3A_273 = arith.index_cast %parallel_loop3A_272 : i32 to index
          %parallel_loop3A_274 = arith.constant 128 : index
          %parallel_loop3A_275 = tpu.vector_load %arg8[%parallel_loop3A_273, %parallel_loop3A_274] {strides = array<i32>} : memref<24x1024xf32, #tpu.memory_space<vmem>>, vector<1x16xf32>,
          %parallel_loop3A_276 = vector.shape_cast %parallel_loop3A_275 : vector<1x16xf32> to vector<16xf32>
          %parallel_loop3A_277 = arith.addf %parallel_loop3A_270, %parallel_loop3A_276 : vector<16xf32>
          %parallel_loop3A_278 = arith.index_cast %parallel_loop3A_138 : i32 to index
          %parallel_loop3A_279 = arith.constant 128 : index
          %parallel_loop3A_280 = tpu.vector_load %arg6[%parallel_loop3A_278, %parallel_loop3A_279] {strides = array<i32>} : memref<16x1024xf32, #tpu.memory_space<vmem>>, vector<1x16xf32>,
          %parallel_loop3A_281 = vector.shape_cast %parallel_loop3A_280 : vector<1x16xf32> to vector<16xf32>
          %parallel_loop3A_282 = vector.shape_cast %parallel_loop3A_277 : vector<16xf32> to vector<1x16xf32>
          tpu.vector_store %arg6[%parallel_loop3A_278, %parallel_loop3A_279], %parallel_loop3A_282 {strides = array<i32>} : memref<16x1024xf32, #tpu.memory_space<vmem>>, vector<1x16xf32>,
          %parallel_loop3A_283 = arith.index_cast %parallel_loop3A_138 : i32 to index
          %parallel_loop3A_284 = arith.constant 144 : index
          %parallel_loop3A_285 = tpu.vector_load %arg6[%parallel_loop3A_283, %parallel_loop3A_284] {strides = array<i32>} : memref<16x1024xf32, #tpu.memory_space<vmem>>, vector<1x16xf32>,
          %parallel_loop3A_286 = vector.shape_cast %parallel_loop3A_285 : vector<1x16xf32> to vector<16xf32>
          %parallel_loop3A_287 = arith.constant 1 : i32
          %parallel_loop3A_288 = arith.addi %parallel_loop3A_138, %parallel_loop3A_287 : i32
          %parallel_loop3A_289 = arith.index_cast %parallel_loop3A_288 : i32 to index
          %parallel_loop3A_290 = arith.constant 144 : index
          %parallel_loop3A_291 = tpu.vector_load %arg8[%parallel_loop3A_289, %parallel_loop3A_290] {strides = array<i32>} : memref<24x1024xf32, #tpu.memory_space<vmem>>, vector<1x16xf32>,
          %parallel_loop3A_292 = vector.shape_cast %parallel_loop3A_291 : vector<1x16xf32> to vector<16xf32>
          %parallel_loop3A_293 = arith.addf %parallel_loop3A_286, %parallel_loop3A_292 : vector<16xf32>
          %parallel_loop3A_294 = arith.index_cast %parallel_loop3A_138 : i32 to index
          %parallel_loop3A_295 = arith.constant 144 : index
          %parallel_loop3A_296 = tpu.vector_load %arg6[%parallel_loop3A_294, %parallel_loop3A_295] {strides = array<i32>} : memref<16x1024xf32, #tpu.memory_space<vmem>>, vector<1x16xf32>,
          %parallel_loop3A_297 = vector.shape_cast %parallel_loop3A_296 : vector<1x16xf32> to vector<16xf32>
          %parallel_loop3A_298 = vector.shape_cast %parallel_loop3A_293 : vector<16xf32> to vector<1x16xf32>
          tpu.vector_store %arg6[%parallel_loop3A_294, %parallel_loop3A_295], %parallel_loop3A_298 {strides = array<i32>} : memref<16x1024xf32, #tpu.memory_space<vmem>>, vector<1x16xf32>,
          %parallel_loop3A_299 = arith.index_cast %parallel_loop3A_138 : i32 to index
          %parallel_loop3A_300 = arith.constant 160 : index
          %parallel_loop3A_301 = tpu.vector_load %arg6[%parallel_loop3A_299, %parallel_loop3A_300] {strides = array<i32>} : memref<16x1024xf32, #tpu.memory_space<vmem>>, vector<1x16xf32>,
          %parallel_loop3A_302 = vector.shape_cast %parallel_loop3A_301 : vector<1x16xf32> to vector<16xf32>
          %parallel_loop3A_303 = arith.constant 1 : i32
          %parallel_loop3A_304 = arith.addi %parallel_loop3A_138, %parallel_loop3A_303 : i32
          %parallel_loop3A_305 = arith.index_cast %parallel_loop3A_304 : i32 to index
          %parallel_loop3A_306 = arith.constant 160 : index
          %parallel_loop3A_307 = tpu.vector_load %arg8[%parallel_loop3A_305, %parallel_loop3A_306] {strides = array<i32>} : memref<24x1024xf32, #tpu.memory_space<vmem>>, vector<1x16xf32>,
          %parallel_loop3A_308 = vector.shape_cast %parallel_loop3A_307 : vector<1x16xf32> to vector<16xf32>
          %parallel_loop3A_309 = arith.addf %parallel_loop3A_302, %parallel_loop3A_308 : vector<16xf32>
          %parallel_loop3A_310 = arith.index_cast %parallel_loop3A_138 : i32 to index
          %parallel_loop3A_311 = arith.constant 160 : index
          %parallel_loop3A_312 = tpu.vector_load %arg6[%parallel_loop3A_310, %parallel_loop3A_311] {strides = array<i32>} : memref<16x1024xf32, #tpu.memory_space<vmem>>, vector<1x16xf32>,
          %parallel_loop3A_313 = vector.shape_cast %parallel_loop3A_312 : vector<1x16xf32> to vector<16xf32>
          %parallel_loop3A_314 = vector.shape_cast %parallel_loop3A_309 : vector<16xf32> to vector<1x16xf32>
          tpu.vector_store %arg6[%parallel_loop3A_310, %parallel_loop3A_311], %parallel_loop3A_314 {strides = array<i32>} : memref<16x1024xf32, #tpu.memory_space<vmem>>, vector<1x16xf32>,
          %parallel_loop3A_315 = arith.index_cast %parallel_loop3A_138 : i32 to index
          %parallel_loop3A_316 = arith.constant 176 : index
          %parallel_loop3A_317 = tpu.vector_load %arg6[%parallel_loop3A_315, %parallel_loop3A_316] {strides = array<i32>} : memref<16x1024xf32, #tpu.memory_space<vmem>>, vector<1x16xf32>,
          %parallel_loop3A_318 = vector.shape_cast %parallel_loop3A_317 : vector<1x16xf32> to vector<16xf32>
          %parallel_loop3A_319 = arith.constant 1 : i32
          %parallel_loop3A_320 = arith.addi %parallel_loop3A_138, %parallel_loop3A_319 : i32
          %parallel_loop3A_321 = arith.index_cast %parallel_loop3A_320 : i32 to index
          %parallel_loop3A_322 = arith.constant 176 : index
          %parallel_loop3A_323 = tpu.vector_load %arg8[%parallel_loop3A_321, %parallel_loop3A_322] {strides = array<i32>} : memref<24x1024xf32, #tpu.memory_space<vmem>>, vector<1x16xf32>,
          %parallel_loop3A_324 = vector.shape_cast %parallel_loop3A_323 : vector<1x16xf32> to vector<16xf32>
          %parallel_loop3A_325 = arith.addf %parallel_loop3A_318, %parallel_loop3A_324 : vector<16xf32>
          %parallel_loop3A_326 = arith.index_cast %parallel_loop3A_138 : i32 to index
          %parallel_loop3A_327 = arith.constant 176 : index
          %parallel_loop3A_328 = tpu.vector_load %arg6[%parallel_loop3A_326, %parallel_loop3A_327] {strides = array<i32>} : memref<16x1024xf32, #tpu.memory_space<vmem>>, vector<1x16xf32>,
          %parallel_loop3A_329 = vector.shape_cast %parallel_loop3A_328 : vector<1x16xf32> to vector<16xf32>
          %parallel_loop3A_330 = vector.shape_cast %parallel_loop3A_325 : vector<16xf32> to vector<1x16xf32>
          tpu.vector_store %arg6[%parallel_loop3A_326, %parallel_loop3A_327], %parallel_loop3A_330 {strides = array<i32>} : memref<16x1024xf32, #tpu.memory_space<vmem>>, vector<1x16xf32>,
          %parallel_loop3A_331 = arith.index_cast %parallel_loop3A_138 : i32 to index
          %parallel_loop3A_332 = arith.constant 192 : index
          %parallel_loop3A_333 = tpu.vector_load %arg6[%parallel_loop3A_331, %parallel_loop3A_332] {strides = array<i32>} : memref<16x1024xf32, #tpu.memory_space<vmem>>, vector<1x16xf32>,
          %parallel_loop3A_334 = vector.shape_cast %parallel_loop3A_333 : vector<1x16xf32> to vector<16xf32>
          %parallel_loop3A_335 = arith.constant 1 : i32
          %parallel_loop3A_336 = arith.addi %parallel_loop3A_138, %parallel_loop3A_335 : i32
          %parallel_loop3A_337 = arith.index_cast %parallel_loop3A_336 : i32 to index
          %parallel_loop3A_338 = arith.constant 192 : index
          %parallel_loop3A_339 = tpu.vector_load %arg8[%parallel_loop3A_337, %parallel_loop3A_338] {strides = array<i32>} : memref<24x1024xf32, #tpu.memory_space<vmem>>, vector<1x16xf32>,
          %parallel_loop3A_340 = vector.shape_cast %parallel_loop3A_339 : vector<1x16xf32> to vector<16xf32>
          %parallel_loop3A_341 = arith.addf %parallel_loop3A_334, %parallel_loop3A_340 : vector<16xf32>
          %parallel_loop3A_342 = arith.index_cast %parallel_loop3A_138 : i32 to index
          %parallel_loop3A_343 = arith.constant 192 : index
          %parallel_loop3A_344 = tpu.vector_load %arg6[%parallel_loop3A_342, %parallel_loop3A_343] {strides = array<i32>} : memref<16x1024xf32, #tpu.memory_space<vmem>>, vector<1x16xf32>,
          %parallel_loop3A_345 = vector.shape_cast %parallel_loop3A_344 : vector<1x16xf32> to vector<16xf32>
          %parallel_loop3A_346 = vector.shape_cast %parallel_loop3A_341 : vector<16xf32> to vector<1x16xf32>
          tpu.vector_store %arg6[%parallel_loop3A_342, %parallel_loop3A_343], %parallel_loop3A_346 {strides = array<i32>} : memref<16x1024xf32, #tpu.memory_space<vmem>>, vector<1x16xf32>,
          %parallel_loop3A_347 = arith.index_cast %parallel_loop3A_138 : i32 to index
          %parallel_loop3A_348 = arith.constant 208 : index
          %parallel_loop3A_349 = tpu.vector_load %arg6[%parallel_loop3A_347, %parallel_loop3A_348] {strides = array<i32>} : memref<16x1024xf32, #tpu.memory_space<vmem>>, vector<1x16xf32>,
          %parallel_loop3A_350 = vector.shape_cast %parallel_loop3A_349 : vector<1x16xf32> to vector<16xf32>
          %parallel_loop3A_351 = arith.constant 1 : i32
          %parallel_loop3A_352 = arith.addi %parallel_loop3A_138, %parallel_loop3A_351 : i32
          %parallel_loop3A_353 = arith.index_cast %parallel_loop3A_352 : i32 to index
          %parallel_loop3A_354 = arith.constant 208 : index
          %parallel_loop3A_355 = tpu.vector_load %arg8[%parallel_loop3A_353, %parallel_loop3A_354] {strides = array<i32>} : memref<24x1024xf32, #tpu.memory_space<vmem>>, vector<1x16xf32>,
          %parallel_loop3A_356 = vector.shape_cast %parallel_loop3A_355 : vector<1x16xf32> to vector<16xf32>
          %parallel_loop3A_357 = arith.addf %parallel_loop3A_350, %parallel_loop3A_356 : vector<16xf32>
          %parallel_loop3A_358 = arith.index_cast %parallel_loop3A_138 : i32 to index
          %parallel_loop3A_359 = arith.constant 208 : index
          %parallel_loop3A_360 = tpu.vector_load %arg6[%parallel_loop3A_358, %parallel_loop3A_359] {strides = array<i32>} : memref<16x1024xf32, #tpu.memory_space<vmem>>, vector<1x16xf32>,
          %parallel_loop3A_361 = vector.shape_cast %parallel_loop3A_360 : vector<1x16xf32> to vector<16xf32>
          %parallel_loop3A_362 = vector.shape_cast %parallel_loop3A_357 : vector<16xf32> to vector<1x16xf32>
          tpu.vector_store %arg6[%parallel_loop3A_358, %parallel_loop3A_359], %parallel_loop3A_362 {strides = array<i32>} : memref<16x1024xf32, #tpu.memory_space<vmem>>, vector<1x16xf32>,
          %parallel_loop3A_363 = arith.index_cast %parallel_loop3A_138 : i32 to index
          %parallel_loop3A_364 = arith.constant 224 : index
          %parallel_loop3A_365 = tpu.vector_load %arg6[%parallel_loop3A_363, %parallel_loop3A_364] {strides = array<i32>} : memref<16x1024xf32, #tpu.memory_space<vmem>>, vector<1x16xf32>,
          %parallel_loop3A_366 = vector.shape_cast %parallel_loop3A_365 : vector<1x16xf32> to vector<16xf32>
          %parallel_loop3A_367 = arith.constant 1 : i32
          %parallel_loop3A_368 = arith.addi %parallel_loop3A_138, %parallel_loop3A_367 : i32
          %parallel_loop3A_369 = arith.index_cast %parallel_loop3A_368 : i32 to index
          %parallel_loop3A_370 = arith.constant 224 : index
          %parallel_loop3A_371 = tpu.vector_load %arg8[%parallel_loop3A_369, %parallel_loop3A_370] {strides = array<i32>} : memref<24x1024xf32, #tpu.memory_space<vmem>>, vector<1x16xf32>,
          %parallel_loop3A_372 = vector.shape_cast %parallel_loop3A_371 : vector<1x16xf32> to vector<16xf32>
          %parallel_loop3A_373 = arith.addf %parallel_loop3A_366, %parallel_loop3A_372 : vector<16xf32>
          %parallel_loop3A_374 = arith.index_cast %parallel_loop3A_138 : i32 to index
          %parallel_loop3A_375 = arith.constant 224 : index
          %parallel_loop3A_376 = tpu.vector_load %arg6[%parallel_loop3A_374, %parallel_loop3A_375] {strides = array<i32>} : memref<16x1024xf32, #tpu.memory_space<vmem>>, vector<1x16xf32>,
          %parallel_loop3A_377 = vector.shape_cast %parallel_loop3A_376 : vector<1x16xf32> to vector<16xf32>
          %parallel_loop3A_378 = vector.shape_cast %parallel_loop3A_373 : vector<16xf32> to vector<1x16xf32>
          tpu.vector_store %arg6[%parallel_loop3A_374, %parallel_loop3A_375], %parallel_loop3A_378 {strides = array<i32>} : memref<16x1024xf32, #tpu.memory_space<vmem>>, vector<1x16xf32>,
          %parallel_loop3A_379 = arith.index_cast %parallel_loop3A_138 : i32 to index
          %parallel_loop3A_380 = arith.constant 240 : index
          %parallel_loop3A_381 = tpu.vector_load %arg6[%parallel_loop3A_379, %parallel_loop3A_380] {strides = array<i32>} : memref<16x1024xf32, #tpu.memory_space<vmem>>, vector<1x16xf32>,
          %parallel_loop3A_382 = vector.shape_cast %parallel_loop3A_381 : vector<1x16xf32> to vector<16xf32>
          %parallel_loop3A_383 = arith.constant 1 : i32
          %parallel_loop3A_384 = arith.addi %parallel_loop3A_138, %parallel_loop3A_383 : i32
          %parallel_loop3A_385 = arith.index_cast %parallel_loop3A_384 : i32 to index
          %parallel_loop3A_386 = arith.constant 240 : index
          %parallel_loop3A_387 = tpu.vector_load %arg8[%parallel_loop3A_385, %parallel_loop3A_386] {strides = array<i32>} : memref<24x1024xf32, #tpu.memory_space<vmem>>, vector<1x16xf32>,
          %parallel_loop3A_388 = vector.shape_cast %parallel_loop3A_387 : vector<1x16xf32> to vector<16xf32>
          %parallel_loop3A_389 = arith.addf %parallel_loop3A_382, %parallel_loop3A_388 : vector<16xf32>
          %parallel_loop3A_390 = arith.index_cast %parallel_loop3A_138 : i32 to index
          %parallel_loop3A_391 = arith.constant 240 : index
          %parallel_loop3A_392 = tpu.vector_load %arg6[%parallel_loop3A_390, %parallel_loop3A_391] {strides = array<i32>} : memref<16x1024xf32, #tpu.memory_space<vmem>>, vector<1x16xf32>,
          %parallel_loop3A_393 = vector.shape_cast %parallel_loop3A_392 : vector<1x16xf32> to vector<16xf32>
          %parallel_loop3A_394 = vector.shape_cast %parallel_loop3A_389 : vector<16xf32> to vector<1x16xf32>
          tpu.vector_store %arg6[%parallel_loop3A_390, %parallel_loop3A_391], %parallel_loop3A_394 {strides = array<i32>} : memref<16x1024xf32, #tpu.memory_space<vmem>>, vector<1x16xf32>,
          %parallel_loop3A_395 = arith.index_cast %parallel_loop3A_138 : i32 to index
          %parallel_loop3A_396 = arith.constant 256 : index
          %parallel_loop3A_397 = tpu.vector_load %arg6[%parallel_loop3A_395, %parallel_loop3A_396] {strides = array<i32>} : memref<16x1024xf32, #tpu.memory_space<vmem>>, vector<1x16xf32>,
          %parallel_loop3A_398 = vector.shape_cast %parallel_loop3A_397 : vector<1x16xf32> to vector<16xf32>
          %parallel_loop3A_399 = arith.constant 1 : i32
          %parallel_loop3A_400 = arith.addi %parallel_loop3A_138, %parallel_loop3A_399 : i32
          %parallel_loop3A_401 = arith.index_cast %parallel_loop3A_400 : i32 to index
          %parallel_loop3A_402 = arith.constant 256 : index
          %parallel_loop3A_403 = tpu.vector_load %arg8[%parallel_loop3A_401, %parallel_loop3A_402] {strides = array<i32>} : memref<24x1024xf32, #tpu.memory_space<vmem>>, vector<1x16xf32>,
          %parallel_loop3A_404 = vector.shape_cast %parallel_loop3A_403 : vector<1x16xf32> to vector<16xf32>
          %parallel_loop3A_405 = arith.addf %parallel_loop3A_398, %parallel_loop3A_404 : vector<16xf32>
          %parallel_loop3A_406 = arith.index_cast %parallel_loop3A_138 : i32 to index
          %parallel_loop3A_407 = arith.constant 256 : index
          %parallel_loop3A_408 = tpu.vector_load %arg6[%parallel_loop3A_406, %parallel_loop3A_407] {strides = array<i32>} : memref<16x1024xf32, #tpu.memory_space<vmem>>, vector<1x16xf32>,
          %parallel_loop3A_409 = vector.shape_cast %parallel_loop3A_408 : vector<1x16xf32> to vector<16xf32>
          %parallel_loop3A_410 = vector.shape_cast %parallel_loop3A_405 : vector<16xf32> to vector<1x16xf32>
          tpu.vector_store %arg6[%parallel_loop3A_406, %parallel_loop3A_407], %parallel_loop3A_410 {strides = array<i32>} : memref<16x1024xf32, #tpu.memory_space<vmem>>, vector<1x16xf32>,
          %parallel_loop3A_411 = arith.index_cast %parallel_loop3A_138 : i32 to index
          %parallel_loop3A_412 = arith.constant 272 : index
          %parallel_loop3A_413 = tpu.vector_load %arg6[%parallel_loop3A_411, %parallel_loop3A_412] {strides = array<i32>} : memref<16x1024xf32, #tpu.memory_space<vmem>>, vector<1x16xf32>,
          %parallel_loop3A_414 = vector.shape_cast %parallel_loop3A_413 : vector<1x16xf32> to vector<16xf32>
          %parallel_loop3A_415 = arith.constant 1 : i32
          %parallel_loop3A_416 = arith.addi %parallel_loop3A_138, %parallel_loop3A_415 : i32
          %parallel_loop3A_417 = arith.index_cast %parallel_loop3A_416 : i32 to index
          %parallel_loop3A_418 = arith.constant 272 : index
          %parallel_loop3A_419 = tpu.vector_load %arg8[%parallel_loop3A_417, %parallel_loop3A_418] {strides = array<i32>} : memref<24x1024xf32, #tpu.memory_space<vmem>>, vector<1x16xf32>,
          %parallel_loop3A_420 = vector.shape_cast %parallel_loop3A_419 : vector<1x16xf32> to vector<16xf32>
          %parallel_loop3A_421 = arith.addf %parallel_loop3A_414, %parallel_loop3A_420 : vector<16xf32>
          %parallel_loop3A_422 = arith.index_cast %parallel_loop3A_138 : i32 to index
          %parallel_loop3A_423 = arith.constant 272 : index
          %parallel_loop3A_424 = tpu.vector_load %arg6[%parallel_loop3A_422, %parallel_loop3A_423] {strides = array<i32>} : memref<16x1024xf32, #tpu.memory_space<vmem>>, vector<1x16xf32>,
          %parallel_loop3A_425 = vector.shape_cast %parallel_loop3A_424 : vector<1x16xf32> to vector<16xf32>
          %parallel_loop3A_426 = vector.shape_cast %parallel_loop3A_421 : vector<16xf32> to vector<1x16xf32>
          tpu.vector_store %arg6[%parallel_loop3A_422, %parallel_loop3A_423], %parallel_loop3A_426 {strides = array<i32>} : memref<16x1024xf32, #tpu.memory_space<vmem>>, vector<1x16xf32>,
          %parallel_loop3A_427 = arith.index_cast %parallel_loop3A_138 : i32 to index
          %parallel_loop3A_428 = arith.constant 288 : index
          %parallel_loop3A_429 = tpu.vector_load %arg6[%parallel_loop3A_427, %parallel_loop3A_428] {strides = array<i32>} : memref<16x1024xf32, #tpu.memory_space<vmem>>, vector<1x16xf32>,
          %parallel_loop3A_430 = vector.shape_cast %parallel_loop3A_429 : vector<1x16xf32> to vector<16xf32>
          %parallel_loop3A_431 = arith.constant 1 : i32
          %parallel_loop3A_432 = arith.addi %parallel_loop3A_138, %parallel_loop3A_431 : i32
          %parallel_loop3A_433 = arith.index_cast %parallel_loop3A_432 : i32 to index
          %parallel_loop3A_434 = arith.constant 288 : index
          %parallel_loop3A_435 = tpu.vector_load %arg8[%parallel_loop3A_433, %parallel_loop3A_434] {strides = array<i32>} : memref<24x1024xf32, #tpu.memory_space<vmem>>, vector<1x16xf32>,
          %parallel_loop3A_436 = vector.shape_cast %parallel_loop3A_435 : vector<1x16xf32> to vector<16xf32>
          %parallel_loop3A_437 = arith.addf %parallel_loop3A_430, %parallel_loop3A_436 : vector<16xf32>
          %parallel_loop3A_438 = arith.index_cast %parallel_loop3A_138 : i32 to index
          %parallel_loop3A_439 = arith.constant 288 : index
          %parallel_loop3A_440 = tpu.vector_load %arg6[%parallel_loop3A_438, %parallel_loop3A_439] {strides = array<i32>} : memref<16x1024xf32, #tpu.memory_space<vmem>>, vector<1x16xf32>,
          %parallel_loop3A_441 = vector.shape_cast %parallel_loop3A_440 : vector<1x16xf32> to vector<16xf32>
          %parallel_loop3A_442 = vector.shape_cast %parallel_loop3A_437 : vector<16xf32> to vector<1x16xf32>
          tpu.vector_store %arg6[%parallel_loop3A_438, %parallel_loop3A_439], %parallel_loop3A_442 {strides = array<i32>} : memref<16x1024xf32, #tpu.memory_space<vmem>>, vector<1x16xf32>,
          %parallel_loop3A_443 = arith.index_cast %parallel_loop3A_138 : i32 to index
          %parallel_loop3A_444 = arith.constant 304 : index
          %parallel_loop3A_445 = tpu.vector_load %arg6[%parallel_loop3A_443, %parallel_loop3A_444] {strides = array<i32>} : memref<16x1024xf32, #tpu.memory_space<vmem>>, vector<1x16xf32>,
          %parallel_loop3A_446 = vector.shape_cast %parallel_loop3A_445 : vector<1x16xf32> to vector<16xf32>
          %parallel_loop3A_447 = arith.constant 1 : i32
          %parallel_loop3A_448 = arith.addi %parallel_loop3A_138, %parallel_loop3A_447 : i32
          %parallel_loop3A_449 = arith.index_cast %parallel_loop3A_448 : i32 to index
          %parallel_loop3A_450 = arith.constant 304 : index
          %parallel_loop3A_451 = tpu.vector_load %arg8[%parallel_loop3A_449, %parallel_loop3A_450] {strides = array<i32>} : memref<24x1024xf32, #tpu.memory_space<vmem>>, vector<1x16xf32>,
          %parallel_loop3A_452 = vector.shape_cast %parallel_loop3A_451 : vector<1x16xf32> to vector<16xf32>
          %parallel_loop3A_453 = arith.addf %parallel_loop3A_446, %parallel_loop3A_452 : vector<16xf32>
          %parallel_loop3A_454 = arith.index_cast %parallel_loop3A_138 : i32 to index
          %parallel_loop3A_455 = arith.constant 304 : index
          %parallel_loop3A_456 = tpu.vector_load %arg6[%parallel_loop3A_454, %parallel_loop3A_455] {strides = array<i32>} : memref<16x1024xf32, #tpu.memory_space<vmem>>, vector<1x16xf32>,
          %parallel_loop3A_457 = vector.shape_cast %parallel_loop3A_456 : vector<1x16xf32> to vector<16xf32>
          %parallel_loop3A_458 = vector.shape_cast %parallel_loop3A_453 : vector<16xf32> to vector<1x16xf32>
          tpu.vector_store %arg6[%parallel_loop3A_454, %parallel_loop3A_455], %parallel_loop3A_458 {strides = array<i32>} : memref<16x1024xf32, #tpu.memory_space<vmem>>, vector<1x16xf32>,
          %parallel_loop3A_459 = arith.index_cast %parallel_loop3A_138 : i32 to index
          %parallel_loop3A_460 = arith.constant 320 : index
          %parallel_loop3A_461 = tpu.vector_load %arg6[%parallel_loop3A_459, %parallel_loop3A_460] {strides = array<i32>} : memref<16x1024xf32, #tpu.memory_space<vmem>>, vector<1x16xf32>,
          %parallel_loop3A_462 = vector.shape_cast %parallel_loop3A_461 : vector<1x16xf32> to vector<16xf32>
          %parallel_loop3A_463 = arith.constant 1 : i32
          %parallel_loop3A_464 = arith.addi %parallel_loop3A_138, %parallel_loop3A_463 : i32
          %parallel_loop3A_465 = arith.index_cast %parallel_loop3A_464 : i32 to index
          %parallel_loop3A_466 = arith.constant 320 : index
          %parallel_loop3A_467 = tpu.vector_load %arg8[%parallel_loop3A_465, %parallel_loop3A_466] {strides = array<i32>} : memref<24x1024xf32, #tpu.memory_space<vmem>>, vector<1x16xf32>,
          %parallel_loop3A_468 = vector.shape_cast %parallel_loop3A_467 : vector<1x16xf32> to vector<16xf32>
          %parallel_loop3A_469 = arith.addf %parallel_loop3A_462, %parallel_loop3A_468 : vector<16xf32>
          %parallel_loop3A_470 = arith.index_cast %parallel_loop3A_138 : i32 to index
          %parallel_loop3A_471 = arith.constant 320 : index
          %parallel_loop3A_472 = tpu.vector_load %arg6[%parallel_loop3A_470, %parallel_loop3A_471] {strides = array<i32>} : memref<16x1024xf32, #tpu.memory_space<vmem>>, vector<1x16xf32>,
          %parallel_loop3A_473 = vector.shape_cast %parallel_loop3A_472 : vector<1x16xf32> to vector<16xf32>
          %parallel_loop3A_474 = vector.shape_cast %parallel_loop3A_469 : vector<16xf32> to vector<1x16xf32>
          tpu.vector_store %arg6[%parallel_loop3A_470, %parallel_loop3A_471], %parallel_loop3A_474 {strides = array<i32>} : memref<16x1024xf32, #tpu.memory_space<vmem>>, vector<1x16xf32>,
          %parallel_loop3A_475 = arith.index_cast %parallel_loop3A_138 : i32 to index
          %parallel_loop3A_476 = arith.constant 336 : index
          %parallel_loop3A_477 = tpu.vector_load %arg6[%parallel_loop3A_475, %parallel_loop3A_476] {strides = array<i32>} : memref<16x1024xf32, #tpu.memory_space<vmem>>, vector<1x16xf32>,
          %parallel_loop3A_478 = vector.shape_cast %parallel_loop3A_477 : vector<1x16xf32> to vector<16xf32>
          %parallel_loop3A_479 = arith.constant 1 : i32
          %parallel_loop3A_480 = arith.addi %parallel_loop3A_138, %parallel_loop3A_479 : i32
          %parallel_loop3A_481 = arith.index_cast %parallel_loop3A_480 : i32 to index
          %parallel_loop3A_482 = arith.constant 336 : index
          %parallel_loop3A_483 = tpu.vector_load %arg8[%parallel_loop3A_481, %parallel_loop3A_482] {strides = array<i32>} : memref<24x1024xf32, #tpu.memory_space<vmem>>, vector<1x16xf32>,
          %parallel_loop3A_484 = vector.shape_cast %parallel_loop3A_483 : vector<1x16xf32> to vector<16xf32>
          %parallel_loop3A_485 = arith.addf %parallel_loop3A_478, %parallel_loop3A_484 : vector<16xf32>
          %parallel_loop3A_486 = arith.index_cast %parallel_loop3A_138 : i32 to index
          %parallel_loop3A_487 = arith.constant 336 : index
          %parallel_loop3A_488 = tpu.vector_load %arg6[%parallel_loop3A_486, %parallel_loop3A_487] {strides = array<i32>} : memref<16x1024xf32, #tpu.memory_space<vmem>>, vector<1x16xf32>,
          %parallel_loop3A_489 = vector.shape_cast %parallel_loop3A_488 : vector<1x16xf32> to vector<16xf32>
          %parallel_loop3A_490 = vector.shape_cast %parallel_loop3A_485 : vector<16xf32> to vector<1x16xf32>
          tpu.vector_store %arg6[%parallel_loop3A_486, %parallel_loop3A_487], %parallel_loop3A_490 {strides = array<i32>} : memref<16x1024xf32, #tpu.memory_space<vmem>>, vector<1x16xf32>,
          %parallel_loop3A_491 = arith.index_cast %parallel_loop3A_138 : i32 to index
          %parallel_loop3A_492 = arith.constant 352 : index
          %parallel_loop3A_493 = tpu.vector_load %arg6[%parallel_loop3A_491, %parallel_loop3A_492] {strides = array<i32>} : memref<16x1024xf32, #tpu.memory_space<vmem>>, vector<1x16xf32>,
          %parallel_loop3A_494 = vector.shape_cast %parallel_loop3A_493 : vector<1x16xf32> to vector<16xf32>
          %parallel_loop3A_495 = arith.constant 1 : i32
          %parallel_loop3A_496 = arith.addi %parallel_loop3A_138, %parallel_loop3A_495 : i32
          %parallel_loop3A_497 = arith.index_cast %parallel_loop3A_496 : i32 to index
          %parallel_loop3A_498 = arith.constant 352 : index
          %parallel_loop3A_499 = tpu.vector_load %arg8[%parallel_loop3A_497, %parallel_loop3A_498] {strides = array<i32>} : memref<24x1024xf32, #tpu.memory_space<vmem>>, vector<1x16xf32>,
          %parallel_loop3A_500 = vector.shape_cast %parallel_loop3A_499 : vector<1x16xf32> to vector<16xf32>
          %parallel_loop3A_501 = arith.addf %parallel_loop3A_494, %parallel_loop3A_500 : vector<16xf32>
          %parallel_loop3A_502 = arith.index_cast %parallel_loop3A_138 : i32 to index
          %parallel_loop3A_503 = arith.constant 352 : index
          %parallel_loop3A_504 = tpu.vector_load %arg6[%parallel_loop3A_502, %parallel_loop3A_503] {strides = array<i32>} : memref<16x1024xf32, #tpu.memory_space<vmem>>, vector<1x16xf32>,
          %parallel_loop3A_505 = vector.shape_cast %parallel_loop3A_504 : vector<1x16xf32> to vector<16xf32>
          %parallel_loop3A_506 = vector.shape_cast %parallel_loop3A_501 : vector<16xf32> to vector<1x16xf32>
          tpu.vector_store %arg6[%parallel_loop3A_502, %parallel_loop3A_503], %parallel_loop3A_506 {strides = array<i32>} : memref<16x1024xf32, #tpu.memory_space<vmem>>, vector<1x16xf32>,
          %parallel_loop3A_507 = arith.index_cast %parallel_loop3A_138 : i32 to index
          %parallel_loop3A_508 = arith.constant 368 : index
          %parallel_loop3A_509 = tpu.vector_load %arg6[%parallel_loop3A_507, %parallel_loop3A_508] {strides = array<i32>} : memref<16x1024xf32, #tpu.memory_space<vmem>>, vector<1x16xf32>,
          %parallel_loop3A_510 = vector.shape_cast %parallel_loop3A_509 : vector<1x16xf32> to vector<16xf32>
          %parallel_loop3A_511 = arith.constant 1 : i32
          %parallel_loop3A_512 = arith.addi %parallel_loop3A_138, %parallel_loop3A_511 : i32
          %parallel_loop3A_513 = arith.index_cast %parallel_loop3A_512 : i32 to index
          %parallel_loop3A_514 = arith.constant 368 : index
          %parallel_loop3A_515 = tpu.vector_load %arg8[%parallel_loop3A_513, %parallel_loop3A_514] {strides = array<i32>} : memref<24x1024xf32, #tpu.memory_space<vmem>>, vector<1x16xf32>,
          %parallel_loop3A_516 = vector.shape_cast %parallel_loop3A_515 : vector<1x16xf32> to vector<16xf32>
          %parallel_loop3A_517 = arith.addf %parallel_loop3A_510, %parallel_loop3A_516 : vector<16xf32>
          %parallel_loop3A_518 = arith.index_cast %parallel_loop3A_138 : i32 to index
          %parallel_loop3A_519 = arith.constant 368 : index
          %parallel_loop3A_520 = tpu.vector_load %arg6[%parallel_loop3A_518, %parallel_loop3A_519] {strides = array<i32>} : memref<16x1024xf32, #tpu.memory_space<vmem>>, vector<1x16xf32>,
          %parallel_loop3A_521 = vector.shape_cast %parallel_loop3A_520 : vector<1x16xf32> to vector<16xf32>
          %parallel_loop3A_522 = vector.shape_cast %parallel_loop3A_517 : vector<16xf32> to vector<1x16xf32>
          tpu.vector_store %arg6[%parallel_loop3A_518, %parallel_loop3A_519], %parallel_loop3A_522 {strides = array<i32>} : memref<16x1024xf32, #tpu.memory_space<vmem>>, vector<1x16xf32>,
          %parallel_loop3A_523 = arith.index_cast %parallel_loop3A_138 : i32 to index
          %parallel_loop3A_524 = arith.constant 384 : index
          %parallel_loop3A_525 = tpu.vector_load %arg6[%parallel_loop3A_523, %parallel_loop3A_524] {strides = array<i32>} : memref<16x1024xf32, #tpu.memory_space<vmem>>, vector<1x16xf32>,
          %parallel_loop3A_526 = vector.shape_cast %parallel_loop3A_525 : vector<1x16xf32> to vector<16xf32>
          %parallel_loop3A_527 = arith.constant 1 : i32
          %parallel_loop3A_528 = arith.addi %parallel_loop3A_138, %parallel_loop3A_527 : i32
          %parallel_loop3A_529 = arith.index_cast %parallel_loop3A_528 : i32 to index
          %parallel_loop3A_530 = arith.constant 384 : index
          %parallel_loop3A_531 = tpu.vector_load %arg8[%parallel_loop3A_529, %parallel_loop3A_530] {strides = array<i32>} : memref<24x1024xf32, #tpu.memory_space<vmem>>, vector<1x16xf32>,
          %parallel_loop3A_532 = vector.shape_cast %parallel_loop3A_531 : vector<1x16xf32> to vector<16xf32>
          %parallel_loop3A_533 = arith.addf %parallel_loop3A_526, %parallel_loop3A_532 : vector<16xf32>
          %parallel_loop3A_534 = arith.index_cast %parallel_loop3A_138 : i32 to index
          %parallel_loop3A_535 = arith.constant 384 : index
          %parallel_loop3A_536 = tpu.vector_load %arg6[%parallel_loop3A_534, %parallel_loop3A_535] {strides = array<i32>} : memref<16x1024xf32, #tpu.memory_space<vmem>>, vector<1x16xf32>,
          %parallel_loop3A_537 = vector.shape_cast %parallel_loop3A_536 : vector<1x16xf32> to vector<16xf32>
          %parallel_loop3A_538 = vector.shape_cast %parallel_loop3A_533 : vector<16xf32> to vector<1x16xf32>
          tpu.vector_store %arg6[%parallel_loop3A_534, %parallel_loop3A_535], %parallel_loop3A_538 {strides = array<i32>} : memref<16x1024xf32, #tpu.memory_space<vmem>>, vector<1x16xf32>,
          %parallel_loop3A_539 = arith.index_cast %parallel_loop3A_138 : i32 to index
          %parallel_loop3A_540 = arith.constant 400 : index
          %parallel_loop3A_541 = tpu.vector_load %arg6[%parallel_loop3A_539, %parallel_loop3A_540] {strides = array<i32>} : memref<16x1024xf32, #tpu.memory_space<vmem>>, vector<1x16xf32>,
          %parallel_loop3A_542 = vector.shape_cast %parallel_loop3A_541 : vector<1x16xf32> to vector<16xf32>
          %parallel_loop3A_543 = arith.constant 1 : i32
          %parallel_loop3A_544 = arith.addi %parallel_loop3A_138, %parallel_loop3A_543 : i32
          %parallel_loop3A_545 = arith.index_cast %parallel_loop3A_544 : i32 to index
          %parallel_loop3A_546 = arith.constant 400 : index
          %parallel_loop3A_547 = tpu.vector_load %arg8[%parallel_loop3A_545, %parallel_loop3A_546] {strides = array<i32>} : memref<24x1024xf32, #tpu.memory_space<vmem>>, vector<1x16xf32>,
          %parallel_loop3A_548 = vector.shape_cast %parallel_loop3A_547 : vector<1x16xf32> to vector<16xf32>
          %parallel_loop3A_549 = arith.addf %parallel_loop3A_542, %parallel_loop3A_548 : vector<16xf32>
          %parallel_loop3A_550 = arith.index_cast %parallel_loop3A_138 : i32 to index
          %parallel_loop3A_551 = arith.constant 400 : index
          %parallel_loop3A_552 = tpu.vector_load %arg6[%parallel_loop3A_550, %parallel_loop3A_551] {strides = array<i32>} : memref<16x1024xf32, #tpu.memory_space<vmem>>, vector<1x16xf32>,
          %parallel_loop3A_553 = vector.shape_cast %parallel_loop3A_552 : vector<1x16xf32> to vector<16xf32>
          %parallel_loop3A_554 = vector.shape_cast %parallel_loop3A_549 : vector<16xf32> to vector<1x16xf32>
          tpu.vector_store %arg6[%parallel_loop3A_550, %parallel_loop3A_551], %parallel_loop3A_554 {strides = array<i32>} : memref<16x1024xf32, #tpu.memory_space<vmem>>, vector<1x16xf32>,
          %parallel_loop3A_555 = arith.index_cast %parallel_loop3A_138 : i32 to index
          %parallel_loop3A_556 = arith.constant 416 : index
          %parallel_loop3A_557 = tpu.vector_load %arg6[%parallel_loop3A_555, %parallel_loop3A_556] {strides = array<i32>} : memref<16x1024xf32, #tpu.memory_space<vmem>>, vector<1x16xf32>,
          %parallel_loop3A_558 = vector.shape_cast %parallel_loop3A_557 : vector<1x16xf32> to vector<16xf32>
          %parallel_loop3A_559 = arith.constant 1 : i32
          %parallel_loop3A_560 = arith.addi %parallel_loop3A_138, %parallel_loop3A_559 : i32
          %parallel_loop3A_561 = arith.index_cast %parallel_loop3A_560 : i32 to index
          %parallel_loop3A_562 = arith.constant 416 : index
          %parallel_loop3A_563 = tpu.vector_load %arg8[%parallel_loop3A_561, %parallel_loop3A_562] {strides = array<i32>} : memref<24x1024xf32, #tpu.memory_space<vmem>>, vector<1x16xf32>,
          %parallel_loop3A_564 = vector.shape_cast %parallel_loop3A_563 : vector<1x16xf32> to vector<16xf32>
          %parallel_loop3A_565 = arith.addf %parallel_loop3A_558, %parallel_loop3A_564 : vector<16xf32>
          %parallel_loop3A_566 = arith.index_cast %parallel_loop3A_138 : i32 to index
          %parallel_loop3A_567 = arith.constant 416 : index
          %parallel_loop3A_568 = tpu.vector_load %arg6[%parallel_loop3A_566, %parallel_loop3A_567] {strides = array<i32>} : memref<16x1024xf32, #tpu.memory_space<vmem>>, vector<1x16xf32>,
          %parallel_loop3A_569 = vector.shape_cast %parallel_loop3A_568 : vector<1x16xf32> to vector<16xf32>
          %parallel_loop3A_570 = vector.shape_cast %parallel_loop3A_565 : vector<16xf32> to vector<1x16xf32>
          tpu.vector_store %arg6[%parallel_loop3A_566, %parallel_loop3A_567], %parallel_loop3A_570 {strides = array<i32>} : memref<16x1024xf32, #tpu.memory_space<vmem>>, vector<1x16xf32>,
          %parallel_loop3A_571 = arith.index_cast %parallel_loop3A_138 : i32 to index
          %parallel_loop3A_572 = arith.constant 432 : index
          %parallel_loop3A_573 = tpu.vector_load %arg6[%parallel_loop3A_571, %parallel_loop3A_572] {strides = array<i32>} : memref<16x1024xf32, #tpu.memory_space<vmem>>, vector<1x16xf32>,
          %parallel_loop3A_574 = vector.shape_cast %parallel_loop3A_573 : vector<1x16xf32> to vector<16xf32>
          %parallel_loop3A_575 = arith.constant 1 : i32
          %parallel_loop3A_576 = arith.addi %parallel_loop3A_138, %parallel_loop3A_575 : i32
          %parallel_loop3A_577 = arith.index_cast %parallel_loop3A_576 : i32 to index
          %parallel_loop3A_578 = arith.constant 432 : index
          %parallel_loop3A_579 = tpu.vector_load %arg8[%parallel_loop3A_577, %parallel_loop3A_578] {strides = array<i32>} : memref<24x1024xf32, #tpu.memory_space<vmem>>, vector<1x16xf32>,
          %parallel_loop3A_580 = vector.shape_cast %parallel_loop3A_579 : vector<1x16xf32> to vector<16xf32>
          %parallel_loop3A_581 = arith.addf %parallel_loop3A_574, %parallel_loop3A_580 : vector<16xf32>
          %parallel_loop3A_582 = arith.index_cast %parallel_loop3A_138 : i32 to index
          %parallel_loop3A_583 = arith.constant 432 : index
          %parallel_loop3A_584 = tpu.vector_load %arg6[%parallel_loop3A_582, %parallel_loop3A_583] {strides = array<i32>} : memref<16x1024xf32, #tpu.memory_space<vmem>>, vector<1x16xf32>,
          %parallel_loop3A_585 = vector.shape_cast %parallel_loop3A_584 : vector<1x16xf32> to vector<16xf32>
          %parallel_loop3A_586 = vector.shape_cast %parallel_loop3A_581 : vector<16xf32> to vector<1x16xf32>
          tpu.vector_store %arg6[%parallel_loop3A_582, %parallel_loop3A_583], %parallel_loop3A_586 {strides = array<i32>} : memref<16x1024xf32, #tpu.memory_space<vmem>>, vector<1x16xf32>,
          %parallel_loop3A_587 = arith.index_cast %parallel_loop3A_138 : i32 to index
          %parallel_loop3A_588 = arith.constant 448 : index
          %parallel_loop3A_589 = tpu.vector_load %arg6[%parallel_loop3A_587, %parallel_loop3A_588] {strides = array<i32>} : memref<16x1024xf32, #tpu.memory_space<vmem>>, vector<1x16xf32>,
          %parallel_loop3A_590 = vector.shape_cast %parallel_loop3A_589 : vector<1x16xf32> to vector<16xf32>
          %parallel_loop3A_591 = arith.constant 1 : i32
          %parallel_loop3A_592 = arith.addi %parallel_loop3A_138, %parallel_loop3A_591 : i32
          %parallel_loop3A_593 = arith.index_cast %parallel_loop3A_592 : i32 to index
          %parallel_loop3A_594 = arith.constant 448 : index
          %parallel_loop3A_595 = tpu.vector_load %arg8[%parallel_loop3A_593, %parallel_loop3A_594] {strides = array<i32>} : memref<24x1024xf32, #tpu.memory_space<vmem>>, vector<1x16xf32>,
          %parallel_loop3A_596 = vector.shape_cast %parallel_loop3A_595 : vector<1x16xf32> to vector<16xf32>
          %parallel_loop3A_597 = arith.addf %parallel_loop3A_590, %parallel_loop3A_596 : vector<16xf32>
          %parallel_loop3A_598 = arith.index_cast %parallel_loop3A_138 : i32 to index
          %parallel_loop3A_599 = arith.constant 448 : index
          %parallel_loop3A_600 = tpu.vector_load %arg6[%parallel_loop3A_598, %parallel_loop3A_599] {strides = array<i32>} : memref<16x1024xf32, #tpu.memory_space<vmem>>, vector<1x16xf32>,
          %parallel_loop3A_601 = vector.shape_cast %parallel_loop3A_600 : vector<1x16xf32> to vector<16xf32>
          %parallel_loop3A_602 = vector.shape_cast %parallel_loop3A_597 : vector<16xf32> to vector<1x16xf32>
          tpu.vector_store %arg6[%parallel_loop3A_598, %parallel_loop3A_599], %parallel_loop3A_602 {strides = array<i32>} : memref<16x1024xf32, #tpu.memory_space<vmem>>, vector<1x16xf32>,
          %parallel_loop3A_603 = arith.index_cast %parallel_loop3A_138 : i32 to index
          %parallel_loop3A_604 = arith.constant 464 : index
          %parallel_loop3A_605 = tpu.vector_load %arg6[%parallel_loop3A_603, %parallel_loop3A_604] {strides = array<i32>} : memref<16x1024xf32, #tpu.memory_space<vmem>>, vector<1x16xf32>,
          %parallel_loop3A_606 = vector.shape_cast %parallel_loop3A_605 : vector<1x16xf32> to vector<16xf32>
          %parallel_loop3A_607 = arith.constant 1 : i32
          %parallel_loop3A_608 = arith.addi %parallel_loop3A_138, %parallel_loop3A_607 : i32
          %parallel_loop3A_609 = arith.index_cast %parallel_loop3A_608 : i32 to index
          %parallel_loop3A_610 = arith.constant 464 : index
          %parallel_loop3A_611 = tpu.vector_load %arg8[%parallel_loop3A_609, %parallel_loop3A_610] {strides = array<i32>} : memref<24x1024xf32, #tpu.memory_space<vmem>>, vector<1x16xf32>,
          %parallel_loop3A_612 = vector.shape_cast %parallel_loop3A_611 : vector<1x16xf32> to vector<16xf32>
          %parallel_loop3A_613 = arith.addf %parallel_loop3A_606, %parallel_loop3A_612 : vector<16xf32>
          %parallel_loop3A_614 = arith.index_cast %parallel_loop3A_138 : i32 to index
          %parallel_loop3A_615 = arith.constant 464 : index
          %parallel_loop3A_616 = tpu.vector_load %arg6[%parallel_loop3A_614, %parallel_loop3A_615] {strides = array<i32>} : memref<16x1024xf32, #tpu.memory_space<vmem>>, vector<1x16xf32>,
          %parallel_loop3A_617 = vector.shape_cast %parallel_loop3A_616 : vector<1x16xf32> to vector<16xf32>
          %parallel_loop3A_618 = vector.shape_cast %parallel_loop3A_613 : vector<16xf32> to vector<1x16xf32>
          tpu.vector_store %arg6[%parallel_loop3A_614, %parallel_loop3A_615], %parallel_loop3A_618 {strides = array<i32>} : memref<16x1024xf32, #tpu.memory_space<vmem>>, vector<1x16xf32>,
          %parallel_loop3A_619 = arith.index_cast %parallel_loop3A_138 : i32 to index
          %parallel_loop3A_620 = arith.constant 480 : index
          %parallel_loop3A_621 = tpu.vector_load %arg6[%parallel_loop3A_619, %parallel_loop3A_620] {strides = array<i32>} : memref<16x1024xf32, #tpu.memory_space<vmem>>, vector<1x16xf32>,
          %parallel_loop3A_622 = vector.shape_cast %parallel_loop3A_621 : vector<1x16xf32> to vector<16xf32>
          %parallel_loop3A_623 = arith.constant 1 : i32
          %parallel_loop3A_624 = arith.addi %parallel_loop3A_138, %parallel_loop3A_623 : i32
          %parallel_loop3A_625 = arith.index_cast %parallel_loop3A_624 : i32 to index
          %parallel_loop3A_626 = arith.constant 480 : index
          %parallel_loop3A_627 = tpu.vector_load %arg8[%parallel_loop3A_625, %parallel_loop3A_626] {strides = array<i32>} : memref<24x1024xf32, #tpu.memory_space<vmem>>, vector<1x16xf32>,
          %parallel_loop3A_628 = vector.shape_cast %parallel_loop3A_627 : vector<1x16xf32> to vector<16xf32>
          %parallel_loop3A_629 = arith.addf %parallel_loop3A_622, %parallel_loop3A_628 : vector<16xf32>
          %parallel_loop3A_630 = arith.index_cast %parallel_loop3A_138 : i32 to index
          %parallel_loop3A_631 = arith.constant 480 : index
          %parallel_loop3A_632 = tpu.vector_load %arg6[%parallel_loop3A_630, %parallel_loop3A_631] {strides = array<i32>} : memref<16x1024xf32, #tpu.memory_space<vmem>>, vector<1x16xf32>,
          %parallel_loop3A_633 = vector.shape_cast %parallel_loop3A_632 : vector<1x16xf32> to vector<16xf32>
          %parallel_loop3A_634 = vector.shape_cast %parallel_loop3A_629 : vector<16xf32> to vector<1x16xf32>
          tpu.vector_store %arg6[%parallel_loop3A_630, %parallel_loop3A_631], %parallel_loop3A_634 {strides = array<i32>} : memref<16x1024xf32, #tpu.memory_space<vmem>>, vector<1x16xf32>,
          %parallel_loop3A_635 = arith.index_cast %parallel_loop3A_138 : i32 to index
          %parallel_loop3A_636 = arith.constant 496 : index
          %parallel_loop3A_637 = tpu.vector_load %arg6[%parallel_loop3A_635, %parallel_loop3A_636] {strides = array<i32>} : memref<16x1024xf32, #tpu.memory_space<vmem>>, vector<1x16xf32>,
          %parallel_loop3A_638 = vector.shape_cast %parallel_loop3A_637 : vector<1x16xf32> to vector<16xf32>
          %parallel_loop3A_639 = arith.constant 1 : i32
          %parallel_loop3A_640 = arith.addi %parallel_loop3A_138, %parallel_loop3A_639 : i32
          %parallel_loop3A_641 = arith.index_cast %parallel_loop3A_640 : i32 to index
          %parallel_loop3A_642 = arith.constant 496 : index
          %parallel_loop3A_643 = tpu.vector_load %arg8[%parallel_loop3A_641, %parallel_loop3A_642] {strides = array<i32>} : memref<24x1024xf32, #tpu.memory_space<vmem>>, vector<1x16xf32>,
          %parallel_loop3A_644 = vector.shape_cast %parallel_loop3A_643 : vector<1x16xf32> to vector<16xf32>
          %parallel_loop3A_645 = arith.addf %parallel_loop3A_638, %parallel_loop3A_644 : vector<16xf32>
          %parallel_loop3A_646 = arith.index_cast %parallel_loop3A_138 : i32 to index
          %parallel_loop3A_647 = arith.constant 496 : index
          %parallel_loop3A_648 = tpu.vector_load %arg6[%parallel_loop3A_646, %parallel_loop3A_647] {strides = array<i32>} : memref<16x1024xf32, #tpu.memory_space<vmem>>, vector<1x16xf32>,
          %parallel_loop3A_649 = vector.shape_cast %parallel_loop3A_648 : vector<1x16xf32> to vector<16xf32>
          %parallel_loop3A_650 = vector.shape_cast %parallel_loop3A_645 : vector<16xf32> to vector<1x16xf32>
          tpu.vector_store %arg6[%parallel_loop3A_646, %parallel_loop3A_647], %parallel_loop3A_650 {strides = array<i32>} : memref<16x1024xf32, #tpu.memory_space<vmem>>, vector<1x16xf32>,
          %parallel_loop3A_651 = arith.index_cast %parallel_loop3A_138 : i32 to index
          %parallel_loop3A_652 = arith.constant 512 : index
          %parallel_loop3A_653 = tpu.vector_load %arg6[%parallel_loop3A_651, %parallel_loop3A_652] {strides = array<i32>} : memref<16x1024xf32, #tpu.memory_space<vmem>>, vector<1x16xf32>,
          %parallel_loop3A_654 = vector.shape_cast %parallel_loop3A_653 : vector<1x16xf32> to vector<16xf32>
          %parallel_loop3A_655 = arith.constant 1 : i32
          %parallel_loop3A_656 = arith.addi %parallel_loop3A_138, %parallel_loop3A_655 : i32
          %parallel_loop3A_657 = arith.index_cast %parallel_loop3A_656 : i32 to index
          %parallel_loop3A_658 = arith.constant 512 : index
          %parallel_loop3A_659 = tpu.vector_load %arg8[%parallel_loop3A_657, %parallel_loop3A_658] {strides = array<i32>} : memref<24x1024xf32, #tpu.memory_space<vmem>>, vector<1x16xf32>,
          %parallel_loop3A_660 = vector.shape_cast %parallel_loop3A_659 : vector<1x16xf32> to vector<16xf32>
          %parallel_loop3A_661 = arith.addf %parallel_loop3A_654, %parallel_loop3A_660 : vector<16xf32>
          %parallel_loop3A_662 = arith.index_cast %parallel_loop3A_138 : i32 to index
          %parallel_loop3A_663 = arith.constant 512 : index
          %parallel_loop3A_664 = tpu.vector_load %arg6[%parallel_loop3A_662, %parallel_loop3A_663] {strides = array<i32>} : memref<16x1024xf32, #tpu.memory_space<vmem>>, vector<1x16xf32>,
          %parallel_loop3A_665 = vector.shape_cast %parallel_loop3A_664 : vector<1x16xf32> to vector<16xf32>
          %parallel_loop3A_666 = vector.shape_cast %parallel_loop3A_661 : vector<16xf32> to vector<1x16xf32>
          tpu.vector_store %arg6[%parallel_loop3A_662, %parallel_loop3A_663], %parallel_loop3A_666 {strides = array<i32>} : memref<16x1024xf32, #tpu.memory_space<vmem>>, vector<1x16xf32>,
          %parallel_loop3A_667 = arith.index_cast %parallel_loop3A_138 : i32 to index
          %parallel_loop3A_668 = arith.constant 528 : index
          %parallel_loop3A_669 = tpu.vector_load %arg6[%parallel_loop3A_667, %parallel_loop3A_668] {strides = array<i32>} : memref<16x1024xf32, #tpu.memory_space<vmem>>, vector<1x16xf32>,
          %parallel_loop3A_670 = vector.shape_cast %parallel_loop3A_669 : vector<1x16xf32> to vector<16xf32>
          %parallel_loop3A_671 = arith.constant 1 : i32
          %parallel_loop3A_672 = arith.addi %parallel_loop3A_138, %parallel_loop3A_671 : i32
          %parallel_loop3A_673 = arith.index_cast %parallel_loop3A_672 : i32 to index
          %parallel_loop3A_674 = arith.constant 528 : index
          %parallel_loop3A_675 = tpu.vector_load %arg8[%parallel_loop3A_673, %parallel_loop3A_674] {strides = array<i32>} : memref<24x1024xf32, #tpu.memory_space<vmem>>, vector<1x16xf32>,
          %parallel_loop3A_676 = vector.shape_cast %parallel_loop3A_675 : vector<1x16xf32> to vector<16xf32>
          %parallel_loop3A_677 = arith.addf %parallel_loop3A_670, %parallel_loop3A_676 : vector<16xf32>
          %parallel_loop3A_678 = arith.index_cast %parallel_loop3A_138 : i32 to index
          %parallel_loop3A_679 = arith.constant 528 : index
          %parallel_loop3A_680 = tpu.vector_load %arg6[%parallel_loop3A_678, %parallel_loop3A_679] {strides = array<i32>} : memref<16x1024xf32, #tpu.memory_space<vmem>>, vector<1x16xf32>,
          %parallel_loop3A_681 = vector.shape_cast %parallel_loop3A_680 : vector<1x16xf32> to vector<16xf32>
          %parallel_loop3A_682 = vector.shape_cast %parallel_loop3A_677 : vector<16xf32> to vector<1x16xf32>
          tpu.vector_store %arg6[%parallel_loop3A_678, %parallel_loop3A_679], %parallel_loop3A_682 {strides = array<i32>} : memref<16x1024xf32, #tpu.memory_space<vmem>>, vector<1x16xf32>,
          %parallel_loop3A_683 = arith.index_cast %parallel_loop3A_138 : i32 to index
          %parallel_loop3A_684 = arith.constant 544 : index
          %parallel_loop3A_685 = tpu.vector_load %arg6[%parallel_loop3A_683, %parallel_loop3A_684] {strides = array<i32>} : memref<16x1024xf32, #tpu.memory_space<vmem>>, vector<1x16xf32>,
          %parallel_loop3A_686 = vector.shape_cast %parallel_loop3A_685 : vector<1x16xf32> to vector<16xf32>
          %parallel_loop3A_687 = arith.constant 1 : i32
          %parallel_loop3A_688 = arith.addi %parallel_loop3A_138, %parallel_loop3A_687 : i32
          %parallel_loop3A_689 = arith.index_cast %parallel_loop3A_688 : i32 to index
          %parallel_loop3A_690 = arith.constant 544 : index
          %parallel_loop3A_691 = tpu.vector_load %arg8[%parallel_loop3A_689, %parallel_loop3A_690] {strides = array<i32>} : memref<24x1024xf32, #tpu.memory_space<vmem>>, vector<1x16xf32>,
          %parallel_loop3A_692 = vector.shape_cast %parallel_loop3A_691 : vector<1x16xf32> to vector<16xf32>
          %parallel_loop3A_693 = arith.addf %parallel_loop3A_686, %parallel_loop3A_692 : vector<16xf32>
          %parallel_loop3A_694 = arith.index_cast %parallel_loop3A_138 : i32 to index
          %parallel_loop3A_695 = arith.constant 544 : index
          %parallel_loop3A_696 = tpu.vector_load %arg6[%parallel_loop3A_694, %parallel_loop3A_695] {strides = array<i32>} : memref<16x1024xf32, #tpu.memory_space<vmem>>, vector<1x16xf32>,
          %parallel_loop3A_697 = vector.shape_cast %parallel_loop3A_696 : vector<1x16xf32> to vector<16xf32>
          %parallel_loop3A_698 = vector.shape_cast %parallel_loop3A_693 : vector<16xf32> to vector<1x16xf32>
          tpu.vector_store %arg6[%parallel_loop3A_694, %parallel_loop3A_695], %parallel_loop3A_698 {strides = array<i32>} : memref<16x1024xf32, #tpu.memory_space<vmem>>, vector<1x16xf32>,
          %parallel_loop3A_699 = arith.index_cast %parallel_loop3A_138 : i32 to index
          %parallel_loop3A_700 = arith.constant 560 : index
          %parallel_loop3A_701 = tpu.vector_load %arg6[%parallel_loop3A_699, %parallel_loop3A_700] {strides = array<i32>} : memref<16x1024xf32, #tpu.memory_space<vmem>>, vector<1x16xf32>,
          %parallel_loop3A_702 = vector.shape_cast %parallel_loop3A_701 : vector<1x16xf32> to vector<16xf32>
          %parallel_loop3A_703 = arith.constant 1 : i32
          %parallel_loop3A_704 = arith.addi %parallel_loop3A_138, %parallel_loop3A_703 : i32
          %parallel_loop3A_705 = arith.index_cast %parallel_loop3A_704 : i32 to index
          %parallel_loop3A_706 = arith.constant 560 : index
          %parallel_loop3A_707 = tpu.vector_load %arg8[%parallel_loop3A_705, %parallel_loop3A_706] {strides = array<i32>} : memref<24x1024xf32, #tpu.memory_space<vmem>>, vector<1x16xf32>,
          %parallel_loop3A_708 = vector.shape_cast %parallel_loop3A_707 : vector<1x16xf32> to vector<16xf32>
          %parallel_loop3A_709 = arith.addf %parallel_loop3A_702, %parallel_loop3A_708 : vector<16xf32>
          %parallel_loop3A_710 = arith.index_cast %parallel_loop3A_138 : i32 to index
          %parallel_loop3A_711 = arith.constant 560 : index
          %parallel_loop3A_712 = tpu.vector_load %arg6[%parallel_loop3A_710, %parallel_loop3A_711] {strides = array<i32>} : memref<16x1024xf32, #tpu.memory_space<vmem>>, vector<1x16xf32>,
          %parallel_loop3A_713 = vector.shape_cast %parallel_loop3A_712 : vector<1x16xf32> to vector<16xf32>
          %parallel_loop3A_714 = vector.shape_cast %parallel_loop3A_709 : vector<16xf32> to vector<1x16xf32>
          tpu.vector_store %arg6[%parallel_loop3A_710, %parallel_loop3A_711], %parallel_loop3A_714 {strides = array<i32>} : memref<16x1024xf32, #tpu.memory_space<vmem>>, vector<1x16xf32>,
          %parallel_loop3A_715 = arith.index_cast %parallel_loop3A_138 : i32 to index
          %parallel_loop3A_716 = arith.constant 576 : index
          %parallel_loop3A_717 = tpu.vector_load %arg6[%parallel_loop3A_715, %parallel_loop3A_716] {strides = array<i32>} : memref<16x1024xf32, #tpu.memory_space<vmem>>, vector<1x16xf32>,
          %parallel_loop3A_718 = vector.shape_cast %parallel_loop3A_717 : vector<1x16xf32> to vector<16xf32>
          %parallel_loop3A_719 = arith.constant 1 : i32
          %parallel_loop3A_720 = arith.addi %parallel_loop3A_138, %parallel_loop3A_719 : i32
          %parallel_loop3A_721 = arith.index_cast %parallel_loop3A_720 : i32 to index
          %parallel_loop3A_722 = arith.constant 576 : index
          %parallel_loop3A_723 = tpu.vector_load %arg8[%parallel_loop3A_721, %parallel_loop3A_722] {strides = array<i32>} : memref<24x1024xf32, #tpu.memory_space<vmem>>, vector<1x16xf32>,
          %parallel_loop3A_724 = vector.shape_cast %parallel_loop3A_723 : vector<1x16xf32> to vector<16xf32>
          %parallel_loop3A_725 = arith.addf %parallel_loop3A_718, %parallel_loop3A_724 : vector<16xf32>
          %parallel_loop3A_726 = arith.index_cast %parallel_loop3A_138 : i32 to index
          %parallel_loop3A_727 = arith.constant 576 : index
          %parallel_loop3A_728 = tpu.vector_load %arg6[%parallel_loop3A_726, %parallel_loop3A_727] {strides = array<i32>} : memref<16x1024xf32, #tpu.memory_space<vmem>>, vector<1x16xf32>,
          %parallel_loop3A_729 = vector.shape_cast %parallel_loop3A_728 : vector<1x16xf32> to vector<16xf32>
          %parallel_loop3A_730 = vector.shape_cast %parallel_loop3A_725 : vector<16xf32> to vector<1x16xf32>
          tpu.vector_store %arg6[%parallel_loop3A_726, %parallel_loop3A_727], %parallel_loop3A_730 {strides = array<i32>} : memref<16x1024xf32, #tpu.memory_space<vmem>>, vector<1x16xf32>,
          %parallel_loop3A_731 = arith.index_cast %parallel_loop3A_138 : i32 to index
          %parallel_loop3A_732 = arith.constant 592 : index
          %parallel_loop3A_733 = tpu.vector_load %arg6[%parallel_loop3A_731, %parallel_loop3A_732] {strides = array<i32>} : memref<16x1024xf32, #tpu.memory_space<vmem>>, vector<1x16xf32>,
          %parallel_loop3A_734 = vector.shape_cast %parallel_loop3A_733 : vector<1x16xf32> to vector<16xf32>
          %parallel_loop3A_735 = arith.constant 1 : i32
          %parallel_loop3A_736 = arith.addi %parallel_loop3A_138, %parallel_loop3A_735 : i32
          %parallel_loop3A_737 = arith.index_cast %parallel_loop3A_736 : i32 to index
          %parallel_loop3A_738 = arith.constant 592 : index
          %parallel_loop3A_739 = tpu.vector_load %arg8[%parallel_loop3A_737, %parallel_loop3A_738] {strides = array<i32>} : memref<24x1024xf32, #tpu.memory_space<vmem>>, vector<1x16xf32>,
          %parallel_loop3A_740 = vector.shape_cast %parallel_loop3A_739 : vector<1x16xf32> to vector<16xf32>
          %parallel_loop3A_741 = arith.addf %parallel_loop3A_734, %parallel_loop3A_740 : vector<16xf32>
          %parallel_loop3A_742 = arith.index_cast %parallel_loop3A_138 : i32 to index
          %parallel_loop3A_743 = arith.constant 592 : index
          %parallel_loop3A_744 = tpu.vector_load %arg6[%parallel_loop3A_742, %parallel_loop3A_743] {strides = array<i32>} : memref<16x1024xf32, #tpu.memory_space<vmem>>, vector<1x16xf32>,
          %parallel_loop3A_745 = vector.shape_cast %parallel_loop3A_744 : vector<1x16xf32> to vector<16xf32>
          %parallel_loop3A_746 = vector.shape_cast %parallel_loop3A_741 : vector<16xf32> to vector<1x16xf32>
          tpu.vector_store %arg6[%parallel_loop3A_742, %parallel_loop3A_743], %parallel_loop3A_746 {strides = array<i32>} : memref<16x1024xf32, #tpu.memory_space<vmem>>, vector<1x16xf32>,
          %parallel_loop3A_747 = arith.index_cast %parallel_loop3A_138 : i32 to index
          %parallel_loop3A_748 = arith.constant 608 : index
          %parallel_loop3A_749 = tpu.vector_load %arg6[%parallel_loop3A_747, %parallel_loop3A_748] {strides = array<i32>} : memref<16x1024xf32, #tpu.memory_space<vmem>>, vector<1x16xf32>,
          %parallel_loop3A_750 = vector.shape_cast %parallel_loop3A_749 : vector<1x16xf32> to vector<16xf32>
          %parallel_loop3A_751 = arith.constant 1 : i32
          %parallel_loop3A_752 = arith.addi %parallel_loop3A_138, %parallel_loop3A_751 : i32
          %parallel_loop3A_753 = arith.index_cast %parallel_loop3A_752 : i32 to index
          %parallel_loop3A_754 = arith.constant 608 : index
          %parallel_loop3A_755 = tpu.vector_load %arg8[%parallel_loop3A_753, %parallel_loop3A_754] {strides = array<i32>} : memref<24x1024xf32, #tpu.memory_space<vmem>>, vector<1x16xf32>,
          %parallel_loop3A_756 = vector.shape_cast %parallel_loop3A_755 : vector<1x16xf32> to vector<16xf32>
          %parallel_loop3A_757 = arith.addf %parallel_loop3A_750, %parallel_loop3A_756 : vector<16xf32>
          %parallel_loop3A_758 = arith.index_cast %parallel_loop3A_138 : i32 to index
          %parallel_loop3A_759 = arith.constant 608 : index
          %parallel_loop3A_760 = tpu.vector_load %arg6[%parallel_loop3A_758, %parallel_loop3A_759] {strides = array<i32>} : memref<16x1024xf32, #tpu.memory_space<vmem>>, vector<1x16xf32>,
          %parallel_loop3A_761 = vector.shape_cast %parallel_loop3A_760 : vector<1x16xf32> to vector<16xf32>
          %parallel_loop3A_762 = vector.shape_cast %parallel_loop3A_757 : vector<16xf32> to vector<1x16xf32>
          tpu.vector_store %arg6[%parallel_loop3A_758, %parallel_loop3A_759], %parallel_loop3A_762 {strides = array<i32>} : memref<16x1024xf32, #tpu.memory_space<vmem>>, vector<1x16xf32>,
          %parallel_loop3A_763 = arith.index_cast %parallel_loop3A_138 : i32 to index
          %parallel_loop3A_764 = arith.constant 624 : index
          %parallel_loop3A_765 = tpu.vector_load %arg6[%parallel_loop3A_763, %parallel_loop3A_764] {strides = array<i32>} : memref<16x1024xf32, #tpu.memory_space<vmem>>, vector<1x16xf32>,
          %parallel_loop3A_766 = vector.shape_cast %parallel_loop3A_765 : vector<1x16xf32> to vector<16xf32>
          %parallel_loop3A_767 = arith.constant 1 : i32
          %parallel_loop3A_768 = arith.addi %parallel_loop3A_138, %parallel_loop3A_767 : i32
          %parallel_loop3A_769 = arith.index_cast %parallel_loop3A_768 : i32 to index
          %parallel_loop3A_770 = arith.constant 624 : index
          %parallel_loop3A_771 = tpu.vector_load %arg8[%parallel_loop3A_769, %parallel_loop3A_770] {strides = array<i32>} : memref<24x1024xf32, #tpu.memory_space<vmem>>, vector<1x16xf32>,
          %parallel_loop3A_772 = vector.shape_cast %parallel_loop3A_771 : vector<1x16xf32> to vector<16xf32>
          %parallel_loop3A_773 = arith.addf %parallel_loop3A_766, %parallel_loop3A_772 : vector<16xf32>
          %parallel_loop3A_774 = arith.index_cast %parallel_loop3A_138 : i32 to index
          %parallel_loop3A_775 = arith.constant 624 : index
          %parallel_loop3A_776 = tpu.vector_load %arg6[%parallel_loop3A_774, %parallel_loop3A_775] {strides = array<i32>} : memref<16x1024xf32, #tpu.memory_space<vmem>>, vector<1x16xf32>,
          %parallel_loop3A_777 = vector.shape_cast %parallel_loop3A_776 : vector<1x16xf32> to vector<16xf32>
          %parallel_loop3A_778 = vector.shape_cast %parallel_loop3A_773 : vector<16xf32> to vector<1x16xf32>
          tpu.vector_store %arg6[%parallel_loop3A_774, %parallel_loop3A_775], %parallel_loop3A_778 {strides = array<i32>} : memref<16x1024xf32, #tpu.memory_space<vmem>>, vector<1x16xf32>,
          %parallel_loop3A_779 = arith.index_cast %parallel_loop3A_138 : i32 to index
          %parallel_loop3A_780 = arith.constant 640 : index
          %parallel_loop3A_781 = tpu.vector_load %arg6[%parallel_loop3A_779, %parallel_loop3A_780] {strides = array<i32>} : memref<16x1024xf32, #tpu.memory_space<vmem>>, vector<1x16xf32>,
          %parallel_loop3A_782 = vector.shape_cast %parallel_loop3A_781 : vector<1x16xf32> to vector<16xf32>
          %parallel_loop3A_783 = arith.constant 1 : i32
          %parallel_loop3A_784 = arith.addi %parallel_loop3A_138, %parallel_loop3A_783 : i32
          %parallel_loop3A_785 = arith.index_cast %parallel_loop3A_784 : i32 to index
          %parallel_loop3A_786 = arith.constant 640 : index
          %parallel_loop3A_787 = tpu.vector_load %arg8[%parallel_loop3A_785, %parallel_loop3A_786] {strides = array<i32>} : memref<24x1024xf32, #tpu.memory_space<vmem>>, vector<1x16xf32>,
          %parallel_loop3A_788 = vector.shape_cast %parallel_loop3A_787 : vector<1x16xf32> to vector<16xf32>
          %parallel_loop3A_789 = arith.addf %parallel_loop3A_782, %parallel_loop3A_788 : vector<16xf32>
          %parallel_loop3A_790 = arith.index_cast %parallel_loop3A_138 : i32 to index
          %parallel_loop3A_791 = arith.constant 640 : index
          %parallel_loop3A_792 = tpu.vector_load %arg6[%parallel_loop3A_790, %parallel_loop3A_791] {strides = array<i32>} : memref<16x1024xf32, #tpu.memory_space<vmem>>, vector<1x16xf32>,
          %parallel_loop3A_793 = vector.shape_cast %parallel_loop3A_792 : vector<1x16xf32> to vector<16xf32>
          %parallel_loop3A_794 = vector.shape_cast %parallel_loop3A_789 : vector<16xf32> to vector<1x16xf32>
          tpu.vector_store %arg6[%parallel_loop3A_790, %parallel_loop3A_791], %parallel_loop3A_794 {strides = array<i32>} : memref<16x1024xf32, #tpu.memory_space<vmem>>, vector<1x16xf32>,
          %parallel_loop3A_795 = arith.index_cast %parallel_loop3A_138 : i32 to index
          %parallel_loop3A_796 = arith.constant 656 : index
          %parallel_loop3A_797 = tpu.vector_load %arg6[%parallel_loop3A_795, %parallel_loop3A_796] {strides = array<i32>} : memref<16x1024xf32, #tpu.memory_space<vmem>>, vector<1x16xf32>,
          %parallel_loop3A_798 = vector.shape_cast %parallel_loop3A_797 : vector<1x16xf32> to vector<16xf32>
          %parallel_loop3A_799 = arith.constant 1 : i32
          %parallel_loop3A_800 = arith.addi %parallel_loop3A_138, %parallel_loop3A_799 : i32
          %parallel_loop3A_801 = arith.index_cast %parallel_loop3A_800 : i32 to index
          %parallel_loop3A_802 = arith.constant 656 : index
          %parallel_loop3A_803 = tpu.vector_load %arg8[%parallel_loop3A_801, %parallel_loop3A_802] {strides = array<i32>} : memref<24x1024xf32, #tpu.memory_space<vmem>>, vector<1x16xf32>,
          %parallel_loop3A_804 = vector.shape_cast %parallel_loop3A_803 : vector<1x16xf32> to vector<16xf32>
          %parallel_loop3A_805 = arith.addf %parallel_loop3A_798, %parallel_loop3A_804 : vector<16xf32>
          %parallel_loop3A_806 = arith.index_cast %parallel_loop3A_138 : i32 to index
          %parallel_loop3A_807 = arith.constant 656 : index
          %parallel_loop3A_808 = tpu.vector_load %arg6[%parallel_loop3A_806, %parallel_loop3A_807] {strides = array<i32>} : memref<16x1024xf32, #tpu.memory_space<vmem>>, vector<1x16xf32>,
          %parallel_loop3A_809 = vector.shape_cast %parallel_loop3A_808 : vector<1x16xf32> to vector<16xf32>
          %parallel_loop3A_810 = vector.shape_cast %parallel_loop3A_805 : vector<16xf32> to vector<1x16xf32>
          tpu.vector_store %arg6[%parallel_loop3A_806, %parallel_loop3A_807], %parallel_loop3A_810 {strides = array<i32>} : memref<16x1024xf32, #tpu.memory_space<vmem>>, vector<1x16xf32>,
          %parallel_loop3A_811 = arith.index_cast %parallel_loop3A_138 : i32 to index
          %parallel_loop3A_812 = arith.constant 672 : index
          %parallel_loop3A_813 = tpu.vector_load %arg6[%parallel_loop3A_811, %parallel_loop3A_812] {strides = array<i32>} : memref<16x1024xf32, #tpu.memory_space<vmem>>, vector<1x16xf32>,
          %parallel_loop3A_814 = vector.shape_cast %parallel_loop3A_813 : vector<1x16xf32> to vector<16xf32>
          %parallel_loop3A_815 = arith.constant 1 : i32
          %parallel_loop3A_816 = arith.addi %parallel_loop3A_138, %parallel_loop3A_815 : i32
          %parallel_loop3A_817 = arith.index_cast %parallel_loop3A_816 : i32 to index
          %parallel_loop3A_818 = arith.constant 672 : index
          %parallel_loop3A_819 = tpu.vector_load %arg8[%parallel_loop3A_817, %parallel_loop3A_818] {strides = array<i32>} : memref<24x1024xf32, #tpu.memory_space<vmem>>, vector<1x16xf32>,
          %parallel_loop3A_820 = vector.shape_cast %parallel_loop3A_819 : vector<1x16xf32> to vector<16xf32>
          %parallel_loop3A_821 = arith.addf %parallel_loop3A_814, %parallel_loop3A_820 : vector<16xf32>
          %parallel_loop3A_822 = arith.index_cast %parallel_loop3A_138 : i32 to index
          %parallel_loop3A_823 = arith.constant 672 : index
          %parallel_loop3A_824 = tpu.vector_load %arg6[%parallel_loop3A_822, %parallel_loop3A_823] {strides = array<i32>} : memref<16x1024xf32, #tpu.memory_space<vmem>>, vector<1x16xf32>,
          %parallel_loop3A_825 = vector.shape_cast %parallel_loop3A_824 : vector<1x16xf32> to vector<16xf32>
          %parallel_loop3A_826 = vector.shape_cast %parallel_loop3A_821 : vector<16xf32> to vector<1x16xf32>
          tpu.vector_store %arg6[%parallel_loop3A_822, %parallel_loop3A_823], %parallel_loop3A_826 {strides = array<i32>} : memref<16x1024xf32, #tpu.memory_space<vmem>>, vector<1x16xf32>,
          %parallel_loop3A_827 = arith.index_cast %parallel_loop3A_138 : i32 to index
          %parallel_loop3A_828 = arith.constant 688 : index
          %parallel_loop3A_829 = tpu.vector_load %arg6[%parallel_loop3A_827, %parallel_loop3A_828] {strides = array<i32>} : memref<16x1024xf32, #tpu.memory_space<vmem>>, vector<1x16xf32>,
          %parallel_loop3A_830 = vector.shape_cast %parallel_loop3A_829 : vector<1x16xf32> to vector<16xf32>
          %parallel_loop3A_831 = arith.constant 1 : i32
          %parallel_loop3A_832 = arith.addi %parallel_loop3A_138, %parallel_loop3A_831 : i32
          %parallel_loop3A_833 = arith.index_cast %parallel_loop3A_832 : i32 to index
          %parallel_loop3A_834 = arith.constant 688 : index
          %parallel_loop3A_835 = tpu.vector_load %arg8[%parallel_loop3A_833, %parallel_loop3A_834] {strides = array<i32>} : memref<24x1024xf32, #tpu.memory_space<vmem>>, vector<1x16xf32>,
          %parallel_loop3A_836 = vector.shape_cast %parallel_loop3A_835 : vector<1x16xf32> to vector<16xf32>
          %parallel_loop3A_837 = arith.addf %parallel_loop3A_830, %parallel_loop3A_836 : vector<16xf32>
          %parallel_loop3A_838 = arith.index_cast %parallel_loop3A_138 : i32 to index
          %parallel_loop3A_839 = arith.constant 688 : index
          %parallel_loop3A_840 = tpu.vector_load %arg6[%parallel_loop3A_838, %parallel_loop3A_839] {strides = array<i32>} : memref<16x1024xf32, #tpu.memory_space<vmem>>, vector<1x16xf32>,
          %parallel_loop3A_841 = vector.shape_cast %parallel_loop3A_840 : vector<1x16xf32> to vector<16xf32>
          %parallel_loop3A_842 = vector.shape_cast %parallel_loop3A_837 : vector<16xf32> to vector<1x16xf32>
          tpu.vector_store %arg6[%parallel_loop3A_838, %parallel_loop3A_839], %parallel_loop3A_842 {strides = array<i32>} : memref<16x1024xf32, #tpu.memory_space<vmem>>, vector<1x16xf32>,
          %parallel_loop3A_843 = arith.index_cast %parallel_loop3A_138 : i32 to index
          %parallel_loop3A_844 = arith.constant 704 : index
          %parallel_loop3A_845 = tpu.vector_load %arg6[%parallel_loop3A_843, %parallel_loop3A_844] {strides = array<i32>} : memref<16x1024xf32, #tpu.memory_space<vmem>>, vector<1x16xf32>,
          %parallel_loop3A_846 = vector.shape_cast %parallel_loop3A_845 : vector<1x16xf32> to vector<16xf32>
          %parallel_loop3A_847 = arith.constant 1 : i32
          %parallel_loop3A_848 = arith.addi %parallel_loop3A_138, %parallel_loop3A_847 : i32
          %parallel_loop3A_849 = arith.index_cast %parallel_loop3A_848 : i32 to index
          %parallel_loop3A_850 = arith.constant 704 : index
          %parallel_loop3A_851 = tpu.vector_load %arg8[%parallel_loop3A_849, %parallel_loop3A_850] {strides = array<i32>} : memref<24x1024xf32, #tpu.memory_space<vmem>>, vector<1x16xf32>,
          %parallel_loop3A_852 = vector.shape_cast %parallel_loop3A_851 : vector<1x16xf32> to vector<16xf32>
          %parallel_loop3A_853 = arith.addf %parallel_loop3A_846, %parallel_loop3A_852 : vector<16xf32>
          %parallel_loop3A_854 = arith.index_cast %parallel_loop3A_138 : i32 to index
          %parallel_loop3A_855 = arith.constant 704 : index
          %parallel_loop3A_856 = tpu.vector_load %arg6[%parallel_loop3A_854, %parallel_loop3A_855] {strides = array<i32>} : memref<16x1024xf32, #tpu.memory_space<vmem>>, vector<1x16xf32>,
          %parallel_loop3A_857 = vector.shape_cast %parallel_loop3A_856 : vector<1x16xf32> to vector<16xf32>
          %parallel_loop3A_858 = vector.shape_cast %parallel_loop3A_853 : vector<16xf32> to vector<1x16xf32>
          tpu.vector_store %arg6[%parallel_loop3A_854, %parallel_loop3A_855], %parallel_loop3A_858 {strides = array<i32>} : memref<16x1024xf32, #tpu.memory_space<vmem>>, vector<1x16xf32>,
          %parallel_loop3A_859 = arith.index_cast %parallel_loop3A_138 : i32 to index
          %parallel_loop3A_860 = arith.constant 720 : index
          %parallel_loop3A_861 = tpu.vector_load %arg6[%parallel_loop3A_859, %parallel_loop3A_860] {strides = array<i32>} : memref<16x1024xf32, #tpu.memory_space<vmem>>, vector<1x16xf32>,
          %parallel_loop3A_862 = vector.shape_cast %parallel_loop3A_861 : vector<1x16xf32> to vector<16xf32>
          %parallel_loop3A_863 = arith.constant 1 : i32
          %parallel_loop3A_864 = arith.addi %parallel_loop3A_138, %parallel_loop3A_863 : i32
          %parallel_loop3A_865 = arith.index_cast %parallel_loop3A_864 : i32 to index
          %parallel_loop3A_866 = arith.constant 720 : index
          %parallel_loop3A_867 = tpu.vector_load %arg8[%parallel_loop3A_865, %parallel_loop3A_866] {strides = array<i32>} : memref<24x1024xf32, #tpu.memory_space<vmem>>, vector<1x16xf32>,
          %parallel_loop3A_868 = vector.shape_cast %parallel_loop3A_867 : vector<1x16xf32> to vector<16xf32>
          %parallel_loop3A_869 = arith.addf %parallel_loop3A_862, %parallel_loop3A_868 : vector<16xf32>
          %parallel_loop3A_870 = arith.index_cast %parallel_loop3A_138 : i32 to index
          %parallel_loop3A_871 = arith.constant 720 : index
          %parallel_loop3A_872 = tpu.vector_load %arg6[%parallel_loop3A_870, %parallel_loop3A_871] {strides = array<i32>} : memref<16x1024xf32, #tpu.memory_space<vmem>>, vector<1x16xf32>,
          %parallel_loop3A_873 = vector.shape_cast %parallel_loop3A_872 : vector<1x16xf32> to vector<16xf32>
          %parallel_loop3A_874 = vector.shape_cast %parallel_loop3A_869 : vector<16xf32> to vector<1x16xf32>
          tpu.vector_store %arg6[%parallel_loop3A_870, %parallel_loop3A_871], %parallel_loop3A_874 {strides = array<i32>} : memref<16x1024xf32, #tpu.memory_space<vmem>>, vector<1x16xf32>,
          %parallel_loop3A_875 = arith.index_cast %parallel_loop3A_138 : i32 to index
          %parallel_loop3A_876 = arith.constant 736 : index
          %parallel_loop3A_877 = tpu.vector_load %arg6[%parallel_loop3A_875, %parallel_loop3A_876] {strides = array<i32>} : memref<16x1024xf32, #tpu.memory_space<vmem>>, vector<1x16xf32>,
          %parallel_loop3A_878 = vector.shape_cast %parallel_loop3A_877 : vector<1x16xf32> to vector<16xf32>
          %parallel_loop3A_879 = arith.constant 1 : i32
          %parallel_loop3A_880 = arith.addi %parallel_loop3A_138, %parallel_loop3A_879 : i32
          %parallel_loop3A_881 = arith.index_cast %parallel_loop3A_880 : i32 to index
          %parallel_loop3A_882 = arith.constant 736 : index
          %parallel_loop3A_883 = tpu.vector_load %arg8[%parallel_loop3A_881, %parallel_loop3A_882] {strides = array<i32>} : memref<24x1024xf32, #tpu.memory_space<vmem>>, vector<1x16xf32>,
          %parallel_loop3A_884 = vector.shape_cast %parallel_loop3A_883 : vector<1x16xf32> to vector<16xf32>
          %parallel_loop3A_885 = arith.addf %parallel_loop3A_878, %parallel_loop3A_884 : vector<16xf32>
          %parallel_loop3A_886 = arith.index_cast %parallel_loop3A_138 : i32 to index
          %parallel_loop3A_887 = arith.constant 736 : index
          %parallel_loop3A_888 = tpu.vector_load %arg6[%parallel_loop3A_886, %parallel_loop3A_887] {strides = array<i32>} : memref<16x1024xf32, #tpu.memory_space<vmem>>, vector<1x16xf32>,
          %parallel_loop3A_889 = vector.shape_cast %parallel_loop3A_888 : vector<1x16xf32> to vector<16xf32>
          %parallel_loop3A_890 = vector.shape_cast %parallel_loop3A_885 : vector<16xf32> to vector<1x16xf32>
          tpu.vector_store %arg6[%parallel_loop3A_886, %parallel_loop3A_887], %parallel_loop3A_890 {strides = array<i32>} : memref<16x1024xf32, #tpu.memory_space<vmem>>, vector<1x16xf32>,
          %parallel_loop3A_891 = arith.index_cast %parallel_loop3A_138 : i32 to index
          %parallel_loop3A_892 = arith.constant 752 : index
          %parallel_loop3A_893 = tpu.vector_load %arg6[%parallel_loop3A_891, %parallel_loop3A_892] {strides = array<i32>} : memref<16x1024xf32, #tpu.memory_space<vmem>>, vector<1x16xf32>,
          %parallel_loop3A_894 = vector.shape_cast %parallel_loop3A_893 : vector<1x16xf32> to vector<16xf32>
          %parallel_loop3A_895 = arith.constant 1 : i32
          %parallel_loop3A_896 = arith.addi %parallel_loop3A_138, %parallel_loop3A_895 : i32
          %parallel_loop3A_897 = arith.index_cast %parallel_loop3A_896 : i32 to index
          %parallel_loop3A_898 = arith.constant 752 : index
          %parallel_loop3A_899 = tpu.vector_load %arg8[%parallel_loop3A_897, %parallel_loop3A_898] {strides = array<i32>} : memref<24x1024xf32, #tpu.memory_space<vmem>>, vector<1x16xf32>,
          %parallel_loop3A_900 = vector.shape_cast %parallel_loop3A_899 : vector<1x16xf32> to vector<16xf32>
          %parallel_loop3A_901 = arith.addf %parallel_loop3A_894, %parallel_loop3A_900 : vector<16xf32>
          %parallel_loop3A_902 = arith.index_cast %parallel_loop3A_138 : i32 to index
          %parallel_loop3A_903 = arith.constant 752 : index
          %parallel_loop3A_904 = tpu.vector_load %arg6[%parallel_loop3A_902, %parallel_loop3A_903] {strides = array<i32>} : memref<16x1024xf32, #tpu.memory_space<vmem>>, vector<1x16xf32>,
          %parallel_loop3A_905 = vector.shape_cast %parallel_loop3A_904 : vector<1x16xf32> to vector<16xf32>
          %parallel_loop3A_906 = vector.shape_cast %parallel_loop3A_901 : vector<16xf32> to vector<1x16xf32>
          tpu.vector_store %arg6[%parallel_loop3A_902, %parallel_loop3A_903], %parallel_loop3A_906 {strides = array<i32>} : memref<16x1024xf32, #tpu.memory_space<vmem>>, vector<1x16xf32>,
          %parallel_loop3A_907 = arith.index_cast %parallel_loop3A_138 : i32 to index
          %parallel_loop3A_908 = arith.constant 768 : index
          %parallel_loop3A_909 = tpu.vector_load %arg6[%parallel_loop3A_907, %parallel_loop3A_908] {strides = array<i32>} : memref<16x1024xf32, #tpu.memory_space<vmem>>, vector<1x16xf32>,
          %parallel_loop3A_910 = vector.shape_cast %parallel_loop3A_909 : vector<1x16xf32> to vector<16xf32>
          %parallel_loop3A_911 = arith.constant 1 : i32
          %parallel_loop3A_912 = arith.addi %parallel_loop3A_138, %parallel_loop3A_911 : i32
          %parallel_loop3A_913 = arith.index_cast %parallel_loop3A_912 : i32 to index
          %parallel_loop3A_914 = arith.constant 768 : index
          %parallel_loop3A_915 = tpu.vector_load %arg8[%parallel_loop3A_913, %parallel_loop3A_914] {strides = array<i32>} : memref<24x1024xf32, #tpu.memory_space<vmem>>, vector<1x16xf32>,
          %parallel_loop3A_916 = vector.shape_cast %parallel_loop3A_915 : vector<1x16xf32> to vector<16xf32>
          %parallel_loop3A_917 = arith.addf %parallel_loop3A_910, %parallel_loop3A_916 : vector<16xf32>
          %parallel_loop3A_918 = arith.index_cast %parallel_loop3A_138 : i32 to index
          %parallel_loop3A_919 = arith.constant 768 : index
          %parallel_loop3A_920 = tpu.vector_load %arg6[%parallel_loop3A_918, %parallel_loop3A_919] {strides = array<i32>} : memref<16x1024xf32, #tpu.memory_space<vmem>>, vector<1x16xf32>,
          %parallel_loop3A_921 = vector.shape_cast %parallel_loop3A_920 : vector<1x16xf32> to vector<16xf32>
          %parallel_loop3A_922 = vector.shape_cast %parallel_loop3A_917 : vector<16xf32> to vector<1x16xf32>
          tpu.vector_store %arg6[%parallel_loop3A_918, %parallel_loop3A_919], %parallel_loop3A_922 {strides = array<i32>} : memref<16x1024xf32, #tpu.memory_space<vmem>>, vector<1x16xf32>,
          %parallel_loop3A_923 = arith.index_cast %parallel_loop3A_138 : i32 to index
          %parallel_loop3A_924 = arith.constant 784 : index
          %parallel_loop3A_925 = tpu.vector_load %arg6[%parallel_loop3A_923, %parallel_loop3A_924] {strides = array<i32>} : memref<16x1024xf32, #tpu.memory_space<vmem>>, vector<1x16xf32>,
          %parallel_loop3A_926 = vector.shape_cast %parallel_loop3A_925 : vector<1x16xf32> to vector<16xf32>
          %parallel_loop3A_927 = arith.constant 1 : i32
          %parallel_loop3A_928 = arith.addi %parallel_loop3A_138, %parallel_loop3A_927 : i32
          %parallel_loop3A_929 = arith.index_cast %parallel_loop3A_928 : i32 to index
          %parallel_loop3A_930 = arith.constant 784 : index
          %parallel_loop3A_931 = tpu.vector_load %arg8[%parallel_loop3A_929, %parallel_loop3A_930] {strides = array<i32>} : memref<24x1024xf32, #tpu.memory_space<vmem>>, vector<1x16xf32>,
          %parallel_loop3A_932 = vector.shape_cast %parallel_loop3A_931 : vector<1x16xf32> to vector<16xf32>
          %parallel_loop3A_933 = arith.addf %parallel_loop3A_926, %parallel_loop3A_932 : vector<16xf32>
          %parallel_loop3A_934 = arith.index_cast %parallel_loop3A_138 : i32 to index
          %parallel_loop3A_935 = arith.constant 784 : index
          %parallel_loop3A_936 = tpu.vector_load %arg6[%parallel_loop3A_934, %parallel_loop3A_935] {strides = array<i32>} : memref<16x1024xf32, #tpu.memory_space<vmem>>, vector<1x16xf32>,
          %parallel_loop3A_937 = vector.shape_cast %parallel_loop3A_936 : vector<1x16xf32> to vector<16xf32>
          %parallel_loop3A_938 = vector.shape_cast %parallel_loop3A_933 : vector<16xf32> to vector<1x16xf32>
          tpu.vector_store %arg6[%parallel_loop3A_934, %parallel_loop3A_935], %parallel_loop3A_938 {strides = array<i32>} : memref<16x1024xf32, #tpu.memory_space<vmem>>, vector<1x16xf32>,
          %parallel_loop3A_939 = arith.index_cast %parallel_loop3A_138 : i32 to index
          %parallel_loop3A_940 = arith.constant 800 : index
          %parallel_loop3A_941 = tpu.vector_load %arg6[%parallel_loop3A_939, %parallel_loop3A_940] {strides = array<i32>} : memref<16x1024xf32, #tpu.memory_space<vmem>>, vector<1x16xf32>,
          %parallel_loop3A_942 = vector.shape_cast %parallel_loop3A_941 : vector<1x16xf32> to vector<16xf32>
          %parallel_loop3A_943 = arith.constant 1 : i32
          %parallel_loop3A_944 = arith.addi %parallel_loop3A_138, %parallel_loop3A_943 : i32
          %parallel_loop3A_945 = arith.index_cast %parallel_loop3A_944 : i32 to index
          %parallel_loop3A_946 = arith.constant 800 : index
          %parallel_loop3A_947 = tpu.vector_load %arg8[%parallel_loop3A_945, %parallel_loop3A_946] {strides = array<i32>} : memref<24x1024xf32, #tpu.memory_space<vmem>>, vector<1x16xf32>,
          %parallel_loop3A_948 = vector.shape_cast %parallel_loop3A_947 : vector<1x16xf32> to vector<16xf32>
          %parallel_loop3A_949 = arith.addf %parallel_loop3A_942, %parallel_loop3A_948 : vector<16xf32>
          %parallel_loop3A_950 = arith.index_cast %parallel_loop3A_138 : i32 to index
          %parallel_loop3A_951 = arith.constant 800 : index
          %parallel_loop3A_952 = tpu.vector_load %arg6[%parallel_loop3A_950, %parallel_loop3A_951] {strides = array<i32>} : memref<16x1024xf32, #tpu.memory_space<vmem>>, vector<1x16xf32>,
          %parallel_loop3A_953 = vector.shape_cast %parallel_loop3A_952 : vector<1x16xf32> to vector<16xf32>
          %parallel_loop3A_954 = vector.shape_cast %parallel_loop3A_949 : vector<16xf32> to vector<1x16xf32>
          tpu.vector_store %arg6[%parallel_loop3A_950, %parallel_loop3A_951], %parallel_loop3A_954 {strides = array<i32>} : memref<16x1024xf32, #tpu.memory_space<vmem>>, vector<1x16xf32>,
          %parallel_loop3A_955 = arith.index_cast %parallel_loop3A_138 : i32 to index
          %parallel_loop3A_956 = arith.constant 816 : index
          %parallel_loop3A_957 = tpu.vector_load %arg6[%parallel_loop3A_955, %parallel_loop3A_956] {strides = array<i32>} : memref<16x1024xf32, #tpu.memory_space<vmem>>, vector<1x16xf32>,
          %parallel_loop3A_958 = vector.shape_cast %parallel_loop3A_957 : vector<1x16xf32> to vector<16xf32>
          %parallel_loop3A_959 = arith.constant 1 : i32
          %parallel_loop3A_960 = arith.addi %parallel_loop3A_138, %parallel_loop3A_959 : i32
          %parallel_loop3A_961 = arith.index_cast %parallel_loop3A_960 : i32 to index
          %parallel_loop3A_962 = arith.constant 816 : index
          %parallel_loop3A_963 = tpu.vector_load %arg8[%parallel_loop3A_961, %parallel_loop3A_962] {strides = array<i32>} : memref<24x1024xf32, #tpu.memory_space<vmem>>, vector<1x16xf32>,
          %parallel_loop3A_964 = vector.shape_cast %parallel_loop3A_963 : vector<1x16xf32> to vector<16xf32>
          %parallel_loop3A_965 = arith.addf %parallel_loop3A_958, %parallel_loop3A_964 : vector<16xf32>
          %parallel_loop3A_966 = arith.index_cast %parallel_loop3A_138 : i32 to index
          %parallel_loop3A_967 = arith.constant 816 : index
          %parallel_loop3A_968 = tpu.vector_load %arg6[%parallel_loop3A_966, %parallel_loop3A_967] {strides = array<i32>} : memref<16x1024xf32, #tpu.memory_space<vmem>>, vector<1x16xf32>,
          %parallel_loop3A_969 = vector.shape_cast %parallel_loop3A_968 : vector<1x16xf32> to vector<16xf32>
          %parallel_loop3A_970 = vector.shape_cast %parallel_loop3A_965 : vector<16xf32> to vector<1x16xf32>
          tpu.vector_store %arg6[%parallel_loop3A_966, %parallel_loop3A_967], %parallel_loop3A_970 {strides = array<i32>} : memref<16x1024xf32, #tpu.memory_space<vmem>>, vector<1x16xf32>,
          %parallel_loop3A_971 = arith.index_cast %parallel_loop3A_138 : i32 to index
          %parallel_loop3A_972 = arith.constant 832 : index
          %parallel_loop3A_973 = tpu.vector_load %arg6[%parallel_loop3A_971, %parallel_loop3A_972] {strides = array<i32>} : memref<16x1024xf32, #tpu.memory_space<vmem>>, vector<1x16xf32>,
          %parallel_loop3A_974 = vector.shape_cast %parallel_loop3A_973 : vector<1x16xf32> to vector<16xf32>
          %parallel_loop3A_975 = arith.constant 1 : i32
          %parallel_loop3A_976 = arith.addi %parallel_loop3A_138, %parallel_loop3A_975 : i32
          %parallel_loop3A_977 = arith.index_cast %parallel_loop3A_976 : i32 to index
          %parallel_loop3A_978 = arith.constant 832 : index
          %parallel_loop3A_979 = tpu.vector_load %arg8[%parallel_loop3A_977, %parallel_loop3A_978] {strides = array<i32>} : memref<24x1024xf32, #tpu.memory_space<vmem>>, vector<1x16xf32>,
          %parallel_loop3A_980 = vector.shape_cast %parallel_loop3A_979 : vector<1x16xf32> to vector<16xf32>
          %parallel_loop3A_981 = arith.addf %parallel_loop3A_974, %parallel_loop3A_980 : vector<16xf32>
          %parallel_loop3A_982 = arith.index_cast %parallel_loop3A_138 : i32 to index
          %parallel_loop3A_983 = arith.constant 832 : index
          %parallel_loop3A_984 = tpu.vector_load %arg6[%parallel_loop3A_982, %parallel_loop3A_983] {strides = array<i32>} : memref<16x1024xf32, #tpu.memory_space<vmem>>, vector<1x16xf32>,
          %parallel_loop3A_985 = vector.shape_cast %parallel_loop3A_984 : vector<1x16xf32> to vector<16xf32>
          %parallel_loop3A_986 = vector.shape_cast %parallel_loop3A_981 : vector<16xf32> to vector<1x16xf32>
          tpu.vector_store %arg6[%parallel_loop3A_982, %parallel_loop3A_983], %parallel_loop3A_986 {strides = array<i32>} : memref<16x1024xf32, #tpu.memory_space<vmem>>, vector<1x16xf32>,
          %parallel_loop3A_987 = arith.index_cast %parallel_loop3A_138 : i32 to index
          %parallel_loop3A_988 = arith.constant 848 : index
          %parallel_loop3A_989 = tpu.vector_load %arg6[%parallel_loop3A_987, %parallel_loop3A_988] {strides = array<i32>} : memref<16x1024xf32, #tpu.memory_space<vmem>>, vector<1x16xf32>,
          %parallel_loop3A_990 = vector.shape_cast %parallel_loop3A_989 : vector<1x16xf32> to vector<16xf32>
          %parallel_loop3A_991 = arith.constant 1 : i32
          %parallel_loop3A_992 = arith.addi %parallel_loop3A_138, %parallel_loop3A_991 : i32
          %parallel_loop3A_993 = arith.index_cast %parallel_loop3A_992 : i32 to index
          %parallel_loop3A_994 = arith.constant 848 : index
          %parallel_loop3A_995 = tpu.vector_load %arg8[%parallel_loop3A_993, %parallel_loop3A_994] {strides = array<i32>} : memref<24x1024xf32, #tpu.memory_space<vmem>>, vector<1x16xf32>,
          %parallel_loop3A_996 = vector.shape_cast %parallel_loop3A_995 : vector<1x16xf32> to vector<16xf32>
          %parallel_loop3A_997 = arith.addf %parallel_loop3A_990, %parallel_loop3A_996 : vector<16xf32>
          %parallel_loop3A_998 = arith.index_cast %parallel_loop3A_138 : i32 to index
          %parallel_loop3A_999 = arith.constant 848 : index
          %parallel_loop3A_1000 = tpu.vector_load %arg6[%parallel_loop3A_998, %parallel_loop3A_999] {strides = array<i32>} : memref<16x1024xf32, #tpu.memory_space<vmem>>, vector<1x16xf32>,
          %parallel_loop3A_1001 = vector.shape_cast %parallel_loop3A_1000 : vector<1x16xf32> to vector<16xf32>
          %parallel_loop3A_1002 = vector.shape_cast %parallel_loop3A_997 : vector<16xf32> to vector<1x16xf32>
          tpu.vector_store %arg6[%parallel_loop3A_998, %parallel_loop3A_999], %parallel_loop3A_1002 {strides = array<i32>} : memref<16x1024xf32, #tpu.memory_space<vmem>>, vector<1x16xf32>,
          %parallel_loop3A_1003 = arith.index_cast %parallel_loop3A_138 : i32 to index
          %parallel_loop3A_1004 = arith.constant 864 : index
          %parallel_loop3A_1005 = tpu.vector_load %arg6[%parallel_loop3A_1003, %parallel_loop3A_1004] {strides = array<i32>} : memref<16x1024xf32, #tpu.memory_space<vmem>>, vector<1x16xf32>,
          %parallel_loop3A_1006 = vector.shape_cast %parallel_loop3A_1005 : vector<1x16xf32> to vector<16xf32>
          %parallel_loop3A_1007 = arith.constant 1 : i32
          %parallel_loop3A_1008 = arith.addi %parallel_loop3A_138, %parallel_loop3A_1007 : i32
          %parallel_loop3A_1009 = arith.index_cast %parallel_loop3A_1008 : i32 to index
          %parallel_loop3A_1010 = arith.constant 864 : index
          %parallel_loop3A_1011 = tpu.vector_load %arg8[%parallel_loop3A_1009, %parallel_loop3A_1010] {strides = array<i32>} : memref<24x1024xf32, #tpu.memory_space<vmem>>, vector<1x16xf32>,
          %parallel_loop3A_1012 = vector.shape_cast %parallel_loop3A_1011 : vector<1x16xf32> to vector<16xf32>
          %parallel_loop3A_1013 = arith.addf %parallel_loop3A_1006, %parallel_loop3A_1012 : vector<16xf32>
          %parallel_loop3A_1014 = arith.index_cast %parallel_loop3A_138 : i32 to index
          %parallel_loop3A_1015 = arith.constant 864 : index
          %parallel_loop3A_1016 = tpu.vector_load %arg6[%parallel_loop3A_1014, %parallel_loop3A_1015] {strides = array<i32>} : memref<16x1024xf32, #tpu.memory_space<vmem>>, vector<1x16xf32>,
          %parallel_loop3A_1017 = vector.shape_cast %parallel_loop3A_1016 : vector<1x16xf32> to vector<16xf32>
          %parallel_loop3A_1018 = vector.shape_cast %parallel_loop3A_1013 : vector<16xf32> to vector<1x16xf32>
          tpu.vector_store %arg6[%parallel_loop3A_1014, %parallel_loop3A_1015], %parallel_loop3A_1018 {strides = array<i32>} : memref<16x1024xf32, #tpu.memory_space<vmem>>, vector<1x16xf32>,
          %parallel_loop3A_1019 = arith.index_cast %parallel_loop3A_138 : i32 to index
          %parallel_loop3A_1020 = arith.constant 880 : index
          %parallel_loop3A_1021 = tpu.vector_load %arg6[%parallel_loop3A_1019, %parallel_loop3A_1020] {strides = array<i32>} : memref<16x1024xf32, #tpu.memory_space<vmem>>, vector<1x16xf32>,
          %parallel_loop3A_1022 = vector.shape_cast %parallel_loop3A_1021 : vector<1x16xf32> to vector<16xf32>
          %parallel_loop3A_1023 = arith.constant 1 : i32
          %parallel_loop3A_1024 = arith.addi %parallel_loop3A_138, %parallel_loop3A_1023 : i32
          %parallel_loop3A_1025 = arith.index_cast %parallel_loop3A_1024 : i32 to index
          %parallel_loop3A_1026 = arith.constant 880 : index
          %parallel_loop3A_1027 = tpu.vector_load %arg8[%parallel_loop3A_1025, %parallel_loop3A_1026] {strides = array<i32>} : memref<24x1024xf32, #tpu.memory_space<vmem>>, vector<1x16xf32>,
          %parallel_loop3A_1028 = vector.shape_cast %parallel_loop3A_1027 : vector<1x16xf32> to vector<16xf32>
          %parallel_loop3A_1029 = arith.addf %parallel_loop3A_1022, %parallel_loop3A_1028 : vector<16xf32>
          %parallel_loop3A_1030 = arith.index_cast %parallel_loop3A_138 : i32 to index
          %parallel_loop3A_1031 = arith.constant 880 : index
          %parallel_loop3A_1032 = tpu.vector_load %arg6[%parallel_loop3A_1030, %parallel_loop3A_1031] {strides = array<i32>} : memref<16x1024xf32, #tpu.memory_space<vmem>>, vector<1x16xf32>,
          %parallel_loop3A_1033 = vector.shape_cast %parallel_loop3A_1032 : vector<1x16xf32> to vector<16xf32>
          %parallel_loop3A_1034 = vector.shape_cast %parallel_loop3A_1029 : vector<16xf32> to vector<1x16xf32>
          tpu.vector_store %arg6[%parallel_loop3A_1030, %parallel_loop3A_1031], %parallel_loop3A_1034 {strides = array<i32>} : memref<16x1024xf32, #tpu.memory_space<vmem>>, vector<1x16xf32>,
          %parallel_loop3A_1035 = arith.index_cast %parallel_loop3A_138 : i32 to index
          %parallel_loop3A_1036 = arith.constant 896 : index
          %parallel_loop3A_1037 = tpu.vector_load %arg6[%parallel_loop3A_1035, %parallel_loop3A_1036] {strides = array<i32>} : memref<16x1024xf32, #tpu.memory_space<vmem>>, vector<1x16xf32>,
          %parallel_loop3A_1038 = vector.shape_cast %parallel_loop3A_1037 : vector<1x16xf32> to vector<16xf32>
          %parallel_loop3A_1039 = arith.constant 1 : i32
          %parallel_loop3A_1040 = arith.addi %parallel_loop3A_138, %parallel_loop3A_1039 : i32
          %parallel_loop3A_1041 = arith.index_cast %parallel_loop3A_1040 : i32 to index
          %parallel_loop3A_1042 = arith.constant 896 : index
          %parallel_loop3A_1043 = tpu.vector_load %arg8[%parallel_loop3A_1041, %parallel_loop3A_1042] {strides = array<i32>} : memref<24x1024xf32, #tpu.memory_space<vmem>>, vector<1x16xf32>,
          %parallel_loop3A_1044 = vector.shape_cast %parallel_loop3A_1043 : vector<1x16xf32> to vector<16xf32>
          %parallel_loop3A_1045 = arith.addf %parallel_loop3A_1038, %parallel_loop3A_1044 : vector<16xf32>
          %parallel_loop3A_1046 = arith.index_cast %parallel_loop3A_138 : i32 to index
          %parallel_loop3A_1047 = arith.constant 896 : index
          %parallel_loop3A_1048 = tpu.vector_load %arg6[%parallel_loop3A_1046, %parallel_loop3A_1047] {strides = array<i32>} : memref<16x1024xf32, #tpu.memory_space<vmem>>, vector<1x16xf32>,
          %parallel_loop3A_1049 = vector.shape_cast %parallel_loop3A_1048 : vector<1x16xf32> to vector<16xf32>
          %parallel_loop3A_1050 = vector.shape_cast %parallel_loop3A_1045 : vector<16xf32> to vector<1x16xf32>
          tpu.vector_store %arg6[%parallel_loop3A_1046, %parallel_loop3A_1047], %parallel_loop3A_1050 {strides = array<i32>} : memref<16x1024xf32, #tpu.memory_space<vmem>>, vector<1x16xf32>,
          %parallel_loop3A_1051 = arith.index_cast %parallel_loop3A_138 : i32 to index
          %parallel_loop3A_1052 = arith.constant 912 : index
          %parallel_loop3A_1053 = tpu.vector_load %arg6[%parallel_loop3A_1051, %parallel_loop3A_1052] {strides = array<i32>} : memref<16x1024xf32, #tpu.memory_space<vmem>>, vector<1x16xf32>,
          %parallel_loop3A_1054 = vector.shape_cast %parallel_loop3A_1053 : vector<1x16xf32> to vector<16xf32>
          %parallel_loop3A_1055 = arith.constant 1 : i32
          %parallel_loop3A_1056 = arith.addi %parallel_loop3A_138, %parallel_loop3A_1055 : i32
          %parallel_loop3A_1057 = arith.index_cast %parallel_loop3A_1056 : i32 to index
          %parallel_loop3A_1058 = arith.constant 912 : index
          %parallel_loop3A_1059 = tpu.vector_load %arg8[%parallel_loop3A_1057, %parallel_loop3A_1058] {strides = array<i32>} : memref<24x1024xf32, #tpu.memory_space<vmem>>, vector<1x16xf32>,
          %parallel_loop3A_1060 = vector.shape_cast %parallel_loop3A_1059 : vector<1x16xf32> to vector<16xf32>
          %parallel_loop3A_1061 = arith.addf %parallel_loop3A_1054, %parallel_loop3A_1060 : vector<16xf32>
          %parallel_loop3A_1062 = arith.index_cast %parallel_loop3A_138 : i32 to index
          %parallel_loop3A_1063 = arith.constant 912 : index
          %parallel_loop3A_1064 = tpu.vector_load %arg6[%parallel_loop3A_1062, %parallel_loop3A_1063] {strides = array<i32>} : memref<16x1024xf32, #tpu.memory_space<vmem>>, vector<1x16xf32>,
          %parallel_loop3A_1065 = vector.shape_cast %parallel_loop3A_1064 : vector<1x16xf32> to vector<16xf32>
          %parallel_loop3A_1066 = vector.shape_cast %parallel_loop3A_1061 : vector<16xf32> to vector<1x16xf32>
          tpu.vector_store %arg6[%parallel_loop3A_1062, %parallel_loop3A_1063], %parallel_loop3A_1066 {strides = array<i32>} : memref<16x1024xf32, #tpu.memory_space<vmem>>, vector<1x16xf32>,
          %parallel_loop3A_1067 = arith.index_cast %parallel_loop3A_138 : i32 to index
          %parallel_loop3A_1068 = arith.constant 928 : index
          %parallel_loop3A_1069 = tpu.vector_load %arg6[%parallel_loop3A_1067, %parallel_loop3A_1068] {strides = array<i32>} : memref<16x1024xf32, #tpu.memory_space<vmem>>, vector<1x16xf32>,
          %parallel_loop3A_1070 = vector.shape_cast %parallel_loop3A_1069 : vector<1x16xf32> to vector<16xf32>
          %parallel_loop3A_1071 = arith.constant 1 : i32
          %parallel_loop3A_1072 = arith.addi %parallel_loop3A_138, %parallel_loop3A_1071 : i32
          %parallel_loop3A_1073 = arith.index_cast %parallel_loop3A_1072 : i32 to index
          %parallel_loop3A_1074 = arith.constant 928 : index
          %parallel_loop3A_1075 = tpu.vector_load %arg8[%parallel_loop3A_1073, %parallel_loop3A_1074] {strides = array<i32>} : memref<24x1024xf32, #tpu.memory_space<vmem>>, vector<1x16xf32>,
          %parallel_loop3A_1076 = vector.shape_cast %parallel_loop3A_1075 : vector<1x16xf32> to vector<16xf32>
          %parallel_loop3A_1077 = arith.addf %parallel_loop3A_1070, %parallel_loop3A_1076 : vector<16xf32>
          %parallel_loop3A_1078 = arith.index_cast %parallel_loop3A_138 : i32 to index
          %parallel_loop3A_1079 = arith.constant 928 : index
          %parallel_loop3A_1080 = tpu.vector_load %arg6[%parallel_loop3A_1078, %parallel_loop3A_1079] {strides = array<i32>} : memref<16x1024xf32, #tpu.memory_space<vmem>>, vector<1x16xf32>,
          %parallel_loop3A_1081 = vector.shape_cast %parallel_loop3A_1080 : vector<1x16xf32> to vector<16xf32>
          %parallel_loop3A_1082 = vector.shape_cast %parallel_loop3A_1077 : vector<16xf32> to vector<1x16xf32>
          tpu.vector_store %arg6[%parallel_loop3A_1078, %parallel_loop3A_1079], %parallel_loop3A_1082 {strides = array<i32>} : memref<16x1024xf32, #tpu.memory_space<vmem>>, vector<1x16xf32>,
          %parallel_loop3A_1083 = arith.index_cast %parallel_loop3A_138 : i32 to index
          %parallel_loop3A_1084 = arith.constant 944 : index
          %parallel_loop3A_1085 = tpu.vector_load %arg6[%parallel_loop3A_1083, %parallel_loop3A_1084] {strides = array<i32>} : memref<16x1024xf32, #tpu.memory_space<vmem>>, vector<1x16xf32>,
          %parallel_loop3A_1086 = vector.shape_cast %parallel_loop3A_1085 : vector<1x16xf32> to vector<16xf32>
          %parallel_loop3A_1087 = arith.constant 1 : i32
          %parallel_loop3A_1088 = arith.addi %parallel_loop3A_138, %parallel_loop3A_1087 : i32
          %parallel_loop3A_1089 = arith.index_cast %parallel_loop3A_1088 : i32 to index
          %parallel_loop3A_1090 = arith.constant 944 : index
          %parallel_loop3A_1091 = tpu.vector_load %arg8[%parallel_loop3A_1089, %parallel_loop3A_1090] {strides = array<i32>} : memref<24x1024xf32, #tpu.memory_space<vmem>>, vector<1x16xf32>,
          %parallel_loop3A_1092 = vector.shape_cast %parallel_loop3A_1091 : vector<1x16xf32> to vector<16xf32>
          %parallel_loop3A_1093 = arith.addf %parallel_loop3A_1086, %parallel_loop3A_1092 : vector<16xf32>
          %parallel_loop3A_1094 = arith.index_cast %parallel_loop3A_138 : i32 to index
          %parallel_loop3A_1095 = arith.constant 944 : index
          %parallel_loop3A_1096 = tpu.vector_load %arg6[%parallel_loop3A_1094, %parallel_loop3A_1095] {strides = array<i32>} : memref<16x1024xf32, #tpu.memory_space<vmem>>, vector<1x16xf32>,
          %parallel_loop3A_1097 = vector.shape_cast %parallel_loop3A_1096 : vector<1x16xf32> to vector<16xf32>
          %parallel_loop3A_1098 = vector.shape_cast %parallel_loop3A_1093 : vector<16xf32> to vector<1x16xf32>
          tpu.vector_store %arg6[%parallel_loop3A_1094, %parallel_loop3A_1095], %parallel_loop3A_1098 {strides = array<i32>} : memref<16x1024xf32, #tpu.memory_space<vmem>>, vector<1x16xf32>,
          %parallel_loop3A_1099 = arith.index_cast %parallel_loop3A_138 : i32 to index
          %parallel_loop3A_1100 = arith.constant 960 : index
          %parallel_loop3A_1101 = tpu.vector_load %arg6[%parallel_loop3A_1099, %parallel_loop3A_1100] {strides = array<i32>} : memref<16x1024xf32, #tpu.memory_space<vmem>>, vector<1x16xf32>,
          %parallel_loop3A_1102 = vector.shape_cast %parallel_loop3A_1101 : vector<1x16xf32> to vector<16xf32>
          %parallel_loop3A_1103 = arith.constant 1 : i32
          %parallel_loop3A_1104 = arith.addi %parallel_loop3A_138, %parallel_loop3A_1103 : i32
          %parallel_loop3A_1105 = arith.index_cast %parallel_loop3A_1104 : i32 to index
          %parallel_loop3A_1106 = arith.constant 960 : index
          %parallel_loop3A_1107 = tpu.vector_load %arg8[%parallel_loop3A_1105, %parallel_loop3A_1106] {strides = array<i32>} : memref<24x1024xf32, #tpu.memory_space<vmem>>, vector<1x16xf32>,
          %parallel_loop3A_1108 = vector.shape_cast %parallel_loop3A_1107 : vector<1x16xf32> to vector<16xf32>
          %parallel_loop3A_1109 = arith.addf %parallel_loop3A_1102, %parallel_loop3A_1108 : vector<16xf32>
          %parallel_loop3A_1110 = arith.index_cast %parallel_loop3A_138 : i32 to index
          %parallel_loop3A_1111 = arith.constant 960 : index
          %parallel_loop3A_1112 = tpu.vector_load %arg6[%parallel_loop3A_1110, %parallel_loop3A_1111] {strides = array<i32>} : memref<16x1024xf32, #tpu.memory_space<vmem>>, vector<1x16xf32>,
          %parallel_loop3A_1113 = vector.shape_cast %parallel_loop3A_1112 : vector<1x16xf32> to vector<16xf32>
          %parallel_loop3A_1114 = vector.shape_cast %parallel_loop3A_1109 : vector<16xf32> to vector<1x16xf32>
          tpu.vector_store %arg6[%parallel_loop3A_1110, %parallel_loop3A_1111], %parallel_loop3A_1114 {strides = array<i32>} : memref<16x1024xf32, #tpu.memory_space<vmem>>, vector<1x16xf32>,
          %parallel_loop3A_1115 = arith.index_cast %parallel_loop3A_138 : i32 to index
          %parallel_loop3A_1116 = arith.constant 976 : index
          %parallel_loop3A_1117 = tpu.vector_load %arg6[%parallel_loop3A_1115, %parallel_loop3A_1116] {strides = array<i32>} : memref<16x1024xf32, #tpu.memory_space<vmem>>, vector<1x16xf32>,
          %parallel_loop3A_1118 = vector.shape_cast %parallel_loop3A_1117 : vector<1x16xf32> to vector<16xf32>
          %parallel_loop3A_1119 = arith.constant 1 : i32
          %parallel_loop3A_1120 = arith.addi %parallel_loop3A_138, %parallel_loop3A_1119 : i32
          %parallel_loop3A_1121 = arith.index_cast %parallel_loop3A_1120 : i32 to index
          %parallel_loop3A_1122 = arith.constant 976 : index
          %parallel_loop3A_1123 = tpu.vector_load %arg8[%parallel_loop3A_1121, %parallel_loop3A_1122] {strides = array<i32>} : memref<24x1024xf32, #tpu.memory_space<vmem>>, vector<1x16xf32>,
          %parallel_loop3A_1124 = vector.shape_cast %parallel_loop3A_1123 : vector<1x16xf32> to vector<16xf32>
          %parallel_loop3A_1125 = arith.addf %parallel_loop3A_1118, %parallel_loop3A_1124 : vector<16xf32>
          %parallel_loop3A_1126 = arith.index_cast %parallel_loop3A_138 : i32 to index
          %parallel_loop3A_1127 = arith.constant 976 : index
          %parallel_loop3A_1128 = tpu.vector_load %arg6[%parallel_loop3A_1126, %parallel_loop3A_1127] {strides = array<i32>} : memref<16x1024xf32, #tpu.memory_space<vmem>>, vector<1x16xf32>,
          %parallel_loop3A_1129 = vector.shape_cast %parallel_loop3A_1128 : vector<1x16xf32> to vector<16xf32>
          %parallel_loop3A_1130 = vector.shape_cast %parallel_loop3A_1125 : vector<16xf32> to vector<1x16xf32>
          tpu.vector_store %arg6[%parallel_loop3A_1126, %parallel_loop3A_1127], %parallel_loop3A_1130 {strides = array<i32>} : memref<16x1024xf32, #tpu.memory_space<vmem>>, vector<1x16xf32>,
          %parallel_loop3A_1131 = arith.index_cast %parallel_loop3A_138 : i32 to index
          %parallel_loop3A_1132 = arith.constant 992 : index
          %parallel_loop3A_1133 = tpu.vector_load %arg6[%parallel_loop3A_1131, %parallel_loop3A_1132] {strides = array<i32>} : memref<16x1024xf32, #tpu.memory_space<vmem>>, vector<1x16xf32>,
          %parallel_loop3A_1134 = vector.shape_cast %parallel_loop3A_1133 : vector<1x16xf32> to vector<16xf32>
          %parallel_loop3A_1135 = arith.constant 1 : i32
          %parallel_loop3A_1136 = arith.addi %parallel_loop3A_138, %parallel_loop3A_1135 : i32
          %parallel_loop3A_1137 = arith.index_cast %parallel_loop3A_1136 : i32 to index
          %parallel_loop3A_1138 = arith.constant 992 : index
          %parallel_loop3A_1139 = tpu.vector_load %arg8[%parallel_loop3A_1137, %parallel_loop3A_1138] {strides = array<i32>} : memref<24x1024xf32, #tpu.memory_space<vmem>>, vector<1x16xf32>,
          %parallel_loop3A_1140 = vector.shape_cast %parallel_loop3A_1139 : vector<1x16xf32> to vector<16xf32>
          %parallel_loop3A_1141 = arith.addf %parallel_loop3A_1134, %parallel_loop3A_1140 : vector<16xf32>
          %parallel_loop3A_1142 = arith.index_cast %parallel_loop3A_138 : i32 to index
          %parallel_loop3A_1143 = arith.constant 992 : index
          %parallel_loop3A_1144 = tpu.vector_load %arg6[%parallel_loop3A_1142, %parallel_loop3A_1143] {strides = array<i32>} : memref<16x1024xf32, #tpu.memory_space<vmem>>, vector<1x16xf32>,
          %parallel_loop3A_1145 = vector.shape_cast %parallel_loop3A_1144 : vector<1x16xf32> to vector<16xf32>
          %parallel_loop3A_1146 = vector.shape_cast %parallel_loop3A_1141 : vector<16xf32> to vector<1x16xf32>
          tpu.vector_store %arg6[%parallel_loop3A_1142, %parallel_loop3A_1143], %parallel_loop3A_1146 {strides = array<i32>} : memref<16x1024xf32, #tpu.memory_space<vmem>>, vector<1x16xf32>,
          %parallel_loop3A_1147 = arith.index_cast %parallel_loop3A_138 : i32 to index
          %parallel_loop3A_1148 = arith.constant 1008 : index
          %parallel_loop3A_1149 = tpu.vector_load %arg6[%parallel_loop3A_1147, %parallel_loop3A_1148] {strides = array<i32>} : memref<16x1024xf32, #tpu.memory_space<vmem>>, vector<1x16xf32>,
          %parallel_loop3A_1150 = vector.shape_cast %parallel_loop3A_1149 : vector<1x16xf32> to vector<16xf32>
          %parallel_loop3A_1151 = arith.constant 1 : i32
          %parallel_loop3A_1152 = arith.addi %parallel_loop3A_138, %parallel_loop3A_1151 : i32
          %parallel_loop3A_1153 = arith.index_cast %parallel_loop3A_1152 : i32 to index
          %parallel_loop3A_1154 = arith.constant 1008 : index
          %parallel_loop3A_1155 = tpu.vector_load %arg8[%parallel_loop3A_1153, %parallel_loop3A_1154] {strides = array<i32>} : memref<24x1024xf32, #tpu.memory_space<vmem>>, vector<1x16xf32>,
          %parallel_loop3A_1156 = vector.shape_cast %parallel_loop3A_1155 : vector<1x16xf32> to vector<16xf32>
          %parallel_loop3A_1157 = arith.addf %parallel_loop3A_1150, %parallel_loop3A_1156 : vector<16xf32>
          %parallel_loop3A_1158 = arith.index_cast %parallel_loop3A_138 : i32 to index
          %parallel_loop3A_1159 = arith.constant 1008 : index
          %parallel_loop3A_1160 = tpu.vector_load %arg6[%parallel_loop3A_1158, %parallel_loop3A_1159] {strides = array<i32>} : memref<16x1024xf32, #tpu.memory_space<vmem>>, vector<1x16xf32>,
          %parallel_loop3A_1161 = vector.shape_cast %parallel_loop3A_1160 : vector<1x16xf32> to vector<16xf32>
          %parallel_loop3A_1162 = vector.shape_cast %parallel_loop3A_1157 : vector<16xf32> to vector<1x16xf32>
          tpu.vector_store %arg6[%parallel_loop3A_1158, %parallel_loop3A_1159], %parallel_loop3A_1162 {strides = array<i32>} : memref<16x1024xf32, #tpu.memory_space<vmem>>, vector<1x16xf32>,
        } {sc.loop_unroll_factor = 4 : i64, sc.parallel_access}
      } else {
      }
      %mul3A_84 = arith.constant 16 : i32
      %mul3A_85 = arith.muli %mul3A_62, %mul3A_84 : i32
      %add3A_86 = arith.addi %mul3A_2, %mul3A_85 : i32
      %dma_start3A_87 = arith.constant 0 : i32
      %dma_start3A_88 = tpu.memref_slice %arg5[%add3A_86, %dma_start3A_87] : memref<8192x1024xf32, #tpu.memory_space<hbm>> -> memref<16x1024xf32, #tpu.memory_space<hbm>>
      %dma_start3A_89 = arith.constant 0 : i32
      %dma_start3A_90 = tpu.memref_slice %arg5[%add3A_86, %dma_start3A_89] : memref<8192x1024xf32, #tpu.memory_space<hbm>> -> memref<16x1024xf32, #tpu.memory_space<hbm>>
      tpu.enqueue_dma source(%arg6 : memref<16x1024xf32, #tpu.memory_space<vmem>>) target(%dma_start3A_90 : memref<16x1024xf32, #tpu.memory_space<hbm>>) target_semaphore(%arg16 : memref<!tpu.dma_semaphore, #tpu.memory_space<semaphore_mem>>)
      %mul3A_91 = arith.constant 2 : i32
      %mul3A_92 = arith.muli %mul3A_91, %scan3A_60 : i32
      %add3A_93 = arith.constant 1 : i32
      %add3A_94 = arith.addi %mul3A_92, %add3A_93 : i32
      %ge3A_95 = arith.constant 1 : i32
      %ge3A_96 = arith.cmpi sge, %add3A_94, %ge3A_95 : i32
      %convert_element_type3A_97 = arith.extui %ge3A_96 : i1 to i32
      %cond3A_98 = arith.constant 0 : i32
      %cond3A_99 = arith.cmpi ne, %convert_element_type3A_97, %cond3A_98 : i32
      scf.if %cond3A_99 {
        %dma_wait3A_124 = arith.constant 0 : i32
        %dma_wait3A_125 = tpu.memref_slice %arg5[%mul3A_2, %dma_wait3A_124] : memref<8192x1024xf32, #tpu.memory_space<hbm>> -> memref<16x1024xf32, #tpu.memory_space<hbm>>
        %dma_wait3A_126 = arith.constant 0 : i32
        %dma_wait3A_127 = tpu.memref_slice %arg5[%mul3A_2, %dma_wait3A_126] : memref<8192x1024xf32, #tpu.memory_space<hbm>> -> memref<16x1024xf32, #tpu.memory_space<hbm>>
        tpu.wait_dma2 semaphore(%arg16 : memref<!tpu.dma_semaphore, #tpu.memory_space<semaphore_mem>>) src(%arg6 : memref<16x1024xf32, #tpu.memory_space<vmem>>) dst(%dma_wait3A_127 : memref<16x1024xf32, #tpu.memory_space<hbm>>)
      } else {
      }
      %add3A_100 = arith.constant 1 : i32
      %add3A_101 = arith.addi %add3A_94, %add3A_100 : i32
      %lt3A_102 = arith.constant 16 : i32
      %lt3A_103 = arith.cmpi slt, %add3A_101, %lt3A_102 : i32
      %convert_element_type3A_104 = arith.extui %lt3A_103 : i1 to i32
      %cond3A_105 = arith.constant 0 : i32
      %cond3A_106 = arith.cmpi ne, %convert_element_type3A_104, %cond3A_105 : i32
      scf.if %cond3A_106 {
        %add3A_124 = arith.constant 1 : i32
        %add3A_125 = arith.addi %add3A_94, %add3A_124 : i32
        %mul3A_126 = arith.constant 16 : i32
        %mul3A_127 = arith.muli %add3A_125, %mul3A_126 : i32
        %add3A_128 = arith.addi %mul3A_2, %mul3A_127 : i32
        %dma_start3A_129 = arith.constant 0 : i32
        %dma_start3A_130 = tpu.memref_slice %arg2[%add3A_128, %dma_start3A_129] : memref<8192x1024xf32, #tpu.memory_space<hbm>> -> memref<16x1024xf32, #tpu.memory_space<hbm>>
        %dma_start3A_131 = arith.constant 0 : i32
        %dma_start3A_132 = tpu.memref_slice %arg2[%add3A_128, %dma_start3A_131] : memref<8192x1024xf32, #tpu.memory_space<hbm>> -> memref<16x1024xf32, #tpu.memory_space<hbm>>
        tpu.enqueue_dma source(%dma_start3A_132 : memref<16x1024xf32, #tpu.memory_space<hbm>>) target(%arg6 : memref<16x1024xf32, #tpu.memory_space<vmem>>) target_semaphore(%arg12 : memref<!tpu.dma_semaphore, #tpu.memory_space<semaphore_mem>>)
        %add3A_133 = arith.constant 1 : i32
        %add3A_134 = arith.addi %add3A_94, %add3A_133 : i32
        %mul3A_135 = arith.constant 16 : i32
        %mul3A_136 = arith.muli %add3A_134, %mul3A_135 : i32
        %lt3A_137 = arith.cmpi slt, %mul3A_136, %min3A : i32
        %convert_element_type3A_138 = arith.extui %lt3A_137 : i1 to i32
        %cond3A_139 = arith.constant 0 : i32
        %cond3A_140 = arith.cmpi ne, %convert_element_type3A_138, %cond3A_139 : i32
        scf.if %cond3A_140 {
          %mul3A_141 = arith.constant 16 : i32
          %mul3A_142 = arith.muli %add3A_134, %mul3A_141 : i32
          %add3A_143 = arith.addi %select_n3A_32, %mul3A_142 : i32
          %dma_start3A_144 = arith.constant 0 : i32
          %dma_start3A_145 = tpu.memref_slice %arg4[%add3A_143, %dma_start3A_144] : memref<2049x1024xf32, #tpu.memory_space<hbm>> -> memref<24x1024xf32, #tpu.memory_space<hbm>>
          %dma_start3A_146 = arith.constant 0 : i32
          %dma_start3A_147 = tpu.memref_slice %arg4[%add3A_143, %dma_start3A_146] : memref<2049x1024xf32, #tpu.memory_space<hbm>> -> memref<24x1024xf32, #tpu.memory_space<hbm>>
          tpu.enqueue_dma source(%dma_start3A_147 : memref<24x1024xf32, #tpu.memory_space<hbm>>) target(%arg8 : memref<24x1024xf32, #tpu.memory_space<vmem>>) target_semaphore(%arg14 : memref<!tpu.dma_semaphore, #tpu.memory_space<semaphore_mem>>)
        } else {
        }
      } else {
      }
      %dma_wait3A_107 = arith.constant 0 : i32
      %dma_wait3A_108 = tpu.memref_slice %arg2[%mul3A_2, %dma_wait3A_107] : memref<8192x1024xf32, #tpu.memory_space<hbm>> -> memref<16x1024xf32, #tpu.memory_space<hbm>>
      %dma_wait3A_109 = arith.constant 0 : i32
      %dma_wait3A_110 = tpu.memref_slice %arg2[%mul3A_2, %dma_wait3A_109] : memref<8192x1024xf32, #tpu.memory_space<hbm>> -> memref<16x1024xf32, #tpu.memory_space<hbm>>
      tpu.wait_dma2 semaphore(%arg13 : memref<!tpu.dma_semaphore, #tpu.memory_space<semaphore_mem>>) src(%dma_wait3A_110 : memref<16x1024xf32, #tpu.memory_space<hbm>>) dst(%arg7 : memref<16x1024xf32, #tpu.memory_space<vmem>>)
      %mul3A_111 = arith.constant 16 : i32
      %mul3A_112 = arith.muli %add3A_94, %mul3A_111 : i32
      %lt3A_113 = arith.cmpi slt, %mul3A_112, %min3A : i32
      %convert_element_type3A_114 = arith.extui %lt3A_113 : i1 to i32
      %cond3A_115 = arith.constant 0 : i32
      %cond3A_116 = arith.cmpi ne, %convert_element_type3A_114, %cond3A_115 : i32
      scf.if %cond3A_116 {
        %dma_wait3A_124 = arith.constant 0 : i32
        %dma_wait3A_125 = arith.constant 0 : i32
        %dma_wait3A_126 = tpu.memref_slice %arg4[%dma_wait3A_124, %dma_wait3A_125] : memref<2049x1024xf32, #tpu.memory_space<hbm>> -> memref<24x1024xf32, #tpu.memory_space<hbm>>
        %dma_wait3A_127 = arith.constant 0 : i32
        %dma_wait3A_128 = arith.constant 0 : i32
        %dma_wait3A_129 = tpu.memref_slice %arg4[%dma_wait3A_127, %dma_wait3A_128] : memref<2049x1024xf32, #tpu.memory_space<hbm>> -> memref<24x1024xf32, #tpu.memory_space<hbm>>
        tpu.wait_dma2 semaphore(%arg15 : memref<!tpu.dma_semaphore, #tpu.memory_space<semaphore_mem>>) src(%dma_wait3A_129 : memref<24x1024xf32, #tpu.memory_space<hbm>>) dst(%arg9 : memref<24x1024xf32, #tpu.memory_space<vmem>>)
        %mul3A_130 = arith.constant 16 : i32
        %mul3A_131 = arith.muli %add3A_94, %mul3A_130 : i32
        %sub3A_132 = arith.subi %min3A, %mul3A_131 : i32
        %jit3A_133 = arith.constant 0 : i32
        %jit3A_134 = arith.constant 16 : i32
        %max3A_135 = arith.maxsi %jit3A_133, %sub3A_132 : i32
        %min3A_136 = arith.minsi %jit3A_134, %max3A_135 : i32
        %parallel_loop3A = arith.constant 0 : i32
        %parallel_loop3A_137 = arith.constant 1 : i32
        scf.for %parallel_loop3A_138 = %parallel_loop3A to %min3A_136 step %parallel_loop3A_137  : i32 {
          %parallel_loop3A_139 = arith.index_cast %parallel_loop3A_138 : i32 to index
          %parallel_loop3A_140 = arith.constant 0 : index
          %parallel_loop3A_141 = tpu.vector_load %arg7[%parallel_loop3A_139, %parallel_loop3A_140] {strides = array<i32>} : memref<16x1024xf32, #tpu.memory_space<vmem>>, vector<1x16xf32>,
          %parallel_loop3A_142 = vector.shape_cast %parallel_loop3A_141 : vector<1x16xf32> to vector<16xf32>
          %parallel_loop3A_143 = arith.constant 1 : i32
          %parallel_loop3A_144 = arith.addi %parallel_loop3A_138, %parallel_loop3A_143 : i32
          %parallel_loop3A_145 = arith.index_cast %parallel_loop3A_144 : i32 to index
          %parallel_loop3A_146 = arith.constant 0 : index
          %parallel_loop3A_147 = tpu.vector_load %arg9[%parallel_loop3A_145, %parallel_loop3A_146] {strides = array<i32>} : memref<24x1024xf32, #tpu.memory_space<vmem>>, vector<1x16xf32>,
          %parallel_loop3A_148 = vector.shape_cast %parallel_loop3A_147 : vector<1x16xf32> to vector<16xf32>
          %parallel_loop3A_149 = arith.addf %parallel_loop3A_142, %parallel_loop3A_148 : vector<16xf32>
          %parallel_loop3A_150 = arith.index_cast %parallel_loop3A_138 : i32 to index
          %parallel_loop3A_151 = arith.constant 0 : index
          %parallel_loop3A_152 = tpu.vector_load %arg7[%parallel_loop3A_150, %parallel_loop3A_151] {strides = array<i32>} : memref<16x1024xf32, #tpu.memory_space<vmem>>, vector<1x16xf32>,
          %parallel_loop3A_153 = vector.shape_cast %parallel_loop3A_152 : vector<1x16xf32> to vector<16xf32>
          %parallel_loop3A_154 = vector.shape_cast %parallel_loop3A_149 : vector<16xf32> to vector<1x16xf32>
          tpu.vector_store %arg7[%parallel_loop3A_150, %parallel_loop3A_151], %parallel_loop3A_154 {strides = array<i32>} : memref<16x1024xf32, #tpu.memory_space<vmem>>, vector<1x16xf32>,
          %parallel_loop3A_155 = arith.index_cast %parallel_loop3A_138 : i32 to index
          %parallel_loop3A_156 = arith.constant 16 : index
          %parallel_loop3A_157 = tpu.vector_load %arg7[%parallel_loop3A_155, %parallel_loop3A_156] {strides = array<i32>} : memref<16x1024xf32, #tpu.memory_space<vmem>>, vector<1x16xf32>,
          %parallel_loop3A_158 = vector.shape_cast %parallel_loop3A_157 : vector<1x16xf32> to vector<16xf32>
          %parallel_loop3A_159 = arith.constant 1 : i32
          %parallel_loop3A_160 = arith.addi %parallel_loop3A_138, %parallel_loop3A_159 : i32
          %parallel_loop3A_161 = arith.index_cast %parallel_loop3A_160 : i32 to index
          %parallel_loop3A_162 = arith.constant 16 : index
          %parallel_loop3A_163 = tpu.vector_load %arg9[%parallel_loop3A_161, %parallel_loop3A_162] {strides = array<i32>} : memref<24x1024xf32, #tpu.memory_space<vmem>>, vector<1x16xf32>,
          %parallel_loop3A_164 = vector.shape_cast %parallel_loop3A_163 : vector<1x16xf32> to vector<16xf32>
          %parallel_loop3A_165 = arith.addf %parallel_loop3A_158, %parallel_loop3A_164 : vector<16xf32>
          %parallel_loop3A_166 = arith.index_cast %parallel_loop3A_138 : i32 to index
          %parallel_loop3A_167 = arith.constant 16 : index
          %parallel_loop3A_168 = tpu.vector_load %arg7[%parallel_loop3A_166, %parallel_loop3A_167] {strides = array<i32>} : memref<16x1024xf32, #tpu.memory_space<vmem>>, vector<1x16xf32>,
          %parallel_loop3A_169 = vector.shape_cast %parallel_loop3A_168 : vector<1x16xf32> to vector<16xf32>
          %parallel_loop3A_170 = vector.shape_cast %parallel_loop3A_165 : vector<16xf32> to vector<1x16xf32>
          tpu.vector_store %arg7[%parallel_loop3A_166, %parallel_loop3A_167], %parallel_loop3A_170 {strides = array<i32>} : memref<16x1024xf32, #tpu.memory_space<vmem>>, vector<1x16xf32>,
          %parallel_loop3A_171 = arith.index_cast %parallel_loop3A_138 : i32 to index
          %parallel_loop3A_172 = arith.constant 32 : index
          %parallel_loop3A_173 = tpu.vector_load %arg7[%parallel_loop3A_171, %parallel_loop3A_172] {strides = array<i32>} : memref<16x1024xf32, #tpu.memory_space<vmem>>, vector<1x16xf32>,
          %parallel_loop3A_174 = vector.shape_cast %parallel_loop3A_173 : vector<1x16xf32> to vector<16xf32>
          %parallel_loop3A_175 = arith.constant 1 : i32
          %parallel_loop3A_176 = arith.addi %parallel_loop3A_138, %parallel_loop3A_175 : i32
          %parallel_loop3A_177 = arith.index_cast %parallel_loop3A_176 : i32 to index
          %parallel_loop3A_178 = arith.constant 32 : index
          %parallel_loop3A_179 = tpu.vector_load %arg9[%parallel_loop3A_177, %parallel_loop3A_178] {strides = array<i32>} : memref<24x1024xf32, #tpu.memory_space<vmem>>, vector<1x16xf32>,
          %parallel_loop3A_180 = vector.shape_cast %parallel_loop3A_179 : vector<1x16xf32> to vector<16xf32>
          %parallel_loop3A_181 = arith.addf %parallel_loop3A_174, %parallel_loop3A_180 : vector<16xf32>
          %parallel_loop3A_182 = arith.index_cast %parallel_loop3A_138 : i32 to index
          %parallel_loop3A_183 = arith.constant 32 : index
          %parallel_loop3A_184 = tpu.vector_load %arg7[%parallel_loop3A_182, %parallel_loop3A_183] {strides = array<i32>} : memref<16x1024xf32, #tpu.memory_space<vmem>>, vector<1x16xf32>,
          %parallel_loop3A_185 = vector.shape_cast %parallel_loop3A_184 : vector<1x16xf32> to vector<16xf32>
          %parallel_loop3A_186 = vector.shape_cast %parallel_loop3A_181 : vector<16xf32> to vector<1x16xf32>
          tpu.vector_store %arg7[%parallel_loop3A_182, %parallel_loop3A_183], %parallel_loop3A_186 {strides = array<i32>} : memref<16x1024xf32, #tpu.memory_space<vmem>>, vector<1x16xf32>,
          %parallel_loop3A_187 = arith.index_cast %parallel_loop3A_138 : i32 to index
          %parallel_loop3A_188 = arith.constant 48 : index
          %parallel_loop3A_189 = tpu.vector_load %arg7[%parallel_loop3A_187, %parallel_loop3A_188] {strides = array<i32>} : memref<16x1024xf32, #tpu.memory_space<vmem>>, vector<1x16xf32>,
          %parallel_loop3A_190 = vector.shape_cast %parallel_loop3A_189 : vector<1x16xf32> to vector<16xf32>
          %parallel_loop3A_191 = arith.constant 1 : i32
          %parallel_loop3A_192 = arith.addi %parallel_loop3A_138, %parallel_loop3A_191 : i32
          %parallel_loop3A_193 = arith.index_cast %parallel_loop3A_192 : i32 to index
          %parallel_loop3A_194 = arith.constant 48 : index
          %parallel_loop3A_195 = tpu.vector_load %arg9[%parallel_loop3A_193, %parallel_loop3A_194] {strides = array<i32>} : memref<24x1024xf32, #tpu.memory_space<vmem>>, vector<1x16xf32>,
          %parallel_loop3A_196 = vector.shape_cast %parallel_loop3A_195 : vector<1x16xf32> to vector<16xf32>
          %parallel_loop3A_197 = arith.addf %parallel_loop3A_190, %parallel_loop3A_196 : vector<16xf32>
          %parallel_loop3A_198 = arith.index_cast %parallel_loop3A_138 : i32 to index
          %parallel_loop3A_199 = arith.constant 48 : index
          %parallel_loop3A_200 = tpu.vector_load %arg7[%parallel_loop3A_198, %parallel_loop3A_199] {strides = array<i32>} : memref<16x1024xf32, #tpu.memory_space<vmem>>, vector<1x16xf32>,
          %parallel_loop3A_201 = vector.shape_cast %parallel_loop3A_200 : vector<1x16xf32> to vector<16xf32>
          %parallel_loop3A_202 = vector.shape_cast %parallel_loop3A_197 : vector<16xf32> to vector<1x16xf32>
          tpu.vector_store %arg7[%parallel_loop3A_198, %parallel_loop3A_199], %parallel_loop3A_202 {strides = array<i32>} : memref<16x1024xf32, #tpu.memory_space<vmem>>, vector<1x16xf32>,
          %parallel_loop3A_203 = arith.index_cast %parallel_loop3A_138 : i32 to index
          %parallel_loop3A_204 = arith.constant 64 : index
          %parallel_loop3A_205 = tpu.vector_load %arg7[%parallel_loop3A_203, %parallel_loop3A_204] {strides = array<i32>} : memref<16x1024xf32, #tpu.memory_space<vmem>>, vector<1x16xf32>,
          %parallel_loop3A_206 = vector.shape_cast %parallel_loop3A_205 : vector<1x16xf32> to vector<16xf32>
          %parallel_loop3A_207 = arith.constant 1 : i32
          %parallel_loop3A_208 = arith.addi %parallel_loop3A_138, %parallel_loop3A_207 : i32
          %parallel_loop3A_209 = arith.index_cast %parallel_loop3A_208 : i32 to index
          %parallel_loop3A_210 = arith.constant 64 : index
          %parallel_loop3A_211 = tpu.vector_load %arg9[%parallel_loop3A_209, %parallel_loop3A_210] {strides = array<i32>} : memref<24x1024xf32, #tpu.memory_space<vmem>>, vector<1x16xf32>,
          %parallel_loop3A_212 = vector.shape_cast %parallel_loop3A_211 : vector<1x16xf32> to vector<16xf32>
          %parallel_loop3A_213 = arith.addf %parallel_loop3A_206, %parallel_loop3A_212 : vector<16xf32>
          %parallel_loop3A_214 = arith.index_cast %parallel_loop3A_138 : i32 to index
          %parallel_loop3A_215 = arith.constant 64 : index
          %parallel_loop3A_216 = tpu.vector_load %arg7[%parallel_loop3A_214, %parallel_loop3A_215] {strides = array<i32>} : memref<16x1024xf32, #tpu.memory_space<vmem>>, vector<1x16xf32>,
          %parallel_loop3A_217 = vector.shape_cast %parallel_loop3A_216 : vector<1x16xf32> to vector<16xf32>
          %parallel_loop3A_218 = vector.shape_cast %parallel_loop3A_213 : vector<16xf32> to vector<1x16xf32>
          tpu.vector_store %arg7[%parallel_loop3A_214, %parallel_loop3A_215], %parallel_loop3A_218 {strides = array<i32>} : memref<16x1024xf32, #tpu.memory_space<vmem>>, vector<1x16xf32>,
          %parallel_loop3A_219 = arith.index_cast %parallel_loop3A_138 : i32 to index
          %parallel_loop3A_220 = arith.constant 80 : index
          %parallel_loop3A_221 = tpu.vector_load %arg7[%parallel_loop3A_219, %parallel_loop3A_220] {strides = array<i32>} : memref<16x1024xf32, #tpu.memory_space<vmem>>, vector<1x16xf32>,
          %parallel_loop3A_222 = vector.shape_cast %parallel_loop3A_221 : vector<1x16xf32> to vector<16xf32>
          %parallel_loop3A_223 = arith.constant 1 : i32
          %parallel_loop3A_224 = arith.addi %parallel_loop3A_138, %parallel_loop3A_223 : i32
          %parallel_loop3A_225 = arith.index_cast %parallel_loop3A_224 : i32 to index
          %parallel_loop3A_226 = arith.constant 80 : index
          %parallel_loop3A_227 = tpu.vector_load %arg9[%parallel_loop3A_225, %parallel_loop3A_226] {strides = array<i32>} : memref<24x1024xf32, #tpu.memory_space<vmem>>, vector<1x16xf32>,
          %parallel_loop3A_228 = vector.shape_cast %parallel_loop3A_227 : vector<1x16xf32> to vector<16xf32>
          %parallel_loop3A_229 = arith.addf %parallel_loop3A_222, %parallel_loop3A_228 : vector<16xf32>
          %parallel_loop3A_230 = arith.index_cast %parallel_loop3A_138 : i32 to index
          %parallel_loop3A_231 = arith.constant 80 : index
          %parallel_loop3A_232 = tpu.vector_load %arg7[%parallel_loop3A_230, %parallel_loop3A_231] {strides = array<i32>} : memref<16x1024xf32, #tpu.memory_space<vmem>>, vector<1x16xf32>,
          %parallel_loop3A_233 = vector.shape_cast %parallel_loop3A_232 : vector<1x16xf32> to vector<16xf32>
          %parallel_loop3A_234 = vector.shape_cast %parallel_loop3A_229 : vector<16xf32> to vector<1x16xf32>
          tpu.vector_store %arg7[%parallel_loop3A_230, %parallel_loop3A_231], %parallel_loop3A_234 {strides = array<i32>} : memref<16x1024xf32, #tpu.memory_space<vmem>>, vector<1x16xf32>,
          %parallel_loop3A_235 = arith.index_cast %parallel_loop3A_138 : i32 to index
          %parallel_loop3A_236 = arith.constant 96 : index
          %parallel_loop3A_237 = tpu.vector_load %arg7[%parallel_loop3A_235, %parallel_loop3A_236] {strides = array<i32>} : memref<16x1024xf32, #tpu.memory_space<vmem>>, vector<1x16xf32>,
          %parallel_loop3A_238 = vector.shape_cast %parallel_loop3A_237 : vector<1x16xf32> to vector<16xf32>
          %parallel_loop3A_239 = arith.constant 1 : i32
          %parallel_loop3A_240 = arith.addi %parallel_loop3A_138, %parallel_loop3A_239 : i32
          %parallel_loop3A_241 = arith.index_cast %parallel_loop3A_240 : i32 to index
          %parallel_loop3A_242 = arith.constant 96 : index
          %parallel_loop3A_243 = tpu.vector_load %arg9[%parallel_loop3A_241, %parallel_loop3A_242] {strides = array<i32>} : memref<24x1024xf32, #tpu.memory_space<vmem>>, vector<1x16xf32>,
          %parallel_loop3A_244 = vector.shape_cast %parallel_loop3A_243 : vector<1x16xf32> to vector<16xf32>
          %parallel_loop3A_245 = arith.addf %parallel_loop3A_238, %parallel_loop3A_244 : vector<16xf32>
          %parallel_loop3A_246 = arith.index_cast %parallel_loop3A_138 : i32 to index
          %parallel_loop3A_247 = arith.constant 96 : index
          %parallel_loop3A_248 = tpu.vector_load %arg7[%parallel_loop3A_246, %parallel_loop3A_247] {strides = array<i32>} : memref<16x1024xf32, #tpu.memory_space<vmem>>, vector<1x16xf32>,
          %parallel_loop3A_249 = vector.shape_cast %parallel_loop3A_248 : vector<1x16xf32> to vector<16xf32>
          %parallel_loop3A_250 = vector.shape_cast %parallel_loop3A_245 : vector<16xf32> to vector<1x16xf32>
          tpu.vector_store %arg7[%parallel_loop3A_246, %parallel_loop3A_247], %parallel_loop3A_250 {strides = array<i32>} : memref<16x1024xf32, #tpu.memory_space<vmem>>, vector<1x16xf32>,
          %parallel_loop3A_251 = arith.index_cast %parallel_loop3A_138 : i32 to index
          %parallel_loop3A_252 = arith.constant 112 : index
          %parallel_loop3A_253 = tpu.vector_load %arg7[%parallel_loop3A_251, %parallel_loop3A_252] {strides = array<i32>} : memref<16x1024xf32, #tpu.memory_space<vmem>>, vector<1x16xf32>,
          %parallel_loop3A_254 = vector.shape_cast %parallel_loop3A_253 : vector<1x16xf32> to vector<16xf32>
          %parallel_loop3A_255 = arith.constant 1 : i32
          %parallel_loop3A_256 = arith.addi %parallel_loop3A_138, %parallel_loop3A_255 : i32
          %parallel_loop3A_257 = arith.index_cast %parallel_loop3A_256 : i32 to index
          %parallel_loop3A_258 = arith.constant 112 : index
          %parallel_loop3A_259 = tpu.vector_load %arg9[%parallel_loop3A_257, %parallel_loop3A_258] {strides = array<i32>} : memref<24x1024xf32, #tpu.memory_space<vmem>>, vector<1x16xf32>,
          %parallel_loop3A_260 = vector.shape_cast %parallel_loop3A_259 : vector<1x16xf32> to vector<16xf32>
          %parallel_loop3A_261 = arith.addf %parallel_loop3A_254, %parallel_loop3A_260 : vector<16xf32>
          %parallel_loop3A_262 = arith.index_cast %parallel_loop3A_138 : i32 to index
          %parallel_loop3A_263 = arith.constant 112 : index
          %parallel_loop3A_264 = tpu.vector_load %arg7[%parallel_loop3A_262, %parallel_loop3A_263] {strides = array<i32>} : memref<16x1024xf32, #tpu.memory_space<vmem>>, vector<1x16xf32>,
          %parallel_loop3A_265 = vector.shape_cast %parallel_loop3A_264 : vector<1x16xf32> to vector<16xf32>
          %parallel_loop3A_266 = vector.shape_cast %parallel_loop3A_261 : vector<16xf32> to vector<1x16xf32>
          tpu.vector_store %arg7[%parallel_loop3A_262, %parallel_loop3A_263], %parallel_loop3A_266 {strides = array<i32>} : memref<16x1024xf32, #tpu.memory_space<vmem>>, vector<1x16xf32>,
          %parallel_loop3A_267 = arith.index_cast %parallel_loop3A_138 : i32 to index
          %parallel_loop3A_268 = arith.constant 128 : index
          %parallel_loop3A_269 = tpu.vector_load %arg7[%parallel_loop3A_267, %parallel_loop3A_268] {strides = array<i32>} : memref<16x1024xf32, #tpu.memory_space<vmem>>, vector<1x16xf32>,
          %parallel_loop3A_270 = vector.shape_cast %parallel_loop3A_269 : vector<1x16xf32> to vector<16xf32>
          %parallel_loop3A_271 = arith.constant 1 : i32
          %parallel_loop3A_272 = arith.addi %parallel_loop3A_138, %parallel_loop3A_271 : i32
          %parallel_loop3A_273 = arith.index_cast %parallel_loop3A_272 : i32 to index
          %parallel_loop3A_274 = arith.constant 128 : index
          %parallel_loop3A_275 = tpu.vector_load %arg9[%parallel_loop3A_273, %parallel_loop3A_274] {strides = array<i32>} : memref<24x1024xf32, #tpu.memory_space<vmem>>, vector<1x16xf32>,
          %parallel_loop3A_276 = vector.shape_cast %parallel_loop3A_275 : vector<1x16xf32> to vector<16xf32>
          %parallel_loop3A_277 = arith.addf %parallel_loop3A_270, %parallel_loop3A_276 : vector<16xf32>
          %parallel_loop3A_278 = arith.index_cast %parallel_loop3A_138 : i32 to index
          %parallel_loop3A_279 = arith.constant 128 : index
          %parallel_loop3A_280 = tpu.vector_load %arg7[%parallel_loop3A_278, %parallel_loop3A_279] {strides = array<i32>} : memref<16x1024xf32, #tpu.memory_space<vmem>>, vector<1x16xf32>,
          %parallel_loop3A_281 = vector.shape_cast %parallel_loop3A_280 : vector<1x16xf32> to vector<16xf32>
          %parallel_loop3A_282 = vector.shape_cast %parallel_loop3A_277 : vector<16xf32> to vector<1x16xf32>
          tpu.vector_store %arg7[%parallel_loop3A_278, %parallel_loop3A_279], %parallel_loop3A_282 {strides = array<i32>} : memref<16x1024xf32, #tpu.memory_space<vmem>>, vector<1x16xf32>,
          %parallel_loop3A_283 = arith.index_cast %parallel_loop3A_138 : i32 to index
          %parallel_loop3A_284 = arith.constant 144 : index
          %parallel_loop3A_285 = tpu.vector_load %arg7[%parallel_loop3A_283, %parallel_loop3A_284] {strides = array<i32>} : memref<16x1024xf32, #tpu.memory_space<vmem>>, vector<1x16xf32>,
          %parallel_loop3A_286 = vector.shape_cast %parallel_loop3A_285 : vector<1x16xf32> to vector<16xf32>
          %parallel_loop3A_287 = arith.constant 1 : i32
          %parallel_loop3A_288 = arith.addi %parallel_loop3A_138, %parallel_loop3A_287 : i32
          %parallel_loop3A_289 = arith.index_cast %parallel_loop3A_288 : i32 to index
          %parallel_loop3A_290 = arith.constant 144 : index
          %parallel_loop3A_291 = tpu.vector_load %arg9[%parallel_loop3A_289, %parallel_loop3A_290] {strides = array<i32>} : memref<24x1024xf32, #tpu.memory_space<vmem>>, vector<1x16xf32>,
          %parallel_loop3A_292 = vector.shape_cast %parallel_loop3A_291 : vector<1x16xf32> to vector<16xf32>
          %parallel_loop3A_293 = arith.addf %parallel_loop3A_286, %parallel_loop3A_292 : vector<16xf32>
          %parallel_loop3A_294 = arith.index_cast %parallel_loop3A_138 : i32 to index
          %parallel_loop3A_295 = arith.constant 144 : index
          %parallel_loop3A_296 = tpu.vector_load %arg7[%parallel_loop3A_294, %parallel_loop3A_295] {strides = array<i32>} : memref<16x1024xf32, #tpu.memory_space<vmem>>, vector<1x16xf32>,
          %parallel_loop3A_297 = vector.shape_cast %parallel_loop3A_296 : vector<1x16xf32> to vector<16xf32>
          %parallel_loop3A_298 = vector.shape_cast %parallel_loop3A_293 : vector<16xf32> to vector<1x16xf32>
          tpu.vector_store %arg7[%parallel_loop3A_294, %parallel_loop3A_295], %parallel_loop3A_298 {strides = array<i32>} : memref<16x1024xf32, #tpu.memory_space<vmem>>, vector<1x16xf32>,
          %parallel_loop3A_299 = arith.index_cast %parallel_loop3A_138 : i32 to index
          %parallel_loop3A_300 = arith.constant 160 : index
          %parallel_loop3A_301 = tpu.vector_load %arg7[%parallel_loop3A_299, %parallel_loop3A_300] {strides = array<i32>} : memref<16x1024xf32, #tpu.memory_space<vmem>>, vector<1x16xf32>,
          %parallel_loop3A_302 = vector.shape_cast %parallel_loop3A_301 : vector<1x16xf32> to vector<16xf32>
          %parallel_loop3A_303 = arith.constant 1 : i32
          %parallel_loop3A_304 = arith.addi %parallel_loop3A_138, %parallel_loop3A_303 : i32
          %parallel_loop3A_305 = arith.index_cast %parallel_loop3A_304 : i32 to index
          %parallel_loop3A_306 = arith.constant 160 : index
          %parallel_loop3A_307 = tpu.vector_load %arg9[%parallel_loop3A_305, %parallel_loop3A_306] {strides = array<i32>} : memref<24x1024xf32, #tpu.memory_space<vmem>>, vector<1x16xf32>,
          %parallel_loop3A_308 = vector.shape_cast %parallel_loop3A_307 : vector<1x16xf32> to vector<16xf32>
          %parallel_loop3A_309 = arith.addf %parallel_loop3A_302, %parallel_loop3A_308 : vector<16xf32>
          %parallel_loop3A_310 = arith.index_cast %parallel_loop3A_138 : i32 to index
          %parallel_loop3A_311 = arith.constant 160 : index
          %parallel_loop3A_312 = tpu.vector_load %arg7[%parallel_loop3A_310, %parallel_loop3A_311] {strides = array<i32>} : memref<16x1024xf32, #tpu.memory_space<vmem>>, vector<1x16xf32>,
          %parallel_loop3A_313 = vector.shape_cast %parallel_loop3A_312 : vector<1x16xf32> to vector<16xf32>
          %parallel_loop3A_314 = vector.shape_cast %parallel_loop3A_309 : vector<16xf32> to vector<1x16xf32>
          tpu.vector_store %arg7[%parallel_loop3A_310, %parallel_loop3A_311], %parallel_loop3A_314 {strides = array<i32>} : memref<16x1024xf32, #tpu.memory_space<vmem>>, vector<1x16xf32>,
          %parallel_loop3A_315 = arith.index_cast %parallel_loop3A_138 : i32 to index
          %parallel_loop3A_316 = arith.constant 176 : index
          %parallel_loop3A_317 = tpu.vector_load %arg7[%parallel_loop3A_315, %parallel_loop3A_316] {strides = array<i32>} : memref<16x1024xf32, #tpu.memory_space<vmem>>, vector<1x16xf32>,
          %parallel_loop3A_318 = vector.shape_cast %parallel_loop3A_317 : vector<1x16xf32> to vector<16xf32>
          %parallel_loop3A_319 = arith.constant 1 : i32
          %parallel_loop3A_320 = arith.addi %parallel_loop3A_138, %parallel_loop3A_319 : i32
          %parallel_loop3A_321 = arith.index_cast %parallel_loop3A_320 : i32 to index
          %parallel_loop3A_322 = arith.constant 176 : index
          %parallel_loop3A_323 = tpu.vector_load %arg9[%parallel_loop3A_321, %parallel_loop3A_322] {strides = array<i32>} : memref<24x1024xf32, #tpu.memory_space<vmem>>, vector<1x16xf32>,
          %parallel_loop3A_324 = vector.shape_cast %parallel_loop3A_323 : vector<1x16xf32> to vector<16xf32>
          %parallel_loop3A_325 = arith.addf %parallel_loop3A_318, %parallel_loop3A_324 : vector<16xf32>
          %parallel_loop3A_326 = arith.index_cast %parallel_loop3A_138 : i32 to index
          %parallel_loop3A_327 = arith.constant 176 : index
          %parallel_loop3A_328 = tpu.vector_load %arg7[%parallel_loop3A_326, %parallel_loop3A_327] {strides = array<i32>} : memref<16x1024xf32, #tpu.memory_space<vmem>>, vector<1x16xf32>,
          %parallel_loop3A_329 = vector.shape_cast %parallel_loop3A_328 : vector<1x16xf32> to vector<16xf32>
          %parallel_loop3A_330 = vector.shape_cast %parallel_loop3A_325 : vector<16xf32> to vector<1x16xf32>
          tpu.vector_store %arg7[%parallel_loop3A_326, %parallel_loop3A_327], %parallel_loop3A_330 {strides = array<i32>} : memref<16x1024xf32, #tpu.memory_space<vmem>>, vector<1x16xf32>,
          %parallel_loop3A_331 = arith.index_cast %parallel_loop3A_138 : i32 to index
          %parallel_loop3A_332 = arith.constant 192 : index
          %parallel_loop3A_333 = tpu.vector_load %arg7[%parallel_loop3A_331, %parallel_loop3A_332] {strides = array<i32>} : memref<16x1024xf32, #tpu.memory_space<vmem>>, vector<1x16xf32>,
          %parallel_loop3A_334 = vector.shape_cast %parallel_loop3A_333 : vector<1x16xf32> to vector<16xf32>
          %parallel_loop3A_335 = arith.constant 1 : i32
          %parallel_loop3A_336 = arith.addi %parallel_loop3A_138, %parallel_loop3A_335 : i32
          %parallel_loop3A_337 = arith.index_cast %parallel_loop3A_336 : i32 to index
          %parallel_loop3A_338 = arith.constant 192 : index
          %parallel_loop3A_339 = tpu.vector_load %arg9[%parallel_loop3A_337, %parallel_loop3A_338] {strides = array<i32>} : memref<24x1024xf32, #tpu.memory_space<vmem>>, vector<1x16xf32>,
          %parallel_loop3A_340 = vector.shape_cast %parallel_loop3A_339 : vector<1x16xf32> to vector<16xf32>
          %parallel_loop3A_341 = arith.addf %parallel_loop3A_334, %parallel_loop3A_340 : vector<16xf32>
          %parallel_loop3A_342 = arith.index_cast %parallel_loop3A_138 : i32 to index
          %parallel_loop3A_343 = arith.constant 192 : index
          %parallel_loop3A_344 = tpu.vector_load %arg7[%parallel_loop3A_342, %parallel_loop3A_343] {strides = array<i32>} : memref<16x1024xf32, #tpu.memory_space<vmem>>, vector<1x16xf32>,
          %parallel_loop3A_345 = vector.shape_cast %parallel_loop3A_344 : vector<1x16xf32> to vector<16xf32>
          %parallel_loop3A_346 = vector.shape_cast %parallel_loop3A_341 : vector<16xf32> to vector<1x16xf32>
          tpu.vector_store %arg7[%parallel_loop3A_342, %parallel_loop3A_343], %parallel_loop3A_346 {strides = array<i32>} : memref<16x1024xf32, #tpu.memory_space<vmem>>, vector<1x16xf32>,
          %parallel_loop3A_347 = arith.index_cast %parallel_loop3A_138 : i32 to index
          %parallel_loop3A_348 = arith.constant 208 : index
          %parallel_loop3A_349 = tpu.vector_load %arg7[%parallel_loop3A_347, %parallel_loop3A_348] {strides = array<i32>} : memref<16x1024xf32, #tpu.memory_space<vmem>>, vector<1x16xf32>,
          %parallel_loop3A_350 = vector.shape_cast %parallel_loop3A_349 : vector<1x16xf32> to vector<16xf32>
          %parallel_loop3A_351 = arith.constant 1 : i32
          %parallel_loop3A_352 = arith.addi %parallel_loop3A_138, %parallel_loop3A_351 : i32
          %parallel_loop3A_353 = arith.index_cast %parallel_loop3A_352 : i32 to index
          %parallel_loop3A_354 = arith.constant 208 : index
          %parallel_loop3A_355 = tpu.vector_load %arg9[%parallel_loop3A_353, %parallel_loop3A_354] {strides = array<i32>} : memref<24x1024xf32, #tpu.memory_space<vmem>>, vector<1x16xf32>,
          %parallel_loop3A_356 = vector.shape_cast %parallel_loop3A_355 : vector<1x16xf32> to vector<16xf32>
          %parallel_loop3A_357 = arith.addf %parallel_loop3A_350, %parallel_loop3A_356 : vector<16xf32>
          %parallel_loop3A_358 = arith.index_cast %parallel_loop3A_138 : i32 to index
          %parallel_loop3A_359 = arith.constant 208 : index
          %parallel_loop3A_360 = tpu.vector_load %arg7[%parallel_loop3A_358, %parallel_loop3A_359] {strides = array<i32>} : memref<16x1024xf32, #tpu.memory_space<vmem>>, vector<1x16xf32>,
          %parallel_loop3A_361 = vector.shape_cast %parallel_loop3A_360 : vector<1x16xf32> to vector<16xf32>
          %parallel_loop3A_362 = vector.shape_cast %parallel_loop3A_357 : vector<16xf32> to vector<1x16xf32>
          tpu.vector_store %arg7[%parallel_loop3A_358, %parallel_loop3A_359], %parallel_loop3A_362 {strides = array<i32>} : memref<16x1024xf32, #tpu.memory_space<vmem>>, vector<1x16xf32>,
          %parallel_loop3A_363 = arith.index_cast %parallel_loop3A_138 : i32 to index
          %parallel_loop3A_364 = arith.constant 224 : index
          %parallel_loop3A_365 = tpu.vector_load %arg7[%parallel_loop3A_363, %parallel_loop3A_364] {strides = array<i32>} : memref<16x1024xf32, #tpu.memory_space<vmem>>, vector<1x16xf32>,
          %parallel_loop3A_366 = vector.shape_cast %parallel_loop3A_365 : vector<1x16xf32> to vector<16xf32>
          %parallel_loop3A_367 = arith.constant 1 : i32
          %parallel_loop3A_368 = arith.addi %parallel_loop3A_138, %parallel_loop3A_367 : i32
          %parallel_loop3A_369 = arith.index_cast %parallel_loop3A_368 : i32 to index
          %parallel_loop3A_370 = arith.constant 224 : index
          %parallel_loop3A_371 = tpu.vector_load %arg9[%parallel_loop3A_369, %parallel_loop3A_370] {strides = array<i32>} : memref<24x1024xf32, #tpu.memory_space<vmem>>, vector<1x16xf32>,
          %parallel_loop3A_372 = vector.shape_cast %parallel_loop3A_371 : vector<1x16xf32> to vector<16xf32>
          %parallel_loop3A_373 = arith.addf %parallel_loop3A_366, %parallel_loop3A_372 : vector<16xf32>
          %parallel_loop3A_374 = arith.index_cast %parallel_loop3A_138 : i32 to index
          %parallel_loop3A_375 = arith.constant 224 : index
          %parallel_loop3A_376 = tpu.vector_load %arg7[%parallel_loop3A_374, %parallel_loop3A_375] {strides = array<i32>} : memref<16x1024xf32, #tpu.memory_space<vmem>>, vector<1x16xf32>,
          %parallel_loop3A_377 = vector.shape_cast %parallel_loop3A_376 : vector<1x16xf32> to vector<16xf32>
          %parallel_loop3A_378 = vector.shape_cast %parallel_loop3A_373 : vector<16xf32> to vector<1x16xf32>
          tpu.vector_store %arg7[%parallel_loop3A_374, %parallel_loop3A_375], %parallel_loop3A_378 {strides = array<i32>} : memref<16x1024xf32, #tpu.memory_space<vmem>>, vector<1x16xf32>,
          %parallel_loop3A_379 = arith.index_cast %parallel_loop3A_138 : i32 to index
          %parallel_loop3A_380 = arith.constant 240 : index
          %parallel_loop3A_381 = tpu.vector_load %arg7[%parallel_loop3A_379, %parallel_loop3A_380] {strides = array<i32>} : memref<16x1024xf32, #tpu.memory_space<vmem>>, vector<1x16xf32>,
          %parallel_loop3A_382 = vector.shape_cast %parallel_loop3A_381 : vector<1x16xf32> to vector<16xf32>
          %parallel_loop3A_383 = arith.constant 1 : i32
          %parallel_loop3A_384 = arith.addi %parallel_loop3A_138, %parallel_loop3A_383 : i32
          %parallel_loop3A_385 = arith.index_cast %parallel_loop3A_384 : i32 to index
          %parallel_loop3A_386 = arith.constant 240 : index
          %parallel_loop3A_387 = tpu.vector_load %arg9[%parallel_loop3A_385, %parallel_loop3A_386] {strides = array<i32>} : memref<24x1024xf32, #tpu.memory_space<vmem>>, vector<1x16xf32>,
          %parallel_loop3A_388 = vector.shape_cast %parallel_loop3A_387 : vector<1x16xf32> to vector<16xf32>
          %parallel_loop3A_389 = arith.addf %parallel_loop3A_382, %parallel_loop3A_388 : vector<16xf32>
          %parallel_loop3A_390 = arith.index_cast %parallel_loop3A_138 : i32 to index
          %parallel_loop3A_391 = arith.constant 240 : index
          %parallel_loop3A_392 = tpu.vector_load %arg7[%parallel_loop3A_390, %parallel_loop3A_391] {strides = array<i32>} : memref<16x1024xf32, #tpu.memory_space<vmem>>, vector<1x16xf32>,
          %parallel_loop3A_393 = vector.shape_cast %parallel_loop3A_392 : vector<1x16xf32> to vector<16xf32>
          %parallel_loop3A_394 = vector.shape_cast %parallel_loop3A_389 : vector<16xf32> to vector<1x16xf32>
          tpu.vector_store %arg7[%parallel_loop3A_390, %parallel_loop3A_391], %parallel_loop3A_394 {strides = array<i32>} : memref<16x1024xf32, #tpu.memory_space<vmem>>, vector<1x16xf32>,
          %parallel_loop3A_395 = arith.index_cast %parallel_loop3A_138 : i32 to index
          %parallel_loop3A_396 = arith.constant 256 : index
          %parallel_loop3A_397 = tpu.vector_load %arg7[%parallel_loop3A_395, %parallel_loop3A_396] {strides = array<i32>} : memref<16x1024xf32, #tpu.memory_space<vmem>>, vector<1x16xf32>,
          %parallel_loop3A_398 = vector.shape_cast %parallel_loop3A_397 : vector<1x16xf32> to vector<16xf32>
          %parallel_loop3A_399 = arith.constant 1 : i32
          %parallel_loop3A_400 = arith.addi %parallel_loop3A_138, %parallel_loop3A_399 : i32
          %parallel_loop3A_401 = arith.index_cast %parallel_loop3A_400 : i32 to index
          %parallel_loop3A_402 = arith.constant 256 : index
          %parallel_loop3A_403 = tpu.vector_load %arg9[%parallel_loop3A_401, %parallel_loop3A_402] {strides = array<i32>} : memref<24x1024xf32, #tpu.memory_space<vmem>>, vector<1x16xf32>,
          %parallel_loop3A_404 = vector.shape_cast %parallel_loop3A_403 : vector<1x16xf32> to vector<16xf32>
          %parallel_loop3A_405 = arith.addf %parallel_loop3A_398, %parallel_loop3A_404 : vector<16xf32>
          %parallel_loop3A_406 = arith.index_cast %parallel_loop3A_138 : i32 to index
          %parallel_loop3A_407 = arith.constant 256 : index
          %parallel_loop3A_408 = tpu.vector_load %arg7[%parallel_loop3A_406, %parallel_loop3A_407] {strides = array<i32>} : memref<16x1024xf32, #tpu.memory_space<vmem>>, vector<1x16xf32>,
          %parallel_loop3A_409 = vector.shape_cast %parallel_loop3A_408 : vector<1x16xf32> to vector<16xf32>
          %parallel_loop3A_410 = vector.shape_cast %parallel_loop3A_405 : vector<16xf32> to vector<1x16xf32>
          tpu.vector_store %arg7[%parallel_loop3A_406, %parallel_loop3A_407], %parallel_loop3A_410 {strides = array<i32>} : memref<16x1024xf32, #tpu.memory_space<vmem>>, vector<1x16xf32>,
          %parallel_loop3A_411 = arith.index_cast %parallel_loop3A_138 : i32 to index
          %parallel_loop3A_412 = arith.constant 272 : index
          %parallel_loop3A_413 = tpu.vector_load %arg7[%parallel_loop3A_411, %parallel_loop3A_412] {strides = array<i32>} : memref<16x1024xf32, #tpu.memory_space<vmem>>, vector<1x16xf32>,
          %parallel_loop3A_414 = vector.shape_cast %parallel_loop3A_413 : vector<1x16xf32> to vector<16xf32>
          %parallel_loop3A_415 = arith.constant 1 : i32
          %parallel_loop3A_416 = arith.addi %parallel_loop3A_138, %parallel_loop3A_415 : i32
          %parallel_loop3A_417 = arith.index_cast %parallel_loop3A_416 : i32 to index
          %parallel_loop3A_418 = arith.constant 272 : index
          %parallel_loop3A_419 = tpu.vector_load %arg9[%parallel_loop3A_417, %parallel_loop3A_418] {strides = array<i32>} : memref<24x1024xf32, #tpu.memory_space<vmem>>, vector<1x16xf32>,
          %parallel_loop3A_420 = vector.shape_cast %parallel_loop3A_419 : vector<1x16xf32> to vector<16xf32>
          %parallel_loop3A_421 = arith.addf %parallel_loop3A_414, %parallel_loop3A_420 : vector<16xf32>
          %parallel_loop3A_422 = arith.index_cast %parallel_loop3A_138 : i32 to index
          %parallel_loop3A_423 = arith.constant 272 : index
          %parallel_loop3A_424 = tpu.vector_load %arg7[%parallel_loop3A_422, %parallel_loop3A_423] {strides = array<i32>} : memref<16x1024xf32, #tpu.memory_space<vmem>>, vector<1x16xf32>,
          %parallel_loop3A_425 = vector.shape_cast %parallel_loop3A_424 : vector<1x16xf32> to vector<16xf32>
          %parallel_loop3A_426 = vector.shape_cast %parallel_loop3A_421 : vector<16xf32> to vector<1x16xf32>
          tpu.vector_store %arg7[%parallel_loop3A_422, %parallel_loop3A_423], %parallel_loop3A_426 {strides = array<i32>} : memref<16x1024xf32, #tpu.memory_space<vmem>>, vector<1x16xf32>,
          %parallel_loop3A_427 = arith.index_cast %parallel_loop3A_138 : i32 to index
          %parallel_loop3A_428 = arith.constant 288 : index
          %parallel_loop3A_429 = tpu.vector_load %arg7[%parallel_loop3A_427, %parallel_loop3A_428] {strides = array<i32>} : memref<16x1024xf32, #tpu.memory_space<vmem>>, vector<1x16xf32>,
          %parallel_loop3A_430 = vector.shape_cast %parallel_loop3A_429 : vector<1x16xf32> to vector<16xf32>
          %parallel_loop3A_431 = arith.constant 1 : i32
          %parallel_loop3A_432 = arith.addi %parallel_loop3A_138, %parallel_loop3A_431 : i32
          %parallel_loop3A_433 = arith.index_cast %parallel_loop3A_432 : i32 to index
          %parallel_loop3A_434 = arith.constant 288 : index
          %parallel_loop3A_435 = tpu.vector_load %arg9[%parallel_loop3A_433, %parallel_loop3A_434] {strides = array<i32>} : memref<24x1024xf32, #tpu.memory_space<vmem>>, vector<1x16xf32>,
          %parallel_loop3A_436 = vector.shape_cast %parallel_loop3A_435 : vector<1x16xf32> to vector<16xf32>
          %parallel_loop3A_437 = arith.addf %parallel_loop3A_430, %parallel_loop3A_436 : vector<16xf32>
          %parallel_loop3A_438 = arith.index_cast %parallel_loop3A_138 : i32 to index
          %parallel_loop3A_439 = arith.constant 288 : index
          %parallel_loop3A_440 = tpu.vector_load %arg7[%parallel_loop3A_438, %parallel_loop3A_439] {strides = array<i32>} : memref<16x1024xf32, #tpu.memory_space<vmem>>, vector<1x16xf32>,
          %parallel_loop3A_441 = vector.shape_cast %parallel_loop3A_440 : vector<1x16xf32> to vector<16xf32>
          %parallel_loop3A_442 = vector.shape_cast %parallel_loop3A_437 : vector<16xf32> to vector<1x16xf32>
          tpu.vector_store %arg7[%parallel_loop3A_438, %parallel_loop3A_439], %parallel_loop3A_442 {strides = array<i32>} : memref<16x1024xf32, #tpu.memory_space<vmem>>, vector<1x16xf32>,
          %parallel_loop3A_443 = arith.index_cast %parallel_loop3A_138 : i32 to index
          %parallel_loop3A_444 = arith.constant 304 : index
          %parallel_loop3A_445 = tpu.vector_load %arg7[%parallel_loop3A_443, %parallel_loop3A_444] {strides = array<i32>} : memref<16x1024xf32, #tpu.memory_space<vmem>>, vector<1x16xf32>,
          %parallel_loop3A_446 = vector.shape_cast %parallel_loop3A_445 : vector<1x16xf32> to vector<16xf32>
          %parallel_loop3A_447 = arith.constant 1 : i32
          %parallel_loop3A_448 = arith.addi %parallel_loop3A_138, %parallel_loop3A_447 : i32
          %parallel_loop3A_449 = arith.index_cast %parallel_loop3A_448 : i32 to index
          %parallel_loop3A_450 = arith.constant 304 : index
          %parallel_loop3A_451 = tpu.vector_load %arg9[%parallel_loop3A_449, %parallel_loop3A_450] {strides = array<i32>} : memref<24x1024xf32, #tpu.memory_space<vmem>>, vector<1x16xf32>,
          %parallel_loop3A_452 = vector.shape_cast %parallel_loop3A_451 : vector<1x16xf32> to vector<16xf32>
          %parallel_loop3A_453 = arith.addf %parallel_loop3A_446, %parallel_loop3A_452 : vector<16xf32>
          %parallel_loop3A_454 = arith.index_cast %parallel_loop3A_138 : i32 to index
          %parallel_loop3A_455 = arith.constant 304 : index
          %parallel_loop3A_456 = tpu.vector_load %arg7[%parallel_loop3A_454, %parallel_loop3A_455] {strides = array<i32>} : memref<16x1024xf32, #tpu.memory_space<vmem>>, vector<1x16xf32>,
          %parallel_loop3A_457 = vector.shape_cast %parallel_loop3A_456 : vector<1x16xf32> to vector<16xf32>
          %parallel_loop3A_458 = vector.shape_cast %parallel_loop3A_453 : vector<16xf32> to vector<1x16xf32>
          tpu.vector_store %arg7[%parallel_loop3A_454, %parallel_loop3A_455], %parallel_loop3A_458 {strides = array<i32>} : memref<16x1024xf32, #tpu.memory_space<vmem>>, vector<1x16xf32>,
          %parallel_loop3A_459 = arith.index_cast %parallel_loop3A_138 : i32 to index
          %parallel_loop3A_460 = arith.constant 320 : index
          %parallel_loop3A_461 = tpu.vector_load %arg7[%parallel_loop3A_459, %parallel_loop3A_460] {strides = array<i32>} : memref<16x1024xf32, #tpu.memory_space<vmem>>, vector<1x16xf32>,
          %parallel_loop3A_462 = vector.shape_cast %parallel_loop3A_461 : vector<1x16xf32> to vector<16xf32>
          %parallel_loop3A_463 = arith.constant 1 : i32
          %parallel_loop3A_464 = arith.addi %parallel_loop3A_138, %parallel_loop3A_463 : i32
          %parallel_loop3A_465 = arith.index_cast %parallel_loop3A_464 : i32 to index
          %parallel_loop3A_466 = arith.constant 320 : index
          %parallel_loop3A_467 = tpu.vector_load %arg9[%parallel_loop3A_465, %parallel_loop3A_466] {strides = array<i32>} : memref<24x1024xf32, #tpu.memory_space<vmem>>, vector<1x16xf32>,
          %parallel_loop3A_468 = vector.shape_cast %parallel_loop3A_467 : vector<1x16xf32> to vector<16xf32>
          %parallel_loop3A_469 = arith.addf %parallel_loop3A_462, %parallel_loop3A_468 : vector<16xf32>
          %parallel_loop3A_470 = arith.index_cast %parallel_loop3A_138 : i32 to index
          %parallel_loop3A_471 = arith.constant 320 : index
          %parallel_loop3A_472 = tpu.vector_load %arg7[%parallel_loop3A_470, %parallel_loop3A_471] {strides = array<i32>} : memref<16x1024xf32, #tpu.memory_space<vmem>>, vector<1x16xf32>,
          %parallel_loop3A_473 = vector.shape_cast %parallel_loop3A_472 : vector<1x16xf32> to vector<16xf32>
          %parallel_loop3A_474 = vector.shape_cast %parallel_loop3A_469 : vector<16xf32> to vector<1x16xf32>
          tpu.vector_store %arg7[%parallel_loop3A_470, %parallel_loop3A_471], %parallel_loop3A_474 {strides = array<i32>} : memref<16x1024xf32, #tpu.memory_space<vmem>>, vector<1x16xf32>,
          %parallel_loop3A_475 = arith.index_cast %parallel_loop3A_138 : i32 to index
          %parallel_loop3A_476 = arith.constant 336 : index
          %parallel_loop3A_477 = tpu.vector_load %arg7[%parallel_loop3A_475, %parallel_loop3A_476] {strides = array<i32>} : memref<16x1024xf32, #tpu.memory_space<vmem>>, vector<1x16xf32>,
          %parallel_loop3A_478 = vector.shape_cast %parallel_loop3A_477 : vector<1x16xf32> to vector<16xf32>
          %parallel_loop3A_479 = arith.constant 1 : i32
          %parallel_loop3A_480 = arith.addi %parallel_loop3A_138, %parallel_loop3A_479 : i32
          %parallel_loop3A_481 = arith.index_cast %parallel_loop3A_480 : i32 to index
          %parallel_loop3A_482 = arith.constant 336 : index
          %parallel_loop3A_483 = tpu.vector_load %arg9[%parallel_loop3A_481, %parallel_loop3A_482] {strides = array<i32>} : memref<24x1024xf32, #tpu.memory_space<vmem>>, vector<1x16xf32>,
          %parallel_loop3A_484 = vector.shape_cast %parallel_loop3A_483 : vector<1x16xf32> to vector<16xf32>
          %parallel_loop3A_485 = arith.addf %parallel_loop3A_478, %parallel_loop3A_484 : vector<16xf32>
          %parallel_loop3A_486 = arith.index_cast %parallel_loop3A_138 : i32 to index
          %parallel_loop3A_487 = arith.constant 336 : index
          %parallel_loop3A_488 = tpu.vector_load %arg7[%parallel_loop3A_486, %parallel_loop3A_487] {strides = array<i32>} : memref<16x1024xf32, #tpu.memory_space<vmem>>, vector<1x16xf32>,
          %parallel_loop3A_489 = vector.shape_cast %parallel_loop3A_488 : vector<1x16xf32> to vector<16xf32>
          %parallel_loop3A_490 = vector.shape_cast %parallel_loop3A_485 : vector<16xf32> to vector<1x16xf32>
          tpu.vector_store %arg7[%parallel_loop3A_486, %parallel_loop3A_487], %parallel_loop3A_490 {strides = array<i32>} : memref<16x1024xf32, #tpu.memory_space<vmem>>, vector<1x16xf32>,
          %parallel_loop3A_491 = arith.index_cast %parallel_loop3A_138 : i32 to index
          %parallel_loop3A_492 = arith.constant 352 : index
          %parallel_loop3A_493 = tpu.vector_load %arg7[%parallel_loop3A_491, %parallel_loop3A_492] {strides = array<i32>} : memref<16x1024xf32, #tpu.memory_space<vmem>>, vector<1x16xf32>,
          %parallel_loop3A_494 = vector.shape_cast %parallel_loop3A_493 : vector<1x16xf32> to vector<16xf32>
          %parallel_loop3A_495 = arith.constant 1 : i32
          %parallel_loop3A_496 = arith.addi %parallel_loop3A_138, %parallel_loop3A_495 : i32
          %parallel_loop3A_497 = arith.index_cast %parallel_loop3A_496 : i32 to index
          %parallel_loop3A_498 = arith.constant 352 : index
          %parallel_loop3A_499 = tpu.vector_load %arg9[%parallel_loop3A_497, %parallel_loop3A_498] {strides = array<i32>} : memref<24x1024xf32, #tpu.memory_space<vmem>>, vector<1x16xf32>,
          %parallel_loop3A_500 = vector.shape_cast %parallel_loop3A_499 : vector<1x16xf32> to vector<16xf32>
          %parallel_loop3A_501 = arith.addf %parallel_loop3A_494, %parallel_loop3A_500 : vector<16xf32>
          %parallel_loop3A_502 = arith.index_cast %parallel_loop3A_138 : i32 to index
          %parallel_loop3A_503 = arith.constant 352 : index
          %parallel_loop3A_504 = tpu.vector_load %arg7[%parallel_loop3A_502, %parallel_loop3A_503] {strides = array<i32>} : memref<16x1024xf32, #tpu.memory_space<vmem>>, vector<1x16xf32>,
          %parallel_loop3A_505 = vector.shape_cast %parallel_loop3A_504 : vector<1x16xf32> to vector<16xf32>
          %parallel_loop3A_506 = vector.shape_cast %parallel_loop3A_501 : vector<16xf32> to vector<1x16xf32>
          tpu.vector_store %arg7[%parallel_loop3A_502, %parallel_loop3A_503], %parallel_loop3A_506 {strides = array<i32>} : memref<16x1024xf32, #tpu.memory_space<vmem>>, vector<1x16xf32>,
          %parallel_loop3A_507 = arith.index_cast %parallel_loop3A_138 : i32 to index
          %parallel_loop3A_508 = arith.constant 368 : index
          %parallel_loop3A_509 = tpu.vector_load %arg7[%parallel_loop3A_507, %parallel_loop3A_508] {strides = array<i32>} : memref<16x1024xf32, #tpu.memory_space<vmem>>, vector<1x16xf32>,
          %parallel_loop3A_510 = vector.shape_cast %parallel_loop3A_509 : vector<1x16xf32> to vector<16xf32>
          %parallel_loop3A_511 = arith.constant 1 : i32
          %parallel_loop3A_512 = arith.addi %parallel_loop3A_138, %parallel_loop3A_511 : i32
          %parallel_loop3A_513 = arith.index_cast %parallel_loop3A_512 : i32 to index
          %parallel_loop3A_514 = arith.constant 368 : index
          %parallel_loop3A_515 = tpu.vector_load %arg9[%parallel_loop3A_513, %parallel_loop3A_514] {strides = array<i32>} : memref<24x1024xf32, #tpu.memory_space<vmem>>, vector<1x16xf32>,
          %parallel_loop3A_516 = vector.shape_cast %parallel_loop3A_515 : vector<1x16xf32> to vector<16xf32>
          %parallel_loop3A_517 = arith.addf %parallel_loop3A_510, %parallel_loop3A_516 : vector<16xf32>
          %parallel_loop3A_518 = arith.index_cast %parallel_loop3A_138 : i32 to index
          %parallel_loop3A_519 = arith.constant 368 : index
          %parallel_loop3A_520 = tpu.vector_load %arg7[%parallel_loop3A_518, %parallel_loop3A_519] {strides = array<i32>} : memref<16x1024xf32, #tpu.memory_space<vmem>>, vector<1x16xf32>,
          %parallel_loop3A_521 = vector.shape_cast %parallel_loop3A_520 : vector<1x16xf32> to vector<16xf32>
          %parallel_loop3A_522 = vector.shape_cast %parallel_loop3A_517 : vector<16xf32> to vector<1x16xf32>
          tpu.vector_store %arg7[%parallel_loop3A_518, %parallel_loop3A_519], %parallel_loop3A_522 {strides = array<i32>} : memref<16x1024xf32, #tpu.memory_space<vmem>>, vector<1x16xf32>,
          %parallel_loop3A_523 = arith.index_cast %parallel_loop3A_138 : i32 to index
          %parallel_loop3A_524 = arith.constant 384 : index
          %parallel_loop3A_525 = tpu.vector_load %arg7[%parallel_loop3A_523, %parallel_loop3A_524] {strides = array<i32>} : memref<16x1024xf32, #tpu.memory_space<vmem>>, vector<1x16xf32>,
          %parallel_loop3A_526 = vector.shape_cast %parallel_loop3A_525 : vector<1x16xf32> to vector<16xf32>
          %parallel_loop3A_527 = arith.constant 1 : i32
          %parallel_loop3A_528 = arith.addi %parallel_loop3A_138, %parallel_loop3A_527 : i32
          %parallel_loop3A_529 = arith.index_cast %parallel_loop3A_528 : i32 to index
          %parallel_loop3A_530 = arith.constant 384 : index
          %parallel_loop3A_531 = tpu.vector_load %arg9[%parallel_loop3A_529, %parallel_loop3A_530] {strides = array<i32>} : memref<24x1024xf32, #tpu.memory_space<vmem>>, vector<1x16xf32>,
          %parallel_loop3A_532 = vector.shape_cast %parallel_loop3A_531 : vector<1x16xf32> to vector<16xf32>
          %parallel_loop3A_533 = arith.addf %parallel_loop3A_526, %parallel_loop3A_532 : vector<16xf32>
          %parallel_loop3A_534 = arith.index_cast %parallel_loop3A_138 : i32 to index
          %parallel_loop3A_535 = arith.constant 384 : index
          %parallel_loop3A_536 = tpu.vector_load %arg7[%parallel_loop3A_534, %parallel_loop3A_535] {strides = array<i32>} : memref<16x1024xf32, #tpu.memory_space<vmem>>, vector<1x16xf32>,
          %parallel_loop3A_537 = vector.shape_cast %parallel_loop3A_536 : vector<1x16xf32> to vector<16xf32>
          %parallel_loop3A_538 = vector.shape_cast %parallel_loop3A_533 : vector<16xf32> to vector<1x16xf32>
          tpu.vector_store %arg7[%parallel_loop3A_534, %parallel_loop3A_535], %parallel_loop3A_538 {strides = array<i32>} : memref<16x1024xf32, #tpu.memory_space<vmem>>, vector<1x16xf32>,
          %parallel_loop3A_539 = arith.index_cast %parallel_loop3A_138 : i32 to index
          %parallel_loop3A_540 = arith.constant 400 : index
          %parallel_loop3A_541 = tpu.vector_load %arg7[%parallel_loop3A_539, %parallel_loop3A_540] {strides = array<i32>} : memref<16x1024xf32, #tpu.memory_space<vmem>>, vector<1x16xf32>,
          %parallel_loop3A_542 = vector.shape_cast %parallel_loop3A_541 : vector<1x16xf32> to vector<16xf32>
          %parallel_loop3A_543 = arith.constant 1 : i32
          %parallel_loop3A_544 = arith.addi %parallel_loop3A_138, %parallel_loop3A_543 : i32
          %parallel_loop3A_545 = arith.index_cast %parallel_loop3A_544 : i32 to index
          %parallel_loop3A_546 = arith.constant 400 : index
          %parallel_loop3A_547 = tpu.vector_load %arg9[%parallel_loop3A_545, %parallel_loop3A_546] {strides = array<i32>} : memref<24x1024xf32, #tpu.memory_space<vmem>>, vector<1x16xf32>,
          %parallel_loop3A_548 = vector.shape_cast %parallel_loop3A_547 : vector<1x16xf32> to vector<16xf32>
          %parallel_loop3A_549 = arith.addf %parallel_loop3A_542, %parallel_loop3A_548 : vector<16xf32>
          %parallel_loop3A_550 = arith.index_cast %parallel_loop3A_138 : i32 to index
          %parallel_loop3A_551 = arith.constant 400 : index
          %parallel_loop3A_552 = tpu.vector_load %arg7[%parallel_loop3A_550, %parallel_loop3A_551] {strides = array<i32>} : memref<16x1024xf32, #tpu.memory_space<vmem>>, vector<1x16xf32>,
          %parallel_loop3A_553 = vector.shape_cast %parallel_loop3A_552 : vector<1x16xf32> to vector<16xf32>
          %parallel_loop3A_554 = vector.shape_cast %parallel_loop3A_549 : vector<16xf32> to vector<1x16xf32>
          tpu.vector_store %arg7[%parallel_loop3A_550, %parallel_loop3A_551], %parallel_loop3A_554 {strides = array<i32>} : memref<16x1024xf32, #tpu.memory_space<vmem>>, vector<1x16xf32>,
          %parallel_loop3A_555 = arith.index_cast %parallel_loop3A_138 : i32 to index
          %parallel_loop3A_556 = arith.constant 416 : index
          %parallel_loop3A_557 = tpu.vector_load %arg7[%parallel_loop3A_555, %parallel_loop3A_556] {strides = array<i32>} : memref<16x1024xf32, #tpu.memory_space<vmem>>, vector<1x16xf32>,
          %parallel_loop3A_558 = vector.shape_cast %parallel_loop3A_557 : vector<1x16xf32> to vector<16xf32>
          %parallel_loop3A_559 = arith.constant 1 : i32
          %parallel_loop3A_560 = arith.addi %parallel_loop3A_138, %parallel_loop3A_559 : i32
          %parallel_loop3A_561 = arith.index_cast %parallel_loop3A_560 : i32 to index
          %parallel_loop3A_562 = arith.constant 416 : index
          %parallel_loop3A_563 = tpu.vector_load %arg9[%parallel_loop3A_561, %parallel_loop3A_562] {strides = array<i32>} : memref<24x1024xf32, #tpu.memory_space<vmem>>, vector<1x16xf32>,
          %parallel_loop3A_564 = vector.shape_cast %parallel_loop3A_563 : vector<1x16xf32> to vector<16xf32>
          %parallel_loop3A_565 = arith.addf %parallel_loop3A_558, %parallel_loop3A_564 : vector<16xf32>
          %parallel_loop3A_566 = arith.index_cast %parallel_loop3A_138 : i32 to index
          %parallel_loop3A_567 = arith.constant 416 : index
          %parallel_loop3A_568 = tpu.vector_load %arg7[%parallel_loop3A_566, %parallel_loop3A_567] {strides = array<i32>} : memref<16x1024xf32, #tpu.memory_space<vmem>>, vector<1x16xf32>,
          %parallel_loop3A_569 = vector.shape_cast %parallel_loop3A_568 : vector<1x16xf32> to vector<16xf32>
          %parallel_loop3A_570 = vector.shape_cast %parallel_loop3A_565 : vector<16xf32> to vector<1x16xf32>
          tpu.vector_store %arg7[%parallel_loop3A_566, %parallel_loop3A_567], %parallel_loop3A_570 {strides = array<i32>} : memref<16x1024xf32, #tpu.memory_space<vmem>>, vector<1x16xf32>,
          %parallel_loop3A_571 = arith.index_cast %parallel_loop3A_138 : i32 to index
          %parallel_loop3A_572 = arith.constant 432 : index
          %parallel_loop3A_573 = tpu.vector_load %arg7[%parallel_loop3A_571, %parallel_loop3A_572] {strides = array<i32>} : memref<16x1024xf32, #tpu.memory_space<vmem>>, vector<1x16xf32>,
          %parallel_loop3A_574 = vector.shape_cast %parallel_loop3A_573 : vector<1x16xf32> to vector<16xf32>
          %parallel_loop3A_575 = arith.constant 1 : i32
          %parallel_loop3A_576 = arith.addi %parallel_loop3A_138, %parallel_loop3A_575 : i32
          %parallel_loop3A_577 = arith.index_cast %parallel_loop3A_576 : i32 to index
          %parallel_loop3A_578 = arith.constant 432 : index
          %parallel_loop3A_579 = tpu.vector_load %arg9[%parallel_loop3A_577, %parallel_loop3A_578] {strides = array<i32>} : memref<24x1024xf32, #tpu.memory_space<vmem>>, vector<1x16xf32>,
          %parallel_loop3A_580 = vector.shape_cast %parallel_loop3A_579 : vector<1x16xf32> to vector<16xf32>
          %parallel_loop3A_581 = arith.addf %parallel_loop3A_574, %parallel_loop3A_580 : vector<16xf32>
          %parallel_loop3A_582 = arith.index_cast %parallel_loop3A_138 : i32 to index
          %parallel_loop3A_583 = arith.constant 432 : index
          %parallel_loop3A_584 = tpu.vector_load %arg7[%parallel_loop3A_582, %parallel_loop3A_583] {strides = array<i32>} : memref<16x1024xf32, #tpu.memory_space<vmem>>, vector<1x16xf32>,
          %parallel_loop3A_585 = vector.shape_cast %parallel_loop3A_584 : vector<1x16xf32> to vector<16xf32>
          %parallel_loop3A_586 = vector.shape_cast %parallel_loop3A_581 : vector<16xf32> to vector<1x16xf32>
          tpu.vector_store %arg7[%parallel_loop3A_582, %parallel_loop3A_583], %parallel_loop3A_586 {strides = array<i32>} : memref<16x1024xf32, #tpu.memory_space<vmem>>, vector<1x16xf32>,
          %parallel_loop3A_587 = arith.index_cast %parallel_loop3A_138 : i32 to index
          %parallel_loop3A_588 = arith.constant 448 : index
          %parallel_loop3A_589 = tpu.vector_load %arg7[%parallel_loop3A_587, %parallel_loop3A_588] {strides = array<i32>} : memref<16x1024xf32, #tpu.memory_space<vmem>>, vector<1x16xf32>,
          %parallel_loop3A_590 = vector.shape_cast %parallel_loop3A_589 : vector<1x16xf32> to vector<16xf32>
          %parallel_loop3A_591 = arith.constant 1 : i32
          %parallel_loop3A_592 = arith.addi %parallel_loop3A_138, %parallel_loop3A_591 : i32
          %parallel_loop3A_593 = arith.index_cast %parallel_loop3A_592 : i32 to index
          %parallel_loop3A_594 = arith.constant 448 : index
          %parallel_loop3A_595 = tpu.vector_load %arg9[%parallel_loop3A_593, %parallel_loop3A_594] {strides = array<i32>} : memref<24x1024xf32, #tpu.memory_space<vmem>>, vector<1x16xf32>,
          %parallel_loop3A_596 = vector.shape_cast %parallel_loop3A_595 : vector<1x16xf32> to vector<16xf32>
          %parallel_loop3A_597 = arith.addf %parallel_loop3A_590, %parallel_loop3A_596 : vector<16xf32>
          %parallel_loop3A_598 = arith.index_cast %parallel_loop3A_138 : i32 to index
          %parallel_loop3A_599 = arith.constant 448 : index
          %parallel_loop3A_600 = tpu.vector_load %arg7[%parallel_loop3A_598, %parallel_loop3A_599] {strides = array<i32>} : memref<16x1024xf32, #tpu.memory_space<vmem>>, vector<1x16xf32>,
          %parallel_loop3A_601 = vector.shape_cast %parallel_loop3A_600 : vector<1x16xf32> to vector<16xf32>
          %parallel_loop3A_602 = vector.shape_cast %parallel_loop3A_597 : vector<16xf32> to vector<1x16xf32>
          tpu.vector_store %arg7[%parallel_loop3A_598, %parallel_loop3A_599], %parallel_loop3A_602 {strides = array<i32>} : memref<16x1024xf32, #tpu.memory_space<vmem>>, vector<1x16xf32>,
          %parallel_loop3A_603 = arith.index_cast %parallel_loop3A_138 : i32 to index
          %parallel_loop3A_604 = arith.constant 464 : index
          %parallel_loop3A_605 = tpu.vector_load %arg7[%parallel_loop3A_603, %parallel_loop3A_604] {strides = array<i32>} : memref<16x1024xf32, #tpu.memory_space<vmem>>, vector<1x16xf32>,
          %parallel_loop3A_606 = vector.shape_cast %parallel_loop3A_605 : vector<1x16xf32> to vector<16xf32>
          %parallel_loop3A_607 = arith.constant 1 : i32
          %parallel_loop3A_608 = arith.addi %parallel_loop3A_138, %parallel_loop3A_607 : i32
          %parallel_loop3A_609 = arith.index_cast %parallel_loop3A_608 : i32 to index
          %parallel_loop3A_610 = arith.constant 464 : index
          %parallel_loop3A_611 = tpu.vector_load %arg9[%parallel_loop3A_609, %parallel_loop3A_610] {strides = array<i32>} : memref<24x1024xf32, #tpu.memory_space<vmem>>, vector<1x16xf32>,
          %parallel_loop3A_612 = vector.shape_cast %parallel_loop3A_611 : vector<1x16xf32> to vector<16xf32>
          %parallel_loop3A_613 = arith.addf %parallel_loop3A_606, %parallel_loop3A_612 : vector<16xf32>
          %parallel_loop3A_614 = arith.index_cast %parallel_loop3A_138 : i32 to index
          %parallel_loop3A_615 = arith.constant 464 : index
          %parallel_loop3A_616 = tpu.vector_load %arg7[%parallel_loop3A_614, %parallel_loop3A_615] {strides = array<i32>} : memref<16x1024xf32, #tpu.memory_space<vmem>>, vector<1x16xf32>,
          %parallel_loop3A_617 = vector.shape_cast %parallel_loop3A_616 : vector<1x16xf32> to vector<16xf32>
          %parallel_loop3A_618 = vector.shape_cast %parallel_loop3A_613 : vector<16xf32> to vector<1x16xf32>
          tpu.vector_store %arg7[%parallel_loop3A_614, %parallel_loop3A_615], %parallel_loop3A_618 {strides = array<i32>} : memref<16x1024xf32, #tpu.memory_space<vmem>>, vector<1x16xf32>,
          %parallel_loop3A_619 = arith.index_cast %parallel_loop3A_138 : i32 to index
          %parallel_loop3A_620 = arith.constant 480 : index
          %parallel_loop3A_621 = tpu.vector_load %arg7[%parallel_loop3A_619, %parallel_loop3A_620] {strides = array<i32>} : memref<16x1024xf32, #tpu.memory_space<vmem>>, vector<1x16xf32>,
          %parallel_loop3A_622 = vector.shape_cast %parallel_loop3A_621 : vector<1x16xf32> to vector<16xf32>
          %parallel_loop3A_623 = arith.constant 1 : i32
          %parallel_loop3A_624 = arith.addi %parallel_loop3A_138, %parallel_loop3A_623 : i32
          %parallel_loop3A_625 = arith.index_cast %parallel_loop3A_624 : i32 to index
          %parallel_loop3A_626 = arith.constant 480 : index
          %parallel_loop3A_627 = tpu.vector_load %arg9[%parallel_loop3A_625, %parallel_loop3A_626] {strides = array<i32>} : memref<24x1024xf32, #tpu.memory_space<vmem>>, vector<1x16xf32>,
          %parallel_loop3A_628 = vector.shape_cast %parallel_loop3A_627 : vector<1x16xf32> to vector<16xf32>
          %parallel_loop3A_629 = arith.addf %parallel_loop3A_622, %parallel_loop3A_628 : vector<16xf32>
          %parallel_loop3A_630 = arith.index_cast %parallel_loop3A_138 : i32 to index
          %parallel_loop3A_631 = arith.constant 480 : index
          %parallel_loop3A_632 = tpu.vector_load %arg7[%parallel_loop3A_630, %parallel_loop3A_631] {strides = array<i32>} : memref<16x1024xf32, #tpu.memory_space<vmem>>, vector<1x16xf32>,
          %parallel_loop3A_633 = vector.shape_cast %parallel_loop3A_632 : vector<1x16xf32> to vector<16xf32>
          %parallel_loop3A_634 = vector.shape_cast %parallel_loop3A_629 : vector<16xf32> to vector<1x16xf32>
          tpu.vector_store %arg7[%parallel_loop3A_630, %parallel_loop3A_631], %parallel_loop3A_634 {strides = array<i32>} : memref<16x1024xf32, #tpu.memory_space<vmem>>, vector<1x16xf32>,
          %parallel_loop3A_635 = arith.index_cast %parallel_loop3A_138 : i32 to index
          %parallel_loop3A_636 = arith.constant 496 : index
          %parallel_loop3A_637 = tpu.vector_load %arg7[%parallel_loop3A_635, %parallel_loop3A_636] {strides = array<i32>} : memref<16x1024xf32, #tpu.memory_space<vmem>>, vector<1x16xf32>,
          %parallel_loop3A_638 = vector.shape_cast %parallel_loop3A_637 : vector<1x16xf32> to vector<16xf32>
          %parallel_loop3A_639 = arith.constant 1 : i32
          %parallel_loop3A_640 = arith.addi %parallel_loop3A_138, %parallel_loop3A_639 : i32
          %parallel_loop3A_641 = arith.index_cast %parallel_loop3A_640 : i32 to index
          %parallel_loop3A_642 = arith.constant 496 : index
          %parallel_loop3A_643 = tpu.vector_load %arg9[%parallel_loop3A_641, %parallel_loop3A_642] {strides = array<i32>} : memref<24x1024xf32, #tpu.memory_space<vmem>>, vector<1x16xf32>,
          %parallel_loop3A_644 = vector.shape_cast %parallel_loop3A_643 : vector<1x16xf32> to vector<16xf32>
          %parallel_loop3A_645 = arith.addf %parallel_loop3A_638, %parallel_loop3A_644 : vector<16xf32>
          %parallel_loop3A_646 = arith.index_cast %parallel_loop3A_138 : i32 to index
          %parallel_loop3A_647 = arith.constant 496 : index
          %parallel_loop3A_648 = tpu.vector_load %arg7[%parallel_loop3A_646, %parallel_loop3A_647] {strides = array<i32>} : memref<16x1024xf32, #tpu.memory_space<vmem>>, vector<1x16xf32>,
          %parallel_loop3A_649 = vector.shape_cast %parallel_loop3A_648 : vector<1x16xf32> to vector<16xf32>
          %parallel_loop3A_650 = vector.shape_cast %parallel_loop3A_645 : vector<16xf32> to vector<1x16xf32>
          tpu.vector_store %arg7[%parallel_loop3A_646, %parallel_loop3A_647], %parallel_loop3A_650 {strides = array<i32>} : memref<16x1024xf32, #tpu.memory_space<vmem>>, vector<1x16xf32>,
          %parallel_loop3A_651 = arith.index_cast %parallel_loop3A_138 : i32 to index
          %parallel_loop3A_652 = arith.constant 512 : index
          %parallel_loop3A_653 = tpu.vector_load %arg7[%parallel_loop3A_651, %parallel_loop3A_652] {strides = array<i32>} : memref<16x1024xf32, #tpu.memory_space<vmem>>, vector<1x16xf32>,
          %parallel_loop3A_654 = vector.shape_cast %parallel_loop3A_653 : vector<1x16xf32> to vector<16xf32>
          %parallel_loop3A_655 = arith.constant 1 : i32
          %parallel_loop3A_656 = arith.addi %parallel_loop3A_138, %parallel_loop3A_655 : i32
          %parallel_loop3A_657 = arith.index_cast %parallel_loop3A_656 : i32 to index
          %parallel_loop3A_658 = arith.constant 512 : index
          %parallel_loop3A_659 = tpu.vector_load %arg9[%parallel_loop3A_657, %parallel_loop3A_658] {strides = array<i32>} : memref<24x1024xf32, #tpu.memory_space<vmem>>, vector<1x16xf32>,
          %parallel_loop3A_660 = vector.shape_cast %parallel_loop3A_659 : vector<1x16xf32> to vector<16xf32>
          %parallel_loop3A_661 = arith.addf %parallel_loop3A_654, %parallel_loop3A_660 : vector<16xf32>
          %parallel_loop3A_662 = arith.index_cast %parallel_loop3A_138 : i32 to index
          %parallel_loop3A_663 = arith.constant 512 : index
          %parallel_loop3A_664 = tpu.vector_load %arg7[%parallel_loop3A_662, %parallel_loop3A_663] {strides = array<i32>} : memref<16x1024xf32, #tpu.memory_space<vmem>>, vector<1x16xf32>,
          %parallel_loop3A_665 = vector.shape_cast %parallel_loop3A_664 : vector<1x16xf32> to vector<16xf32>
          %parallel_loop3A_666 = vector.shape_cast %parallel_loop3A_661 : vector<16xf32> to vector<1x16xf32>
          tpu.vector_store %arg7[%parallel_loop3A_662, %parallel_loop3A_663], %parallel_loop3A_666 {strides = array<i32>} : memref<16x1024xf32, #tpu.memory_space<vmem>>, vector<1x16xf32>,
          %parallel_loop3A_667 = arith.index_cast %parallel_loop3A_138 : i32 to index
          %parallel_loop3A_668 = arith.constant 528 : index
          %parallel_loop3A_669 = tpu.vector_load %arg7[%parallel_loop3A_667, %parallel_loop3A_668] {strides = array<i32>} : memref<16x1024xf32, #tpu.memory_space<vmem>>, vector<1x16xf32>,
          %parallel_loop3A_670 = vector.shape_cast %parallel_loop3A_669 : vector<1x16xf32> to vector<16xf32>
          %parallel_loop3A_671 = arith.constant 1 : i32
          %parallel_loop3A_672 = arith.addi %parallel_loop3A_138, %parallel_loop3A_671 : i32
          %parallel_loop3A_673 = arith.index_cast %parallel_loop3A_672 : i32 to index
          %parallel_loop3A_674 = arith.constant 528 : index
          %parallel_loop3A_675 = tpu.vector_load %arg9[%parallel_loop3A_673, %parallel_loop3A_674] {strides = array<i32>} : memref<24x1024xf32, #tpu.memory_space<vmem>>, vector<1x16xf32>,
          %parallel_loop3A_676 = vector.shape_cast %parallel_loop3A_675 : vector<1x16xf32> to vector<16xf32>
          %parallel_loop3A_677 = arith.addf %parallel_loop3A_670, %parallel_loop3A_676 : vector<16xf32>
          %parallel_loop3A_678 = arith.index_cast %parallel_loop3A_138 : i32 to index
          %parallel_loop3A_679 = arith.constant 528 : index
          %parallel_loop3A_680 = tpu.vector_load %arg7[%parallel_loop3A_678, %parallel_loop3A_679] {strides = array<i32>} : memref<16x1024xf32, #tpu.memory_space<vmem>>, vector<1x16xf32>,
          %parallel_loop3A_681 = vector.shape_cast %parallel_loop3A_680 : vector<1x16xf32> to vector<16xf32>
          %parallel_loop3A_682 = vector.shape_cast %parallel_loop3A_677 : vector<16xf32> to vector<1x16xf32>
          tpu.vector_store %arg7[%parallel_loop3A_678, %parallel_loop3A_679], %parallel_loop3A_682 {strides = array<i32>} : memref<16x1024xf32, #tpu.memory_space<vmem>>, vector<1x16xf32>,
          %parallel_loop3A_683 = arith.index_cast %parallel_loop3A_138 : i32 to index
          %parallel_loop3A_684 = arith.constant 544 : index
          %parallel_loop3A_685 = tpu.vector_load %arg7[%parallel_loop3A_683, %parallel_loop3A_684] {strides = array<i32>} : memref<16x1024xf32, #tpu.memory_space<vmem>>, vector<1x16xf32>,
          %parallel_loop3A_686 = vector.shape_cast %parallel_loop3A_685 : vector<1x16xf32> to vector<16xf32>
          %parallel_loop3A_687 = arith.constant 1 : i32
          %parallel_loop3A_688 = arith.addi %parallel_loop3A_138, %parallel_loop3A_687 : i32
          %parallel_loop3A_689 = arith.index_cast %parallel_loop3A_688 : i32 to index
          %parallel_loop3A_690 = arith.constant 544 : index
          %parallel_loop3A_691 = tpu.vector_load %arg9[%parallel_loop3A_689, %parallel_loop3A_690] {strides = array<i32>} : memref<24x1024xf32, #tpu.memory_space<vmem>>, vector<1x16xf32>,
          %parallel_loop3A_692 = vector.shape_cast %parallel_loop3A_691 : vector<1x16xf32> to vector<16xf32>
          %parallel_loop3A_693 = arith.addf %parallel_loop3A_686, %parallel_loop3A_692 : vector<16xf32>
          %parallel_loop3A_694 = arith.index_cast %parallel_loop3A_138 : i32 to index
          %parallel_loop3A_695 = arith.constant 544 : index
          %parallel_loop3A_696 = tpu.vector_load %arg7[%parallel_loop3A_694, %parallel_loop3A_695] {strides = array<i32>} : memref<16x1024xf32, #tpu.memory_space<vmem>>, vector<1x16xf32>,
          %parallel_loop3A_697 = vector.shape_cast %parallel_loop3A_696 : vector<1x16xf32> to vector<16xf32>
          %parallel_loop3A_698 = vector.shape_cast %parallel_loop3A_693 : vector<16xf32> to vector<1x16xf32>
          tpu.vector_store %arg7[%parallel_loop3A_694, %parallel_loop3A_695], %parallel_loop3A_698 {strides = array<i32>} : memref<16x1024xf32, #tpu.memory_space<vmem>>, vector<1x16xf32>,
          %parallel_loop3A_699 = arith.index_cast %parallel_loop3A_138 : i32 to index
          %parallel_loop3A_700 = arith.constant 560 : index
          %parallel_loop3A_701 = tpu.vector_load %arg7[%parallel_loop3A_699, %parallel_loop3A_700] {strides = array<i32>} : memref<16x1024xf32, #tpu.memory_space<vmem>>, vector<1x16xf32>,
          %parallel_loop3A_702 = vector.shape_cast %parallel_loop3A_701 : vector<1x16xf32> to vector<16xf32>
          %parallel_loop3A_703 = arith.constant 1 : i32
          %parallel_loop3A_704 = arith.addi %parallel_loop3A_138, %parallel_loop3A_703 : i32
          %parallel_loop3A_705 = arith.index_cast %parallel_loop3A_704 : i32 to index
          %parallel_loop3A_706 = arith.constant 560 : index
          %parallel_loop3A_707 = tpu.vector_load %arg9[%parallel_loop3A_705, %parallel_loop3A_706] {strides = array<i32>} : memref<24x1024xf32, #tpu.memory_space<vmem>>, vector<1x16xf32>,
          %parallel_loop3A_708 = vector.shape_cast %parallel_loop3A_707 : vector<1x16xf32> to vector<16xf32>
          %parallel_loop3A_709 = arith.addf %parallel_loop3A_702, %parallel_loop3A_708 : vector<16xf32>
          %parallel_loop3A_710 = arith.index_cast %parallel_loop3A_138 : i32 to index
          %parallel_loop3A_711 = arith.constant 560 : index
          %parallel_loop3A_712 = tpu.vector_load %arg7[%parallel_loop3A_710, %parallel_loop3A_711] {strides = array<i32>} : memref<16x1024xf32, #tpu.memory_space<vmem>>, vector<1x16xf32>,
          %parallel_loop3A_713 = vector.shape_cast %parallel_loop3A_712 : vector<1x16xf32> to vector<16xf32>
          %parallel_loop3A_714 = vector.shape_cast %parallel_loop3A_709 : vector<16xf32> to vector<1x16xf32>
          tpu.vector_store %arg7[%parallel_loop3A_710, %parallel_loop3A_711], %parallel_loop3A_714 {strides = array<i32>} : memref<16x1024xf32, #tpu.memory_space<vmem>>, vector<1x16xf32>,
          %parallel_loop3A_715 = arith.index_cast %parallel_loop3A_138 : i32 to index
          %parallel_loop3A_716 = arith.constant 576 : index
          %parallel_loop3A_717 = tpu.vector_load %arg7[%parallel_loop3A_715, %parallel_loop3A_716] {strides = array<i32>} : memref<16x1024xf32, #tpu.memory_space<vmem>>, vector<1x16xf32>,
          %parallel_loop3A_718 = vector.shape_cast %parallel_loop3A_717 : vector<1x16xf32> to vector<16xf32>
          %parallel_loop3A_719 = arith.constant 1 : i32
          %parallel_loop3A_720 = arith.addi %parallel_loop3A_138, %parallel_loop3A_719 : i32
          %parallel_loop3A_721 = arith.index_cast %parallel_loop3A_720 : i32 to index
          %parallel_loop3A_722 = arith.constant 576 : index
          %parallel_loop3A_723 = tpu.vector_load %arg9[%parallel_loop3A_721, %parallel_loop3A_722] {strides = array<i32>} : memref<24x1024xf32, #tpu.memory_space<vmem>>, vector<1x16xf32>,
          %parallel_loop3A_724 = vector.shape_cast %parallel_loop3A_723 : vector<1x16xf32> to vector<16xf32>
          %parallel_loop3A_725 = arith.addf %parallel_loop3A_718, %parallel_loop3A_724 : vector<16xf32>
          %parallel_loop3A_726 = arith.index_cast %parallel_loop3A_138 : i32 to index
          %parallel_loop3A_727 = arith.constant 576 : index
          %parallel_loop3A_728 = tpu.vector_load %arg7[%parallel_loop3A_726, %parallel_loop3A_727] {strides = array<i32>} : memref<16x1024xf32, #tpu.memory_space<vmem>>, vector<1x16xf32>,
          %parallel_loop3A_729 = vector.shape_cast %parallel_loop3A_728 : vector<1x16xf32> to vector<16xf32>
          %parallel_loop3A_730 = vector.shape_cast %parallel_loop3A_725 : vector<16xf32> to vector<1x16xf32>
          tpu.vector_store %arg7[%parallel_loop3A_726, %parallel_loop3A_727], %parallel_loop3A_730 {strides = array<i32>} : memref<16x1024xf32, #tpu.memory_space<vmem>>, vector<1x16xf32>,
          %parallel_loop3A_731 = arith.index_cast %parallel_loop3A_138 : i32 to index
          %parallel_loop3A_732 = arith.constant 592 : index
          %parallel_loop3A_733 = tpu.vector_load %arg7[%parallel_loop3A_731, %parallel_loop3A_732] {strides = array<i32>} : memref<16x1024xf32, #tpu.memory_space<vmem>>, vector<1x16xf32>,
          %parallel_loop3A_734 = vector.shape_cast %parallel_loop3A_733 : vector<1x16xf32> to vector<16xf32>
          %parallel_loop3A_735 = arith.constant 1 : i32
          %parallel_loop3A_736 = arith.addi %parallel_loop3A_138, %parallel_loop3A_735 : i32
          %parallel_loop3A_737 = arith.index_cast %parallel_loop3A_736 : i32 to index
          %parallel_loop3A_738 = arith.constant 592 : index
          %parallel_loop3A_739 = tpu.vector_load %arg9[%parallel_loop3A_737, %parallel_loop3A_738] {strides = array<i32>} : memref<24x1024xf32, #tpu.memory_space<vmem>>, vector<1x16xf32>,
          %parallel_loop3A_740 = vector.shape_cast %parallel_loop3A_739 : vector<1x16xf32> to vector<16xf32>
          %parallel_loop3A_741 = arith.addf %parallel_loop3A_734, %parallel_loop3A_740 : vector<16xf32>
          %parallel_loop3A_742 = arith.index_cast %parallel_loop3A_138 : i32 to index
          %parallel_loop3A_743 = arith.constant 592 : index
          %parallel_loop3A_744 = tpu.vector_load %arg7[%parallel_loop3A_742, %parallel_loop3A_743] {strides = array<i32>} : memref<16x1024xf32, #tpu.memory_space<vmem>>, vector<1x16xf32>,
          %parallel_loop3A_745 = vector.shape_cast %parallel_loop3A_744 : vector<1x16xf32> to vector<16xf32>
          %parallel_loop3A_746 = vector.shape_cast %parallel_loop3A_741 : vector<16xf32> to vector<1x16xf32>
          tpu.vector_store %arg7[%parallel_loop3A_742, %parallel_loop3A_743], %parallel_loop3A_746 {strides = array<i32>} : memref<16x1024xf32, #tpu.memory_space<vmem>>, vector<1x16xf32>,
          %parallel_loop3A_747 = arith.index_cast %parallel_loop3A_138 : i32 to index
          %parallel_loop3A_748 = arith.constant 608 : index
          %parallel_loop3A_749 = tpu.vector_load %arg7[%parallel_loop3A_747, %parallel_loop3A_748] {strides = array<i32>} : memref<16x1024xf32, #tpu.memory_space<vmem>>, vector<1x16xf32>,
          %parallel_loop3A_750 = vector.shape_cast %parallel_loop3A_749 : vector<1x16xf32> to vector<16xf32>
          %parallel_loop3A_751 = arith.constant 1 : i32
          %parallel_loop3A_752 = arith.addi %parallel_loop3A_138, %parallel_loop3A_751 : i32
          %parallel_loop3A_753 = arith.index_cast %parallel_loop3A_752 : i32 to index
          %parallel_loop3A_754 = arith.constant 608 : index
          %parallel_loop3A_755 = tpu.vector_load %arg9[%parallel_loop3A_753, %parallel_loop3A_754] {strides = array<i32>} : memref<24x1024xf32, #tpu.memory_space<vmem>>, vector<1x16xf32>,
          %parallel_loop3A_756 = vector.shape_cast %parallel_loop3A_755 : vector<1x16xf32> to vector<16xf32>
          %parallel_loop3A_757 = arith.addf %parallel_loop3A_750, %parallel_loop3A_756 : vector<16xf32>
          %parallel_loop3A_758 = arith.index_cast %parallel_loop3A_138 : i32 to index
          %parallel_loop3A_759 = arith.constant 608 : index
          %parallel_loop3A_760 = tpu.vector_load %arg7[%parallel_loop3A_758, %parallel_loop3A_759] {strides = array<i32>} : memref<16x1024xf32, #tpu.memory_space<vmem>>, vector<1x16xf32>,
          %parallel_loop3A_761 = vector.shape_cast %parallel_loop3A_760 : vector<1x16xf32> to vector<16xf32>
          %parallel_loop3A_762 = vector.shape_cast %parallel_loop3A_757 : vector<16xf32> to vector<1x16xf32>
          tpu.vector_store %arg7[%parallel_loop3A_758, %parallel_loop3A_759], %parallel_loop3A_762 {strides = array<i32>} : memref<16x1024xf32, #tpu.memory_space<vmem>>, vector<1x16xf32>,
          %parallel_loop3A_763 = arith.index_cast %parallel_loop3A_138 : i32 to index
          %parallel_loop3A_764 = arith.constant 624 : index
          %parallel_loop3A_765 = tpu.vector_load %arg7[%parallel_loop3A_763, %parallel_loop3A_764] {strides = array<i32>} : memref<16x1024xf32, #tpu.memory_space<vmem>>, vector<1x16xf32>,
          %parallel_loop3A_766 = vector.shape_cast %parallel_loop3A_765 : vector<1x16xf32> to vector<16xf32>
          %parallel_loop3A_767 = arith.constant 1 : i32
          %parallel_loop3A_768 = arith.addi %parallel_loop3A_138, %parallel_loop3A_767 : i32
          %parallel_loop3A_769 = arith.index_cast %parallel_loop3A_768 : i32 to index
          %parallel_loop3A_770 = arith.constant 624 : index
          %parallel_loop3A_771 = tpu.vector_load %arg9[%parallel_loop3A_769, %parallel_loop3A_770] {strides = array<i32>} : memref<24x1024xf32, #tpu.memory_space<vmem>>, vector<1x16xf32>,
          %parallel_loop3A_772 = vector.shape_cast %parallel_loop3A_771 : vector<1x16xf32> to vector<16xf32>
          %parallel_loop3A_773 = arith.addf %parallel_loop3A_766, %parallel_loop3A_772 : vector<16xf32>
          %parallel_loop3A_774 = arith.index_cast %parallel_loop3A_138 : i32 to index
          %parallel_loop3A_775 = arith.constant 624 : index
          %parallel_loop3A_776 = tpu.vector_load %arg7[%parallel_loop3A_774, %parallel_loop3A_775] {strides = array<i32>} : memref<16x1024xf32, #tpu.memory_space<vmem>>, vector<1x16xf32>,
          %parallel_loop3A_777 = vector.shape_cast %parallel_loop3A_776 : vector<1x16xf32> to vector<16xf32>
          %parallel_loop3A_778 = vector.shape_cast %parallel_loop3A_773 : vector<16xf32> to vector<1x16xf32>
          tpu.vector_store %arg7[%parallel_loop3A_774, %parallel_loop3A_775], %parallel_loop3A_778 {strides = array<i32>} : memref<16x1024xf32, #tpu.memory_space<vmem>>, vector<1x16xf32>,
          %parallel_loop3A_779 = arith.index_cast %parallel_loop3A_138 : i32 to index
          %parallel_loop3A_780 = arith.constant 640 : index
          %parallel_loop3A_781 = tpu.vector_load %arg7[%parallel_loop3A_779, %parallel_loop3A_780] {strides = array<i32>} : memref<16x1024xf32, #tpu.memory_space<vmem>>, vector<1x16xf32>,
          %parallel_loop3A_782 = vector.shape_cast %parallel_loop3A_781 : vector<1x16xf32> to vector<16xf32>
          %parallel_loop3A_783 = arith.constant 1 : i32
          %parallel_loop3A_784 = arith.addi %parallel_loop3A_138, %parallel_loop3A_783 : i32
          %parallel_loop3A_785 = arith.index_cast %parallel_loop3A_784 : i32 to index
          %parallel_loop3A_786 = arith.constant 640 : index
          %parallel_loop3A_787 = tpu.vector_load %arg9[%parallel_loop3A_785, %parallel_loop3A_786] {strides = array<i32>} : memref<24x1024xf32, #tpu.memory_space<vmem>>, vector<1x16xf32>,
          %parallel_loop3A_788 = vector.shape_cast %parallel_loop3A_787 : vector<1x16xf32> to vector<16xf32>
          %parallel_loop3A_789 = arith.addf %parallel_loop3A_782, %parallel_loop3A_788 : vector<16xf32>
          %parallel_loop3A_790 = arith.index_cast %parallel_loop3A_138 : i32 to index
          %parallel_loop3A_791 = arith.constant 640 : index
          %parallel_loop3A_792 = tpu.vector_load %arg7[%parallel_loop3A_790, %parallel_loop3A_791] {strides = array<i32>} : memref<16x1024xf32, #tpu.memory_space<vmem>>, vector<1x16xf32>,
          %parallel_loop3A_793 = vector.shape_cast %parallel_loop3A_792 : vector<1x16xf32> to vector<16xf32>
          %parallel_loop3A_794 = vector.shape_cast %parallel_loop3A_789 : vector<16xf32> to vector<1x16xf32>
          tpu.vector_store %arg7[%parallel_loop3A_790, %parallel_loop3A_791], %parallel_loop3A_794 {strides = array<i32>} : memref<16x1024xf32, #tpu.memory_space<vmem>>, vector<1x16xf32>,
          %parallel_loop3A_795 = arith.index_cast %parallel_loop3A_138 : i32 to index
          %parallel_loop3A_796 = arith.constant 656 : index
          %parallel_loop3A_797 = tpu.vector_load %arg7[%parallel_loop3A_795, %parallel_loop3A_796] {strides = array<i32>} : memref<16x1024xf32, #tpu.memory_space<vmem>>, vector<1x16xf32>,
          %parallel_loop3A_798 = vector.shape_cast %parallel_loop3A_797 : vector<1x16xf32> to vector<16xf32>
          %parallel_loop3A_799 = arith.constant 1 : i32
          %parallel_loop3A_800 = arith.addi %parallel_loop3A_138, %parallel_loop3A_799 : i32
          %parallel_loop3A_801 = arith.index_cast %parallel_loop3A_800 : i32 to index
          %parallel_loop3A_802 = arith.constant 656 : index
          %parallel_loop3A_803 = tpu.vector_load %arg9[%parallel_loop3A_801, %parallel_loop3A_802] {strides = array<i32>} : memref<24x1024xf32, #tpu.memory_space<vmem>>, vector<1x16xf32>,
          %parallel_loop3A_804 = vector.shape_cast %parallel_loop3A_803 : vector<1x16xf32> to vector<16xf32>
          %parallel_loop3A_805 = arith.addf %parallel_loop3A_798, %parallel_loop3A_804 : vector<16xf32>
          %parallel_loop3A_806 = arith.index_cast %parallel_loop3A_138 : i32 to index
          %parallel_loop3A_807 = arith.constant 656 : index
          %parallel_loop3A_808 = tpu.vector_load %arg7[%parallel_loop3A_806, %parallel_loop3A_807] {strides = array<i32>} : memref<16x1024xf32, #tpu.memory_space<vmem>>, vector<1x16xf32>,
          %parallel_loop3A_809 = vector.shape_cast %parallel_loop3A_808 : vector<1x16xf32> to vector<16xf32>
          %parallel_loop3A_810 = vector.shape_cast %parallel_loop3A_805 : vector<16xf32> to vector<1x16xf32>
          tpu.vector_store %arg7[%parallel_loop3A_806, %parallel_loop3A_807], %parallel_loop3A_810 {strides = array<i32>} : memref<16x1024xf32, #tpu.memory_space<vmem>>, vector<1x16xf32>,
          %parallel_loop3A_811 = arith.index_cast %parallel_loop3A_138 : i32 to index
          %parallel_loop3A_812 = arith.constant 672 : index
          %parallel_loop3A_813 = tpu.vector_load %arg7[%parallel_loop3A_811, %parallel_loop3A_812] {strides = array<i32>} : memref<16x1024xf32, #tpu.memory_space<vmem>>, vector<1x16xf32>,
          %parallel_loop3A_814 = vector.shape_cast %parallel_loop3A_813 : vector<1x16xf32> to vector<16xf32>
          %parallel_loop3A_815 = arith.constant 1 : i32
          %parallel_loop3A_816 = arith.addi %parallel_loop3A_138, %parallel_loop3A_815 : i32
          %parallel_loop3A_817 = arith.index_cast %parallel_loop3A_816 : i32 to index
          %parallel_loop3A_818 = arith.constant 672 : index
          %parallel_loop3A_819 = tpu.vector_load %arg9[%parallel_loop3A_817, %parallel_loop3A_818] {strides = array<i32>} : memref<24x1024xf32, #tpu.memory_space<vmem>>, vector<1x16xf32>,
          %parallel_loop3A_820 = vector.shape_cast %parallel_loop3A_819 : vector<1x16xf32> to vector<16xf32>
          %parallel_loop3A_821 = arith.addf %parallel_loop3A_814, %parallel_loop3A_820 : vector<16xf32>
          %parallel_loop3A_822 = arith.index_cast %parallel_loop3A_138 : i32 to index
          %parallel_loop3A_823 = arith.constant 672 : index
          %parallel_loop3A_824 = tpu.vector_load %arg7[%parallel_loop3A_822, %parallel_loop3A_823] {strides = array<i32>} : memref<16x1024xf32, #tpu.memory_space<vmem>>, vector<1x16xf32>,
          %parallel_loop3A_825 = vector.shape_cast %parallel_loop3A_824 : vector<1x16xf32> to vector<16xf32>
          %parallel_loop3A_826 = vector.shape_cast %parallel_loop3A_821 : vector<16xf32> to vector<1x16xf32>
          tpu.vector_store %arg7[%parallel_loop3A_822, %parallel_loop3A_823], %parallel_loop3A_826 {strides = array<i32>} : memref<16x1024xf32, #tpu.memory_space<vmem>>, vector<1x16xf32>,
          %parallel_loop3A_827 = arith.index_cast %parallel_loop3A_138 : i32 to index
          %parallel_loop3A_828 = arith.constant 688 : index
          %parallel_loop3A_829 = tpu.vector_load %arg7[%parallel_loop3A_827, %parallel_loop3A_828] {strides = array<i32>} : memref<16x1024xf32, #tpu.memory_space<vmem>>, vector<1x16xf32>,
          %parallel_loop3A_830 = vector.shape_cast %parallel_loop3A_829 : vector<1x16xf32> to vector<16xf32>
          %parallel_loop3A_831 = arith.constant 1 : i32
          %parallel_loop3A_832 = arith.addi %parallel_loop3A_138, %parallel_loop3A_831 : i32
          %parallel_loop3A_833 = arith.index_cast %parallel_loop3A_832 : i32 to index
          %parallel_loop3A_834 = arith.constant 688 : index
          %parallel_loop3A_835 = tpu.vector_load %arg9[%parallel_loop3A_833, %parallel_loop3A_834] {strides = array<i32>} : memref<24x1024xf32, #tpu.memory_space<vmem>>, vector<1x16xf32>,
          %parallel_loop3A_836 = vector.shape_cast %parallel_loop3A_835 : vector<1x16xf32> to vector<16xf32>
          %parallel_loop3A_837 = arith.addf %parallel_loop3A_830, %parallel_loop3A_836 : vector<16xf32>
          %parallel_loop3A_838 = arith.index_cast %parallel_loop3A_138 : i32 to index
          %parallel_loop3A_839 = arith.constant 688 : index
          %parallel_loop3A_840 = tpu.vector_load %arg7[%parallel_loop3A_838, %parallel_loop3A_839] {strides = array<i32>} : memref<16x1024xf32, #tpu.memory_space<vmem>>, vector<1x16xf32>,
          %parallel_loop3A_841 = vector.shape_cast %parallel_loop3A_840 : vector<1x16xf32> to vector<16xf32>
          %parallel_loop3A_842 = vector.shape_cast %parallel_loop3A_837 : vector<16xf32> to vector<1x16xf32>
          tpu.vector_store %arg7[%parallel_loop3A_838, %parallel_loop3A_839], %parallel_loop3A_842 {strides = array<i32>} : memref<16x1024xf32, #tpu.memory_space<vmem>>, vector<1x16xf32>,
          %parallel_loop3A_843 = arith.index_cast %parallel_loop3A_138 : i32 to index
          %parallel_loop3A_844 = arith.constant 704 : index
          %parallel_loop3A_845 = tpu.vector_load %arg7[%parallel_loop3A_843, %parallel_loop3A_844] {strides = array<i32>} : memref<16x1024xf32, #tpu.memory_space<vmem>>, vector<1x16xf32>,
          %parallel_loop3A_846 = vector.shape_cast %parallel_loop3A_845 : vector<1x16xf32> to vector<16xf32>
          %parallel_loop3A_847 = arith.constant 1 : i32
          %parallel_loop3A_848 = arith.addi %parallel_loop3A_138, %parallel_loop3A_847 : i32
          %parallel_loop3A_849 = arith.index_cast %parallel_loop3A_848 : i32 to index
          %parallel_loop3A_850 = arith.constant 704 : index
          %parallel_loop3A_851 = tpu.vector_load %arg9[%parallel_loop3A_849, %parallel_loop3A_850] {strides = array<i32>} : memref<24x1024xf32, #tpu.memory_space<vmem>>, vector<1x16xf32>,
          %parallel_loop3A_852 = vector.shape_cast %parallel_loop3A_851 : vector<1x16xf32> to vector<16xf32>
          %parallel_loop3A_853 = arith.addf %parallel_loop3A_846, %parallel_loop3A_852 : vector<16xf32>
          %parallel_loop3A_854 = arith.index_cast %parallel_loop3A_138 : i32 to index
          %parallel_loop3A_855 = arith.constant 704 : index
          %parallel_loop3A_856 = tpu.vector_load %arg7[%parallel_loop3A_854, %parallel_loop3A_855] {strides = array<i32>} : memref<16x1024xf32, #tpu.memory_space<vmem>>, vector<1x16xf32>,
          %parallel_loop3A_857 = vector.shape_cast %parallel_loop3A_856 : vector<1x16xf32> to vector<16xf32>
          %parallel_loop3A_858 = vector.shape_cast %parallel_loop3A_853 : vector<16xf32> to vector<1x16xf32>
          tpu.vector_store %arg7[%parallel_loop3A_854, %parallel_loop3A_855], %parallel_loop3A_858 {strides = array<i32>} : memref<16x1024xf32, #tpu.memory_space<vmem>>, vector<1x16xf32>,
          %parallel_loop3A_859 = arith.index_cast %parallel_loop3A_138 : i32 to index
          %parallel_loop3A_860 = arith.constant 720 : index
          %parallel_loop3A_861 = tpu.vector_load %arg7[%parallel_loop3A_859, %parallel_loop3A_860] {strides = array<i32>} : memref<16x1024xf32, #tpu.memory_space<vmem>>, vector<1x16xf32>,
          %parallel_loop3A_862 = vector.shape_cast %parallel_loop3A_861 : vector<1x16xf32> to vector<16xf32>
          %parallel_loop3A_863 = arith.constant 1 : i32
          %parallel_loop3A_864 = arith.addi %parallel_loop3A_138, %parallel_loop3A_863 : i32
          %parallel_loop3A_865 = arith.index_cast %parallel_loop3A_864 : i32 to index
          %parallel_loop3A_866 = arith.constant 720 : index
          %parallel_loop3A_867 = tpu.vector_load %arg9[%parallel_loop3A_865, %parallel_loop3A_866] {strides = array<i32>} : memref<24x1024xf32, #tpu.memory_space<vmem>>, vector<1x16xf32>,
          %parallel_loop3A_868 = vector.shape_cast %parallel_loop3A_867 : vector<1x16xf32> to vector<16xf32>
          %parallel_loop3A_869 = arith.addf %parallel_loop3A_862, %parallel_loop3A_868 : vector<16xf32>
          %parallel_loop3A_870 = arith.index_cast %parallel_loop3A_138 : i32 to index
          %parallel_loop3A_871 = arith.constant 720 : index
          %parallel_loop3A_872 = tpu.vector_load %arg7[%parallel_loop3A_870, %parallel_loop3A_871] {strides = array<i32>} : memref<16x1024xf32, #tpu.memory_space<vmem>>, vector<1x16xf32>,
          %parallel_loop3A_873 = vector.shape_cast %parallel_loop3A_872 : vector<1x16xf32> to vector<16xf32>
          %parallel_loop3A_874 = vector.shape_cast %parallel_loop3A_869 : vector<16xf32> to vector<1x16xf32>
          tpu.vector_store %arg7[%parallel_loop3A_870, %parallel_loop3A_871], %parallel_loop3A_874 {strides = array<i32>} : memref<16x1024xf32, #tpu.memory_space<vmem>>, vector<1x16xf32>,
          %parallel_loop3A_875 = arith.index_cast %parallel_loop3A_138 : i32 to index
          %parallel_loop3A_876 = arith.constant 736 : index
          %parallel_loop3A_877 = tpu.vector_load %arg7[%parallel_loop3A_875, %parallel_loop3A_876] {strides = array<i32>} : memref<16x1024xf32, #tpu.memory_space<vmem>>, vector<1x16xf32>,
          %parallel_loop3A_878 = vector.shape_cast %parallel_loop3A_877 : vector<1x16xf32> to vector<16xf32>
          %parallel_loop3A_879 = arith.constant 1 : i32
          %parallel_loop3A_880 = arith.addi %parallel_loop3A_138, %parallel_loop3A_879 : i32
          %parallel_loop3A_881 = arith.index_cast %parallel_loop3A_880 : i32 to index
          %parallel_loop3A_882 = arith.constant 736 : index
          %parallel_loop3A_883 = tpu.vector_load %arg9[%parallel_loop3A_881, %parallel_loop3A_882] {strides = array<i32>} : memref<24x1024xf32, #tpu.memory_space<vmem>>, vector<1x16xf32>,
          %parallel_loop3A_884 = vector.shape_cast %parallel_loop3A_883 : vector<1x16xf32> to vector<16xf32>
          %parallel_loop3A_885 = arith.addf %parallel_loop3A_878, %parallel_loop3A_884 : vector<16xf32>
          %parallel_loop3A_886 = arith.index_cast %parallel_loop3A_138 : i32 to index
          %parallel_loop3A_887 = arith.constant 736 : index
          %parallel_loop3A_888 = tpu.vector_load %arg7[%parallel_loop3A_886, %parallel_loop3A_887] {strides = array<i32>} : memref<16x1024xf32, #tpu.memory_space<vmem>>, vector<1x16xf32>,
          %parallel_loop3A_889 = vector.shape_cast %parallel_loop3A_888 : vector<1x16xf32> to vector<16xf32>
          %parallel_loop3A_890 = vector.shape_cast %parallel_loop3A_885 : vector<16xf32> to vector<1x16xf32>
          tpu.vector_store %arg7[%parallel_loop3A_886, %parallel_loop3A_887], %parallel_loop3A_890 {strides = array<i32>} : memref<16x1024xf32, #tpu.memory_space<vmem>>, vector<1x16xf32>,
          %parallel_loop3A_891 = arith.index_cast %parallel_loop3A_138 : i32 to index
          %parallel_loop3A_892 = arith.constant 752 : index
          %parallel_loop3A_893 = tpu.vector_load %arg7[%parallel_loop3A_891, %parallel_loop3A_892] {strides = array<i32>} : memref<16x1024xf32, #tpu.memory_space<vmem>>, vector<1x16xf32>,
          %parallel_loop3A_894 = vector.shape_cast %parallel_loop3A_893 : vector<1x16xf32> to vector<16xf32>
          %parallel_loop3A_895 = arith.constant 1 : i32
          %parallel_loop3A_896 = arith.addi %parallel_loop3A_138, %parallel_loop3A_895 : i32
          %parallel_loop3A_897 = arith.index_cast %parallel_loop3A_896 : i32 to index
          %parallel_loop3A_898 = arith.constant 752 : index
          %parallel_loop3A_899 = tpu.vector_load %arg9[%parallel_loop3A_897, %parallel_loop3A_898] {strides = array<i32>} : memref<24x1024xf32, #tpu.memory_space<vmem>>, vector<1x16xf32>,
          %parallel_loop3A_900 = vector.shape_cast %parallel_loop3A_899 : vector<1x16xf32> to vector<16xf32>
          %parallel_loop3A_901 = arith.addf %parallel_loop3A_894, %parallel_loop3A_900 : vector<16xf32>
          %parallel_loop3A_902 = arith.index_cast %parallel_loop3A_138 : i32 to index
          %parallel_loop3A_903 = arith.constant 752 : index
          %parallel_loop3A_904 = tpu.vector_load %arg7[%parallel_loop3A_902, %parallel_loop3A_903] {strides = array<i32>} : memref<16x1024xf32, #tpu.memory_space<vmem>>, vector<1x16xf32>,
          %parallel_loop3A_905 = vector.shape_cast %parallel_loop3A_904 : vector<1x16xf32> to vector<16xf32>
          %parallel_loop3A_906 = vector.shape_cast %parallel_loop3A_901 : vector<16xf32> to vector<1x16xf32>
          tpu.vector_store %arg7[%parallel_loop3A_902, %parallel_loop3A_903], %parallel_loop3A_906 {strides = array<i32>} : memref<16x1024xf32, #tpu.memory_space<vmem>>, vector<1x16xf32>,
          %parallel_loop3A_907 = arith.index_cast %parallel_loop3A_138 : i32 to index
          %parallel_loop3A_908 = arith.constant 768 : index
          %parallel_loop3A_909 = tpu.vector_load %arg7[%parallel_loop3A_907, %parallel_loop3A_908] {strides = array<i32>} : memref<16x1024xf32, #tpu.memory_space<vmem>>, vector<1x16xf32>,
          %parallel_loop3A_910 = vector.shape_cast %parallel_loop3A_909 : vector<1x16xf32> to vector<16xf32>
          %parallel_loop3A_911 = arith.constant 1 : i32
          %parallel_loop3A_912 = arith.addi %parallel_loop3A_138, %parallel_loop3A_911 : i32
          %parallel_loop3A_913 = arith.index_cast %parallel_loop3A_912 : i32 to index
          %parallel_loop3A_914 = arith.constant 768 : index
          %parallel_loop3A_915 = tpu.vector_load %arg9[%parallel_loop3A_913, %parallel_loop3A_914] {strides = array<i32>} : memref<24x1024xf32, #tpu.memory_space<vmem>>, vector<1x16xf32>,
          %parallel_loop3A_916 = vector.shape_cast %parallel_loop3A_915 : vector<1x16xf32> to vector<16xf32>
          %parallel_loop3A_917 = arith.addf %parallel_loop3A_910, %parallel_loop3A_916 : vector<16xf32>
          %parallel_loop3A_918 = arith.index_cast %parallel_loop3A_138 : i32 to index
          %parallel_loop3A_919 = arith.constant 768 : index
          %parallel_loop3A_920 = tpu.vector_load %arg7[%parallel_loop3A_918, %parallel_loop3A_919] {strides = array<i32>} : memref<16x1024xf32, #tpu.memory_space<vmem>>, vector<1x16xf32>,
          %parallel_loop3A_921 = vector.shape_cast %parallel_loop3A_920 : vector<1x16xf32> to vector<16xf32>
          %parallel_loop3A_922 = vector.shape_cast %parallel_loop3A_917 : vector<16xf32> to vector<1x16xf32>
          tpu.vector_store %arg7[%parallel_loop3A_918, %parallel_loop3A_919], %parallel_loop3A_922 {strides = array<i32>} : memref<16x1024xf32, #tpu.memory_space<vmem>>, vector<1x16xf32>,
          %parallel_loop3A_923 = arith.index_cast %parallel_loop3A_138 : i32 to index
          %parallel_loop3A_924 = arith.constant 784 : index
          %parallel_loop3A_925 = tpu.vector_load %arg7[%parallel_loop3A_923, %parallel_loop3A_924] {strides = array<i32>} : memref<16x1024xf32, #tpu.memory_space<vmem>>, vector<1x16xf32>,
          %parallel_loop3A_926 = vector.shape_cast %parallel_loop3A_925 : vector<1x16xf32> to vector<16xf32>
          %parallel_loop3A_927 = arith.constant 1 : i32
          %parallel_loop3A_928 = arith.addi %parallel_loop3A_138, %parallel_loop3A_927 : i32
          %parallel_loop3A_929 = arith.index_cast %parallel_loop3A_928 : i32 to index
          %parallel_loop3A_930 = arith.constant 784 : index
          %parallel_loop3A_931 = tpu.vector_load %arg9[%parallel_loop3A_929, %parallel_loop3A_930] {strides = array<i32>} : memref<24x1024xf32, #tpu.memory_space<vmem>>, vector<1x16xf32>,
          %parallel_loop3A_932 = vector.shape_cast %parallel_loop3A_931 : vector<1x16xf32> to vector<16xf32>
          %parallel_loop3A_933 = arith.addf %parallel_loop3A_926, %parallel_loop3A_932 : vector<16xf32>
          %parallel_loop3A_934 = arith.index_cast %parallel_loop3A_138 : i32 to index
          %parallel_loop3A_935 = arith.constant 784 : index
          %parallel_loop3A_936 = tpu.vector_load %arg7[%parallel_loop3A_934, %parallel_loop3A_935] {strides = array<i32>} : memref<16x1024xf32, #tpu.memory_space<vmem>>, vector<1x16xf32>,
          %parallel_loop3A_937 = vector.shape_cast %parallel_loop3A_936 : vector<1x16xf32> to vector<16xf32>
          %parallel_loop3A_938 = vector.shape_cast %parallel_loop3A_933 : vector<16xf32> to vector<1x16xf32>
          tpu.vector_store %arg7[%parallel_loop3A_934, %parallel_loop3A_935], %parallel_loop3A_938 {strides = array<i32>} : memref<16x1024xf32, #tpu.memory_space<vmem>>, vector<1x16xf32>,
          %parallel_loop3A_939 = arith.index_cast %parallel_loop3A_138 : i32 to index
          %parallel_loop3A_940 = arith.constant 800 : index
          %parallel_loop3A_941 = tpu.vector_load %arg7[%parallel_loop3A_939, %parallel_loop3A_940] {strides = array<i32>} : memref<16x1024xf32, #tpu.memory_space<vmem>>, vector<1x16xf32>,
          %parallel_loop3A_942 = vector.shape_cast %parallel_loop3A_941 : vector<1x16xf32> to vector<16xf32>
          %parallel_loop3A_943 = arith.constant 1 : i32
          %parallel_loop3A_944 = arith.addi %parallel_loop3A_138, %parallel_loop3A_943 : i32
          %parallel_loop3A_945 = arith.index_cast %parallel_loop3A_944 : i32 to index
          %parallel_loop3A_946 = arith.constant 800 : index
          %parallel_loop3A_947 = tpu.vector_load %arg9[%parallel_loop3A_945, %parallel_loop3A_946] {strides = array<i32>} : memref<24x1024xf32, #tpu.memory_space<vmem>>, vector<1x16xf32>,
          %parallel_loop3A_948 = vector.shape_cast %parallel_loop3A_947 : vector<1x16xf32> to vector<16xf32>
          %parallel_loop3A_949 = arith.addf %parallel_loop3A_942, %parallel_loop3A_948 : vector<16xf32>
          %parallel_loop3A_950 = arith.index_cast %parallel_loop3A_138 : i32 to index
          %parallel_loop3A_951 = arith.constant 800 : index
          %parallel_loop3A_952 = tpu.vector_load %arg7[%parallel_loop3A_950, %parallel_loop3A_951] {strides = array<i32>} : memref<16x1024xf32, #tpu.memory_space<vmem>>, vector<1x16xf32>,
          %parallel_loop3A_953 = vector.shape_cast %parallel_loop3A_952 : vector<1x16xf32> to vector<16xf32>
          %parallel_loop3A_954 = vector.shape_cast %parallel_loop3A_949 : vector<16xf32> to vector<1x16xf32>
          tpu.vector_store %arg7[%parallel_loop3A_950, %parallel_loop3A_951], %parallel_loop3A_954 {strides = array<i32>} : memref<16x1024xf32, #tpu.memory_space<vmem>>, vector<1x16xf32>,
          %parallel_loop3A_955 = arith.index_cast %parallel_loop3A_138 : i32 to index
          %parallel_loop3A_956 = arith.constant 816 : index
          %parallel_loop3A_957 = tpu.vector_load %arg7[%parallel_loop3A_955, %parallel_loop3A_956] {strides = array<i32>} : memref<16x1024xf32, #tpu.memory_space<vmem>>, vector<1x16xf32>,
          %parallel_loop3A_958 = vector.shape_cast %parallel_loop3A_957 : vector<1x16xf32> to vector<16xf32>
          %parallel_loop3A_959 = arith.constant 1 : i32
          %parallel_loop3A_960 = arith.addi %parallel_loop3A_138, %parallel_loop3A_959 : i32
          %parallel_loop3A_961 = arith.index_cast %parallel_loop3A_960 : i32 to index
          %parallel_loop3A_962 = arith.constant 816 : index
          %parallel_loop3A_963 = tpu.vector_load %arg9[%parallel_loop3A_961, %parallel_loop3A_962] {strides = array<i32>} : memref<24x1024xf32, #tpu.memory_space<vmem>>, vector<1x16xf32>,
          %parallel_loop3A_964 = vector.shape_cast %parallel_loop3A_963 : vector<1x16xf32> to vector<16xf32>
          %parallel_loop3A_965 = arith.addf %parallel_loop3A_958, %parallel_loop3A_964 : vector<16xf32>
          %parallel_loop3A_966 = arith.index_cast %parallel_loop3A_138 : i32 to index
          %parallel_loop3A_967 = arith.constant 816 : index
          %parallel_loop3A_968 = tpu.vector_load %arg7[%parallel_loop3A_966, %parallel_loop3A_967] {strides = array<i32>} : memref<16x1024xf32, #tpu.memory_space<vmem>>, vector<1x16xf32>,
          %parallel_loop3A_969 = vector.shape_cast %parallel_loop3A_968 : vector<1x16xf32> to vector<16xf32>
          %parallel_loop3A_970 = vector.shape_cast %parallel_loop3A_965 : vector<16xf32> to vector<1x16xf32>
          tpu.vector_store %arg7[%parallel_loop3A_966, %parallel_loop3A_967], %parallel_loop3A_970 {strides = array<i32>} : memref<16x1024xf32, #tpu.memory_space<vmem>>, vector<1x16xf32>,
          %parallel_loop3A_971 = arith.index_cast %parallel_loop3A_138 : i32 to index
          %parallel_loop3A_972 = arith.constant 832 : index
          %parallel_loop3A_973 = tpu.vector_load %arg7[%parallel_loop3A_971, %parallel_loop3A_972] {strides = array<i32>} : memref<16x1024xf32, #tpu.memory_space<vmem>>, vector<1x16xf32>,
          %parallel_loop3A_974 = vector.shape_cast %parallel_loop3A_973 : vector<1x16xf32> to vector<16xf32>
          %parallel_loop3A_975 = arith.constant 1 : i32
          %parallel_loop3A_976 = arith.addi %parallel_loop3A_138, %parallel_loop3A_975 : i32
          %parallel_loop3A_977 = arith.index_cast %parallel_loop3A_976 : i32 to index
          %parallel_loop3A_978 = arith.constant 832 : index
          %parallel_loop3A_979 = tpu.vector_load %arg9[%parallel_loop3A_977, %parallel_loop3A_978] {strides = array<i32>} : memref<24x1024xf32, #tpu.memory_space<vmem>>, vector<1x16xf32>,
          %parallel_loop3A_980 = vector.shape_cast %parallel_loop3A_979 : vector<1x16xf32> to vector<16xf32>
          %parallel_loop3A_981 = arith.addf %parallel_loop3A_974, %parallel_loop3A_980 : vector<16xf32>
          %parallel_loop3A_982 = arith.index_cast %parallel_loop3A_138 : i32 to index
          %parallel_loop3A_983 = arith.constant 832 : index
          %parallel_loop3A_984 = tpu.vector_load %arg7[%parallel_loop3A_982, %parallel_loop3A_983] {strides = array<i32>} : memref<16x1024xf32, #tpu.memory_space<vmem>>, vector<1x16xf32>,
          %parallel_loop3A_985 = vector.shape_cast %parallel_loop3A_984 : vector<1x16xf32> to vector<16xf32>
          %parallel_loop3A_986 = vector.shape_cast %parallel_loop3A_981 : vector<16xf32> to vector<1x16xf32>
          tpu.vector_store %arg7[%parallel_loop3A_982, %parallel_loop3A_983], %parallel_loop3A_986 {strides = array<i32>} : memref<16x1024xf32, #tpu.memory_space<vmem>>, vector<1x16xf32>,
          %parallel_loop3A_987 = arith.index_cast %parallel_loop3A_138 : i32 to index
          %parallel_loop3A_988 = arith.constant 848 : index
          %parallel_loop3A_989 = tpu.vector_load %arg7[%parallel_loop3A_987, %parallel_loop3A_988] {strides = array<i32>} : memref<16x1024xf32, #tpu.memory_space<vmem>>, vector<1x16xf32>,
          %parallel_loop3A_990 = vector.shape_cast %parallel_loop3A_989 : vector<1x16xf32> to vector<16xf32>
          %parallel_loop3A_991 = arith.constant 1 : i32
          %parallel_loop3A_992 = arith.addi %parallel_loop3A_138, %parallel_loop3A_991 : i32
          %parallel_loop3A_993 = arith.index_cast %parallel_loop3A_992 : i32 to index
          %parallel_loop3A_994 = arith.constant 848 : index
          %parallel_loop3A_995 = tpu.vector_load %arg9[%parallel_loop3A_993, %parallel_loop3A_994] {strides = array<i32>} : memref<24x1024xf32, #tpu.memory_space<vmem>>, vector<1x16xf32>,
          %parallel_loop3A_996 = vector.shape_cast %parallel_loop3A_995 : vector<1x16xf32> to vector<16xf32>
          %parallel_loop3A_997 = arith.addf %parallel_loop3A_990, %parallel_loop3A_996 : vector<16xf32>
          %parallel_loop3A_998 = arith.index_cast %parallel_loop3A_138 : i32 to index
          %parallel_loop3A_999 = arith.constant 848 : index
          %parallel_loop3A_1000 = tpu.vector_load %arg7[%parallel_loop3A_998, %parallel_loop3A_999] {strides = array<i32>} : memref<16x1024xf32, #tpu.memory_space<vmem>>, vector<1x16xf32>,
          %parallel_loop3A_1001 = vector.shape_cast %parallel_loop3A_1000 : vector<1x16xf32> to vector<16xf32>
          %parallel_loop3A_1002 = vector.shape_cast %parallel_loop3A_997 : vector<16xf32> to vector<1x16xf32>
          tpu.vector_store %arg7[%parallel_loop3A_998, %parallel_loop3A_999], %parallel_loop3A_1002 {strides = array<i32>} : memref<16x1024xf32, #tpu.memory_space<vmem>>, vector<1x16xf32>,
          %parallel_loop3A_1003 = arith.index_cast %parallel_loop3A_138 : i32 to index
          %parallel_loop3A_1004 = arith.constant 864 : index
          %parallel_loop3A_1005 = tpu.vector_load %arg7[%parallel_loop3A_1003, %parallel_loop3A_1004] {strides = array<i32>} : memref<16x1024xf32, #tpu.memory_space<vmem>>, vector<1x16xf32>,
          %parallel_loop3A_1006 = vector.shape_cast %parallel_loop3A_1005 : vector<1x16xf32> to vector<16xf32>
          %parallel_loop3A_1007 = arith.constant 1 : i32
          %parallel_loop3A_1008 = arith.addi %parallel_loop3A_138, %parallel_loop3A_1007 : i32
          %parallel_loop3A_1009 = arith.index_cast %parallel_loop3A_1008 : i32 to index
          %parallel_loop3A_1010 = arith.constant 864 : index
          %parallel_loop3A_1011 = tpu.vector_load %arg9[%parallel_loop3A_1009, %parallel_loop3A_1010] {strides = array<i32>} : memref<24x1024xf32, #tpu.memory_space<vmem>>, vector<1x16xf32>,
          %parallel_loop3A_1012 = vector.shape_cast %parallel_loop3A_1011 : vector<1x16xf32> to vector<16xf32>
          %parallel_loop3A_1013 = arith.addf %parallel_loop3A_1006, %parallel_loop3A_1012 : vector<16xf32>
          %parallel_loop3A_1014 = arith.index_cast %parallel_loop3A_138 : i32 to index
          %parallel_loop3A_1015 = arith.constant 864 : index
          %parallel_loop3A_1016 = tpu.vector_load %arg7[%parallel_loop3A_1014, %parallel_loop3A_1015] {strides = array<i32>} : memref<16x1024xf32, #tpu.memory_space<vmem>>, vector<1x16xf32>,
          %parallel_loop3A_1017 = vector.shape_cast %parallel_loop3A_1016 : vector<1x16xf32> to vector<16xf32>
          %parallel_loop3A_1018 = vector.shape_cast %parallel_loop3A_1013 : vector<16xf32> to vector<1x16xf32>
          tpu.vector_store %arg7[%parallel_loop3A_1014, %parallel_loop3A_1015], %parallel_loop3A_1018 {strides = array<i32>} : memref<16x1024xf32, #tpu.memory_space<vmem>>, vector<1x16xf32>,
          %parallel_loop3A_1019 = arith.index_cast %parallel_loop3A_138 : i32 to index
          %parallel_loop3A_1020 = arith.constant 880 : index
          %parallel_loop3A_1021 = tpu.vector_load %arg7[%parallel_loop3A_1019, %parallel_loop3A_1020] {strides = array<i32>} : memref<16x1024xf32, #tpu.memory_space<vmem>>, vector<1x16xf32>,
          %parallel_loop3A_1022 = vector.shape_cast %parallel_loop3A_1021 : vector<1x16xf32> to vector<16xf32>
          %parallel_loop3A_1023 = arith.constant 1 : i32
          %parallel_loop3A_1024 = arith.addi %parallel_loop3A_138, %parallel_loop3A_1023 : i32
          %parallel_loop3A_1025 = arith.index_cast %parallel_loop3A_1024 : i32 to index
          %parallel_loop3A_1026 = arith.constant 880 : index
          %parallel_loop3A_1027 = tpu.vector_load %arg9[%parallel_loop3A_1025, %parallel_loop3A_1026] {strides = array<i32>} : memref<24x1024xf32, #tpu.memory_space<vmem>>, vector<1x16xf32>,
          %parallel_loop3A_1028 = vector.shape_cast %parallel_loop3A_1027 : vector<1x16xf32> to vector<16xf32>
          %parallel_loop3A_1029 = arith.addf %parallel_loop3A_1022, %parallel_loop3A_1028 : vector<16xf32>
          %parallel_loop3A_1030 = arith.index_cast %parallel_loop3A_138 : i32 to index
          %parallel_loop3A_1031 = arith.constant 880 : index
          %parallel_loop3A_1032 = tpu.vector_load %arg7[%parallel_loop3A_1030, %parallel_loop3A_1031] {strides = array<i32>} : memref<16x1024xf32, #tpu.memory_space<vmem>>, vector<1x16xf32>,
          %parallel_loop3A_1033 = vector.shape_cast %parallel_loop3A_1032 : vector<1x16xf32> to vector<16xf32>
          %parallel_loop3A_1034 = vector.shape_cast %parallel_loop3A_1029 : vector<16xf32> to vector<1x16xf32>
          tpu.vector_store %arg7[%parallel_loop3A_1030, %parallel_loop3A_1031], %parallel_loop3A_1034 {strides = array<i32>} : memref<16x1024xf32, #tpu.memory_space<vmem>>, vector<1x16xf32>,
          %parallel_loop3A_1035 = arith.index_cast %parallel_loop3A_138 : i32 to index
          %parallel_loop3A_1036 = arith.constant 896 : index
          %parallel_loop3A_1037 = tpu.vector_load %arg7[%parallel_loop3A_1035, %parallel_loop3A_1036] {strides = array<i32>} : memref<16x1024xf32, #tpu.memory_space<vmem>>, vector<1x16xf32>,
          %parallel_loop3A_1038 = vector.shape_cast %parallel_loop3A_1037 : vector<1x16xf32> to vector<16xf32>
          %parallel_loop3A_1039 = arith.constant 1 : i32
          %parallel_loop3A_1040 = arith.addi %parallel_loop3A_138, %parallel_loop3A_1039 : i32
          %parallel_loop3A_1041 = arith.index_cast %parallel_loop3A_1040 : i32 to index
          %parallel_loop3A_1042 = arith.constant 896 : index
          %parallel_loop3A_1043 = tpu.vector_load %arg9[%parallel_loop3A_1041, %parallel_loop3A_1042] {strides = array<i32>} : memref<24x1024xf32, #tpu.memory_space<vmem>>, vector<1x16xf32>,
          %parallel_loop3A_1044 = vector.shape_cast %parallel_loop3A_1043 : vector<1x16xf32> to vector<16xf32>
          %parallel_loop3A_1045 = arith.addf %parallel_loop3A_1038, %parallel_loop3A_1044 : vector<16xf32>
          %parallel_loop3A_1046 = arith.index_cast %parallel_loop3A_138 : i32 to index
          %parallel_loop3A_1047 = arith.constant 896 : index
          %parallel_loop3A_1048 = tpu.vector_load %arg7[%parallel_loop3A_1046, %parallel_loop3A_1047] {strides = array<i32>} : memref<16x1024xf32, #tpu.memory_space<vmem>>, vector<1x16xf32>,
          %parallel_loop3A_1049 = vector.shape_cast %parallel_loop3A_1048 : vector<1x16xf32> to vector<16xf32>
          %parallel_loop3A_1050 = vector.shape_cast %parallel_loop3A_1045 : vector<16xf32> to vector<1x16xf32>
          tpu.vector_store %arg7[%parallel_loop3A_1046, %parallel_loop3A_1047], %parallel_loop3A_1050 {strides = array<i32>} : memref<16x1024xf32, #tpu.memory_space<vmem>>, vector<1x16xf32>,
          %parallel_loop3A_1051 = arith.index_cast %parallel_loop3A_138 : i32 to index
          %parallel_loop3A_1052 = arith.constant 912 : index
          %parallel_loop3A_1053 = tpu.vector_load %arg7[%parallel_loop3A_1051, %parallel_loop3A_1052] {strides = array<i32>} : memref<16x1024xf32, #tpu.memory_space<vmem>>, vector<1x16xf32>,
          %parallel_loop3A_1054 = vector.shape_cast %parallel_loop3A_1053 : vector<1x16xf32> to vector<16xf32>
          %parallel_loop3A_1055 = arith.constant 1 : i32
          %parallel_loop3A_1056 = arith.addi %parallel_loop3A_138, %parallel_loop3A_1055 : i32
          %parallel_loop3A_1057 = arith.index_cast %parallel_loop3A_1056 : i32 to index
          %parallel_loop3A_1058 = arith.constant 912 : index
          %parallel_loop3A_1059 = tpu.vector_load %arg9[%parallel_loop3A_1057, %parallel_loop3A_1058] {strides = array<i32>} : memref<24x1024xf32, #tpu.memory_space<vmem>>, vector<1x16xf32>,
          %parallel_loop3A_1060 = vector.shape_cast %parallel_loop3A_1059 : vector<1x16xf32> to vector<16xf32>
          %parallel_loop3A_1061 = arith.addf %parallel_loop3A_1054, %parallel_loop3A_1060 : vector<16xf32>
          %parallel_loop3A_1062 = arith.index_cast %parallel_loop3A_138 : i32 to index
          %parallel_loop3A_1063 = arith.constant 912 : index
          %parallel_loop3A_1064 = tpu.vector_load %arg7[%parallel_loop3A_1062, %parallel_loop3A_1063] {strides = array<i32>} : memref<16x1024xf32, #tpu.memory_space<vmem>>, vector<1x16xf32>,
          %parallel_loop3A_1065 = vector.shape_cast %parallel_loop3A_1064 : vector<1x16xf32> to vector<16xf32>
          %parallel_loop3A_1066 = vector.shape_cast %parallel_loop3A_1061 : vector<16xf32> to vector<1x16xf32>
          tpu.vector_store %arg7[%parallel_loop3A_1062, %parallel_loop3A_1063], %parallel_loop3A_1066 {strides = array<i32>} : memref<16x1024xf32, #tpu.memory_space<vmem>>, vector<1x16xf32>,
          %parallel_loop3A_1067 = arith.index_cast %parallel_loop3A_138 : i32 to index
          %parallel_loop3A_1068 = arith.constant 928 : index
          %parallel_loop3A_1069 = tpu.vector_load %arg7[%parallel_loop3A_1067, %parallel_loop3A_1068] {strides = array<i32>} : memref<16x1024xf32, #tpu.memory_space<vmem>>, vector<1x16xf32>,
          %parallel_loop3A_1070 = vector.shape_cast %parallel_loop3A_1069 : vector<1x16xf32> to vector<16xf32>
          %parallel_loop3A_1071 = arith.constant 1 : i32
          %parallel_loop3A_1072 = arith.addi %parallel_loop3A_138, %parallel_loop3A_1071 : i32
          %parallel_loop3A_1073 = arith.index_cast %parallel_loop3A_1072 : i32 to index
          %parallel_loop3A_1074 = arith.constant 928 : index
          %parallel_loop3A_1075 = tpu.vector_load %arg9[%parallel_loop3A_1073, %parallel_loop3A_1074] {strides = array<i32>} : memref<24x1024xf32, #tpu.memory_space<vmem>>, vector<1x16xf32>,
          %parallel_loop3A_1076 = vector.shape_cast %parallel_loop3A_1075 : vector<1x16xf32> to vector<16xf32>
          %parallel_loop3A_1077 = arith.addf %parallel_loop3A_1070, %parallel_loop3A_1076 : vector<16xf32>
          %parallel_loop3A_1078 = arith.index_cast %parallel_loop3A_138 : i32 to index
          %parallel_loop3A_1079 = arith.constant 928 : index
          %parallel_loop3A_1080 = tpu.vector_load %arg7[%parallel_loop3A_1078, %parallel_loop3A_1079] {strides = array<i32>} : memref<16x1024xf32, #tpu.memory_space<vmem>>, vector<1x16xf32>,
          %parallel_loop3A_1081 = vector.shape_cast %parallel_loop3A_1080 : vector<1x16xf32> to vector<16xf32>
          %parallel_loop3A_1082 = vector.shape_cast %parallel_loop3A_1077 : vector<16xf32> to vector<1x16xf32>
          tpu.vector_store %arg7[%parallel_loop3A_1078, %parallel_loop3A_1079], %parallel_loop3A_1082 {strides = array<i32>} : memref<16x1024xf32, #tpu.memory_space<vmem>>, vector<1x16xf32>,
          %parallel_loop3A_1083 = arith.index_cast %parallel_loop3A_138 : i32 to index
          %parallel_loop3A_1084 = arith.constant 944 : index
          %parallel_loop3A_1085 = tpu.vector_load %arg7[%parallel_loop3A_1083, %parallel_loop3A_1084] {strides = array<i32>} : memref<16x1024xf32, #tpu.memory_space<vmem>>, vector<1x16xf32>,
          %parallel_loop3A_1086 = vector.shape_cast %parallel_loop3A_1085 : vector<1x16xf32> to vector<16xf32>
          %parallel_loop3A_1087 = arith.constant 1 : i32
          %parallel_loop3A_1088 = arith.addi %parallel_loop3A_138, %parallel_loop3A_1087 : i32
          %parallel_loop3A_1089 = arith.index_cast %parallel_loop3A_1088 : i32 to index
          %parallel_loop3A_1090 = arith.constant 944 : index
          %parallel_loop3A_1091 = tpu.vector_load %arg9[%parallel_loop3A_1089, %parallel_loop3A_1090] {strides = array<i32>} : memref<24x1024xf32, #tpu.memory_space<vmem>>, vector<1x16xf32>,
          %parallel_loop3A_1092 = vector.shape_cast %parallel_loop3A_1091 : vector<1x16xf32> to vector<16xf32>
          %parallel_loop3A_1093 = arith.addf %parallel_loop3A_1086, %parallel_loop3A_1092 : vector<16xf32>
          %parallel_loop3A_1094 = arith.index_cast %parallel_loop3A_138 : i32 to index
          %parallel_loop3A_1095 = arith.constant 944 : index
          %parallel_loop3A_1096 = tpu.vector_load %arg7[%parallel_loop3A_1094, %parallel_loop3A_1095] {strides = array<i32>} : memref<16x1024xf32, #tpu.memory_space<vmem>>, vector<1x16xf32>,
          %parallel_loop3A_1097 = vector.shape_cast %parallel_loop3A_1096 : vector<1x16xf32> to vector<16xf32>
          %parallel_loop3A_1098 = vector.shape_cast %parallel_loop3A_1093 : vector<16xf32> to vector<1x16xf32>
          tpu.vector_store %arg7[%parallel_loop3A_1094, %parallel_loop3A_1095], %parallel_loop3A_1098 {strides = array<i32>} : memref<16x1024xf32, #tpu.memory_space<vmem>>, vector<1x16xf32>,
          %parallel_loop3A_1099 = arith.index_cast %parallel_loop3A_138 : i32 to index
          %parallel_loop3A_1100 = arith.constant 960 : index
          %parallel_loop3A_1101 = tpu.vector_load %arg7[%parallel_loop3A_1099, %parallel_loop3A_1100] {strides = array<i32>} : memref<16x1024xf32, #tpu.memory_space<vmem>>, vector<1x16xf32>,
          %parallel_loop3A_1102 = vector.shape_cast %parallel_loop3A_1101 : vector<1x16xf32> to vector<16xf32>
          %parallel_loop3A_1103 = arith.constant 1 : i32
          %parallel_loop3A_1104 = arith.addi %parallel_loop3A_138, %parallel_loop3A_1103 : i32
          %parallel_loop3A_1105 = arith.index_cast %parallel_loop3A_1104 : i32 to index
          %parallel_loop3A_1106 = arith.constant 960 : index
          %parallel_loop3A_1107 = tpu.vector_load %arg9[%parallel_loop3A_1105, %parallel_loop3A_1106] {strides = array<i32>} : memref<24x1024xf32, #tpu.memory_space<vmem>>, vector<1x16xf32>,
          %parallel_loop3A_1108 = vector.shape_cast %parallel_loop3A_1107 : vector<1x16xf32> to vector<16xf32>
          %parallel_loop3A_1109 = arith.addf %parallel_loop3A_1102, %parallel_loop3A_1108 : vector<16xf32>
          %parallel_loop3A_1110 = arith.index_cast %parallel_loop3A_138 : i32 to index
          %parallel_loop3A_1111 = arith.constant 960 : index
          %parallel_loop3A_1112 = tpu.vector_load %arg7[%parallel_loop3A_1110, %parallel_loop3A_1111] {strides = array<i32>} : memref<16x1024xf32, #tpu.memory_space<vmem>>, vector<1x16xf32>,
          %parallel_loop3A_1113 = vector.shape_cast %parallel_loop3A_1112 : vector<1x16xf32> to vector<16xf32>
          %parallel_loop3A_1114 = vector.shape_cast %parallel_loop3A_1109 : vector<16xf32> to vector<1x16xf32>
          tpu.vector_store %arg7[%parallel_loop3A_1110, %parallel_loop3A_1111], %parallel_loop3A_1114 {strides = array<i32>} : memref<16x1024xf32, #tpu.memory_space<vmem>>, vector<1x16xf32>,
          %parallel_loop3A_1115 = arith.index_cast %parallel_loop3A_138 : i32 to index
          %parallel_loop3A_1116 = arith.constant 976 : index
          %parallel_loop3A_1117 = tpu.vector_load %arg7[%parallel_loop3A_1115, %parallel_loop3A_1116] {strides = array<i32>} : memref<16x1024xf32, #tpu.memory_space<vmem>>, vector<1x16xf32>,
          %parallel_loop3A_1118 = vector.shape_cast %parallel_loop3A_1117 : vector<1x16xf32> to vector<16xf32>
          %parallel_loop3A_1119 = arith.constant 1 : i32
          %parallel_loop3A_1120 = arith.addi %parallel_loop3A_138, %parallel_loop3A_1119 : i32
          %parallel_loop3A_1121 = arith.index_cast %parallel_loop3A_1120 : i32 to index
          %parallel_loop3A_1122 = arith.constant 976 : index
          %parallel_loop3A_1123 = tpu.vector_load %arg9[%parallel_loop3A_1121, %parallel_loop3A_1122] {strides = array<i32>} : memref<24x1024xf32, #tpu.memory_space<vmem>>, vector<1x16xf32>,
          %parallel_loop3A_1124 = vector.shape_cast %parallel_loop3A_1123 : vector<1x16xf32> to vector<16xf32>
          %parallel_loop3A_1125 = arith.addf %parallel_loop3A_1118, %parallel_loop3A_1124 : vector<16xf32>
          %parallel_loop3A_1126 = arith.index_cast %parallel_loop3A_138 : i32 to index
          %parallel_loop3A_1127 = arith.constant 976 : index
          %parallel_loop3A_1128 = tpu.vector_load %arg7[%parallel_loop3A_1126, %parallel_loop3A_1127] {strides = array<i32>} : memref<16x1024xf32, #tpu.memory_space<vmem>>, vector<1x16xf32>,
          %parallel_loop3A_1129 = vector.shape_cast %parallel_loop3A_1128 : vector<1x16xf32> to vector<16xf32>
          %parallel_loop3A_1130 = vector.shape_cast %parallel_loop3A_1125 : vector<16xf32> to vector<1x16xf32>
          tpu.vector_store %arg7[%parallel_loop3A_1126, %parallel_loop3A_1127], %parallel_loop3A_1130 {strides = array<i32>} : memref<16x1024xf32, #tpu.memory_space<vmem>>, vector<1x16xf32>,
          %parallel_loop3A_1131 = arith.index_cast %parallel_loop3A_138 : i32 to index
          %parallel_loop3A_1132 = arith.constant 992 : index
          %parallel_loop3A_1133 = tpu.vector_load %arg7[%parallel_loop3A_1131, %parallel_loop3A_1132] {strides = array<i32>} : memref<16x1024xf32, #tpu.memory_space<vmem>>, vector<1x16xf32>,
          %parallel_loop3A_1134 = vector.shape_cast %parallel_loop3A_1133 : vector<1x16xf32> to vector<16xf32>
          %parallel_loop3A_1135 = arith.constant 1 : i32
          %parallel_loop3A_1136 = arith.addi %parallel_loop3A_138, %parallel_loop3A_1135 : i32
          %parallel_loop3A_1137 = arith.index_cast %parallel_loop3A_1136 : i32 to index
          %parallel_loop3A_1138 = arith.constant 992 : index
          %parallel_loop3A_1139 = tpu.vector_load %arg9[%parallel_loop3A_1137, %parallel_loop3A_1138] {strides = array<i32>} : memref<24x1024xf32, #tpu.memory_space<vmem>>, vector<1x16xf32>,
          %parallel_loop3A_1140 = vector.shape_cast %parallel_loop3A_1139 : vector<1x16xf32> to vector<16xf32>
          %parallel_loop3A_1141 = arith.addf %parallel_loop3A_1134, %parallel_loop3A_1140 : vector<16xf32>
          %parallel_loop3A_1142 = arith.index_cast %parallel_loop3A_138 : i32 to index
          %parallel_loop3A_1143 = arith.constant 992 : index
          %parallel_loop3A_1144 = tpu.vector_load %arg7[%parallel_loop3A_1142, %parallel_loop3A_1143] {strides = array<i32>} : memref<16x1024xf32, #tpu.memory_space<vmem>>, vector<1x16xf32>,
          %parallel_loop3A_1145 = vector.shape_cast %parallel_loop3A_1144 : vector<1x16xf32> to vector<16xf32>
          %parallel_loop3A_1146 = vector.shape_cast %parallel_loop3A_1141 : vector<16xf32> to vector<1x16xf32>
          tpu.vector_store %arg7[%parallel_loop3A_1142, %parallel_loop3A_1143], %parallel_loop3A_1146 {strides = array<i32>} : memref<16x1024xf32, #tpu.memory_space<vmem>>, vector<1x16xf32>,
          %parallel_loop3A_1147 = arith.index_cast %parallel_loop3A_138 : i32 to index
          %parallel_loop3A_1148 = arith.constant 1008 : index
          %parallel_loop3A_1149 = tpu.vector_load %arg7[%parallel_loop3A_1147, %parallel_loop3A_1148] {strides = array<i32>} : memref<16x1024xf32, #tpu.memory_space<vmem>>, vector<1x16xf32>,
          %parallel_loop3A_1150 = vector.shape_cast %parallel_loop3A_1149 : vector<1x16xf32> to vector<16xf32>
          %parallel_loop3A_1151 = arith.constant 1 : i32
          %parallel_loop3A_1152 = arith.addi %parallel_loop3A_138, %parallel_loop3A_1151 : i32
          %parallel_loop3A_1153 = arith.index_cast %parallel_loop3A_1152 : i32 to index
          %parallel_loop3A_1154 = arith.constant 1008 : index
          %parallel_loop3A_1155 = tpu.vector_load %arg9[%parallel_loop3A_1153, %parallel_loop3A_1154] {strides = array<i32>} : memref<24x1024xf32, #tpu.memory_space<vmem>>, vector<1x16xf32>,
          %parallel_loop3A_1156 = vector.shape_cast %parallel_loop3A_1155 : vector<1x16xf32> to vector<16xf32>
          %parallel_loop3A_1157 = arith.addf %parallel_loop3A_1150, %parallel_loop3A_1156 : vector<16xf32>
          %parallel_loop3A_1158 = arith.index_cast %parallel_loop3A_138 : i32 to index
          %parallel_loop3A_1159 = arith.constant 1008 : index
          %parallel_loop3A_1160 = tpu.vector_load %arg7[%parallel_loop3A_1158, %parallel_loop3A_1159] {strides = array<i32>} : memref<16x1024xf32, #tpu.memory_space<vmem>>, vector<1x16xf32>,
          %parallel_loop3A_1161 = vector.shape_cast %parallel_loop3A_1160 : vector<1x16xf32> to vector<16xf32>
          %parallel_loop3A_1162 = vector.shape_cast %parallel_loop3A_1157 : vector<16xf32> to vector<1x16xf32>
          tpu.vector_store %arg7[%parallel_loop3A_1158, %parallel_loop3A_1159], %parallel_loop3A_1162 {strides = array<i32>} : memref<16x1024xf32, #tpu.memory_space<vmem>>, vector<1x16xf32>,
        } {sc.loop_unroll_factor = 4 : i64, sc.parallel_access}
      } else {
      }
      %mul3A_117 = arith.constant 16 : i32
      %mul3A_118 = arith.muli %add3A_94, %mul3A_117 : i32
      %add3A_119 = arith.addi %mul3A_2, %mul3A_118 : i32
      %dma_start3A_120 = arith.constant 0 : i32
      %dma_start3A_121 = tpu.memref_slice %arg5[%add3A_119, %dma_start3A_120] : memref<8192x1024xf32, #tpu.memory_space<hbm>> -> memref<16x1024xf32, #tpu.memory_space<hbm>>
      %dma_start3A_122 = arith.constant 0 : i32
      %dma_start3A_123 = tpu.memref_slice %arg5[%add3A_119, %dma_start3A_122] : memref<8192x1024xf32, #tpu.memory_space<hbm>> -> memref<16x1024xf32, #tpu.memory_space<hbm>>
      tpu.enqueue_dma source(%arg7 : memref<16x1024xf32, #tpu.memory_space<vmem>>) target(%dma_start3A_123 : memref<16x1024xf32, #tpu.memory_space<hbm>>) target_semaphore(%arg17 : memref<!tpu.dma_semaphore, #tpu.memory_space<semaphore_mem>>)
    }
    %scan3A_55 = arith.constant 8 : i32
    %dma_wait3A_56 = arith.constant 0 : i32
    %dma_wait3A_57 = tpu.memref_slice %arg5[%mul3A_2, %dma_wait3A_56] : memref<8192x1024xf32, #tpu.memory_space<hbm>> -> memref<16x1024xf32, #tpu.memory_space<hbm>>
    %dma_wait3A_58 = arith.constant 0 : i32
    %dma_wait3A_59 = tpu.memref_slice %arg5[%mul3A_2, %dma_wait3A_58] : memref<8192x1024xf32, #tpu.memory_space<hbm>> -> memref<16x1024xf32, #tpu.memory_space<hbm>>
    tpu.wait_dma2 semaphore(%arg17 : memref<!tpu.dma_semaphore, #tpu.memory_space<semaphore_mem>>) src(%arg7 : memref<16x1024xf32, #tpu.memory_space<vmem>>) dst(%dma_wait3A_59 : memref<16x1024xf32, #tpu.memory_space<hbm>>)
    return
  }
}

</mosaic_0001>

<sc_bundles>
// kernel: kernel.3.cloned.1.call-start
scs
__scs_entry_jumppad:
0x0: {  	(pc) =	sbr.rel $0x88, $3  }
0x1: {  	(tag) =	ssettag $0x0;
	lr =	simm.s32 $0x1  }
0x2: {  	[smem:$0x3F9E] =	sst lr;
	_ =	strace $0xD0000000  }
0x3: {  	_ = 	snop  }
0x4: {  	_ = 	snop  }
0x5: {  	_ = 	snop  }
0x6: {  	_ = 	snop  }
0x7: {  	_ = 	snop  }
__scs_overlays_trampoline_lowered:
0x8: {  	[smem:$0x3FAD] =	sst s0  }
0x9: {  	[smem:$0x3FAE] =	sst s1  }
0xa: {  	[smem:$0x3FAF] =	sst s2  }
0xb: {  	[smem:$0x3FB0] =	sst s3  }
0xc: {  	[smem:$0x3FB1] =	sst s4  }
0xd: {  	[smem:$0x3FB2] =	sst s5  }
0xe: {  	[smem:$0x3FB3] =	sst s6  }
0xf: {  	[smem:$0x3FB4] =	sst s7  }
0x10: {  	[smem:$0x3FB5] =	sst s8  }
0x11: {  	[smem:$0x3FB6] =	sst s9;
	s0 =	simm.s32 @!p0 $0x0  }
0x12: {  	s1 =	sld [smem:$0x3F9C];
	s0 =	simm.s32 @p0 $0x1  }
0x13: {  	[smem:$0x3FB7] =	sst s0;
	s0 =	simm.s32 @!p1 $0x0  }
0x14: {  	s2 =	sld [smem:$0x3F9B];
	s0 =	simm.s32 @p1 $0x1  }
0x15: {  	[smem:$0x3FB8] =	sst s0;
	s0 =	simm.s32 @!p2 $0x0  }
0x16: {  	s3 =	sld [smem:$0x3FDB];
	s0 =	simm.s32 @p2 $0x1  }
0x17: {  	s4 =	simm.s32 $0x1BF5;
	[smem:$0x3FBA] =	sst s0  }
0x18: {  	s0 =	sld [smem:$0x3F9D];
	_ =	swait.ge [sflag:s4], $0x0  }
0x19: {  	s7 =	sld [smem:$0x3F9E]  }
0x1a: {  	s8 =	sadd.s32 $0xFFFFE003, lr  }
0x1b: {  	s9 =	sadd.s32 $0xFFFFFEF7, lr;
	s5 =	simm.s32 $0xFFFFFFFF;
	p2 =	slt.u32 s8, $0xFFFFF086  }
0x1c: {  	p1 =	slt.u32 s9, $0xF7A;
	s5 =	simm.s32 @!p2 $0x0  }
0x1d: {  	s5 =	simm.s32 @p1 $0x1;
	p0 =	seq.s32 s7, s2  }
0x1e: {  	s7 =	smul.u32 @!p0 $0xF7A, s2;
	p2 =	seq.s32 @!p0 s5, $0x0  }
0x1f: {  	s9 =	smul.u32 $0xF7A, s1;
	s8 =	simm.s32 @!p0 $0x1BF5;
	p2 =	por !p2, p0  }
0x20: {  	[sflag:s8] =	ssyncset.s32 @!p0 $0xFFFFF086;
	s6 =	sadd.s32 @!p0 s3, s7;
	s7 =	simm.s32 @!p0 $0x108  }
0x21: {  	s3 =	sadd.s32 s3, s9;
	s6 =	sadd.s32 @!p0 $0x88, s6;
	s7 =	simm.s32 @p2 $0x1082  }
0x22: {  	[simem:s7], [sflag:s8] =	dma.local @!p0 [hbm:s6], $0xF7A  }
0x23: {  	s9 =	sor.u32 $0xD0000000, s2;
	s6 =	simm.s32 $0x108;
	_ =	swait.ge @!p0 [sflag:s8], $0x0  }
0x24: {  	s3 =	sadd.s32 $0x88, s3;
	s6 =	simm.s32 @!p1 $0x1082;
	[sflag:s4] =	ssyncset.s32 $0xFFFFF086  }
0x25: {  	[simem:s6], [sflag:s4] =	dma.local [hbm:s3], $0xF7A  }
0x26: {  	[smem:$0x3F9E] =	sst s1;
	(tag) =	ssettag s2;
	_ =	strace s9  }
0x27: {  	s1 =	sld [smem:$0x3FAE]  }
0x28: {  	s2 =	sld [smem:$0x3FAF]  }
0x29: {  	s4 =	sld [smem:$0x3FB1]  }
0x2a: {  	p0 =	seq.s32 s5, $0x0;
	s5 =	sld [smem:$0x3FB2]  }
0x2b: {  	s6 =	sld [smem:$0x3FB3]  }
0x2c: {  	s7 =	sld [smem:$0x3FB4]  }
0x2d: {  	s3 =	simm.s32 $0x108;
	s8 =	sld [smem:$0x3FB5]  }
0x2e: {  	s3 =	simm.s32 @!p0 $0x1082;
	s9 =	sld [smem:$0x3FB6]  }
0x2f: {  	lr =	sadd.s32 s0, s3;
	s0 =	sld [smem:$0x3FAD]  }
0x30: {  	s3 =	sld [smem:$0x3FB0]  }
0x31: {  	[smem:$0x3FB9] =	sst s10  }
0x32: {  	s10 =	sld [smem:$0x3FB7];
	_ =	sdelay $0x3  }
0x33: {  	p0 =	seq.s32 s10, $0x1;
	s10 =	sld [smem:$0x3FB9];
	_ =	sdelay $0x3  }
0x34: {  	[smem:$0x3FB9] =	sst s10  }
0x35: {  	s10 =	sld [smem:$0x3FB8];
	_ =	sdelay $0x3  }
0x36: {  	p1 =	seq.s32 s10, $0x1;
	s10 =	sld [smem:$0x3FB9];
	_ =	sdelay $0x3  }
0x37: {  	[smem:$0x3FB9] =	sst s10  }
0x38: {  	s10 =	sld [smem:$0x3FBA]  }
0x39: {  	_ = 	snop;
	(pc) =	sbr.ind lr, $3  }
0x3a: {  	_ = 	snop  }
0x3b: {  	_ = 	snop  }
0x3c: {  	p2 =	seq.s32 s10, $0x1;
	s10 =	sld [smem:$0x3FB9]  }
0x3d: {  	_ =	shalt  }
0x3e: {  	_ =	shalt  }
0x3f: {  	_ =	shalt  }
0x40: {  	_ =	shalt  }
0x41: {  	_ =	shalt  }
0x42: {  	_ =	shalt  }
0x43: {  	_ =	shalt  }
0x44: {  	_ =	shalt  }
0x45: {  	_ =	shalt  }
0x46: {  	_ =	shalt  }
0x47: {  	_ =	shalt  }
0x48: {  	_ =	shalt  }
0x49: {  	_ =	shalt  }
0x4a: {  	_ =	shalt  }
0x4b: {  	_ =	shalt  }
0x4c: {  	_ =	shalt  }
0x4d: {  	_ =	shalt  }
0x4e: {  	_ =	shalt  }
0x4f: {  	_ =	shalt  }
0x50: {  	_ =	shalt  }
0x51: {  	_ =	shalt  }
0x52: {  	_ =	shalt  }
0x53: {  	_ =	shalt  }
0x54: {  	_ =	shalt  }
0x55: {  	_ =	shalt  }
0x56: {  	_ =	shalt  }
0x57: {  	_ =	shalt  }
0x58: {  	_ =	shalt  }
0x59: {  	_ =	shalt  }
0x5a: {  	_ =	shalt  }
0x5b: {  	_ =	shalt  }
0x5c: {  	_ =	shalt  }
0x5d: {  	_ =	shalt  }
0x5e: {  	_ =	shalt  }
0x5f: {  	_ =	shalt  }
0x60: {  	_ =	shalt  }
0x61: {  	_ =	shalt  }
0x62: {  	_ =	shalt  }
0x63: {  	_ =	shalt  }
0x64: {  	_ =	shalt  }
0x65: {  	_ =	shalt  }
0x66: {  	_ =	shalt  }
0x67: {  	_ =	shalt  }
0x68: {  	_ =	shalt  }
0x69: {  	_ =	shalt  }
0x6a: {  	_ =	shalt  }
0x6b: {  	_ =	shalt  }
0x6c: {  	_ =	shalt  }
0x6d: {  	_ =	shalt  }
0x6e: {  	_ =	shalt  }
0x6f: {  	_ =	shalt  }
0x70: {  	_ =	shalt  }
0x71: {  	_ =	shalt  }
0x72: {  	_ =	shalt  }
0x73: {  	_ =	shalt  }
0x74: {  	_ =	shalt  }
0x75: {  	_ =	shalt  }
0x76: {  	_ =	shalt  }
0x77: {  	_ =	shalt  }
0x78: {  	_ =	shalt  }
0x79: {  	_ =	shalt  }
0x7a: {  	_ =	shalt  }
0x7b: {  	_ =	shalt  }
0x7c: {  	_ =	shalt  }
0x7d: {  	_ =	shalt  }
0x7e: {  	_ =	shalt  }
0x7f: {  	_ =	shalt  }
0x80: {  	_ =	shalt  }
0x81: {  	_ =	shalt  }
0x82: {  	_ =	shalt  }
0x83: {  	_ =	shalt  }
0x84: {  	_ =	shalt  }
0x85: {  	_ =	shalt  }
0x86: {  	_ =	shalt  }
0x87: {  	_ =	shalt  }
.Lfunc_end0:
.L_simem_size_0:
called_computation_lowered:
.L_overlay_start_0:
0x88: {  	s2 =	sld [smem:$0x3FD9]  }
0x89: {  	s3 =	sld [smem:$0x3FFE];
	_ =	sdelay $0x1  }
0x8a: {  	s1 =	srdreg.scid  }
0x8b: {  	s0 =	sand.u32 $0x1, s1  }
0x8c: {  	s18 =	sshll.u32 s0, $0xA;
	s2 =	sadd.s32 s3, s2  }
0x8d: {  	s2 =	sadd.s32 s2, s18  }
0x8e: {  	[smem:$0x3FC5] =	sst s2  }
0x8f: {  	_ = 	snop  }
0x90: {  	s2 =	sld [smem:$0x3FC9]  }
0x91: {  	s19 =	sld [smem:$0x3FC8]  }
0x92: {  	s4 =	sld [smem:$0x3FC7]  }
0x93: {  	s5 =	sld [smem:$0x3FD0];
	(tm) =	ssettm $0x1  }
0x94: {  	s6 =	sld [smem:$0x3FFB];
	_ =	sdelay $0x3  }
0x95: {  	_ =	strace s6  }
0x96: {  	s6 =	sld [smem:$0x3FFC];
	_ =	sdelay $0x3  }
0x97: {  	_ =	strace s6  }
0x98: {  	s6 =	sld [smem:$0x3FFD];
	_ =	sdelay $0x3  }
0x99: {  	_ =	strace s6  }
0x9a: {  	_ =	strace $0x8FFFFFFF  }
0x9b: {  	s20 =	sld [smem:$0x3FDB];
	_ =	sdelay $0x1  }
0x9c: {  	s7 =	simm.s32 $_scs_section_size  }
0x9d: {  	s8 =	simm.s32 $_size__tile_overlayer_lowered;
	s9 =	simm.s32 $_tile_overlayer_lowered  }
0x9e: {  	s23 =	simm.s32 $0x1BFF;
	s22 =	sshll.u32 s9, $0x1;
	s6 =	sadd.s32 s7, s20  }
0x9f: {  	s10 =	simm.s32 $0x0;
	s21 =	sshll.u32 s8, $0x1;
	s8 =	sadd.s32 s22, s6  }
0xa0: {  	[timem:s10], [sflag:s23] =	dma.local [hbm:s8], s21  }
0xa1: {  	_ =	swait.ge [sflag:s23], s21  }
0xa2: {  	s7 =	ssub.s32 $0x0, s21;
	[sflag:s23] =	ssyncset.done $0x0  }
0xa3: {  	[sflag:s23] =	ssyncadd.s32 s7;
	_ =	sdelay $0x1  }
0xa4: {  	s24 =	simm.s32 $0x1B8B  }
0xa5: {  	_ =	swait.ge [sflag:s24], $0x1  }
0xa6: {  	[sflag:s24] =	ssyncset.done $0x0  }
0xa7: {  	s25 =	simm.s32 $0x1B8E;
	[sflag:s24] =	ssyncadd.s32 $0xFFFFFFFF  }
0xa8: {  	s26 =	simm.s32 $execute0_lowered;
	[smem:$0x3FD2] =	sst s25  }
0xa9: {  	s7 =	sshll.u32 s26, $0x1;
	_ =	strace $0x80000046;
	[dreg:$0x1] =	wrdreg $0xFFFFFFFF  }
0xaa: {  	s28 =	simm.s32 $_size_execute0_lowered;
	s6 =	sadd.s32 s6, s7;
	[dreg:$0x0] =	wrdreg $0x0  }
0xab: {  	s7 =	sshll.u32 s28, $0x1;
	[dreg:$0x2] =	wrdreg s6  }
0xac: {  	[dreg:$0x3] =	wrdreg s7  }
0xad: {  	[dreg:$0x4] =	wrdreg $0xC0  }
0xae: {  	_ =	task [dreg:s10], $0x5FFFF  }
0xaf: {  	[dreg:$0x1] =	wrdreg $0xFFFFFFFF  }
0xb0: {  	[dreg:$0x0] =	wrdreg $0x60  }
0xb1: {  	[dreg:$0x2] =	wrdreg s2  }
0xb2: {  	[dreg:$0x3] =	wrdreg s19  }
0xb3: {  	[dreg:$0x4] =	wrdreg s4  }
0xb4: {  	[dreg:$0x5] =	wrdreg s5  }
0xb5: {  	[dreg:$0x6] =	wrdreg $0x9  }
0xb6: {  	_ =	task.clear_ibuf [dreg:s10], $0x7FFFF;
	_ =	strace $0x90000046  }
0xb7: {  	s29 =	simm.s32 $0x9;
	_ =	strace $0x80000048  }
0xb8: {  	_ =	swait.ge [sflag:s29], $0x1  }
0xb9: {  	[sflag:s29] =	ssyncadd.s32 $0xFFFFFFFF  }
0xba: {  	_ =	strace $0x90000048  }
0xbb: {  	_ =	sfence  }
0xbc: {  	s30 =	sld [smem:$0x0];
	_ =	sdelay $0x2  }
0xbd: {  	s31 =	sshll.u32 s1, $0xD;
	s1 =	sshrl.u32 s1, $0x2  }
0xbe: {  	s3 =	sand.u32 $0x4000, s31;
	s1 =	sadd.s32 s1, s30  }
0xbf: {  	s0 =	sor.u32 s3, s0;
	s1 =	sshll.u32 s1, $0x11  }
0xc0: {  	s0 =	sor.u32 s1, s0  }
0xc1: {  	s0 =	sadd.s32 $0x8F2B, s0  }
0xc2: {  	[sflag:s0] =	ssyncadd.remote.s32 $0x1  }
0xc3: {  	_ =	sfence.sel $0xFFFF  }
0xc4: {  	[dreg:$0x0] =	wrdreg $0xFFFFFFFF;
	(pc) =	sbr.abs _section_cstart, $3  }
0xc5: {  	[dreg:$0x1] =	wrdreg $0xFFFFFFFF  }
0xc6: {  	_ =	task.clear_ibuf [dreg:s10], $0x2FFFF;
	_ =	strace $0x9FFFFFFF  }
0xc7: {  	(tm) =	ssettm $0x7FFFFFFF  }
tec
execute0_lowered:
.L_overlay_start_1:
0x0: {  	(tag) =	ssettag $0x1  }
0x1: {  	s9 =	rddreg [dreg:$0x0]  }
0x2: {  	s10 =	rddreg [dreg:$0x2];
	s0 =	srdreg.scid  }
0x3: {  	s11 =	rddreg [dreg:$0x3];
	s4 =	stileid.u32;
	s0 =	sand.u32 $0x1, s0  }
0x4: {  	s12 =	simm.s32 $0x0;
	s2 =	sshll.u32 s4, $0x9;
	s1 =	ssub.s32 $0x2, s0  }
0x5: {  	[smem:$0x7FF] =	sst s12;
	s0 =	sshll.u32 s0, $0x8;
	s3 =	sshrl.u32 s1, $0x1  }
0x6: {  	_ =	strace $0x80000047;
	s13 =	sor.u32 s0, s2;
	s26 =	ssub.s32 s1, s3  }
0x7: {  	s14 =	sand.u32 $0x700, s13;
	s2 =	sshll.u32 s13, $0x7;
	[dreg:$0x5] =	wrdreg s13  }
.Ltmp0:
0x8: {  	s2 =	sadd.s32 s9, s2;
	[dreg:$0x6] =	wrdreg s14;
	(pc) =	sbr.rel .LBB2_1-.Ltmp0, $4  }
0x9: {  	s0 =	smax.u32 s26, $0x1;
	[dreg:$0x7] =	wrdreg s2  }
0xa: {  	s29 =	sshll.u32 s14, $0x7;
	s31 =	ssub.s32 $0x0, s14;
	[dreg:$0x9] =	wrdreg s0  }
0xb: {  	s28 =	sshrl.u32 s4, $0x2;
	s30 =	sadd.s32 s10, s29;
	[dreg:$0xa] =	wrdreg s31  }
0xc: {  	s5 =	simm.s32 $0x4000;
	v0 =	vmov s28;
	s2 =	simm.s32 $0x0;
	[dreg:$0x8] =	wrdreg s30  }
.LBB2_17:
0xd: {  	s1 =	simm.s32 $0x6  }
0xe: {  	_ =	swait.ge [sflag:s1], $0x4000  }
0xf: {  	s2 =	rddreg [dreg:$0xb]  }
0x10: {  	s0 =	rddreg [dreg:$0x9];
	s2 =	sadd.s32 $0x1, s2  }
0x11: {  	p0 =	sne.s32 s2, s0  }
.Ltmp1:
0x12: {  	_ = 	snop;
	(pc) =	sbr.rel @!p0 .LBB2_18-.Ltmp1, $3  }
0x13: {  	_ =	sdelay $0x1  }
0x14: {  	[sflag:s1] =	ssyncset.done $0x0  }
0x15: {  	[sflag:s1] =	ssyncadd.s32 $0xFFFFC000  }
.LBB2_1:
0x16: {  	[dreg:$0xb] =	wrdreg s2  }
0x17: {  	s0 =	rddreg [dreg:$0x1];
	s1 =	simm.s32 $0x10  }
0x18: {  	[tilespmem:$0x14000] =	vst v0;
	s26 =	simm.s32 $0x14000;
	s3 =	simm.s32 $0x14080;
	s28 =	simm.s32 $0x1  }
0x19: {  	[tilespmem:s3], [sflag:$0x1] =	stream.indirect.gather [hbm4b:s0+s1], $0x1, s26, s1, $0xb8;
	[tilespmem:$0x14100] =	vst v63  }
0x1a: {  	_ =	swait.ge [sflag:s28], $0x10  }
0x1b: {  	[sflag:s28] =	ssyncset.done $0x0  }
0x1c: {  	[sflag:s28] =	ssyncadd.s32 $0xFFFFFFF0  }
0x1d: {  	v1 =	vld [tilespmem:$0x14080];
	_ =	sdelay $0x4  }
0x1e: {  	(v2sf) =	vpush v1, $0x0;
	_ =	sdelay $0xc  }
0x1f: {  	s30 =	rddreg [dreg:$0x7]  }
0x20: {  	[tilespmem:s12], [sflag:$0x1] =	stream.linear.gather [hbm4b:s30+s12], $0x4000, $0x38;
	[tilespmem:$0x14100] =	vst v63  }
0x21: {  	s29 =	spop (v2sf)  }
0x22: {  	s1 =	ssub.s32 s29, s14  }
0x23: {  	s4 =	rddreg [dreg:$0x8];
	p0 =	slt.s32 s1, $0x1  }
0x24: {  	s31 =	rddreg [dreg:$0xa];
	s2 =	simm.s32 @!p0 $0x0;
	s3 =	simm.s32 @!p0 $0x8000  }
0x25: {  	[tilespmem:s3], [sflag:$0x3] =	stream.linear.gather @!p0 [hbm4b:s4+s2], $0x6000, $0x38;
	[tilespmem:$0x14100] =	vst v63  }
.Ltmp2:
0x26: {  	s0 =	sadd.s32 s29, s31;
	(pc) =	sbr.rel .LBB2_2-.Ltmp2, $4  }
0x27: {  	p1 =	sgt.s32 s1, $0x0;
	p0 =	sgt.s32 s0, $0x0  }
0x28: {  	s1 =	simm.s32 @!p1 $0x0;
	s0 =	simm.s32 @!p0 $0x0  }
0x29: {  	s16 =	smin.u32 s1, $0x100;
	s15 =	smin.u32 s0, $0x100  }
0x2a: {  	s18 =	simm.s32 $0x0;
	[dreg:$0xd] =	wrdreg s16;
	s17 =	sadd.s32 $0xFFFFFFF0, s15  }
.LBB2_16:
0x2b: {  	s18 =	sadd.s32 $0x1, s18  }
0x2c: {  	p0 =	sne.s32 s18, $0x8  }
.Ltmp3:
0x2d: {  	_ = 	snop;
	(pc) =	sbr.rel @!p0 .LBB2_17-.Ltmp3, $4  }
0x2e: {  	_ = 	snop  }
0x2f: {  	s0 =	rddreg [dreg:$0x10];
	s5 =	simm.s32 $0x4000  }
0x30: {  	s15 =	sadd.s32 $0xFFFFFFE0, s15;
	s17 =	sadd.s32 $0xFFFFFFE0, s17;
	s0 =	sadd.s32 s11, s0  }
0x31: {  	[hbm4b:s0+s12] =	stream.linear.scatter [tilespmem:s5], [sflag:$0x6], $0x4000, $0x38;
	[tilespmem:$0x14100] =	vst v63  }
.LBB2_2:
0x32: {  	s20 =	sshll.u32 s18, $0x5;
	p0 =	seq.s32 s18, $0x0  }
0x33: {  	s0 =	simm.s32 @!p0 $0x6;
	s19 =	sor.u32 $0x10, s20  }
0x34: {  	_ =	swait.ge @!p0 [sflag:s0], $0x4000;
	s1 =	sor.u32 s13, s19  }
0x35: {  	[sflag:s0] =	ssyncset.done @!p0 $0x0;
	s1 =	sshll.u32 s1, $0x7  }
0x36: {  	[sflag:s0] =	ssyncadd.s32 @!p0 $0xFFFFC000;
	s30 =	sadd.s32 s9, s1;
	p0 =	sle.u32 s16, s19  }
0x37: {  	[tilespmem:s5], [sflag:$0x2] =	stream.linear.gather [hbm4b:s30+s12], $0x4000, $0x38;
	[tilespmem:$0x14100] =	vst v63  }
0x38: {  	s31 =	simm.s32 $0x1;
	p1 =	sle.u32 s16, s20;
	s0 =	sadd.s32 @!p0 s14, s19  }
0x39: {  	[dreg:$0x10] =	wrdreg s1;
	s1 =	simm.s32 @!p0 $0x0;
	s0 =	sshll.u32 @!p0 s0, $0x7  }
.Ltmp4:
0x3a: {  	s2 =	simm.s32 @!p0 $0xE000;
	s0 =	sadd.s32 @!p0 s10, s0;
	(pc) =	sbr.rel @p1 .LBB2_9-.Ltmp4, $4  }
0x3b: {  	[tilespmem:s2], [sflag:$0x4] =	stream.linear.gather @!p0 [hbm4b:s0+s1], $0x6000, $0x38;
	[tilespmem:$0x14100] =	vst v63  }
0x3c: {  	_ =	swait.ge [sflag:s31], $0x4000;
	[dreg:$0xc] =	wrdreg s15  }
0x3d: {  	[dreg:$0xe] =	wrdreg s17;
	[sflag:s31] =	ssyncset.done $0x0  }
0x3e: {  	[dreg:$0xf] =	wrdreg s18;
	[sflag:s31] =	ssyncadd.s32 $0xFFFFC000  }
0x3f: {  	s0 =	ssub.s32 s16, s20  }
0x40: {  	s1 =	smin.u32 s0, $0x10  }
0x41: {  	s22 =	sand.u32 $0x1C, s1  }
0x42: {  	p1 =	seq.s32 s22, $0x0  }
.Ltmp5:
0x43: {  	[dreg:$0x11] =	wrdreg s19;
	(pc) =	sbr.rel @p1 .LBB2_6-.Ltmp5, $4  }
0x44: {  	[dreg:$0x12] =	wrdreg s20;
	s31 =	simm.s32 $0x3  }
0x45: {  	_ =	swait.ge [sflag:s31], $0x6000  }
0x46: {  	[sflag:s31] =	ssyncset.done $0x0  }
0x47: {  	[dreg:$0x13] =	wrdreg s1;
	[sflag:s31] =	ssyncadd.s32 $0xFFFFA000  }
0x48: {  	s5 =	simm.s32 $0x0;
	s13 =	simm.s32 $0x200;
	p1 =	por $0x1, $0x1  }
0x49: {  	s14 =	simm.s32 $0x1000;
	p2 =	por $0x0, $0x0;
	[dreg:$0x15] =	wrdreg s22  }
.LBB2_5:
0x4a: {  	s1 =	sadd.s32 $0xFFFFF000, s14;
	s0 =	sadd.s32 $0xFFFFFE00, s13  }
0x4b: {  	[smem:$0x7F8] =	sst s1;
	s1 =	sand.u32 $0x7FFFE000, s1;
	s0 =	sand.u32 $0x200, s0  }
0x4c: {  	s8 =	sor.u32 s0, s1  }
0x4d: {  	v1 =	vld [tilespmem:s8+$0x0]  }
0x4e: {  	v2 =	vld [tilespmem:s8+$0x8080]  }
0x4f: {  	v3 =	vld [tilespmem:s8+$0x10]  }
0x50: {  	v4 =	vld [tilespmem:s8+$0x8090]  }
0x51: {  	v5 =	vld [tilespmem:s8+$0x20]  }
0x52: {  	v6 =	vld [tilespmem:s8+$0x80A0]  }
0x53: {  	v7 =	vld [tilespmem:s8+$0x30]  }
0x54: {  	v8 =	vld [tilespmem:s8+$0x80B0]  }
0x55: {  	v9 =	vld [tilespmem:s8+$0x40]  }
0x56: {  	v10 =	vld [tilespmem:s8+$0x80C0]  }
0x57: {  	v11 =	vld [tilespmem:s8+$0x50]  }
0x58: {  	v12 =	vld [tilespmem:s8+$0x80D0]  }
0x59: {  	v13 =	vld [tilespmem:s8+$0x60]  }
0x5a: {  	v14 =	vld [tilespmem:s8+$0x80E0]  }
0x5b: {  	v15 =	vld [tilespmem:s8+$0x70]  }
0x5c: {  	v16 =	vld [tilespmem:s8+$0x80F0]  }
0x5d: {  	v17 =	vld [tilespmem:s8+$0x400]  }
0x5e: {  	v18 =	vld [tilespmem:s8+$0x8480]  }
0x5f: {  	v19 =	vld [tilespmem:s8+$0x410]  }
0x60: {  	v20 =	vld [tilespmem:s8+$0x8490]  }
0x61: {  	v21 =	vld [tilespmem:s8+$0x420]  }
0x62: {  	v22 =	vld [tilespmem:s8+$0x84A0]  }
0x63: {  	v23 =	vld [tilespmem:s8+$0x430]  }
0x64: {  	v24 =	vld [tilespmem:s8+$0x84B0]  }
0x65: {  	v25 =	vld [tilespmem:s8+$0x440]  }
0x66: {  	v26 =	vld [tilespmem:s8+$0x84C0]  }
0x67: {  	v27 =	vld [tilespmem:s8+$0x450]  }
0x68: {  	v28 =	vld [tilespmem:s8+$0x84D0]  }
0x69: {  	v29 =	vld [tilespmem:s8+$0x460]  }
0x6a: {  	v30 =	vld [tilespmem:s8+$0x84E0]  }
0x6b: {  	v31 =	vld [tilespmem:s8+$0x470]  }
0x6c: {  	v32 =	vld [tilespmem:s8+$0x84F0]  }
0x6d: {  	v33 =	vld [tilespmem:s8+$0x800]  }
0x6e: {  	v34 =	vld [tilespmem:s8+$0x8880]  }
0x6f: {  	v35 =	vld [tilespmem:s8+$0x810]  }
0x70: {  	v36 =	vld [tilespmem:s8+$0x8890]  }
0x71: {  	v37 =	vld [tilespmem:s8+$0x820]  }
0x72: {  	v54 =	vld [tilespmem:s8+$0x830];
	v1 =	vadd.f32 v2, v1  }
0x73: {  	v55 =	vld [tilespmem:s8+$0x88B0];
	v3 =	vadd.f32 v4, v3  }
0x74: {  	v56 =	vld [tilespmem:s8+$0x840];
	[tilespmem:s8+$0x0] =	vst v1;
	v1 =	vadd.f32 v6, v5  }
0x75: {  	v57 =	vld [tilespmem:s8+$0x88C0];
	[tilespmem:s8+$0x10] =	vst v3;
	v3 =	vadd.f32 v8, v7  }
0x76: {  	v58 =	vld [tilespmem:s8+$0x850];
	[tilespmem:s8+$0x20] =	vst v1;
	v1 =	vadd.f32 v10, v9  }
0x77: {  	v59 =	vld [tilespmem:s8+$0x88D0];
	[tilespmem:s8+$0x30] =	vst v3;
	v3 =	vadd.f32 v12, v11  }
0x78: {  	v60 =	vld [tilespmem:s8+$0x860];
	[tilespmem:s8+$0x40] =	vst v1;
	v1 =	vadd.f32 v14, v13  }
0x79: {  	v61 =	vld [tilespmem:s8+$0x88E0];
	[tilespmem:s8+$0x50] =	vst v3;
	v3 =	vadd.f32 v16, v15  }
0x7a: {  	v62 =	vld [tilespmem:s8+$0x870];
	[tilespmem:s8+$0x60] =	vst v1;
	v1 =	vadd.f32 v18, v17  }
0x7b: {  	v63 =	vld [tilespmem:s8+$0x88F0];
	[tilespmem:s8+$0x70] =	vst v3;
	v3 =	vadd.f32 v20, v19  }
0x7c: {  	v38 =	vld [tilespmem:s8+$0xC00];
	[tilespmem:s8+$0x400] =	vst v1;
	v1 =	vadd.f32 v22, v21  }
0x7d: {  	v39 =	vld [tilespmem:s8+$0x8C80];
	[tilespmem:s8+$0x410] =	vst v3;
	v3 =	vadd.f32 v24, v23  }
0x7e: {  	v40 =	vld [tilespmem:s8+$0xC10];
	[tilespmem:s8+$0x420] =	vst v1;
	v1 =	vadd.f32 v26, v25  }
0x7f: {  	v2 =	vld [tilespmem:s8+$0x88A0];
	[tilespmem:s8+$0x430] =	vst v3;
	v3 =	vadd.f32 v28, v27  }
0x80: {  	v41 =	vld [tilespmem:s8+$0x8C90];
	[tilespmem:s8+$0x440] =	vst v1;
	v1 =	vadd.f32 v30, v29  }
0x81: {  	v42 =	vld [tilespmem:s8+$0xC20];
	[tilespmem:s8+$0x450] =	vst v3;
	v3 =	vadd.f32 v32, v31  }
0x82: {  	v43 =	vld [tilespmem:s8+$0x8CA0];
	[tilespmem:s8+$0x460] =	vst v1;
	v1 =	vadd.f32 v34, v33  }
0x83: {  	v44 =	vld [tilespmem:s8+$0xC30];
	[tilespmem:s8+$0x470] =	vst v3;
	v3 =	vadd.f32 v36, v35  }
0x84: {  	v45 =	vld [tilespmem:s8+$0xC40];
	[tilespmem:s8+$0x800] =	vst v1;
	v1 =	vadd.f32 v2, v37  }
0x85: {  	v2 =	vld [tilespmem:s8+$0x8CB0];
	[tilespmem:s8+$0x810] =	vst v3;
	v3 =	vadd.f32 v55, v54  }
0x86: {  	v46 =	vld [tilespmem:s8+$0x8CC0];
	[tilespmem:s8+$0x820] =	vst v1;
	v1 =	vadd.f32 v57, v56  }
0x87: {  	v47 =	vld [tilespmem:s8+$0xC50];
	[tilespmem:s8+$0x830] =	vst v3;
	v3 =	vadd.f32 v59, v58  }
0x88: {  	v48 =	vld [tilespmem:s8+$0x8CD0];
	[tilespmem:s8+$0x840] =	vst v1;
	v1 =	vadd.f32 v61, v60  }
0x89: {  	v49 =	vld [tilespmem:s8+$0xC60];
	[tilespmem:s8+$0x850] =	vst v3;
	v3 =	vadd.f32 v63, v62  }
0x8a: {  	v51 =	vld [tilespmem:s8+$0xC70];
	v2 =	vadd.f32 v2, v44;
	[tilespmem:s8+$0x860] =	vst v1  }
0x8b: {  	v52 =	vld [tilespmem:s8+$0x8CF0];
	v1 =	vadd.f32 v39, v38;
	[tilespmem:s8+$0x870] =	vst v3  }
0x8c: {  	v50 =	vld [tilespmem:s8+$0x8CE0];
	v3 =	vadd.f32 v41, v40;
	[tilespmem:s8+$0xC30] =	vst v2  }
0x8d: {  	s0 =	simm.s32 $0x1;
	[tilespmem:s8+$0xC00] =	vst v1;
	v1 =	vadd.f32 v43, v42  }
0x8e: {  	s0 =	simm.s32 @!p2 $0x0;
	v2 =	vadd.f32 v48, v47;
	[tilespmem:s8+$0xC10] =	vst v3  }
0x8f: {  	s0 =	sshll.u32 s0, $0x9;
	[tilespmem:s8+$0xC20] =	vst v1;
	v1 =	vadd.f32 v46, v45  }
0x90: {  	s12 =	sadd.s32 s14, s0;
	[tilespmem:s8+$0xC50] =	vst v2;
	v2 =	vadd.f32 v52, v51  }
0x91: {  	s22 =	sadd.s32 $0xFFFFF000, s12;
	[tilespmem:s8+$0xC40] =	vst v1;
	v1 =	vadd.f32 v50, v49  }
0x92: {  	s23 =	sadd.s32 $0xFFFFF080, s12;
	s10 =	sor.u32 $0x1000, s22;
	[tilespmem:s8+$0xC70] =	vst v2  }
0x93: {  	s11 =	sor.u32 $0x1000, s23;
	[tilespmem:s8+$0xC60] =	vst v1;
	v1 =	vld [tilespmem:s10+$0x0]  }
0x94: {  	v2 =	vld [tilespmem:s11+$0x8000];
	_ =	sdelay $0x4  }
0x95: {  	v1 =	vadd.f32 v2, v1;
	_ =	sdelay $0x1  }
0x96: {  	s15 =	sor.u32 $0x1010, s22;
	[tilespmem:s10+$0x0] =	vst v1  }
0x97: {  	s10 =	sor.u32 $0x1010, s23;
	v1 =	vld [tilespmem:s15+$0x0]  }
0x98: {  	v2 =	vld [tilespmem:s10+$0x8000];
	_ =	sdelay $0x4  }
0x99: {  	v1 =	vadd.f32 v2, v1;
	_ =	sdelay $0x1  }
0x9a: {  	s16 =	sor.u32 $0x1020, s22;
	[tilespmem:s15+$0x0] =	vst v1  }
0x9b: {  	s9 =	sor.u32 $0x1020, s23;
	v1 =	vld [tilespmem:s16+$0x0]  }
0x9c: {  	v2 =	vld [tilespmem:s9+$0x8000];
	_ =	sdelay $0x4  }
0x9d: {  	v1 =	vadd.f32 v2, v1;
	_ =	sdelay $0x1  }
0x9e: {  	s17 =	sor.u32 $0x1030, s22;
	[tilespmem:s16+$0x0] =	vst v1  }
0x9f: {  	s15 =	sor.u32 $0x1030, s23;
	v1 =	vld [tilespmem:s17+$0x0]  }
0xa0: {  	v2 =	vld [tilespmem:s15+$0x8000];
	_ =	sdelay $0x4  }
0xa1: {  	v1 =	vadd.f32 v2, v1;
	_ =	sdelay $0x1  }
0xa2: {  	s18 =	sor.u32 $0x1040, s22;
	[tilespmem:s17+$0x0] =	vst v1  }
0xa3: {  	s2 =	sor.u32 $0x1040, s23;
	v1 =	vld [tilespmem:s18+$0x0]  }
0xa4: {  	v2 =	vld [tilespmem:s2+$0x8000];
	_ =	sdelay $0x4  }
0xa5: {  	v1 =	vadd.f32 v2, v1;
	_ =	sdelay $0x1  }
0xa6: {  	s19 =	sor.u32 $0x1050, s22;
	[tilespmem:s18+$0x0] =	vst v1  }
0xa7: {  	s29 =	sor.u32 $0x1050, s23;
	v1 =	vld [tilespmem:s19+$0x0]  }
0xa8: {  	v2 =	vld [tilespmem:s29+$0x8000];
	_ =	sdelay $0x4  }
0xa9: {  	v1 =	vadd.f32 v2, v1;
	_ =	sdelay $0x1  }
0xaa: {  	s20 =	sor.u32 $0x1060, s22;
	[tilespmem:s19+$0x0] =	vst v1  }
0xab: {  	s4 =	sor.u32 $0x1060, s23;
	v1 =	vld [tilespmem:s20+$0x0]  }
0xac: {  	v2 =	vld [tilespmem:s4+$0x8000];
	_ =	sdelay $0x4  }
0xad: {  	v1 =	vadd.f32 v2, v1;
	_ =	sdelay $0x1  }
0xae: {  	s21 =	sor.u32 $0x1070, s22;
	[tilespmem:s20+$0x0] =	vst v1  }
0xaf: {  	s0 =	sor.u32 $0x1070, s23;
	v1 =	vld [tilespmem:s21+$0x0]  }
0xb0: {  	v2 =	vld [tilespmem:s0+$0x8000];
	_ =	sdelay $0x4  }
0xb1: {  	v1 =	vadd.f32 v2, v1;
	_ =	sdelay $0x1  }
0xb2: {  	s24 =	sor.u32 $0x1400, s22;
	[tilespmem:s21+$0x0] =	vst v1  }
0xb3: {  	s31 =	sor.u32 $0x1400, s23;
	v1 =	vld [tilespmem:s24+$0x0]  }
0xb4: {  	v2 =	vld [tilespmem:s31+$0x8000];
	_ =	sdelay $0x4  }
0xb5: {  	v1 =	vadd.f32 v2, v1;
	_ =	sdelay $0x1  }
0xb6: {  	s25 =	sor.u32 $0x1410, s22;
	[tilespmem:s24+$0x0] =	vst v1  }
0xb7: {  	s28 =	sor.u32 $0x1410, s23;
	v1 =	vld [tilespmem:s25+$0x0]  }
0xb8: {  	v2 =	vld [tilespmem:s28+$0x8000];
	_ =	sdelay $0x4  }
0xb9: {  	v1 =	vadd.f32 v2, v1;
	_ =	sdelay $0x1  }
0xba: {  	s26 =	sor.u32 $0x1420, s22;
	[tilespmem:s25+$0x0] =	vst v1  }
0xbb: {  	s30 =	sor.u32 $0x1420, s23;
	v1 =	vld [tilespmem:s26+$0x0]  }
0xbc: {  	v2 =	vld [tilespmem:s30+$0x8000];
	_ =	sdelay $0x4  }
0xbd: {  	v1 =	vadd.f32 v2, v1;
	_ =	sdelay $0x1  }
0xbe: {  	s3 =	sor.u32 $0x1430, s22;
	[tilespmem:s26+$0x0] =	vst v1  }
0xbf: {  	s24 =	sor.u32 $0x1430, s23;
	v1 =	vld [tilespmem:s3+$0x0]  }
0xc0: {  	v2 =	vld [tilespmem:s24+$0x8000];
	_ =	sdelay $0x4  }
0xc1: {  	v1 =	vadd.f32 v2, v1;
	_ =	sdelay $0x1  }
0xc2: {  	s6 =	sor.u32 $0x1440, s22;
	[tilespmem:s3+$0x0] =	vst v1  }
0xc3: {  	s26 =	sor.u32 $0x1440, s23;
	v1 =	vld [tilespmem:s6+$0x0]  }
0xc4: {  	v2 =	vld [tilespmem:s26+$0x8000];
	_ =	sdelay $0x4  }
0xc5: {  	v1 =	vadd.f32 v2, v1;
	_ =	sdelay $0x1  }
0xc6: {  	s7 =	sor.u32 $0x1450, s22;
	[tilespmem:s6+$0x0] =	vst v1  }
0xc7: {  	s25 =	sor.u32 $0x1450, s23;
	v1 =	vld [tilespmem:s7+$0x0]  }
0xc8: {  	v2 =	vld [tilespmem:s25+$0x8000];
	_ =	sdelay $0x4  }
0xc9: {  	v1 =	vadd.f32 v2, v1;
	_ =	sdelay $0x1  }
0xca: {  	s16 =	sor.u32 $0x1460, s22;
	[tilespmem:s7+$0x0] =	vst v1  }
0xcb: {  	s7 =	sor.u32 $0x1460, s23;
	v1 =	vld [tilespmem:s16+$0x0]  }
0xcc: {  	v2 =	vld [tilespmem:s7+$0x8000];
	_ =	sdelay $0x4  }
0xcd: {  	v1 =	vadd.f32 v2, v1;
	_ =	sdelay $0x1  }
0xce: {  	s17 =	sor.u32 $0x1470, s22;
	[tilespmem:s16+$0x0] =	vst v1  }
0xcf: {  	s16 =	sor.u32 $0x1470, s23;
	v1 =	vld [tilespmem:s17+$0x0]  }
0xd0: {  	v2 =	vld [tilespmem:s16+$0x8000];
	_ =	sdelay $0x4  }
0xd1: {  	v1 =	vadd.f32 v2, v1;
	_ =	sdelay $0x1  }
0xd2: {  	s18 =	sor.u32 $0x1800, s22;
	[tilespmem:s17+$0x0] =	vst v1  }
0xd3: {  	s6 =	sor.u32 $0x1800, s23;
	v1 =	vld [tilespmem:s18+$0x0]  }
0xd4: {  	v2 =	vld [tilespmem:s6+$0x8000];
	_ =	sdelay $0x4  }
0xd5: {  	v1 =	vadd.f32 v2, v1;
	_ =	sdelay $0x1  }
0xd6: {  	s19 =	sor.u32 $0x1810, s22;
	[tilespmem:s18+$0x0] =	vst v1  }
0xd7: {  	s20 =	sor.u32 $0x1810, s23;
	v1 =	vld [tilespmem:s19+$0x0]  }
0xd8: {  	v2 =	vld [tilespmem:s20+$0x8000];
	_ =	sdelay $0x4  }
0xd9: {  	v1 =	vadd.f32 v2, v1;
	_ =	sdelay $0x1  }
0xda: {  	s21 =	sor.u32 $0x1820, s22;
	[tilespmem:s19+$0x0] =	vst v1  }
0xdb: {  	s19 =	sor.u32 $0x1820, s23;
	v1 =	vld [tilespmem:s21+$0x0]  }
0xdc: {  	v2 =	vld [tilespmem:s19+$0x8000];
	_ =	sdelay $0x4  }
0xdd: {  	v1 =	vadd.f32 v2, v1;
	_ =	sdelay $0x1  }
0xde: {  	s3 =	sor.u32 $0x1830, s22;
	[tilespmem:s21+$0x0] =	vst v1  }
0xdf: {  	s17 =	sor.u32 $0x1830, s23;
	v1 =	vld [tilespmem:s3+$0x0]  }
0xe0: {  	v2 =	vld [tilespmem:s17+$0x8000];
	_ =	sdelay $0x4  }
0xe1: {  	v1 =	vadd.f32 v2, v1;
	_ =	sdelay $0x1  }
0xe2: {  	s18 =	sor.u32 $0x1840, s22;
	[tilespmem:s3+$0x0] =	vst v1  }
0xe3: {  	s3 =	sor.u32 $0x1840, s23;
	v1 =	vld [tilespmem:s18+$0x0]  }
0xe4: {  	v2 =	vld [tilespmem:s3+$0x8000];
	_ =	sdelay $0x4  }
0xe5: {  	v1 =	vadd.f32 v2, v1;
	_ =	sdelay $0x1  }
0xe6: {  	s21 =	sor.u32 $0x1850, s22;
	[tilespmem:s18+$0x0] =	vst v1  }
0xe7: {  	s18 =	sor.u32 $0x1850, s23;
	v1 =	vld [tilespmem:s21+$0x0]  }
0xe8: {  	v2 =	vld [tilespmem:s18+$0x8000];
	_ =	sdelay $0x4  }
0xe9: {  	v1 =	vadd.f32 v2, v1;
	_ =	sdelay $0x1  }
0xea: {  	[tilespmem:s21+$0x0] =	vst v1;
	s21 =	sor.u32 $0x1860, s22  }
0xeb: {  	s1 =	sor.u32 $0x1860, s23;
	v1 =	vld [tilespmem:s21+$0x0]  }
0xec: {  	v2 =	vld [tilespmem:s1+$0x8000];
	_ =	sdelay $0x4  }
0xed: {  	v1 =	vadd.f32 v2, v1;
	_ =	sdelay $0x1  }
0xee: {  	[smem:$0x7F9] =	sst s18;
	s18 =	sor.u32 $0x1870, s22;
	[tilespmem:s21+$0x0] =	vst v1  }
0xef: {  	s21 =	sor.u32 $0x1870, s23;
	v1 =	vld [tilespmem:s18+$0x0]  }
0xf0: {  	v2 =	vld [tilespmem:s21+$0x8000];
	_ =	sdelay $0x4  }
0xf1: {  	v1 =	vadd.f32 v2, v1;
	_ =	sdelay $0x1  }
0xf2: {  	[tilespmem:s18+$0x0] =	vst v1;
	s18 =	sor.u32 $0x1C00, s22  }
0xf3: {  	[smem:$0x7FA] =	sst s21;
	s21 =	sor.u32 $0x1C00, s23;
	v1 =	vld [tilespmem:s18+$0x0]  }
0xf4: {  	v2 =	vld [tilespmem:s21+$0x8000];
	_ =	sdelay $0x4  }
0xf5: {  	v1 =	vadd.f32 v2, v1;
	_ =	sdelay $0x1  }
0xf6: {  	[tilespmem:s18+$0x0] =	vst v1;
	s18 =	sor.u32 $0x1C10, s22  }
0xf7: {  	[smem:$0x7FB] =	sst s21;
	s21 =	sor.u32 $0x1C10, s23;
	v1 =	vld [tilespmem:s18+$0x0]  }
0xf8: {  	v2 =	vld [tilespmem:s21+$0x8000];
	_ =	sdelay $0x4  }
0xf9: {  	v1 =	vadd.f32 v2, v1;
	_ =	sdelay $0x1  }
0xfa: {  	[tilespmem:s18+$0x0] =	vst v1;
	s18 =	sor.u32 $0x1C20, s22  }
0xfb: {  	[smem:$0x7FC] =	sst s21;
	s21 =	sor.u32 $0x1C20, s23;
	v1 =	vld [tilespmem:s18+$0x0]  }
0xfc: {  	v2 =	vld [tilespmem:s21+$0x8000];
	_ =	sdelay $0x4  }
0xfd: {  	v1 =	vadd.f32 v2, v1;
	_ =	sdelay $0x1  }
0xfe: {  	[tilespmem:s18+$0x0] =	vst v1;
	s18 =	sor.u32 $0x1C30, s22  }
0xff: {  	[smem:$0x7FD] =	sst s21;
	s21 =	sor.u32 $0x1C30, s23;
	v1 =	vld [tilespmem:s18+$0x0]  }
0x100: {  	v2 =	vld [tilespmem:s21+$0x8000];
	_ =	sdelay $0x4  }
0x101: {  	v1 =	vadd.f32 v2, v1;
	_ =	sdelay $0x1  }
0x102: {  	[tilespmem:s18+$0x0] =	vst v1;
	s18 =	sor.u32 $0x1C40, s22  }
0x103: {  	[dreg:$0x1f] =	wrdreg s21;
	s21 =	sor.u32 $0x1C40, s23;
	v1 =	vld [tilespmem:s18+$0x0]  }
0x104: {  	v2 =	vld [tilespmem:s21+$0x8000];
	_ =	sdelay $0x4  }
0x105: {  	v1 =	vadd.f32 v2, v1  }
0x106: {  	v53 =	vld [tilespmem:s8+$0x8100]  }
0x107: {  	v19 =	vld [tilespmem:s8+$0x8960];
	[tilespmem:s18+$0x0] =	vst v1;
	s18 =	sor.u32 $0x1C50, s22  }
0x108: {  	[dreg:$0x1d] =	wrdreg s21;
	s21 =	sor.u32 $0x1C50, s23;
	v1 =	vld [tilespmem:s18+$0x0]  }
0x109: {  	v2 =	vld [tilespmem:s21+$0x8000]  }
0x10a: {  	v20 =	vld [tilespmem:s8+$0x8F0]  }
0x10b: {  	v21 =	vld [tilespmem:s8+$0x8970]  }
0x10c: {  	v22 =	vld [tilespmem:s8+$0xC80]  }
0x10d: {  	v33 =	vld [tilespmem:s8+$0xE0]  }
0x10e: {  	v34 =	vld [tilespmem:s8+$0x8160];
	v1 =	vadd.f32 v2, v1  }
0x10f: {  	v35 =	vld [tilespmem:s8+$0xF0]  }
0x110: {  	v37 =	vld [tilespmem:s8+$0x480];
	[tilespmem:s18+$0x0] =	vst v1;
	s18 =	sor.u32 $0x1C60, s22  }
0x111: {  	[dreg:$0x1b] =	wrdreg s21;
	s21 =	sor.u32 $0x1C60, s23;
	v1 =	vld [tilespmem:s18+$0x0]  }
0x112: {  	v2 =	vld [tilespmem:s21+$0x8000]  }
0x113: {  	v56 =	vld [tilespmem:s8+$0xA0]  }
0x114: {  	v57 =	vld [tilespmem:s8+$0x8120]  }
0x115: {  	v3 =	vld [tilespmem:s8+$0x80]  }
0x116: {  	v60 =	vld [tilespmem:s8+$0xC0]  }
0x117: {  	v61 =	vld [tilespmem:s8+$0x8140];
	v1 =	vadd.f32 v2, v1  }
0x118: {  	v38 =	vld [tilespmem:s8+$0x8500]  }
0x119: {  	v41 =	vld [tilespmem:s8+$0x4A0];
	[tilespmem:s18+$0x0] =	vst v1;
	s18 =	sor.u32 $0x1C70, s22  }
0x11a: {  	v3 =	vadd.f32 v53, v3;
	s22 =	sor.u32 $0x1C70, s23;
	v1 =	vld [tilespmem:s18+$0x0]  }
0x11b: {  	v2 =	vld [tilespmem:s22+$0x8000]  }
0x11c: {  	v42 =	vld [tilespmem:s8+$0x8520];
	[tilespmem:s8+$0x80] =	vst v3;
	v3 =	vadd.f32 v57, v56  }
0x11d: {  	v52 =	vld [tilespmem:s8+$0x880]  }
0x11e: {  	v45 =	vld [tilespmem:s8+$0x4C0];
	[tilespmem:s8+$0xA0] =	vst v3;
	v3 =	vadd.f32 v61, v60  }
0x11f: {  	v49 =	vld [tilespmem:s8+$0x4E0]  }
0x120: {  	[tilespmem:s8+$0xC0] =	vst v3;
	v3 =	vadd.f32 v34, v33;
	v1 =	vadd.f32 v2, v1;
	v2 =	vld [tilespmem:s8+$0x8560]  }
0x121: {  	v46 =	vld [tilespmem:s8+$0x8540]  }
0x122: {  	v53 =	vld [tilespmem:s8+$0x8900];
	[tilespmem:s8+$0xE0] =	vst v3;
	v3 =	vadd.f32 v38, v37  }
0x123: {  	v56 =	vld [tilespmem:s8+$0x8A0]  }
0x124: {  	v57 =	vld [tilespmem:s8+$0x8920];
	[tilespmem:s8+$0x480] =	vst v3;
	v3 =	vadd.f32 v42, v41  }
0x125: {  	v60 =	vld [tilespmem:s8+$0x8C0];
	v2 =	vadd.f32 v2, v49  }
0x126: {  	v61 =	vld [tilespmem:s8+$0x8940];
	[tilespmem:s8+$0x4A0] =	vst v3;
	v3 =	vadd.f32 v46, v45  }
0x127: {  	v36 =	vld [tilespmem:s8+$0x8170];
	[tilespmem:s8+$0x4E0] =	vst v2;
	v2 =	vadd.f32 v53, v52  }
0x128: {  	[tilespmem:s8+$0x4C0] =	vst v3;
	v3 =	vld [tilespmem:s8+$0x8E0]  }
0x129: {  	v54 =	vld [tilespmem:s8+$0x90];
	[tilespmem:s8+$0x880] =	vst v2;
	v2 =	vadd.f32 v57, v56  }
0x12a: {  	v55 =	vld [tilespmem:s8+$0x8110];
	[dreg:$0x19] =	wrdreg s21;
	s21 =	sand.u32 $0x200, s13;
	s23 =	sand.u32 $0x7FFFE000, s14  }
0x12b: {  	v58 =	vld [tilespmem:s8+$0xB0];
	[dreg:$0x17] =	wrdreg s22;
	s22 =	sor.u32 s21, s23;
	[tilespmem:s8+$0x8A0] =	vst v2;
	v2 =	vadd.f32 v61, v60  }
0x12c: {  	v24 =	vld [tilespmem:s22+$0x8000]  }
0x12d: {  	[tilespmem:s8+$0x8C0] =	vst v2;
	v2 =	vadd.f32 v19, v3;
	v3 =	vld [tilespmem:s8+$0x180]  }
0x12e: {  	v59 =	vld [tilespmem:s8+$0x8130]  }
0x12f: {  	v62 =	vld [tilespmem:s8+$0xD0]  }
0x130: {  	v63 =	vld [tilespmem:s8+$0x8150]  }
0x131: {  	v44 =	vld [tilespmem:s8+$0x8530]  }
0x132: {  	v39 =	vld [tilespmem:s8+$0x490];
	v3 =	vadd.f32 v24, v3  }
0x133: {  	v40 =	vld [tilespmem:s8+$0x8510];
	[tilespmem:s18+$0x0] =	vst v1;
	v1 =	vadd.f32 v55, v54  }
0x134: {  	[tilespmem:s8+$0x180] =	vst v3;
	v3 =	vld [tilespmem:s8+$0x190]  }
0x135: {  	[tilespmem:s8+$0x90] =	vst v1;
	v1 =	vadd.f32 v59, v58;
	v25 =	vld [tilespmem:s22+$0x8010]  }
0x136: {  	v47 =	vld [tilespmem:s8+$0x4D0]  }
0x137: {  	v48 =	vld [tilespmem:s8+$0x8550];
	[tilespmem:s8+$0xB0] =	vst v1;
	v1 =	vadd.f32 v63, v62  }
0x138: {  	v43 =	vld [tilespmem:s8+$0x4B0]  }
0x139: {  	v51 =	vld [tilespmem:s8+$0x8570];
	[tilespmem:s8+$0xD0] =	vst v1;
	v1 =	vadd.f32 v36, v35  }
0x13a: {  	v50 =	vld [tilespmem:s8+$0x4F0];
	v3 =	vadd.f32 v25, v3  }
0x13b: {  	v54 =	vld [tilespmem:s8+$0x890];
	[tilespmem:s8+$0xF0] =	vst v1;
	v1 =	vadd.f32 v40, v39  }
0x13c: {  	[tilespmem:s8+$0x190] =	vst v3;
	v3 =	vld [tilespmem:s8+$0x1A0]  }
0x13d: {  	[tilespmem:s8+$0x490] =	vst v1;
	v1 =	vadd.f32 v44, v43;
	v26 =	vld [tilespmem:s22+$0x8020]  }
0x13e: {  	v55 =	vld [tilespmem:s8+$0x8910]  }
0x13f: {  	v58 =	vld [tilespmem:s8+$0x8B0];
	[tilespmem:s8+$0x4B0] =	vst v1;
	v1 =	vadd.f32 v48, v47  }
0x140: {  	v59 =	vld [tilespmem:s8+$0x8930]  }
0x141: {  	v62 =	vld [tilespmem:s8+$0x8D0];
	[tilespmem:s8+$0x4D0] =	vst v1;
	v1 =	vadd.f32 v51, v50  }
0x142: {  	v63 =	vld [tilespmem:s8+$0x8950];
	v3 =	vadd.f32 v26, v3  }
0x143: {  	v23 =	vld [tilespmem:s8+$0x8D00];
	[tilespmem:s8+$0x4F0] =	vst v1;
	v1 =	vadd.f32 v55, v54  }
0x144: {  	[tilespmem:s8+$0x1A0] =	vst v3;
	v3 =	vld [tilespmem:s8+$0x1B0]  }
0x145: {  	[tilespmem:s8+$0x890] =	vst v1;
	v1 =	vadd.f32 v59, v58;
	v27 =	vld [tilespmem:s22+$0x8030];
	_ =	sdelay $0x1  }
0x146: {  	[tilespmem:s8+$0x8B0] =	vst v1;
	v1 =	vadd.f32 v63, v62  }
0x147: {  	[tilespmem:s8+$0x8E0] =	vst v2;
	v2 =	vadd.f32 v23, v22  }
0x148: {  	[tilespmem:s8+$0x8D0] =	vst v1;
	v1 =	vadd.f32 v21, v20  }
0x149: {  	[tilespmem:s8+$0xC80] =	vst v2;
	v3 =	vadd.f32 v27, v3  }
0x14a: {  	v2 =	vld [tilespmem:s8+$0x8D10];
	[tilespmem:s8+$0x8F0] =	vst v1  }
0x14b: {  	v1 =	vld [tilespmem:s8+$0xC90];
	[tilespmem:s8+$0x1B0] =	vst v3  }
0x14c: {  	v3 =	vld [tilespmem:s8+$0x1C0]  }
0x14d: {  	v28 =	vld [tilespmem:s22+$0x8040];
	_ =	sdelay $0x4  }
0x14e: {  	v3 =	vadd.f32 v28, v3;
	_ =	sdelay $0x1  }
0x14f: {  	[tilespmem:s8+$0x1C0] =	vst v3;
	v3 =	vld [tilespmem:s8+$0x1D0]  }
0x150: {  	v29 =	vld [tilespmem:s22+$0x8050];
	_ =	sdelay $0x4  }
0x151: {  	v3 =	vadd.f32 v29, v3;
	_ =	sdelay $0x1  }
0x152: {  	[tilespmem:s8+$0x1D0] =	vst v3;
	v3 =	vld [tilespmem:s8+$0x1E0]  }
0x153: {  	v30 =	vld [tilespmem:s22+$0x8060];
	_ =	sdelay $0x4  }
0x154: {  	v3 =	vadd.f32 v30, v3;
	_ =	sdelay $0x1  }
0x155: {  	[tilespmem:s8+$0x1E0] =	vst v3;
	v3 =	vld [tilespmem:s8+$0x1F0]  }
0x156: {  	v31 =	vld [tilespmem:s22+$0x8070];
	_ =	sdelay $0x4  }
0x157: {  	v3 =	vadd.f32 v31, v3;
	_ =	sdelay $0x1  }
0x158: {  	[tilespmem:s8+$0x1F0] =	vst v3;
	v3 =	vld [tilespmem:s8+$0x580]  }
0x159: {  	v32 =	vld [tilespmem:s22+$0x8400];
	_ =	sdelay $0x4  }
0x15a: {  	v3 =	vadd.f32 v32, v3;
	_ =	sdelay $0x1  }
0x15b: {  	[tilespmem:s8+$0x580] =	vst v3;
	v3 =	vld [tilespmem:s8+$0x590]  }
0x15c: {  	v33 =	vld [tilespmem:s22+$0x8410];
	_ =	sdelay $0x4  }
0x15d: {  	v3 =	vadd.f32 v33, v3;
	_ =	sdelay $0x1  }
0x15e: {  	[tilespmem:s8+$0x590] =	vst v3;
	v3 =	vld [tilespmem:s8+$0x5A0]  }
0x15f: {  	v34 =	vld [tilespmem:s22+$0x8420];
	_ =	sdelay $0x4  }
0x160: {  	v3 =	vadd.f32 v34, v3;
	_ =	sdelay $0x1  }
0x161: {  	[tilespmem:s8+$0x5A0] =	vst v3;
	v3 =	vld [tilespmem:s8+$0x5B0]  }
0x162: {  	v35 =	vld [tilespmem:s22+$0x8430];
	_ =	sdelay $0x4  }
0x163: {  	v3 =	vadd.f32 v35, v3;
	_ =	sdelay $0x1  }
0x164: {  	[tilespmem:s8+$0x5B0] =	vst v3;
	v3 =	vld [tilespmem:s8+$0x5C0]  }
0x165: {  	v36 =	vld [tilespmem:s22+$0x8440];
	_ =	sdelay $0x4  }
0x166: {  	v3 =	vadd.f32 v36, v3;
	_ =	sdelay $0x1  }
0x167: {  	[tilespmem:s8+$0x5C0] =	vst v3;
	v3 =	vld [tilespmem:s8+$0x5D0]  }
0x168: {  	v37 =	vld [tilespmem:s22+$0x8450];
	_ =	sdelay $0x4  }
0x169: {  	v3 =	vadd.f32 v37, v3;
	_ =	sdelay $0x1  }
0x16a: {  	[tilespmem:s8+$0x5D0] =	vst v3;
	v3 =	vld [tilespmem:s8+$0x5E0]  }
0x16b: {  	v38 =	vld [tilespmem:s22+$0x8460];
	_ =	sdelay $0x4  }
0x16c: {  	v3 =	vadd.f32 v38, v3;
	_ =	sdelay $0x1  }
0x16d: {  	[tilespmem:s8+$0x5E0] =	vst v3;
	v3 =	vld [tilespmem:s8+$0x5F0]  }
0x16e: {  	v39 =	vld [tilespmem:s22+$0x8470];
	_ =	sdelay $0x4  }
0x16f: {  	v3 =	vadd.f32 v39, v3;
	_ =	sdelay $0x1  }
0x170: {  	[tilespmem:s8+$0x5F0] =	vst v3;
	v3 =	vld [tilespmem:s8+$0x980]  }
0x171: {  	v40 =	vld [tilespmem:s22+$0x8800];
	_ =	sdelay $0x4  }
0x172: {  	v3 =	vadd.f32 v40, v3;
	_ =	sdelay $0x1  }
0x173: {  	[tilespmem:s8+$0x980] =	vst v3;
	v3 =	vld [tilespmem:s8+$0x990]  }
0x174: {  	v41 =	vld [tilespmem:s22+$0x8810];
	_ =	sdelay $0x4  }
0x175: {  	v3 =	vadd.f32 v41, v3;
	_ =	sdelay $0x1  }
0x176: {  	[tilespmem:s8+$0x990] =	vst v3;
	v3 =	vld [tilespmem:s8+$0x9A0]  }
0x177: {  	v42 =	vld [tilespmem:s22+$0x8820];
	_ =	sdelay $0x4  }
0x178: {  	v3 =	vadd.f32 v42, v3;
	_ =	sdelay $0x1  }
0x179: {  	[tilespmem:s8+$0x9A0] =	vst v3;
	v3 =	vld [tilespmem:s8+$0x9B0]  }
0x17a: {  	v43 =	vld [tilespmem:s22+$0x8830];
	_ =	sdelay $0x4  }
0x17b: {  	v3 =	vadd.f32 v43, v3  }
0x17c: {  	v4 =	vld [tilespmem:s8+$0xCA0]  }
0x17d: {  	[tilespmem:s8+$0x9B0] =	vst v3;
	v3 =	vld [tilespmem:s8+$0x9C0]  }
0x17e: {  	v44 =	vld [tilespmem:s22+$0x8840]  }
0x17f: {  	v5 =	vld [tilespmem:s8+$0x8D20]  }
0x180: {  	v6 =	vld [tilespmem:s8+$0xCB0]  }
0x181: {  	v7 =	vld [tilespmem:s8+$0x8D30]  }
0x182: {  	v55 =	vld [tilespmem:s8+$0xCC0]  }
0x183: {  	v56 =	vld [tilespmem:s8+$0x8D40];
	v3 =	vadd.f32 v44, v3  }
0x184: {  	v10 =	vld [tilespmem:s8+$0xCD0]  }
0x185: {  	[tilespmem:s8+$0x9C0] =	vst v3;
	v3 =	vld [tilespmem:s8+$0x9D0]  }
0x186: {  	v45 =	vld [tilespmem:s22+$0x8850]  }
0x187: {  	v11 =	vld [tilespmem:s8+$0x8D50]  }
0x188: {  	v12 =	vld [tilespmem:s8+$0xCE0]  }
0x189: {  	v57 =	vld [tilespmem:s8+$0x8D60]  }
0x18a: {  	v14 =	vld [tilespmem:s8+$0xCF0]  }
0x18b: {  	v15 =	vld [tilespmem:s8+$0x8D70];
	v3 =	vadd.f32 v45, v3  }
0x18c: {  	v58 =	vld [tilespmem:s8+$0x100]  }
0x18d: {  	[tilespmem:s8+$0x9D0] =	vst v3;
	v3 =	vld [tilespmem:s8+$0x9E0]  }
0x18e: {  	v46 =	vld [tilespmem:s22+$0x8860]  }
0x18f: {  	v59 =	vld [tilespmem:s8+$0x8180]  }
0x190: {  	v18 =	vld [tilespmem:s8+$0x110]  }
0x191: {  	v19 =	vld [tilespmem:s8+$0x8190]  }
0x192: {  	v60 =	vld [tilespmem:s8+$0x120]  }
0x193: {  	v61 =	vld [tilespmem:s8+$0x81A0];
	v3 =	vadd.f32 v46, v3  }
0x194: {  	v22 =	vld [tilespmem:s8+$0x130]  }
0x195: {  	[tilespmem:s8+$0x9E0] =	vst v3;
	v3 =	vld [tilespmem:s8+$0x9F0]  }
0x196: {  	v47 =	vld [tilespmem:s22+$0x8870]  }
0x197: {  	v23 =	vld [tilespmem:s8+$0x81B0]  }
0x198: {  	v62 =	vld [tilespmem:s8+$0x140]  }
0x199: {  	v63 =	vld [tilespmem:s8+$0x81C0]  }
0x19a: {  	v26 =	vld [tilespmem:s8+$0x150]  }
0x19b: {  	v27 =	vld [tilespmem:s8+$0x81D0];
	v3 =	vadd.f32 v47, v3  }
0x19c: {  	v1 =	vadd.f32 v2, v1;
	v2 =	vld [tilespmem:s8+$0x570]  }
0x19d: {  	[tilespmem:s8+$0x9F0] =	vst v3;
	v3 =	vld [tilespmem:s8+$0xD80]  }
0x19e: {  	v48 =	vld [tilespmem:s22+$0x8C00]  }
0x19f: {  	v8 =	vld [tilespmem:s8+$0x910]  }
0x1a0: {  	v9 =	vld [tilespmem:s8+$0x8990]  }
0x1a1: {  	v16 =	vld [tilespmem:s8+$0x950]  }
0x1a2: {  	v17 =	vld [tilespmem:s8+$0xD50]  }
0x1a3: {  	v21 =	vld [tilespmem:s8+$0xD60];
	v3 =	vadd.f32 v48, v3  }
0x1a4: {  	v28 =	vld [tilespmem:s8+$0x160]  }
0x1a5: {  	[tilespmem:s8+$0xD80] =	vst v3;
	v3 =	vld [tilespmem:s8+$0xD90]  }
0x1a6: {  	v49 =	vld [tilespmem:s22+$0x8C10]  }
0x1a7: {  	v4 =	vadd.f32 v5, v4;
	v5 =	vld [tilespmem:s8+$0x85F0]  }
0x1a8: {  	[tilespmem:s8+$0xC90] =	vst v1;
	v1 =	vadd.f32 v7, v6;
	v6 =	vld [tilespmem:s8+$0x900]  }
0x1a9: {  	v55 =	vadd.f32 v56, v55;
	v56 =	vld [tilespmem:s8+$0x8980]  }
0x1aa: {  	v58 =	vadd.f32 v59, v58;
	v59 =	vld [tilespmem:s8+$0x89A0]  }
0x1ab: {  	v57 =	vadd.f32 v57, v12;
	v12 =	vld [tilespmem:s8+$0x930];
	v3 =	vadd.f32 v49, v3  }
0x1ac: {  	v60 =	vadd.f32 v61, v60;
	v61 =	vld [tilespmem:s8+$0x89B0]  }
0x1ad: {  	[tilespmem:s8+$0xD90] =	vst v3;
	v3 =	vld [tilespmem:s8+$0xDA0]  }
0x1ae: {  	v50 =	vld [tilespmem:s22+$0x8C20]  }
0x1af: {  	v62 =	vadd.f32 v63, v62;
	v63 =	vld [tilespmem:s8+$0x89C0]  }
0x1b0: {  	[tilespmem:s8+$0xCB0] =	vst v1;
	v1 =	vadd.f32 v11, v10;
	v10 =	vld [tilespmem:s8+$0x920]  }
0x1b1: {  	[tilespmem:s8+$0xCC0] =	vst v55;
	v55 =	vld [tilespmem:s8+$0x8D90]  }
0x1b2: {  	[tilespmem:s8+$0xCE0] =	vst v57;
	v57 =	vld [tilespmem:s8+$0x8DA0]  }
0x1b3: {  	[tilespmem:s8+$0xCD0] =	vst v1;
	v1 =	vadd.f32 v15, v14;
	v14 =	vld [tilespmem:s8+$0x940];
	v3 =	vadd.f32 v50, v3  }
0x1b4: {  	v29 =	vld [tilespmem:s8+$0x81E0]  }
0x1b5: {  	[tilespmem:s8+$0xDA0] =	vst v3;
	v3 =	vld [tilespmem:s8+$0xDB0]  }
0x1b6: {  	v51 =	vld [tilespmem:s22+$0x8C30]  }
0x1b7: {  	[tilespmem:s8+$0x100] =	vst v58;
	v58 =	vld [tilespmem:s8+$0xD30]  }
0x1b8: {  	[tilespmem:s8+$0x120] =	vst v60;
	v60 =	vld [tilespmem:s8+$0x8DB0]  }
0x1b9: {  	[tilespmem:s8+$0xCF0] =	vst v1;
	v1 =	vadd.f32 v19, v18;
	v19 =	vld [tilespmem:s8+$0x8DD0]  }
0x1ba: {  	[tilespmem:s8+$0x140] =	vst v62;
	v62 =	vadd.f32 v63, v14;
	v63 =	vld [tilespmem:s8+$0x8DC0];
	v28 =	vadd.f32 v29, v28  }
0x1bb: {  	v29 =	vld [tilespmem:s8+$0x89D0];
	v3 =	vadd.f32 v51, v3  }
0x1bc: {  	[tilespmem:s8+$0x160] =	vst v28;
	v28 =	vld [tilespmem:s8+$0x8DE0]  }
0x1bd: {  	[tilespmem:s8+$0xDB0] =	vst v3;
	v3 =	vld [tilespmem:s8+$0xDC0]  }
0x1be: {  	v52 =	vld [tilespmem:s22+$0x8C40]  }
0x1bf: {  	v30 =	vld [tilespmem:s8+$0x170]  }
0x1c0: {  	v31 =	vld [tilespmem:s8+$0x960]  }
0x1c1: {  	v38 =	vld [tilespmem:s8+$0x530]  }
0x1c2: {  	v39 =	vld [tilespmem:s8+$0x85B0]  }
0x1c3: {  	v40 =	vld [tilespmem:s8+$0x540];
	v3 =	vadd.f32 v52, v3  }
0x1c4: {  	v48 =	vld [tilespmem:s8+$0x81F0]  }
0x1c5: {  	[tilespmem:s8+$0xDC0] =	vst v3;
	v3 =	vld [tilespmem:s8+$0xDD0]  }
0x1c6: {  	[tilespmem:s8+$0x110] =	vst v1;
	v1 =	vadd.f32 v23, v22;
	v53 =	vld [tilespmem:s22+$0x8C50]  }
0x1c7: {  	v51 =	vld [tilespmem:s8+$0x510]  }
0x1c8: {  	[tilespmem:s8+$0x130] =	vst v1;
	v1 =	vadd.f32 v27, v26;
	v52 =	vld [tilespmem:s8+$0x8590]  }
0x1c9: {  	[tilespmem:s8+$0xCA0] =	vst v4;
	v56 =	vadd.f32 v56, v6;
	v42 =	vld [tilespmem:s8+$0x550]  }
0x1ca: {  	[tilespmem:s8+$0x150] =	vst v1;
	v43 =	vld [tilespmem:s8+$0x85D0];
	v1 =	vadd.f32 v48, v30  }
0x1cb: {  	[tilespmem:s8+$0x900] =	vst v56;
	v46 =	vld [tilespmem:s8+$0x89E0];
	v3 =	vadd.f32 v53, v3  }
0x1cc: {  	v59 =	vadd.f32 v59, v10;
	[tilespmem:s8+$0x170] =	vst v1;
	v49 =	vld [tilespmem:s8+$0x500]  }
0x1cd: {  	v1 =	vadd.f32 v52, v51;
	[tilespmem:s8+$0xDD0] =	vst v3;
	v3 =	vld [tilespmem:s8+$0xDE0]  }
0x1ce: {  	[tilespmem:s8+$0x920] =	vst v59;
	v54 =	vld [tilespmem:s22+$0x8C60]  }
0x1cf: {  	v50 =	vld [tilespmem:s8+$0x8580];
	[tilespmem:s8+$0x510] =	vst v1;
	v1 =	vadd.f32 v39, v38  }
0x1d0: {  	[tilespmem:s8+$0x940] =	vst v62;
	v41 =	vld [tilespmem:s8+$0x85C0];
	v18 =	vadd.f32 v46, v31  }
0x1d1: {  	v47 =	vld [tilespmem:s8+$0x970];
	[tilespmem:s8+$0x530] =	vst v1;
	v1 =	vadd.f32 v43, v42  }
0x1d2: {  	v31 =	vadd.f32 v28, v21;
	[tilespmem:s8+$0x960] =	vst v18;
	v53 =	vld [tilespmem:s8+$0x520]  }
0x1d3: {  	[tilespmem:s8+$0x550] =	vst v1;
	v1 =	vadd.f32 v5, v2;
	v3 =	vadd.f32 v54, v3;
	v54 =	vld [tilespmem:s8+$0x85A0]  }
0x1d4: {  	[tilespmem:s8+$0xD60] =	vst v31;
	v33 =	vadd.f32 v50, v49;
	v50 =	vld [tilespmem:s8+$0xD00]  }
0x1d5: {  	v52 =	vld [tilespmem:s8+$0x8D80];
	[tilespmem:s8+$0x570] =	vst v1;
	v1 =	vadd.f32 v9, v8  }
0x1d6: {  	v49 =	vld [tilespmem:s8+$0x89F0];
	[tilespmem:s8+$0x500] =	vst v33;
	v51 =	vadd.f32 v41, v40  }
0x1d7: {  	v2 =	vld [tilespmem:s8+$0xD20];
	[tilespmem:s8+$0x910] =	vst v1;
	v1 =	vadd.f32 v61, v12  }
0x1d8: {  	[tilespmem:s8+$0x540] =	vst v51;
	v48 =	vadd.f32 v54, v53;
	v53 =	vld [tilespmem:s8+$0xD10]  }
0x1d9: {  	v61 =	vld [tilespmem:s8+$0xD40];
	[tilespmem:s8+$0x930] =	vst v1;
	v1 =	vadd.f32 v29, v16  }
0x1da: {  	v27 =	vld [tilespmem:s8+$0xDF0];
	v26 =	vadd.f32 v52, v50;
	[tilespmem:s8+$0xDE0] =	vst v3  }
0x1db: {  	v44 =	vld [tilespmem:s8+$0x560];
	[tilespmem:s8+$0x950] =	vst v1;
	v1 =	vadd.f32 v49, v47  }
0x1dc: {  	[tilespmem:s8+$0xD00] =	vst v26;
	v2 =	vadd.f32 v57, v2;
	v3 =	vld [tilespmem:s22+$0x8C70]  }
0x1dd: {  	s18 =	simm.s32 $0x1;
	s23 =	sld [smem:$0x7F8];
	v45 =	vld [tilespmem:s8+$0x85E0];
	[tilespmem:s8+$0x970] =	vst v1;
	v1 =	vadd.f32 v55, v53  }
0x1de: {  	s18 =	simm.s32 @!p1 $0x0;
	v30 =	vld [tilespmem:s8+$0x8DF0];
	[tilespmem:s8+$0xD20] =	vst v2;
	v2 =	vadd.f32 v63, v61  }
0x1df: {  	s18 =	sshll.u32 s18, $0x9;
	v29 =	vld [tilespmem:s8+$0xD70];
	[tilespmem:s8+$0xD10] =	vst v1;
	v1 =	vadd.f32 v60, v58  }
0x1e0: {  	s18 =	sadd.s32 s23, s18;
	s22 =	sadd.s32 $0xFFFFF100, s12;
	[tilespmem:s8+$0xD40] =	vst v2  }
0x1e1: {  	s23 =	sadd.s32 $0x1000, s18;
	s18 =	sor.u32 $0x1000, s22;
	[tilespmem:s8+$0xD30] =	vst v1;
	v1 =	vadd.f32 v3, v27  }
0x1e2: {  	v32 =	vld [tilespmem:s18+$0x8000];
	v2 =	vadd.f32 v19, v17;
	[tilespmem:s8+$0x520] =	vst v48  }
0x1e3: {  	s21 =	sor.u32 $0x1000, s23;
	s12 =	sadd.s32 $0xFFFFF180, s12;
	v54 =	vadd.f32 v45, v44;
	v3 =	vld [tilespmem:s11+$0x0];
	[tilespmem:s8+$0xDF0] =	vst v1  }
0x1e4: {  	[tilespmem:s8+$0xD50] =	vst v2;
	v2 =	vadd.f32 v30, v29;
	v1 =	vld [tilespmem:s21+$0x8000];
	s21 =	sor.u32 $0x1000, s12  }
0x1e5: {  	[tilespmem:s8+$0x560] =	vst v54;
	v33 =	vld [tilespmem:s21+$0x0]  }
0x1e6: {  	[tilespmem:s8+$0xD70] =	vst v2  }
0x1e7: {  	v2 =	vld [tilespmem:s18+$0x0]  }
0x1e8: {  	v34 =	vld [tilespmem:s21+$0x8000];
	v3 =	vadd.f32 v32, v3;
	_ =	sdelay $0x1  }
0x1e9: {  	[tilespmem:s11+$0x0] =	vst v3;
	v1 =	vadd.f32 v1, v33  }
0x1ea: {  	s8 =	sor.u32 $0x1010, s22;
	v3 =	vld [tilespmem:s10+$0x0]  }
0x1eb: {  	[tilespmem:s21+$0x0] =	vst v1;
	v1 =	vld [tilespmem:s8+$0x8000];
	s21 =	sor.u32 $0x1010, s23  }
0x1ec: {  	v2 =	vadd.f32 v34, v2;
	v35 =	vld [tilespmem:s21+$0x8000];
	s21 =	sor.u32 $0x1010, s12  }
0x1ed: {  	v36 =	vld [tilespmem:s21+$0x0]  }
0x1ee: {  	[tilespmem:s18+$0x0] =	vst v2  }
0x1ef: {  	v2 =	vld [tilespmem:s8+$0x0]  }
0x1f0: {  	v1 =	vadd.f32 v1, v3;
	v3 =	vld [tilespmem:s21+$0x8000];
	_ =	sdelay $0x1  }
0x1f1: {  	[tilespmem:s10+$0x0] =	vst v1;
	v1 =	vadd.f32 v35, v36  }
0x1f2: {  	s10 =	sor.u32 $0x1020, s22;
	v37 =	vld [tilespmem:s9+$0x0]  }
0x1f3: {  	s18 =	sor.u32 $0x1020, s23;
	[tilespmem:s21+$0x0] =	vst v1;
	v1 =	vld [tilespmem:s10+$0x8000]  }
0x1f4: {  	s21 =	sor.u32 $0x1020, s12;
	v38 =	vld [tilespmem:s18+$0x8000];
	v2 =	vadd.f32 v3, v2  }
0x1f5: {  	v3 =	vld [tilespmem:s21+$0x0]  }
0x1f6: {  	[tilespmem:s8+$0x0] =	vst v2  }
0x1f7: {  	v2 =	vld [tilespmem:s10+$0x0]  }
0x1f8: {  	v39 =	vld [tilespmem:s21+$0x8000];
	v1 =	vadd.f32 v1, v37;
	_ =	sdelay $0x1  }
0x1f9: {  	[tilespmem:s9+$0x0] =	vst v1;
	v1 =	vadd.f32 v38, v3  }
0x1fa: {  	s8 =	sor.u32 $0x1030, s22;
	v3 =	vld [tilespmem:s15+$0x0]  }
0x1fb: {  	s18 =	sor.u32 $0x1030, s23;
	[tilespmem:s21+$0x0] =	vst v1;
	v1 =	vld [tilespmem:s8+$0x8000]  }
0x1fc: {  	v2 =	vadd.f32 v39, v2;
	s21 =	sor.u32 $0x1030, s12;
	v40 =	vld [tilespmem:s18+$0x8000]  }
0x1fd: {  	v41 =	vld [tilespmem:s21+$0x0]  }
0x1fe: {  	[tilespmem:s10+$0x0] =	vst v2  }
0x1ff: {  	v2 =	vld [tilespmem:s8+$0x0]  }
0x200: {  	v1 =	vadd.f32 v1, v3;
	v3 =	vld [tilespmem:s21+$0x8000];
	_ =	sdelay $0x1  }
0x201: {  	[tilespmem:s15+$0x0] =	vst v1;
	v1 =	vadd.f32 v40, v41  }
0x202: {  	s10 =	sor.u32 $0x1040, s22;
	v42 =	vld [tilespmem:s2+$0x0]  }
0x203: {  	s11 =	sor.u32 $0x1040, s23;
	[tilespmem:s21+$0x0] =	vst v1;
	v1 =	vld [tilespmem:s10+$0x8000]  }
0x204: {  	s15 =	sor.u32 $0x1040, s12;
	v43 =	vld [tilespmem:s11+$0x8000];
	v2 =	vadd.f32 v3, v2  }
0x205: {  	v3 =	vld [tilespmem:s15+$0x0]  }
0x206: {  	[tilespmem:s8+$0x0] =	vst v2  }
0x207: {  	v2 =	vld [tilespmem:s10+$0x0]  }
0x208: {  	v44 =	vld [tilespmem:s15+$0x8000];
	v1 =	vadd.f32 v1, v42;
	_ =	sdelay $0x1  }
0x209: {  	[tilespmem:s2+$0x0] =	vst v1;
	v1 =	vadd.f32 v43, v3  }
0x20a: {  	s18 =	sor.u32 $0x1050, s22;
	v3 =	vld [tilespmem:s29+$0x0]  }
0x20b: {  	s21 =	sor.u32 $0x1050, s23;
	[tilespmem:s15+$0x0] =	vst v1;
	v1 =	vld [tilespmem:s18+$0x8000]  }
0x20c: {  	s9 =	sor.u32 $0x1050, s12;
	v2 =	vadd.f32 v44, v2;
	v45 =	vld [tilespmem:s21+$0x8000]  }
0x20d: {  	v46 =	vld [tilespmem:s9+$0x0]  }
0x20e: {  	[tilespmem:s10+$0x0] =	vst v2  }
0x20f: {  	v2 =	vld [tilespmem:s18+$0x0]  }
0x210: {  	v1 =	vadd.f32 v1, v3;
	v3 =	vld [tilespmem:s9+$0x8000];
	_ =	sdelay $0x1  }
0x211: {  	[tilespmem:s29+$0x0] =	vst v1;
	v1 =	vadd.f32 v45, v46  }
0x212: {  	s10 =	sor.u32 $0x1060, s22;
	v47 =	vld [tilespmem:s4+$0x0]  }
0x213: {  	s11 =	sor.u32 $0x1060, s23;
	[tilespmem:s9+$0x0] =	vst v1;
	v1 =	vld [tilespmem:s10+$0x8000]  }
0x214: {  	s15 =	sor.u32 $0x1060, s12;
	v48 =	vld [tilespmem:s11+$0x8000];
	v2 =	vadd.f32 v3, v2  }
0x215: {  	v3 =	vld [tilespmem:s15+$0x0]  }
0x216: {  	[tilespmem:s18+$0x0] =	vst v2  }
0x217: {  	v2 =	vld [tilespmem:s10+$0x0]  }
0x218: {  	v49 =	vld [tilespmem:s15+$0x8000];
	v1 =	vadd.f32 v1, v47;
	_ =	sdelay $0x1  }
0x219: {  	[tilespmem:s4+$0x0] =	vst v1;
	v1 =	vadd.f32 v48, v3  }
0x21a: {  	s18 =	sor.u32 $0x1070, s22;
	v3 =	vld [tilespmem:s0+$0x0]  }
0x21b: {  	s21 =	sor.u32 $0x1070, s23;
	[tilespmem:s15+$0x0] =	vst v1;
	v1 =	vld [tilespmem:s18+$0x8000]  }
0x21c: {  	s29 =	sor.u32 $0x1070, s12;
	v2 =	vadd.f32 v49, v2;
	v50 =	vld [tilespmem:s21+$0x8000]  }
0x21d: {  	v51 =	vld [tilespmem:s29+$0x0]  }
0x21e: {  	[tilespmem:s10+$0x0] =	vst v2  }
0x21f: {  	v2 =	vld [tilespmem:s18+$0x0]  }
0x220: {  	v1 =	vadd.f32 v1, v3;
	v3 =	vld [tilespmem:s29+$0x8000];
	_ =	sdelay $0x1  }
0x221: {  	[tilespmem:s0+$0x0] =	vst v1;
	v1 =	vadd.f32 v50, v51  }
0x222: {  	s8 =	sor.u32 $0x1400, s22;
	v52 =	vld [tilespmem:s31+$0x0]  }
0x223: {  	s9 =	sor.u32 $0x1400, s23;
	[tilespmem:s29+$0x0] =	vst v1;
	v1 =	vld [tilespmem:s8+$0x8000]  }
0x224: {  	s10 =	sor.u32 $0x1400, s12;
	v53 =	vld [tilespmem:s9+$0x8000];
	v2 =	vadd.f32 v3, v2  }
0x225: {  	v3 =	vld [tilespmem:s10+$0x0]  }
0x226: {  	[tilespmem:s18+$0x0] =	vst v2  }
0x227: {  	v2 =	vld [tilespmem:s8+$0x0]  }
0x228: {  	v54 =	vld [tilespmem:s10+$0x8000];
	v1 =	vadd.f32 v1, v52;
	_ =	sdelay $0x1  }
0x229: {  	[tilespmem:s31+$0x0] =	vst v1;
	v1 =	vadd.f32 v53, v3  }
0x22a: {  	s11 =	sor.u32 $0x1410, s22;
	v3 =	vld [tilespmem:s28+$0x0]  }
0x22b: {  	s15 =	sor.u32 $0x1410, s23;
	[tilespmem:s10+$0x0] =	vst v1;
	v1 =	vld [tilespmem:s11+$0x8000]  }
0x22c: {  	s18 =	sor.u32 $0x1410, s12;
	v2 =	vadd.f32 v54, v2;
	v55 =	vld [tilespmem:s15+$0x8000]  }
0x22d: {  	v56 =	vld [tilespmem:s18+$0x0]  }
0x22e: {  	[tilespmem:s8+$0x0] =	vst v2  }
0x22f: {  	v2 =	vld [tilespmem:s11+$0x0]  }
0x230: {  	v1 =	vadd.f32 v1, v3;
	v3 =	vld [tilespmem:s18+$0x8000];
	_ =	sdelay $0x1  }
0x231: {  	[tilespmem:s28+$0x0] =	vst v1;
	v1 =	vadd.f32 v55, v56  }
0x232: {  	s21 =	sor.u32 $0x1420, s22;
	v57 =	vld [tilespmem:s30+$0x0]  }
0x233: {  	s28 =	sor.u32 $0x1420, s23;
	[tilespmem:s18+$0x0] =	vst v1;
	v1 =	vld [tilespmem:s21+$0x8000]  }
0x234: {  	s29 =	sor.u32 $0x1420, s12;
	v58 =	vld [tilespmem:s28+$0x8000];
	v2 =	vadd.f32 v3, v2  }
0x235: {  	v3 =	vld [tilespmem:s29+$0x0]  }
0x236: {  	[tilespmem:s11+$0x0] =	vst v2  }
0x237: {  	v2 =	vld [tilespmem:s21+$0x0]  }
0x238: {  	v59 =	vld [tilespmem:s29+$0x8000];
	v1 =	vadd.f32 v1, v57;
	_ =	sdelay $0x1  }
0x239: {  	[tilespmem:s30+$0x0] =	vst v1;
	v1 =	vadd.f32 v58, v3  }
0x23a: {  	s31 =	sor.u32 $0x1430, s22;
	v3 =	vld [tilespmem:s24+$0x0]  }
0x23b: {  	s8 =	sor.u32 $0x1430, s23;
	[tilespmem:s29+$0x0] =	vst v1;
	v1 =	vld [tilespmem:s31+$0x8000]  }
0x23c: {  	s9 =	sor.u32 $0x1430, s12;
	v2 =	vadd.f32 v59, v2;
	v60 =	vld [tilespmem:s8+$0x8000]  }
0x23d: {  	v61 =	vld [tilespmem:s9+$0x0]  }
0x23e: {  	[tilespmem:s21+$0x0] =	vst v2  }
0x23f: {  	v2 =	vld [tilespmem:s31+$0x0]  }
0x240: {  	v1 =	vadd.f32 v1, v3;
	v3 =	vld [tilespmem:s9+$0x8000];
	_ =	sdelay $0x1  }
0x241: {  	[tilespmem:s24+$0x0] =	vst v1;
	v1 =	vadd.f32 v60, v61  }
0x242: {  	s10 =	sor.u32 $0x1440, s22;
	v62 =	vld [tilespmem:s26+$0x0]  }
0x243: {  	s11 =	sor.u32 $0x1440, s23;
	v63 =	vld [tilespmem:s10+$0x8000];
	[tilespmem:s9+$0x0] =	vst v1  }
0x244: {  	s15 =	sor.u32 $0x1440, s12;
	v1 =	vadd.f32 v3, v2;
	v2 =	vld [tilespmem:s11+$0x8000]  }
0x245: {  	v3 =	vld [tilespmem:s15+$0x0];
	_ =	sdelay $0x1  }
0x246: {  	[tilespmem:s31+$0x0] =	vst v1  }
0x247: {  	v1 =	vld [tilespmem:s10+$0x0];
	v4 =	vadd.f32 v63, v62  }
0x248: {  	v8 =	vld [tilespmem:s15+$0x8000]  }
0x249: {  	[tilespmem:s26+$0x0] =	vst v4;
	v2 =	vadd.f32 v2, v3  }
0x24a: {  	s18 =	sor.u32 $0x1450, s22;
	v3 =	vld [tilespmem:s25+$0x0]  }
0x24b: {  	s21 =	sor.u32 $0x1450, s23;
	v4 =	vld [tilespmem:s18+$0x8000];
	[tilespmem:s15+$0x0] =	vst v2  }
0x24c: {  	s24 =	sor.u32 $0x1450, s12;
	v2 =	vld [tilespmem:s21+$0x8000]  }
0x24d: {  	v1 =	vadd.f32 v8, v1;
	v9 =	vld [tilespmem:s24+$0x0];
	_ =	sdelay $0x1  }
0x24e: {  	[tilespmem:s10+$0x0] =	vst v1  }
0x24f: {  	v1 =	vld [tilespmem:s18+$0x0];
	v3 =	vadd.f32 v4, v3  }
0x250: {  	v10 =	vld [tilespmem:s24+$0x8000]  }
0x251: {  	[tilespmem:s25+$0x0] =	vst v3;
	v2 =	vadd.f32 v2, v9  }
0x252: {  	s25 =	sor.u32 $0x1460, s22;
	v3 =	vld [tilespmem:s7+$0x0]  }
0x253: {  	s26 =	sor.u32 $0x1460, s23;
	v11 =	vld [tilespmem:s25+$0x8000];
	[tilespmem:s24+$0x0] =	vst v2  }
0x254: {  	s28 =	sor.u32 $0x1460, s12;
	v2 =	vld [tilespmem:s26+$0x8000]  }
0x255: {  	v1 =	vadd.f32 v10, v1;
	v12 =	vld [tilespmem:s28+$0x0];
	_ =	sdelay $0x1  }
0x256: {  	[tilespmem:s18+$0x0] =	vst v1  }
0x257: {  	v1 =	vld [tilespmem:s25+$0x0];
	v3 =	vadd.f32 v11, v3  }
0x258: {  	v13 =	vld [tilespmem:s28+$0x8000]  }
0x259: {  	[tilespmem:s7+$0x0] =	vst v3;
	v2 =	vadd.f32 v2, v12  }
0x25a: {  	s29 =	sor.u32 $0x1470, s22;
	v3 =	vld [tilespmem:s16+$0x0]  }
0x25b: {  	s30 =	sor.u32 $0x1470, s23;
	v14 =	vld [tilespmem:s29+$0x8000];
	[tilespmem:s28+$0x0] =	vst v2  }
0x25c: {  	s31 =	sor.u32 $0x1470, s12;
	v2 =	vld [tilespmem:s30+$0x8000]  }
0x25d: {  	v1 =	vadd.f32 v13, v1;
	v15 =	vld [tilespmem:s31+$0x0];
	_ =	sdelay $0x1  }
0x25e: {  	[tilespmem:s25+$0x0] =	vst v1  }
0x25f: {  	v1 =	vld [tilespmem:s29+$0x0];
	v3 =	vadd.f32 v14, v3  }
0x260: {  	v16 =	vld [tilespmem:s31+$0x8000]  }
0x261: {  	[tilespmem:s16+$0x0] =	vst v3;
	v2 =	vadd.f32 v2, v15  }
0x262: {  	s7 =	sor.u32 $0x1800, s22;
	v3 =	vld [tilespmem:s6+$0x0]  }
0x263: {  	s8 =	sor.u32 $0x1800, s23;
	v17 =	vld [tilespmem:s7+$0x8000];
	[tilespmem:s31+$0x0] =	vst v2  }
0x264: {  	s9 =	sor.u32 $0x1800, s12;
	v2 =	vld [tilespmem:s8+$0x8000]  }
0x265: {  	v1 =	vadd.f32 v16, v1;
	v18 =	vld [tilespmem:s9+$0x0];
	_ =	sdelay $0x1  }
0x266: {  	[tilespmem:s29+$0x0] =	vst v1  }
0x267: {  	v1 =	vld [tilespmem:s7+$0x0]  }
0x268: {  	v3 =	vadd.f32 v17, v3;
	v19 =	vld [tilespmem:s9+$0x8000]  }
0x269: {  	v2 =	vadd.f32 v2, v18  }
0x26a: {  	[tilespmem:s6+$0x0] =	vst v3  }
0x26b: {  	s11 =	sor.u32 $0x1810, s23;
	v3 =	vld [tilespmem:s20+$0x0];
	[tilespmem:s9+$0x0] =	vst v2  }
0x26c: {  	s15 =	sor.u32 $0x1810, s12;
	v2 =	vld [tilespmem:s11+$0x8000]  }
0x26d: {  	s10 =	sor.u32 $0x1810, s22;
	v1 =	vadd.f32 v19, v1;
	v21 =	vld [tilespmem:s15+$0x0]  }
0x26e: {  	v20 =	vld [tilespmem:s10+$0x8000]  }
0x26f: {  	[tilespmem:s7+$0x0] =	vst v1  }
0x270: {  	v1 =	vld [tilespmem:s10+$0x0]  }
0x271: {  	v22 =	vld [tilespmem:s15+$0x8000]  }
0x272: {  	v2 =	vadd.f32 v2, v21  }
0x273: {  	v3 =	vadd.f32 v20, v3  }
0x274: {  	s18 =	sor.u32 $0x1820, s23;
	[tilespmem:s15+$0x0] =	vst v2  }
0x275: {  	[tilespmem:s20+$0x0] =	vst v3;
	s20 =	sor.u32 $0x1820, s12;
	v2 =	vld [tilespmem:s18+$0x8000]  }
0x276: {  	v1 =	vadd.f32 v22, v1;
	v24 =	vld [tilespmem:s20+$0x0]  }
0x277: {  	s16 =	sor.u32 $0x1820, s22;
	v3 =	vld [tilespmem:s19+$0x0]  }
0x278: {  	v23 =	vld [tilespmem:s16+$0x8000];
	[tilespmem:s10+$0x0] =	vst v1  }
0x279: {  	v1 =	vld [tilespmem:s16+$0x0]  }
0x27a: {  	v25 =	vld [tilespmem:s20+$0x8000]  }
0x27b: {  	v2 =	vadd.f32 v2, v24;
	_ =	sdelay $0x1  }
0x27c: {  	s24 =	sor.u32 $0x1830, s23;
	v3 =	vadd.f32 v23, v3;
	[tilespmem:s20+$0x0] =	vst v2  }
0x27d: {  	s25 =	sor.u32 $0x1830, s12;
	v2 =	vld [tilespmem:s24+$0x8000]  }
0x27e: {  	[tilespmem:s19+$0x0] =	vst v3;
	v1 =	vadd.f32 v25, v1;
	v27 =	vld [tilespmem:s25+$0x0]  }
0x27f: {  	s21 =	sor.u32 $0x1830, s22;
	v3 =	vld [tilespmem:s17+$0x0]  }
0x280: {  	v26 =	vld [tilespmem:s21+$0x8000];
	[tilespmem:s16+$0x0] =	vst v1  }
0x281: {  	v1 =	vld [tilespmem:s21+$0x0]  }
0x282: {  	v28 =	vld [tilespmem:s25+$0x8000]  }
0x283: {  	v2 =	vadd.f32 v2, v27;
	_ =	sdelay $0x1  }
0x284: {  	s28 =	sor.u32 $0x1840, s23;
	v3 =	vadd.f32 v26, v3;
	[tilespmem:s25+$0x0] =	vst v2  }
0x285: {  	s29 =	sor.u32 $0x1840, s12;
	v2 =	vld [tilespmem:s28+$0x8000]  }
0x286: {  	[tilespmem:s17+$0x0] =	vst v3;
	v1 =	vadd.f32 v28, v1;
	v30 =	vld [tilespmem:s29+$0x0]  }
0x287: {  	s26 =	sor.u32 $0x1840, s22;
	v3 =	vld [tilespmem:s3+$0x0]  }
0x288: {  	v29 =	vld [tilespmem:s26+$0x8000];
	[tilespmem:s21+$0x0] =	vst v1  }
0x289: {  	v1 =	vld [tilespmem:s26+$0x0]  }
0x28a: {  	v31 =	vld [tilespmem:s29+$0x8000]  }
0x28b: {  	v2 =	vadd.f32 v2, v30;
	_ =	sdelay $0x1  }
0x28c: {  	s4 =	sor.u32 $0x1850, s23;
	s30 =	sld [smem:$0x7F9];
	v3 =	vadd.f32 v29, v3;
	[tilespmem:s29+$0x0] =	vst v2  }
0x28d: {  	s7 =	sor.u32 $0x1850, s12;
	v2 =	vld [tilespmem:s4+$0x8000]  }
0x28e: {  	[tilespmem:s3+$0x0] =	vst v3;
	v1 =	vadd.f32 v31, v1;
	v33 =	vld [tilespmem:s7+$0x0]  }
0x28f: {  	s31 =	sor.u32 $0x1850, s22;
	v3 =	vld [tilespmem:s30+$0x0]  }
0x290: {  	v32 =	vld [tilespmem:s31+$0x8000];
	[tilespmem:s26+$0x0] =	vst v1  }
0x291: {  	v1 =	vld [tilespmem:s31+$0x0]  }
0x292: {  	v34 =	vld [tilespmem:s7+$0x8000]  }
0x293: {  	v2 =	vadd.f32 v2, v33;
	_ =	sdelay $0x1  }
0x294: {  	s9 =	sor.u32 $0x1860, s23;
	v3 =	vadd.f32 v32, v3;
	[tilespmem:s7+$0x0] =	vst v2  }
0x295: {  	s10 =	sor.u32 $0x1860, s12;
	v2 =	vld [tilespmem:s9+$0x8000]  }
0x296: {  	[tilespmem:s30+$0x0] =	vst v3;
	v1 =	vadd.f32 v34, v1;
	v36 =	vld [tilespmem:s10+$0x0]  }
0x297: {  	s8 =	sor.u32 $0x1860, s22;
	v3 =	vld [tilespmem:s1+$0x0]  }
0x298: {  	v35 =	vld [tilespmem:s8+$0x8000];
	[tilespmem:s31+$0x0] =	vst v1  }
0x299: {  	v1 =	vld [tilespmem:s8+$0x0]  }
0x29a: {  	v37 =	vld [tilespmem:s10+$0x8000]  }
0x29b: {  	v2 =	vadd.f32 v2, v36;
	_ =	sdelay $0x1  }
0x29c: {  	s11 =	sld [smem:$0x7FA];
	s16 =	sor.u32 $0x1870, s23;
	v3 =	vadd.f32 v35, v3;
	[tilespmem:s10+$0x0] =	vst v2  }
0x29d: {  	s17 =	sor.u32 $0x1870, s12;
	v2 =	vld [tilespmem:s16+$0x8000]  }
0x29e: {  	[tilespmem:s1+$0x0] =	vst v3;
	v1 =	vadd.f32 v37, v1;
	v39 =	vld [tilespmem:s17+$0x0]  }
0x29f: {  	s15 =	sor.u32 $0x1870, s22;
	v3 =	vld [tilespmem:s11+$0x0]  }
0x2a0: {  	v38 =	vld [tilespmem:s15+$0x8000];
	[tilespmem:s8+$0x0] =	vst v1  }
0x2a1: {  	v1 =	vld [tilespmem:s15+$0x0]  }
0x2a2: {  	v40 =	vld [tilespmem:s17+$0x8000]  }
0x2a3: {  	v2 =	vadd.f32 v2, v39;
	_ =	sdelay $0x1  }
0x2a4: {  	s18 =	sld [smem:$0x7FB];
	s20 =	sor.u32 $0x1C00, s23;
	v3 =	vadd.f32 v38, v3;
	[tilespmem:s17+$0x0] =	vst v2  }
0x2a5: {  	s21 =	sor.u32 $0x1C00, s12;
	v2 =	vld [tilespmem:s20+$0x8000]  }
0x2a6: {  	[tilespmem:s11+$0x0] =	vst v3;
	v1 =	vadd.f32 v40, v1;
	v42 =	vld [tilespmem:s21+$0x0]  }
0x2a7: {  	s19 =	sor.u32 $0x1C00, s22;
	v3 =	vld [tilespmem:s18+$0x0]  }
0x2a8: {  	v41 =	vld [tilespmem:s19+$0x8000];
	[tilespmem:s15+$0x0] =	vst v1  }
0x2a9: {  	v1 =	vld [tilespmem:s19+$0x0]  }
0x2aa: {  	v43 =	vld [tilespmem:s21+$0x8000]  }
0x2ab: {  	v2 =	vadd.f32 v2, v42;
	_ =	sdelay $0x1  }
0x2ac: {  	s24 =	sld [smem:$0x7FC];
	s26 =	sor.u32 $0x1C10, s23;
	v3 =	vadd.f32 v41, v3;
	[tilespmem:s21+$0x0] =	vst v2  }
0x2ad: {  	s28 =	sor.u32 $0x1C10, s12;
	v2 =	vld [tilespmem:s26+$0x8000]  }
0x2ae: {  	[tilespmem:s18+$0x0] =	vst v3;
	v1 =	vadd.f32 v43, v1;
	v45 =	vld [tilespmem:s28+$0x0]  }
0x2af: {  	s25 =	sor.u32 $0x1C10, s22;
	v3 =	vld [tilespmem:s24+$0x0]  }
0x2b0: {  	v44 =	vld [tilespmem:s25+$0x8000];
	[tilespmem:s19+$0x0] =	vst v1  }
0x2b1: {  	v1 =	vld [tilespmem:s25+$0x0]  }
0x2b2: {  	v46 =	vld [tilespmem:s28+$0x8000]  }
0x2b3: {  	v2 =	vadd.f32 v2, v45;
	_ =	sdelay $0x1  }
0x2b4: {  	s29 =	sld [smem:$0x7FD];
	s31 =	sor.u32 $0x1C20, s23;
	v3 =	vadd.f32 v44, v3;
	[tilespmem:s28+$0x0] =	vst v2  }
0x2b5: {  	s4 =	sor.u32 $0x1C20, s12;
	v2 =	vld [tilespmem:s31+$0x8000]  }
0x2b6: {  	[tilespmem:s24+$0x0] =	vst v3;
	v1 =	vadd.f32 v46, v1;
	v48 =	vld [tilespmem:s4+$0x0]  }
0x2b7: {  	s30 =	sor.u32 $0x1C20, s22;
	v3 =	vld [tilespmem:s29+$0x0]  }
0x2b8: {  	v47 =	vld [tilespmem:s30+$0x8000];
	[tilespmem:s25+$0x0] =	vst v1  }
0x2b9: {  	v1 =	vld [tilespmem:s30+$0x0]  }
0x2ba: {  	v49 =	vld [tilespmem:s4+$0x8000]  }
0x2bb: {  	v2 =	vadd.f32 v2, v48;
	_ =	sdelay $0x1  }
0x2bc: {  	s8 =	sor.u32 $0x1C30, s23;
	v3 =	vadd.f32 v47, v3;
	[tilespmem:s4+$0x0] =	vst v2  }
0x2bd: {  	s9 =	sor.u32 $0x1C30, s12;
	v2 =	vld [tilespmem:s8+$0x8000]  }
0x2be: {  	s6 =	rddreg [dreg:$0x1f];
	[tilespmem:s29+$0x0] =	vst v3;
	v1 =	vadd.f32 v49, v1;
	v51 =	vld [tilespmem:s9+$0x0]  }
0x2bf: {  	s7 =	sor.u32 $0x1C30, s22;
	v3 =	vld [tilespmem:s6+$0x0]  }
0x2c0: {  	v50 =	vld [tilespmem:s7+$0x8000];
	[tilespmem:s30+$0x0] =	vst v1  }
0x2c1: {  	v1 =	vld [tilespmem:s7+$0x0]  }
0x2c2: {  	v52 =	vld [tilespmem:s9+$0x8000]  }
0x2c3: {  	v2 =	vadd.f32 v2, v51;
	_ =	sdelay $0x1  }
0x2c4: {  	s15 =	sor.u32 $0x1C40, s23;
	v3 =	vadd.f32 v50, v3;
	[tilespmem:s9+$0x0] =	vst v2  }
0x2c5: {  	s16 =	sor.u32 $0x1C40, s12;
	v2 =	vld [tilespmem:s15+$0x8000]  }
0x2c6: {  	s10 =	rddreg [dreg:$0x1d];
	[tilespmem:s6+$0x0] =	vst v3;
	v1 =	vadd.f32 v52, v1;
	v54 =	vld [tilespmem:s16+$0x0]  }
0x2c7: {  	s11 =	sor.u32 $0x1C40, s22;
	v3 =	vld [tilespmem:s10+$0x0]  }
0x2c8: {  	v53 =	vld [tilespmem:s11+$0x8000];
	[tilespmem:s7+$0x0] =	vst v1  }
0x2c9: {  	v1 =	vld [tilespmem:s11+$0x0]  }
0x2ca: {  	v55 =	vld [tilespmem:s16+$0x8000]  }
0x2cb: {  	v2 =	vadd.f32 v2, v54;
	_ =	sdelay $0x1  }
0x2cc: {  	s19 =	sor.u32 $0x1C50, s23;
	v3 =	vadd.f32 v53, v3;
	[tilespmem:s16+$0x0] =	vst v2  }
0x2cd: {  	s20 =	sor.u32 $0x1C50, s12;
	v2 =	vld [tilespmem:s19+$0x8000]  }
0x2ce: {  	s17 =	rddreg [dreg:$0x1b];
	[tilespmem:s10+$0x0] =	vst v3;
	v1 =	vadd.f32 v55, v1;
	v57 =	vld [tilespmem:s20+$0x0]  }
0x2cf: {  	s18 =	sor.u32 $0x1C50, s22;
	v3 =	vld [tilespmem:s17+$0x0]  }
0x2d0: {  	v56 =	vld [tilespmem:s18+$0x8000];
	[tilespmem:s11+$0x0] =	vst v1  }
0x2d1: {  	v1 =	vld [tilespmem:s18+$0x0]  }
0x2d2: {  	v6 =	vld [tilespmem:s20+$0x8000]  }
0x2d3: {  	v2 =	vadd.f32 v2, v57;
	_ =	sdelay $0x1  }
0x2d4: {  	s24 =	sor.u32 $0x1C60, s23;
	v3 =	vadd.f32 v56, v3;
	[tilespmem:s20+$0x0] =	vst v2  }
0x2d5: {  	s25 =	sor.u32 $0x1C60, s12;
	v2 =	vld [tilespmem:s24+$0x8000]  }
0x2d6: {  	s21 =	rddreg [dreg:$0x19];
	[tilespmem:s17+$0x0] =	vst v3;
	v1 =	vadd.f32 v6, v1;
	v58 =	vld [tilespmem:s25+$0x0]  }
0x2d7: {  	s26 =	sor.u32 $0x1C60, s22;
	v3 =	vld [tilespmem:s21+$0x0]  }
0x2d8: {  	[tilespmem:s18+$0x0] =	vst v1;
	v1 =	vld [tilespmem:s26+$0x8000]  }
0x2d9: {  	v59 =	vld [tilespmem:s26+$0x0]  }
0x2da: {  	v60 =	vld [tilespmem:s25+$0x8000]  }
0x2db: {  	v2 =	vadd.f32 v2, v58;
	_ =	sdelay $0x1  }
0x2dc: {  	s31 =	sor.u32 $0x1C70, s12;
	v1 =	vadd.f32 v1, v3;
	[tilespmem:s25+$0x0] =	vst v2  }
0x2dd: {  	s28 =	sor.u32 $0x1C70, s23;
	v63 =	vld [tilespmem:s31+$0x0]  }
0x2de: {  	s29 =	rddreg [dreg:$0x17];
	v2 =	vadd.f32 v60, v59;
	[tilespmem:s21+$0x0] =	vst v1;
	v1 =	vld [tilespmem:s28+$0x8000]  }
0x2df: {  	s30 =	sor.u32 $0x1C70, s22;
	v3 =	vld [tilespmem:s29+$0x0]  }
0x2e0: {  	[tilespmem:s26+$0x0] =	vst v2;
	v2 =	vld [tilespmem:s30+$0x8000]  }
0x2e1: {  	v61 =	vld [tilespmem:s30+$0x0]  }
0x2e2: {  	v62 =	vld [tilespmem:s31+$0x8000]  }
0x2e3: {  	s5 =	sadd.s32 $0x4, s5;
	s22 =	rddreg [dreg:$0x15]  }
0x2e4: {  	p3 =	slt.u32 s5, s22  }
.Ltmp6:
0x2e5: {  	v1 =	vadd.f32 v1, v63;
	(pc) =	sbr.rel @p3 .LBB2_5-.Ltmp6, $4  }
0x2e6: {  	v2 =	vadd.f32 v2, v3  }
0x2e7: {  	v3 =	vadd.f32 v62, v61;
	[tilespmem:s31+$0x0] =	vst v1  }
0x2e8: {  	p2 =	por !p2, !p2;
	[tilespmem:s29+$0x0] =	vst v2  }
0x2e9: {  	s13 =	sadd.s32 $0x200, s13;
	s14 =	sadd.s32 $0x1000, s14;
	p1 =	por !p1, !p1;
	[tilespmem:s30+$0x0] =	vst v3  }
.LBB2_6:
0x2ea: {  	s21 =	rddreg [dreg:$0x13]  }
0x2eb: {  	s9 =	rddreg [dreg:$0x0]  }
0x2ec: {  	s10 =	rddreg [dreg:$0x2]  }
0x2ed: {  	s11 =	rddreg [dreg:$0x3]  }
0x2ee: {  	s13 =	rddreg [dreg:$0x5]  }
0x2ef: {  	s14 =	rddreg [dreg:$0x6]  }
0x2f0: {  	s15 =	rddreg [dreg:$0xc];
	p1 =	seq.s32 s22, s21  }
.Ltmp7:
0x2f1: {  	s16 =	rddreg [dreg:$0xd];
	(pc) =	sbr.rel @p1 .LBB2_9-.Ltmp7, $4  }
0x2f2: {  	s17 =	rddreg [dreg:$0xe]  }
0x2f3: {  	s18 =	rddreg [dreg:$0xf]  }
0x2f4: {  	s19 =	rddreg [dreg:$0x11]  }
0x2f5: {  	s12 =	simm.s32 $0x0;
	s20 =	rddreg [dreg:$0x12]  }
0x2f6: {  	p1 =	slt.s32 s15, $0x10;
	s0 =	smov.u32 s15  }
0x2f7: {  	s0 =	simm.s32 @!p1 $0x10  }
0x2f8: {  	s1 =	sshrl.u32 s0, $0x2  }
0x2f9: {  	s1 =	sand.u32 $0x7, s1  }
0x2fa: {  	s0 =	sand.u32 $0xFFFFFFFC, s0;
	s2 =	sshll.u32 s1, $0x9;
	s5 =	sshll.u32 s1, $0xC  }
0x2fb: {  	s3 =	sor.u32 $0x1, s0;
	s1 =	sor.u32 $0x80, s2;
	s2 =	sor.u32 $0x400, s5  }
.LBB2_8:
0x2fc: {  	s4 =	sadd.s32 $0xFFFFFF80, s1  }
0x2fd: {  	s6 =	sand.u32 $0x7FFFE000, s5;
	s7 =	sand.u32 $0x380, s4;
	s4 =	sadd.s32 $0x400, s5  }
0x2fe: {  	s8 =	sand.u32 $0x380, s1;
	s6 =	sor.u32 s7, s6;
	s31 =	sand.u32 $0x7FFFE000, s4  }
0x2ff: {  	v1 =	vld [tilespmem:s6+$0x0];
	s7 =	sor.u32 s8, s31  }
0x300: {  	v2 =	vld [tilespmem:s7+$0x8000];
	_ =	sdelay $0x4  }
0x301: {  	v1 =	vadd.f32 v2, v1;
	_ =	sdelay $0x1  }
0x302: {  	[tilespmem:s6+$0x0] =	vst v1;
	v1 =	vld [tilespmem:s6+$0x10]  }
0x303: {  	v2 =	vld [tilespmem:s7+$0x8010];
	_ =	sdelay $0x4  }
0x304: {  	v1 =	vadd.f32 v2, v1;
	_ =	sdelay $0x1  }
0x305: {  	[tilespmem:s6+$0x10] =	vst v1;
	v1 =	vld [tilespmem:s6+$0x20]  }
0x306: {  	v2 =	vld [tilespmem:s7+$0x8020];
	_ =	sdelay $0x4  }
0x307: {  	v1 =	vadd.f32 v2, v1;
	_ =	sdelay $0x1  }
0x308: {  	[tilespmem:s6+$0x20] =	vst v1;
	v1 =	vld [tilespmem:s6+$0x30]  }
0x309: {  	v2 =	vld [tilespmem:s7+$0x8030];
	_ =	sdelay $0x4  }
0x30a: {  	v1 =	vadd.f32 v2, v1;
	_ =	sdelay $0x1  }
0x30b: {  	[tilespmem:s6+$0x30] =	vst v1;
	v1 =	vld [tilespmem:s6+$0x40]  }
0x30c: {  	v2 =	vld [tilespmem:s7+$0x8040];
	_ =	sdelay $0x4  }
0x30d: {  	v1 =	vadd.f32 v2, v1;
	_ =	sdelay $0x1  }
0x30e: {  	[tilespmem:s6+$0x40] =	vst v1;
	v1 =	vld [tilespmem:s6+$0x50]  }
0x30f: {  	v2 =	vld [tilespmem:s7+$0x8050];
	_ =	sdelay $0x4  }
0x310: {  	v1 =	vadd.f32 v2, v1;
	_ =	sdelay $0x1  }
0x311: {  	[tilespmem:s6+$0x50] =	vst v1;
	v1 =	vld [tilespmem:s6+$0x60]  }
0x312: {  	v2 =	vld [tilespmem:s7+$0x8060];
	_ =	sdelay $0x4  }
0x313: {  	v1 =	vadd.f32 v2, v1;
	_ =	sdelay $0x1  }
0x314: {  	[tilespmem:s6+$0x60] =	vst v1;
	v1 =	vld [tilespmem:s6+$0x70]  }
0x315: {  	v2 =	vld [tilespmem:s7+$0x8070];
	_ =	sdelay $0x4  }
0x316: {  	v1 =	vadd.f32 v2, v1;
	_ =	sdelay $0x1  }
0x317: {  	[tilespmem:s6+$0x70] =	vst v1;
	v1 =	vld [tilespmem:s6+$0x400]  }
0x318: {  	v2 =	vld [tilespmem:s7+$0x8400];
	_ =	sdelay $0x4  }
0x319: {  	v1 =	vadd.f32 v2, v1;
	_ =	sdelay $0x1  }
0x31a: {  	[tilespmem:s6+$0x400] =	vst v1;
	v1 =	vld [tilespmem:s6+$0x410]  }
0x31b: {  	v2 =	vld [tilespmem:s7+$0x8410];
	_ =	sdelay $0x4  }
0x31c: {  	v1 =	vadd.f32 v2, v1;
	_ =	sdelay $0x1  }
0x31d: {  	[tilespmem:s6+$0x410] =	vst v1;
	v1 =	vld [tilespmem:s6+$0x420]  }
0x31e: {  	v2 =	vld [tilespmem:s7+$0x8420];
	_ =	sdelay $0x4  }
0x31f: {  	v1 =	vadd.f32 v2, v1;
	_ =	sdelay $0x1  }
0x320: {  	[tilespmem:s6+$0x420] =	vst v1;
	v1 =	vld [tilespmem:s6+$0x430]  }
0x321: {  	v2 =	vld [tilespmem:s7+$0x8430];
	_ =	sdelay $0x4  }
0x322: {  	v1 =	vadd.f32 v2, v1;
	_ =	sdelay $0x1  }
0x323: {  	[tilespmem:s6+$0x430] =	vst v1;
	v1 =	vld [tilespmem:s6+$0x440]  }
0x324: {  	v2 =	vld [tilespmem:s7+$0x8440];
	_ =	sdelay $0x4  }
0x325: {  	v1 =	vadd.f32 v2, v1;
	_ =	sdelay $0x1  }
0x326: {  	[tilespmem:s6+$0x440] =	vst v1;
	v1 =	vld [tilespmem:s6+$0x450]  }
0x327: {  	v2 =	vld [tilespmem:s7+$0x8450];
	_ =	sdelay $0x4  }
0x328: {  	v1 =	vadd.f32 v2, v1;
	_ =	sdelay $0x1  }
0x329: {  	[tilespmem:s6+$0x450] =	vst v1;
	v1 =	vld [tilespmem:s6+$0x460]  }
0x32a: {  	v2 =	vld [tilespmem:s7+$0x8460];
	_ =	sdelay $0x4  }
0x32b: {  	v1 =	vadd.f32 v2, v1;
	_ =	sdelay $0x1  }
0x32c: {  	[tilespmem:s6+$0x460] =	vst v1;
	v1 =	vld [tilespmem:s6+$0x470]  }
0x32d: {  	v2 =	vld [tilespmem:s7+$0x8470];
	_ =	sdelay $0x4  }
0x32e: {  	v1 =	vadd.f32 v2, v1;
	_ =	sdelay $0x1  }
0x32f: {  	[tilespmem:s6+$0x470] =	vst v1;
	v1 =	vld [tilespmem:s6+$0x800]  }
0x330: {  	v2 =	vld [tilespmem:s7+$0x8800];
	_ =	sdelay $0x4  }
0x331: {  	v1 =	vadd.f32 v2, v1;
	_ =	sdelay $0x1  }
0x332: {  	[tilespmem:s6+$0x800] =	vst v1;
	v1 =	vld [tilespmem:s6+$0x810]  }
0x333: {  	v2 =	vld [tilespmem:s7+$0x8810];
	_ =	sdelay $0x4  }
0x334: {  	v1 =	vadd.f32 v2, v1;
	_ =	sdelay $0x1  }
0x335: {  	[tilespmem:s6+$0x810] =	vst v1;
	v1 =	vld [tilespmem:s6+$0x820]  }
0x336: {  	v2 =	vld [tilespmem:s7+$0x8820];
	_ =	sdelay $0x4  }
0x337: {  	v1 =	vadd.f32 v2, v1;
	_ =	sdelay $0x1  }
0x338: {  	[tilespmem:s6+$0x820] =	vst v1;
	v1 =	vld [tilespmem:s6+$0x830]  }
0x339: {  	v2 =	vld [tilespmem:s7+$0x8830];
	_ =	sdelay $0x4  }
0x33a: {  	v1 =	vadd.f32 v2, v1;
	_ =	sdelay $0x1  }
0x33b: {  	[tilespmem:s6+$0x830] =	vst v1;
	v1 =	vld [tilespmem:s6+$0x840]  }
0x33c: {  	v2 =	vld [tilespmem:s7+$0x8840];
	_ =	sdelay $0x4  }
0x33d: {  	v1 =	vadd.f32 v2, v1;
	_ =	sdelay $0x1  }
0x33e: {  	[tilespmem:s6+$0x840] =	vst v1;
	v1 =	vld [tilespmem:s6+$0x850]  }
0x33f: {  	v2 =	vld [tilespmem:s7+$0x8850];
	_ =	sdelay $0x4  }
0x340: {  	v1 =	vadd.f32 v2, v1;
	_ =	sdelay $0x1  }
0x341: {  	[tilespmem:s6+$0x850] =	vst v1;
	v1 =	vld [tilespmem:s6+$0x860]  }
0x342: {  	v2 =	vld [tilespmem:s7+$0x8860];
	_ =	sdelay $0x4  }
0x343: {  	v1 =	vadd.f32 v2, v1;
	_ =	sdelay $0x1  }
0x344: {  	[tilespmem:s6+$0x860] =	vst v1;
	v1 =	vld [tilespmem:s6+$0x870]  }
0x345: {  	v2 =	vld [tilespmem:s7+$0x8870];
	_ =	sdelay $0x4  }
0x346: {  	v1 =	vadd.f32 v2, v1;
	_ =	sdelay $0x1  }
0x347: {  	[tilespmem:s6+$0x870] =	vst v1;
	v1 =	vld [tilespmem:s6+$0xC00]  }
0x348: {  	v2 =	vld [tilespmem:s7+$0x8C00];
	_ =	sdelay $0x4  }
0x349: {  	v1 =	vadd.f32 v2, v1;
	_ =	sdelay $0x1  }
0x34a: {  	[tilespmem:s6+$0xC00] =	vst v1;
	v1 =	vld [tilespmem:s6+$0xC10]  }
0x34b: {  	v2 =	vld [tilespmem:s7+$0x8C10];
	_ =	sdelay $0x4  }
0x34c: {  	v1 =	vadd.f32 v2, v1;
	_ =	sdelay $0x1  }
0x34d: {  	[tilespmem:s6+$0xC10] =	vst v1;
	v1 =	vld [tilespmem:s6+$0xC20]  }
0x34e: {  	v2 =	vld [tilespmem:s7+$0x8C20];
	_ =	sdelay $0x4  }
0x34f: {  	v1 =	vadd.f32 v2, v1;
	_ =	sdelay $0x1  }
0x350: {  	[tilespmem:s6+$0xC20] =	vst v1;
	v1 =	vld [tilespmem:s6+$0xC30]  }
0x351: {  	v2 =	vld [tilespmem:s7+$0x8C30];
	_ =	sdelay $0x4  }
0x352: {  	v1 =	vadd.f32 v2, v1;
	_ =	sdelay $0x1  }
0x353: {  	[tilespmem:s6+$0xC30] =	vst v1;
	v1 =	vld [tilespmem:s6+$0xC40]  }
0x354: {  	v2 =	vld [tilespmem:s7+$0x8C40];
	_ =	sdelay $0x4  }
0x355: {  	v1 =	vadd.f32 v2, v1;
	_ =	sdelay $0x1  }
0x356: {  	[tilespmem:s6+$0xC40] =	vst v1;
	v1 =	vld [tilespmem:s6+$0xC50]  }
0x357: {  	v2 =	vld [tilespmem:s7+$0x8C50];
	_ =	sdelay $0x4  }
0x358: {  	v1 =	vadd.f32 v2, v1;
	_ =	sdelay $0x1  }
0x359: {  	[tilespmem:s6+$0xC50] =	vst v1;
	v1 =	vld [tilespmem:s6+$0xC60]  }
0x35a: {  	v2 =	vld [tilespmem:s7+$0x8C60];
	_ =	sdelay $0x4  }
0x35b: {  	v1 =	vadd.f32 v2, v1;
	_ =	sdelay $0x1  }
0x35c: {  	[tilespmem:s6+$0xC60] =	vst v1;
	v1 =	vld [tilespmem:s6+$0xC70]  }
0x35d: {  	v2 =	vld [tilespmem:s7+$0x8C70];
	_ =	sdelay $0x4  }
0x35e: {  	v1 =	vadd.f32 v2, v1;
	_ =	sdelay $0x1  }
0x35f: {  	[tilespmem:s6+$0xC70] =	vst v1;
	v1 =	vld [tilespmem:s6+$0x1000]  }
0x360: {  	v2 =	vld [tilespmem:s7+$0x9000];
	_ =	sdelay $0x4  }
0x361: {  	v1 =	vadd.f32 v2, v1;
	_ =	sdelay $0x1  }
0x362: {  	[tilespmem:s6+$0x1000] =	vst v1;
	v1 =	vld [tilespmem:s6+$0x1010]  }
0x363: {  	v2 =	vld [tilespmem:s7+$0x9010];
	_ =	sdelay $0x4  }
0x364: {  	v1 =	vadd.f32 v2, v1;
	_ =	sdelay $0x1  }
0x365: {  	[tilespmem:s6+$0x1010] =	vst v1;
	v1 =	vld [tilespmem:s6+$0x1020]  }
0x366: {  	v2 =	vld [tilespmem:s7+$0x9020];
	_ =	sdelay $0x4  }
0x367: {  	v1 =	vadd.f32 v2, v1;
	_ =	sdelay $0x1  }
0x368: {  	[tilespmem:s6+$0x1020] =	vst v1;
	v1 =	vld [tilespmem:s6+$0x1030]  }
0x369: {  	v2 =	vld [tilespmem:s7+$0x9030];
	_ =	sdelay $0x4  }
0x36a: {  	v1 =	vadd.f32 v2, v1;
	_ =	sdelay $0x1  }
0x36b: {  	[tilespmem:s6+$0x1030] =	vst v1;
	v1 =	vld [tilespmem:s6+$0x1040]  }
0x36c: {  	v2 =	vld [tilespmem:s7+$0x9040];
	_ =	sdelay $0x4  }
0x36d: {  	v1 =	vadd.f32 v2, v1;
	_ =	sdelay $0x1  }
0x36e: {  	[tilespmem:s6+$0x1040] =	vst v1;
	v1 =	vld [tilespmem:s6+$0x1050]  }
0x36f: {  	v2 =	vld [tilespmem:s7+$0x9050];
	_ =	sdelay $0x4  }
0x370: {  	v1 =	vadd.f32 v2, v1;
	_ =	sdelay $0x1  }
0x371: {  	[tilespmem:s6+$0x1050] =	vst v1;
	v1 =	vld [tilespmem:s6+$0x1060]  }
0x372: {  	v2 =	vld [tilespmem:s7+$0x9060];
	_ =	sdelay $0x4  }
0x373: {  	v1 =	vadd.f32 v2, v1;
	_ =	sdelay $0x1  }
0x374: {  	[tilespmem:s6+$0x1060] =	vst v1;
	v1 =	vld [tilespmem:s6+$0x1070]  }
0x375: {  	v2 =	vld [tilespmem:s7+$0x9070];
	_ =	sdelay $0x4  }
0x376: {  	v1 =	vadd.f32 v2, v1;
	_ =	sdelay $0x1  }
0x377: {  	[tilespmem:s6+$0x1070] =	vst v1;
	v1 =	vld [tilespmem:s6+$0x1400]  }
0x378: {  	v2 =	vld [tilespmem:s7+$0x9400];
	_ =	sdelay $0x4  }
0x379: {  	v1 =	vadd.f32 v2, v1;
	_ =	sdelay $0x1  }
0x37a: {  	[tilespmem:s6+$0x1400] =	vst v1;
	v1 =	vld [tilespmem:s6+$0x1410]  }
0x37b: {  	v2 =	vld [tilespmem:s7+$0x9410];
	_ =	sdelay $0x4  }
0x37c: {  	v1 =	vadd.f32 v2, v1;
	_ =	sdelay $0x1  }
0x37d: {  	[tilespmem:s6+$0x1410] =	vst v1;
	v1 =	vld [tilespmem:s6+$0x1420]  }
0x37e: {  	v2 =	vld [tilespmem:s7+$0x9420];
	_ =	sdelay $0x4  }
0x37f: {  	v1 =	vadd.f32 v2, v1;
	_ =	sdelay $0x1  }
0x380: {  	[tilespmem:s6+$0x1420] =	vst v1;
	v1 =	vld [tilespmem:s6+$0x1430]  }
0x381: {  	v2 =	vld [tilespmem:s7+$0x9430];
	_ =	sdelay $0x4  }
0x382: {  	v1 =	vadd.f32 v2, v1;
	_ =	sdelay $0x1  }
0x383: {  	[tilespmem:s6+$0x1430] =	vst v1;
	v1 =	vld [tilespmem:s6+$0x1440]  }
0x384: {  	v2 =	vld [tilespmem:s7+$0x9440];
	_ =	sdelay $0x4  }
0x385: {  	v1 =	vadd.f32 v2, v1;
	_ =	sdelay $0x1  }
0x386: {  	[tilespmem:s6+$0x1440] =	vst v1;
	v1 =	vld [tilespmem:s6+$0x1450]  }
0x387: {  	v2 =	vld [tilespmem:s7+$0x9450];
	_ =	sdelay $0x4  }
0x388: {  	v1 =	vadd.f32 v2, v1;
	_ =	sdelay $0x1  }
0x389: {  	[tilespmem:s6+$0x1450] =	vst v1;
	v1 =	vld [tilespmem:s6+$0x1460]  }
0x38a: {  	v2 =	vld [tilespmem:s7+$0x9460];
	_ =	sdelay $0x4  }
0x38b: {  	v1 =	vadd.f32 v2, v1;
	_ =	sdelay $0x1  }
0x38c: {  	[tilespmem:s6+$0x1460] =	vst v1;
	v1 =	vld [tilespmem:s6+$0x1470]  }
0x38d: {  	v2 =	vld [tilespmem:s7+$0x9470];
	_ =	sdelay $0x4  }
0x38e: {  	v1 =	vadd.f32 v2, v1;
	_ =	sdelay $0x1  }
0x38f: {  	[tilespmem:s6+$0x1470] =	vst v1;
	v1 =	vld [tilespmem:s6+$0x1800]  }
0x390: {  	v2 =	vld [tilespmem:s7+$0x9800];
	_ =	sdelay $0x4  }
0x391: {  	v1 =	vadd.f32 v2, v1;
	_ =	sdelay $0x1  }
0x392: {  	[tilespmem:s6+$0x1800] =	vst v1;
	v1 =	vld [tilespmem:s6+$0x1810]  }
0x393: {  	v2 =	vld [tilespmem:s7+$0x9810];
	_ =	sdelay $0x4  }
0x394: {  	v1 =	vadd.f32 v2, v1;
	_ =	sdelay $0x1  }
0x395: {  	[tilespmem:s6+$0x1810] =	vst v1;
	v1 =	vld [tilespmem:s6+$0x1820]  }
0x396: {  	v2 =	vld [tilespmem:s7+$0x9820];
	_ =	sdelay $0x4  }
0x397: {  	v1 =	vadd.f32 v2, v1;
	_ =	sdelay $0x1  }
0x398: {  	[tilespmem:s6+$0x1820] =	vst v1;
	v1 =	vld [tilespmem:s6+$0x1830]  }
0x399: {  	v2 =	vld [tilespmem:s7+$0x9830];
	_ =	sdelay $0x4  }
0x39a: {  	v1 =	vadd.f32 v2, v1;
	_ =	sdelay $0x1  }
0x39b: {  	[tilespmem:s6+$0x1830] =	vst v1;
	v1 =	vld [tilespmem:s6+$0x1840]  }
0x39c: {  	v2 =	vld [tilespmem:s7+$0x9840];
	_ =	sdelay $0x4  }
0x39d: {  	v1 =	vadd.f32 v2, v1;
	_ =	sdelay $0x1  }
0x39e: {  	[tilespmem:s6+$0x1840] =	vst v1;
	v1 =	vld [tilespmem:s6+$0x1850]  }
0x39f: {  	v2 =	vld [tilespmem:s7+$0x9850];
	_ =	sdelay $0x4  }
0x3a0: {  	v1 =	vadd.f32 v2, v1;
	_ =	sdelay $0x1  }
0x3a1: {  	[tilespmem:s6+$0x1850] =	vst v1;
	v1 =	vld [tilespmem:s6+$0x1860]  }
0x3a2: {  	v2 =	vld [tilespmem:s7+$0x9860];
	_ =	sdelay $0x4  }
0x3a3: {  	v1 =	vadd.f32 v2, v1;
	_ =	sdelay $0x1  }
0x3a4: {  	[tilespmem:s6+$0x1860] =	vst v1;
	v1 =	vld [tilespmem:s6+$0x1870]  }
0x3a5: {  	v2 =	vld [tilespmem:s7+$0x9870];
	_ =	sdelay $0x3  }
0x3a6: {  	s23 =	sand.u32 $0x7, s0  }
0x3a7: {  	s24 =	sand.u32 $0x7, s3;
	s7 =	sshll.u32 s23, $0x7;
	v1 =	vadd.f32 v2, v1  }
0x3a8: {  	s8 =	sshll.u32 s24, $0x7;
	s5 =	sadd.s32 s7, s5  }
0x3a9: {  	s7 =	sadd.s32 s8, s2;
	s25 =	sor.u32 $0x1C00, s5;
	[tilespmem:s6+$0x1870] =	vst v1  }
0x3aa: {  	s8 =	sor.u32 $0x1C00, s7;
	v1 =	vld [tilespmem:s25+$0x0]  }
0x3ab: {  	v2 =	vld [tilespmem:s8+$0x8000];
	_ =	sdelay $0x4  }
0x3ac: {  	v1 =	vadd.f32 v2, v1;
	_ =	sdelay $0x1  }
0x3ad: {  	s26 =	sor.u32 $0x1C10, s5;
	[tilespmem:s25+$0x0] =	vst v1  }
0x3ae: {  	s28 =	sor.u32 $0x1C10, s7;
	v1 =	vld [tilespmem:s26+$0x0]  }
0x3af: {  	v2 =	vld [tilespmem:s28+$0x8000];
	_ =	sdelay $0x4  }
0x3b0: {  	v1 =	vadd.f32 v2, v1;
	_ =	sdelay $0x1  }
0x3b1: {  	s29 =	sor.u32 $0x1C20, s5;
	[tilespmem:s26+$0x0] =	vst v1  }
0x3b2: {  	s30 =	sor.u32 $0x1C20, s7;
	v1 =	vld [tilespmem:s29+$0x0]  }
0x3b3: {  	v2 =	vld [tilespmem:s30+$0x8000];
	_ =	sdelay $0x4  }
0x3b4: {  	v1 =	vadd.f32 v2, v1;
	_ =	sdelay $0x1  }
0x3b5: {  	s31 =	sor.u32 $0x1C30, s5;
	[tilespmem:s29+$0x0] =	vst v1  }
0x3b6: {  	s23 =	sor.u32 $0x1C30, s7;
	v1 =	vld [tilespmem:s31+$0x0]  }
0x3b7: {  	v2 =	vld [tilespmem:s23+$0x8000];
	_ =	sdelay $0x4  }
0x3b8: {  	v1 =	vadd.f32 v2, v1;
	_ =	sdelay $0x1  }
0x3b9: {  	s24 =	sor.u32 $0x1C40, s5;
	[tilespmem:s31+$0x0] =	vst v1  }
0x3ba: {  	s25 =	sor.u32 $0x1C40, s7;
	v1 =	vld [tilespmem:s24+$0x0]  }
0x3bb: {  	v2 =	vld [tilespmem:s25+$0x8000];
	_ =	sdelay $0x4  }
0x3bc: {  	v1 =	vadd.f32 v2, v1;
	_ =	sdelay $0x1  }
0x3bd: {  	s26 =	sor.u32 $0x1C50, s5;
	[tilespmem:s24+$0x0] =	vst v1  }
0x3be: {  	s28 =	sor.u32 $0x1C50, s7;
	v1 =	vld [tilespmem:s26+$0x0]  }
0x3bf: {  	v2 =	vld [tilespmem:s28+$0x8000];
	_ =	sdelay $0x4  }
0x3c0: {  	v1 =	vadd.f32 v2, v1;
	_ =	sdelay $0x1  }
0x3c1: {  	s29 =	sor.u32 $0x1C60, s5;
	[tilespmem:s26+$0x0] =	vst v1  }
0x3c2: {  	s30 =	sor.u32 $0x1C60, s7;
	v1 =	vld [tilespmem:s29+$0x0]  }
0x3c3: {  	v2 =	vld [tilespmem:s30+$0x8000];
	_ =	sdelay $0x4  }
0x3c4: {  	v1 =	vadd.f32 v2, v1;
	_ =	sdelay $0x1  }
0x3c5: {  	s5 =	sor.u32 $0x1C70, s5;
	[tilespmem:s29+$0x0] =	vst v1  }
0x3c6: {  	s31 =	sor.u32 $0x1C70, s7;
	v1 =	vld [tilespmem:s5+$0x0]  }
0x3c7: {  	v2 =	vld [tilespmem:s31+$0x8000]  }
0x3c8: {  	s22 =	sadd.s32 $0x1, s22  }
0x3c9: {  	p1 =	slt.u32 s22, s21  }
.Ltmp8:
0x3ca: {  	_ = 	snop;
	(pc) =	sbr.rel @p1 .LBB2_8-.Ltmp8, $4  }
0x3cb: {  	_ = 	snop  }
0x3cc: {  	v1 =	vadd.f32 v2, v1  }
0x3cd: {  	s1 =	sadd.s32 $0x80, s1;
	s3 =	sadd.s32 $0x1, s3  }
0x3ce: {  	s0 =	sadd.s32 $0x1, s0;
	s2 =	sadd.s32 $0x400, s2;
	[tilespmem:s5+$0x0] =	vst v1;
	s5 =	smov.u32 s4  }
.LBB2_9:
0x3cf: {  	s0 =	sadd.s32 s13, s20  }
0x3d0: {  	s0 =	sshll.u32 s0, $0x7  }
0x3d1: {  	p1 =	seq.s32 s18, $0x7;
	s0 =	sadd.s32 s11, s0  }
0x3d2: {  	[hbm4b:s0+s12] =	stream.linear.scatter [tilespmem:s12], [sflag:$0x5], $0x4000, $0x38;
	[tilespmem:$0x14100] =	vst v63  }
0x3d3: {  	s2 =	simm.s32 $0x5;
	s0 =	sadd.s32 @!p1 $0x20, s20  }
0x3d4: {  	_ =	swait.ge [sflag:s2], $0x4000;
	s1 =	sadd.s32 @!p1 s13, s0  }
0x3d5: {  	p2 =	sge.u32 @!p1 s0, s16;
	[sflag:s2] =	ssyncset.done $0x0;
	s1 =	sshll.u32 @!p1 s1, $0x7  }
0x3d6: {  	[sflag:s2] =	ssyncadd.s32 $0xFFFFC000;
	s1 =	sadd.s32 @!p1 s9, s1;
	s2 =	simm.s32 @!p1 $0x0  }
0x3d7: {  	[tilespmem:s2], [sflag:$0x1] =	stream.linear.gather @!p1 [hbm4b:s1+s2], $0x4000, $0x38;
	[tilespmem:$0x14100] =	vst v63  }
0x3d8: {  	p1 =	por p2, p1  }
0x3d9: {  	s0 =	sadd.s32 @!p1 s14, s0  }
0x3da: {  	s31 =	simm.s32 $0x2;
	s1 =	simm.s32 @!p1 $0x0;
	s0 =	sshll.u32 @!p1 s0, $0x7  }
.Ltmp9:
0x3db: {  	s2 =	simm.s32 @!p1 $0x8000;
	s0 =	sadd.s32 @!p1 s10, s0;
	(pc) =	sbr.rel @p0 .LBB2_16-.Ltmp9, $4  }
0x3dc: {  	[tilespmem:s2], [sflag:$0x3] =	stream.linear.gather @!p1 [hbm4b:s0+s1], $0x6000, $0x38;
	[tilespmem:$0x14100] =	vst v63  }
0x3dd: {  	_ =	swait.ge [sflag:s31], $0x4000  }
0x3de: {  	[sflag:s31] =	ssyncset.done $0x0  }
0x3df: {  	[sflag:s31] =	ssyncadd.s32 $0xFFFFC000  }
0x3e0: {  	s0 =	ssub.s32 s16, s19  }
0x3e1: {  	s1 =	smin.u32 s0, $0x10  }
0x3e2: {  	s20 =	sand.u32 $0x1C, s1  }
0x3e3: {  	p0 =	seq.s32 s20, $0x0  }
.Ltmp10:
0x3e4: {  	_ = 	snop;
	(pc) =	sbr.rel @p0 .LBB2_13-.Ltmp10, $4  }
0x3e5: {  	s31 =	simm.s32 $0x4  }
0x3e6: {  	_ =	swait.ge [sflag:s31], $0x6000  }
0x3e7: {  	[sflag:s31] =	ssyncset.done $0x0  }
0x3e8: {  	[dreg:$0x14] =	wrdreg s1;
	[sflag:s31] =	ssyncadd.s32 $0xFFFFA000  }
0x3e9: {  	s5 =	simm.s32 $0x0;
	s13 =	simm.s32 $0x200;
	p0 =	por $0x1, $0x1  }
0x3ea: {  	s14 =	simm.s32 $0x1000;
	p1 =	por $0x0, $0x0;
	[dreg:$0x16] =	wrdreg s20  }
.LBB2_12:
0x3eb: {  	s1 =	sadd.s32 $0xFFFFF000, s14;
	s0 =	sadd.s32 $0xFFFFFE00, s13  }
0x3ec: {  	[smem:$0x7F1] =	sst s1;
	s1 =	sand.u32 $0x7FFFE000, s1;
	s0 =	sand.u32 $0x200, s0  }
0x3ed: {  	s8 =	sor.u32 s0, s1  }
0x3ee: {  	v1 =	vld [tilespmem:s8+$0x4000]  }
0x3ef: {  	v2 =	vld [tilespmem:s8+$0xE080]  }
0x3f0: {  	v3 =	vld [tilespmem:s8+$0x4010]  }
0x3f1: {  	v4 =	vld [tilespmem:s8+$0xE090]  }
0x3f2: {  	v5 =	vld [tilespmem:s8+$0x4020]  }
0x3f3: {  	v6 =	vld [tilespmem:s8+$0xE0A0]  }
0x3f4: {  	v7 =	vld [tilespmem:s8+$0x4030]  }
0x3f5: {  	v8 =	vld [tilespmem:s8+$0xE0B0]  }
0x3f6: {  	v9 =	vld [tilespmem:s8+$0x4040]  }
0x3f7: {  	v10 =	vld [tilespmem:s8+$0xE0C0]  }
0x3f8: {  	v11 =	vld [tilespmem:s8+$0x4050]  }
0x3f9: {  	v12 =	vld [tilespmem:s8+$0xE0D0]  }
0x3fa: {  	v13 =	vld [tilespmem:s8+$0x4060]  }
0x3fb: {  	v14 =	vld [tilespmem:s8+$0xE0E0]  }
0x3fc: {  	v15 =	vld [tilespmem:s8+$0x4070]  }
0x3fd: {  	v16 =	vld [tilespmem:s8+$0xE0F0]  }
0x3fe: {  	v17 =	vld [tilespmem:s8+$0x4400]  }
0x3ff: {  	v18 =	vld [tilespmem:s8+$0xE480]  }
0x400: {  	v19 =	vld [tilespmem:s8+$0x4410]  }
0x401: {  	v20 =	vld [tilespmem:s8+$0xE490]  }
0x402: {  	v21 =	vld [tilespmem:s8+$0x4420]  }
0x403: {  	v22 =	vld [tilespmem:s8+$0xE4A0]  }
0x404: {  	v23 =	vld [tilespmem:s8+$0x4430]  }
0x405: {  	v24 =	vld [tilespmem:s8+$0xE4B0]  }
0x406: {  	v25 =	vld [tilespmem:s8+$0x4440]  }
0x407: {  	v26 =	vld [tilespmem:s8+$0xE4C0]  }
0x408: {  	v27 =	vld [tilespmem:s8+$0x4450]  }
0x409: {  	v28 =	vld [tilespmem:s8+$0xE4D0]  }
0x40a: {  	v29 =	vld [tilespmem:s8+$0x4460]  }
0x40b: {  	v30 =	vld [tilespmem:s8+$0xE4E0]  }
0x40c: {  	v31 =	vld [tilespmem:s8+$0x4470]  }
0x40d: {  	v32 =	vld [tilespmem:s8+$0xE4F0]  }
0x40e: {  	v33 =	vld [tilespmem:s8+$0x4800]  }
0x40f: {  	v34 =	vld [tilespmem:s8+$0xE880]  }
0x410: {  	v35 =	vld [tilespmem:s8+$0x4810]  }
0x411: {  	v36 =	vld [tilespmem:s8+$0xE890]  }
0x412: {  	v37 =	vld [tilespmem:s8+$0x4820]  }
0x413: {  	v54 =	vld [tilespmem:s8+$0x4830];
	v1 =	vadd.f32 v2, v1  }
0x414: {  	v55 =	vld [tilespmem:s8+$0xE8B0];
	v3 =	vadd.f32 v4, v3  }
0x415: {  	v56 =	vld [tilespmem:s8+$0x4840];
	[tilespmem:s8+$0x4000] =	vst v1;
	v1 =	vadd.f32 v6, v5  }
0x416: {  	v57 =	vld [tilespmem:s8+$0xE8C0];
	[tilespmem:s8+$0x4010] =	vst v3;
	v3 =	vadd.f32 v8, v7  }
0x417: {  	v58 =	vld [tilespmem:s8+$0x4850];
	[tilespmem:s8+$0x4020] =	vst v1;
	v1 =	vadd.f32 v10, v9  }
0x418: {  	v59 =	vld [tilespmem:s8+$0xE8D0];
	[tilespmem:s8+$0x4030] =	vst v3;
	v3 =	vadd.f32 v12, v11  }
0x419: {  	v60 =	vld [tilespmem:s8+$0x4860];
	[tilespmem:s8+$0x4040] =	vst v1;
	v1 =	vadd.f32 v14, v13  }
0x41a: {  	v61 =	vld [tilespmem:s8+$0xE8E0];
	[tilespmem:s8+$0x4050] =	vst v3;
	v3 =	vadd.f32 v16, v15  }
0x41b: {  	v62 =	vld [tilespmem:s8+$0x4870];
	[tilespmem:s8+$0x4060] =	vst v1;
	v1 =	vadd.f32 v18, v17  }
0x41c: {  	v63 =	vld [tilespmem:s8+$0xE8F0];
	[tilespmem:s8+$0x4070] =	vst v3;
	v3 =	vadd.f32 v20, v19  }
0x41d: {  	v38 =	vld [tilespmem:s8+$0x4C00];
	[tilespmem:s8+$0x4400] =	vst v1;
	v1 =	vadd.f32 v22, v21  }
0x41e: {  	v39 =	vld [tilespmem:s8+$0xEC80];
	[tilespmem:s8+$0x4410] =	vst v3;
	v3 =	vadd.f32 v24, v23  }
0x41f: {  	v40 =	vld [tilespmem:s8+$0x4C10];
	[tilespmem:s8+$0x4420] =	vst v1;
	v1 =	vadd.f32 v26, v25  }
0x420: {  	v2 =	vld [tilespmem:s8+$0xE8A0];
	[tilespmem:s8+$0x4430] =	vst v3;
	v3 =	vadd.f32 v28, v27  }
0x421: {  	v41 =	vld [tilespmem:s8+$0xEC90];
	[tilespmem:s8+$0x4440] =	vst v1;
	v1 =	vadd.f32 v30, v29  }
0x422: {  	v42 =	vld [tilespmem:s8+$0x4C20];
	[tilespmem:s8+$0x4450] =	vst v3;
	v3 =	vadd.f32 v32, v31  }
0x423: {  	v43 =	vld [tilespmem:s8+$0xECA0];
	[tilespmem:s8+$0x4460] =	vst v1;
	v1 =	vadd.f32 v34, v33  }
0x424: {  	v44 =	vld [tilespmem:s8+$0x4C30];
	[tilespmem:s8+$0x4470] =	vst v3;
	v3 =	vadd.f32 v36, v35  }
0x425: {  	v45 =	vld [tilespmem:s8+$0x4C40];
	[tilespmem:s8+$0x4800] =	vst v1;
	v1 =	vadd.f32 v2, v37  }
0x426: {  	v2 =	vld [tilespmem:s8+$0xECB0];
	[tilespmem:s8+$0x4810] =	vst v3;
	v3 =	vadd.f32 v55, v54  }
0x427: {  	v46 =	vld [tilespmem:s8+$0xECC0];
	[tilespmem:s8+$0x4820] =	vst v1;
	v1 =	vadd.f32 v57, v56  }
0x428: {  	v47 =	vld [tilespmem:s8+$0x4C50];
	[tilespmem:s8+$0x4830] =	vst v3;
	v3 =	vadd.f32 v59, v58  }
0x429: {  	v48 =	vld [tilespmem:s8+$0xECD0];
	[tilespmem:s8+$0x4840] =	vst v1;
	v1 =	vadd.f32 v61, v60  }
0x42a: {  	v49 =	vld [tilespmem:s8+$0x4C60];
	[tilespmem:s8+$0x4850] =	vst v3;
	v3 =	vadd.f32 v63, v62  }
0x42b: {  	v51 =	vld [tilespmem:s8+$0x4C70];
	v2 =	vadd.f32 v2, v44;
	[tilespmem:s8+$0x4860] =	vst v1  }
0x42c: {  	v52 =	vld [tilespmem:s8+$0xECF0];
	v1 =	vadd.f32 v39, v38;
	[tilespmem:s8+$0x4870] =	vst v3  }
0x42d: {  	v50 =	vld [tilespmem:s8+$0xECE0];
	v3 =	vadd.f32 v41, v40;
	[tilespmem:s8+$0x4C30] =	vst v2  }
0x42e: {  	s0 =	simm.s32 $0x1;
	[tilespmem:s8+$0x4C00] =	vst v1;
	v1 =	vadd.f32 v43, v42  }
0x42f: {  	s0 =	simm.s32 @!p1 $0x0;
	v2 =	vadd.f32 v48, v47;
	[tilespmem:s8+$0x4C10] =	vst v3  }
0x430: {  	s0 =	sshll.u32 s0, $0x9;
	[tilespmem:s8+$0x4C20] =	vst v1;
	v1 =	vadd.f32 v46, v45  }
0x431: {  	s12 =	sadd.s32 s14, s0;
	[tilespmem:s8+$0x4C50] =	vst v2;
	v2 =	vadd.f32 v52, v51  }
0x432: {  	s22 =	sadd.s32 $0xFFFFF000, s12;
	[tilespmem:s8+$0x4C40] =	vst v1;
	v1 =	vadd.f32 v50, v49  }
0x433: {  	s23 =	sadd.s32 $0xFFFFF080, s12;
	s10 =	sor.u32 $0x1000, s22;
	[tilespmem:s8+$0x4C70] =	vst v2  }
0x434: {  	s11 =	sor.u32 $0x1000, s23;
	[tilespmem:s8+$0x4C60] =	vst v1;
	v1 =	vld [tilespmem:s10+$0x4000]  }
0x435: {  	v2 =	vld [tilespmem:s11+$0xE000];
	_ =	sdelay $0x4  }
0x436: {  	v1 =	vadd.f32 v2, v1;
	_ =	sdelay $0x1  }
0x437: {  	s15 =	sor.u32 $0x1010, s22;
	[tilespmem:s10+$0x4000] =	vst v1  }
0x438: {  	s10 =	sor.u32 $0x1010, s23;
	v1 =	vld [tilespmem:s15+$0x4000]  }
0x439: {  	v2 =	vld [tilespmem:s10+$0xE000];
	_ =	sdelay $0x4  }
0x43a: {  	v1 =	vadd.f32 v2, v1;
	_ =	sdelay $0x1  }
0x43b: {  	s16 =	sor.u32 $0x1020, s22;
	[tilespmem:s15+$0x4000] =	vst v1  }
0x43c: {  	s9 =	sor.u32 $0x1020, s23;
	v1 =	vld [tilespmem:s16+$0x4000]  }
0x43d: {  	v2 =	vld [tilespmem:s9+$0xE000];
	_ =	sdelay $0x4  }
0x43e: {  	v1 =	vadd.f32 v2, v1;
	_ =	sdelay $0x1  }
0x43f: {  	s17 =	sor.u32 $0x1030, s22;
	[tilespmem:s16+$0x4000] =	vst v1  }
0x440: {  	s15 =	sor.u32 $0x1030, s23;
	v1 =	vld [tilespmem:s17+$0x4000]  }
0x441: {  	v2 =	vld [tilespmem:s15+$0xE000];
	_ =	sdelay $0x4  }
0x442: {  	v1 =	vadd.f32 v2, v1;
	_ =	sdelay $0x1  }
0x443: {  	s18 =	sor.u32 $0x1040, s22;
	[tilespmem:s17+$0x4000] =	vst v1  }
0x444: {  	s2 =	sor.u32 $0x1040, s23;
	v1 =	vld [tilespmem:s18+$0x4000]  }
0x445: {  	v2 =	vld [tilespmem:s2+$0xE000];
	_ =	sdelay $0x4  }
0x446: {  	v1 =	vadd.f32 v2, v1;
	_ =	sdelay $0x1  }
0x447: {  	s19 =	sor.u32 $0x1050, s22;
	[tilespmem:s18+$0x4000] =	vst v1  }
0x448: {  	s25 =	sor.u32 $0x1050, s23;
	v1 =	vld [tilespmem:s19+$0x4000]  }
0x449: {  	v2 =	vld [tilespmem:s25+$0xE000];
	_ =	sdelay $0x4  }
0x44a: {  	v1 =	vadd.f32 v2, v1;
	_ =	sdelay $0x1  }
0x44b: {  	s20 =	sor.u32 $0x1060, s22;
	[tilespmem:s19+$0x4000] =	vst v1  }
0x44c: {  	s4 =	sor.u32 $0x1060, s23;
	v1 =	vld [tilespmem:s20+$0x4000]  }
0x44d: {  	v2 =	vld [tilespmem:s4+$0xE000];
	_ =	sdelay $0x4  }
0x44e: {  	v1 =	vadd.f32 v2, v1;
	_ =	sdelay $0x1  }
0x44f: {  	s21 =	sor.u32 $0x1070, s22;
	[tilespmem:s20+$0x4000] =	vst v1  }
0x450: {  	s0 =	sor.u32 $0x1070, s23;
	v1 =	vld [tilespmem:s21+$0x4000]  }
0x451: {  	v2 =	vld [tilespmem:s0+$0xE000];
	_ =	sdelay $0x4  }
0x452: {  	v1 =	vadd.f32 v2, v1;
	_ =	sdelay $0x1  }
0x453: {  	s24 =	sor.u32 $0x1400, s22;
	[tilespmem:s21+$0x4000] =	vst v1  }
0x454: {  	s31 =	sor.u32 $0x1400, s23;
	v1 =	vld [tilespmem:s24+$0x4000]  }
0x455: {  	v2 =	vld [tilespmem:s31+$0xE000];
	_ =	sdelay $0x4  }
0x456: {  	v1 =	vadd.f32 v2, v1;
	_ =	sdelay $0x1  }
0x457: {  	s26 =	sor.u32 $0x1410, s22;
	[tilespmem:s24+$0x4000] =	vst v1  }
0x458: {  	s28 =	sor.u32 $0x1410, s23;
	v1 =	vld [tilespmem:s26+$0x4000]  }
0x459: {  	v2 =	vld [tilespmem:s28+$0xE000];
	_ =	sdelay $0x4  }
0x45a: {  	v1 =	vadd.f32 v2, v1;
	_ =	sdelay $0x1  }
0x45b: {  	s29 =	sor.u32 $0x1420, s22;
	[tilespmem:s26+$0x4000] =	vst v1  }
0x45c: {  	s30 =	sor.u32 $0x1420, s23;
	v1 =	vld [tilespmem:s29+$0x4000]  }
0x45d: {  	v2 =	vld [tilespmem:s30+$0xE000];
	_ =	sdelay $0x4  }
0x45e: {  	v1 =	vadd.f32 v2, v1;
	_ =	sdelay $0x1  }
0x45f: {  	s3 =	sor.u32 $0x1430, s22;
	[tilespmem:s29+$0x4000] =	vst v1  }
0x460: {  	s24 =	sor.u32 $0x1430, s23;
	v1 =	vld [tilespmem:s3+$0x4000]  }
0x461: {  	v2 =	vld [tilespmem:s24+$0xE000];
	_ =	sdelay $0x4  }
0x462: {  	v1 =	vadd.f32 v2, v1;
	_ =	sdelay $0x1  }
0x463: {  	s6 =	sor.u32 $0x1440, s22;
	[tilespmem:s3+$0x4000] =	vst v1  }
0x464: {  	s26 =	sor.u32 $0x1440, s23;
	v1 =	vld [tilespmem:s6+$0x4000]  }
0x465: {  	v2 =	vld [tilespmem:s26+$0xE000];
	_ =	sdelay $0x4  }
0x466: {  	v1 =	vadd.f32 v2, v1;
	_ =	sdelay $0x1  }
0x467: {  	s7 =	sor.u32 $0x1450, s22;
	[tilespmem:s6+$0x4000] =	vst v1  }
0x468: {  	s29 =	sor.u32 $0x1450, s23;
	v1 =	vld [tilespmem:s7+$0x4000]  }
0x469: {  	v2 =	vld [tilespmem:s29+$0xE000];
	_ =	sdelay $0x4  }
0x46a: {  	v1 =	vadd.f32 v2, v1;
	_ =	sdelay $0x1  }
0x46b: {  	s16 =	sor.u32 $0x1460, s22;
	[tilespmem:s7+$0x4000] =	vst v1  }
0x46c: {  	s7 =	sor.u32 $0x1460, s23;
	v1 =	vld [tilespmem:s16+$0x4000]  }
0x46d: {  	v2 =	vld [tilespmem:s7+$0xE000];
	_ =	sdelay $0x4  }
0x46e: {  	v1 =	vadd.f32 v2, v1;
	_ =	sdelay $0x1  }
0x46f: {  	s17 =	sor.u32 $0x1470, s22;
	[tilespmem:s16+$0x4000] =	vst v1  }
0x470: {  	s16 =	sor.u32 $0x1470, s23;
	v1 =	vld [tilespmem:s17+$0x4000]  }
0x471: {  	v2 =	vld [tilespmem:s16+$0xE000];
	_ =	sdelay $0x4  }
0x472: {  	v1 =	vadd.f32 v2, v1;
	_ =	sdelay $0x1  }
0x473: {  	s18 =	sor.u32 $0x1800, s22;
	[tilespmem:s17+$0x4000] =	vst v1  }
0x474: {  	s6 =	sor.u32 $0x1800, s23;
	v1 =	vld [tilespmem:s18+$0x4000]  }
0x475: {  	v2 =	vld [tilespmem:s6+$0xE000];
	_ =	sdelay $0x4  }
0x476: {  	v1 =	vadd.f32 v2, v1;
	_ =	sdelay $0x1  }
0x477: {  	s19 =	sor.u32 $0x1810, s22;
	[tilespmem:s18+$0x4000] =	vst v1  }
0x478: {  	s20 =	sor.u32 $0x1810, s23;
	v1 =	vld [tilespmem:s19+$0x4000]  }
0x479: {  	v2 =	vld [tilespmem:s20+$0xE000];
	_ =	sdelay $0x4  }
0x47a: {  	v1 =	vadd.f32 v2, v1;
	_ =	sdelay $0x1  }
0x47b: {  	s21 =	sor.u32 $0x1820, s22;
	[tilespmem:s19+$0x4000] =	vst v1  }
0x47c: {  	s19 =	sor.u32 $0x1820, s23;
	v1 =	vld [tilespmem:s21+$0x4000]  }
0x47d: {  	v2 =	vld [tilespmem:s19+$0xE000];
	_ =	sdelay $0x4  }
0x47e: {  	v1 =	vadd.f32 v2, v1;
	_ =	sdelay $0x1  }
0x47f: {  	s3 =	sor.u32 $0x1830, s22;
	[tilespmem:s21+$0x4000] =	vst v1  }
0x480: {  	s17 =	sor.u32 $0x1830, s23;
	v1 =	vld [tilespmem:s3+$0x4000]  }
0x481: {  	v2 =	vld [tilespmem:s17+$0xE000];
	_ =	sdelay $0x4  }
0x482: {  	v1 =	vadd.f32 v2, v1;
	_ =	sdelay $0x1  }
0x483: {  	s18 =	sor.u32 $0x1840, s22;
	[tilespmem:s3+$0x4000] =	vst v1  }
0x484: {  	s3 =	sor.u32 $0x1840, s23;
	v1 =	vld [tilespmem:s18+$0x4000]  }
0x485: {  	v2 =	vld [tilespmem:s3+$0xE000];
	_ =	sdelay $0x4  }
0x486: {  	v1 =	vadd.f32 v2, v1;
	_ =	sdelay $0x1  }
0x487: {  	s21 =	sor.u32 $0x1850, s22;
	[tilespmem:s18+$0x4000] =	vst v1  }
0x488: {  	s18 =	sor.u32 $0x1850, s23;
	v1 =	vld [tilespmem:s21+$0x4000]  }
0x489: {  	v2 =	vld [tilespmem:s18+$0xE000];
	_ =	sdelay $0x4  }
0x48a: {  	v1 =	vadd.f32 v2, v1;
	_ =	sdelay $0x1  }
0x48b: {  	[tilespmem:s21+$0x4000] =	vst v1;
	s21 =	sor.u32 $0x1860, s22  }
0x48c: {  	s1 =	sor.u32 $0x1860, s23;
	v1 =	vld [tilespmem:s21+$0x4000]  }
0x48d: {  	v2 =	vld [tilespmem:s1+$0xE000];
	_ =	sdelay $0x4  }
0x48e: {  	v1 =	vadd.f32 v2, v1;
	_ =	sdelay $0x1  }
0x48f: {  	[smem:$0x7F2] =	sst s18;
	s18 =	sor.u32 $0x1870, s22;
	[tilespmem:s21+$0x4000] =	vst v1  }
0x490: {  	s21 =	sor.u32 $0x1870, s23;
	v1 =	vld [tilespmem:s18+$0x4000]  }
0x491: {  	v2 =	vld [tilespmem:s21+$0xE000];
	_ =	sdelay $0x4  }
0x492: {  	v1 =	vadd.f32 v2, v1;
	_ =	sdelay $0x1  }
0x493: {  	[tilespmem:s18+$0x4000] =	vst v1;
	s18 =	sor.u32 $0x1C00, s22  }
0x494: {  	[smem:$0x7F3] =	sst s21;
	s21 =	sor.u32 $0x1C00, s23;
	v1 =	vld [tilespmem:s18+$0x4000]  }
0x495: {  	v2 =	vld [tilespmem:s21+$0xE000];
	_ =	sdelay $0x4  }
0x496: {  	v1 =	vadd.f32 v2, v1;
	_ =	sdelay $0x1  }
0x497: {  	[tilespmem:s18+$0x4000] =	vst v1;
	s18 =	sor.u32 $0x1C10, s22  }
0x498: {  	[smem:$0x7F4] =	sst s21;
	s21 =	sor.u32 $0x1C10, s23;
	v1 =	vld [tilespmem:s18+$0x4000]  }
0x499: {  	v2 =	vld [tilespmem:s21+$0xE000];
	_ =	sdelay $0x4  }
0x49a: {  	v1 =	vadd.f32 v2, v1;
	_ =	sdelay $0x1  }
0x49b: {  	[tilespmem:s18+$0x4000] =	vst v1;
	s18 =	sor.u32 $0x1C20, s22  }
0x49c: {  	[smem:$0x7F5] =	sst s21;
	s21 =	sor.u32 $0x1C20, s23;
	v1 =	vld [tilespmem:s18+$0x4000]  }
0x49d: {  	v2 =	vld [tilespmem:s21+$0xE000];
	_ =	sdelay $0x4  }
0x49e: {  	v1 =	vadd.f32 v2, v1;
	_ =	sdelay $0x1  }
0x49f: {  	[tilespmem:s18+$0x4000] =	vst v1;
	s18 =	sor.u32 $0x1C30, s22  }
0x4a0: {  	[smem:$0x7F6] =	sst s21;
	s21 =	sor.u32 $0x1C30, s23;
	v1 =	vld [tilespmem:s18+$0x4000]  }
0x4a1: {  	v2 =	vld [tilespmem:s21+$0xE000];
	_ =	sdelay $0x4  }
0x4a2: {  	v1 =	vadd.f32 v2, v1;
	_ =	sdelay $0x1  }
0x4a3: {  	[tilespmem:s18+$0x4000] =	vst v1;
	s18 =	sor.u32 $0x1C40, s22  }
0x4a4: {  	[smem:$0x7F7] =	sst s21;
	s21 =	sor.u32 $0x1C40, s23;
	v1 =	vld [tilespmem:s18+$0x4000]  }
0x4a5: {  	v2 =	vld [tilespmem:s21+$0xE000];
	_ =	sdelay $0x4  }
0x4a6: {  	v1 =	vadd.f32 v2, v1  }
0x4a7: {  	v53 =	vld [tilespmem:s8+$0xE100]  }
0x4a8: {  	v19 =	vld [tilespmem:s8+$0xE960];
	[tilespmem:s18+$0x4000] =	vst v1;
	s18 =	sor.u32 $0x1C50, s22  }
0x4a9: {  	[dreg:$0x1e] =	wrdreg s21;
	s21 =	sor.u32 $0x1C50, s23;
	v1 =	vld [tilespmem:s18+$0x4000]  }
0x4aa: {  	v2 =	vld [tilespmem:s21+$0xE000]  }
0x4ab: {  	v20 =	vld [tilespmem:s8+$0x48F0]  }
0x4ac: {  	v21 =	vld [tilespmem:s8+$0xE970]  }
0x4ad: {  	v22 =	vld [tilespmem:s8+$0x4C80]  }
0x4ae: {  	v33 =	vld [tilespmem:s8+$0x40E0]  }
0x4af: {  	v34 =	vld [tilespmem:s8+$0xE160];
	v1 =	vadd.f32 v2, v1  }
0x4b0: {  	v35 =	vld [tilespmem:s8+$0x40F0]  }
0x4b1: {  	v37 =	vld [tilespmem:s8+$0x4480];
	[tilespmem:s18+$0x4000] =	vst v1;
	s18 =	sor.u32 $0x1C60, s22  }
0x4b2: {  	[dreg:$0x1c] =	wrdreg s21;
	s21 =	sor.u32 $0x1C60, s23;
	v1 =	vld [tilespmem:s18+$0x4000]  }
0x4b3: {  	v2 =	vld [tilespmem:s21+$0xE000]  }
0x4b4: {  	v56 =	vld [tilespmem:s8+$0x40A0]  }
0x4b5: {  	v57 =	vld [tilespmem:s8+$0xE120]  }
0x4b6: {  	v3 =	vld [tilespmem:s8+$0x4080]  }
0x4b7: {  	v60 =	vld [tilespmem:s8+$0x40C0]  }
0x4b8: {  	v61 =	vld [tilespmem:s8+$0xE140];
	v1 =	vadd.f32 v2, v1  }
0x4b9: {  	v38 =	vld [tilespmem:s8+$0xE500]  }
0x4ba: {  	v41 =	vld [tilespmem:s8+$0x44A0];
	[tilespmem:s18+$0x4000] =	vst v1;
	s18 =	sor.u32 $0x1C70, s22  }
0x4bb: {  	v3 =	vadd.f32 v53, v3;
	s22 =	sor.u32 $0x1C70, s23;
	v1 =	vld [tilespmem:s18+$0x4000]  }
0x4bc: {  	v2 =	vld [tilespmem:s22+$0xE000]  }
0x4bd: {  	v42 =	vld [tilespmem:s8+$0xE520];
	[tilespmem:s8+$0x4080] =	vst v3;
	v3 =	vadd.f32 v57, v56  }
0x4be: {  	v52 =	vld [tilespmem:s8+$0x4880]  }
0x4bf: {  	v45 =	vld [tilespmem:s8+$0x44C0];
	[tilespmem:s8+$0x40A0] =	vst v3;
	v3 =	vadd.f32 v61, v60  }
0x4c0: {  	v49 =	vld [tilespmem:s8+$0x44E0]  }
0x4c1: {  	[tilespmem:s8+$0x40C0] =	vst v3;
	v3 =	vadd.f32 v34, v33;
	v1 =	vadd.f32 v2, v1;
	v2 =	vld [tilespmem:s8+$0xE560]  }
0x4c2: {  	v46 =	vld [tilespmem:s8+$0xE540]  }
0x4c3: {  	v53 =	vld [tilespmem:s8+$0xE900];
	[tilespmem:s8+$0x40E0] =	vst v3;
	v3 =	vadd.f32 v38, v37  }
0x4c4: {  	v56 =	vld [tilespmem:s8+$0x48A0]  }
0x4c5: {  	v57 =	vld [tilespmem:s8+$0xE920];
	[tilespmem:s8+$0x4480] =	vst v3;
	v3 =	vadd.f32 v42, v41  }
0x4c6: {  	v60 =	vld [tilespmem:s8+$0x48C0];
	v2 =	vadd.f32 v2, v49  }
0x4c7: {  	v61 =	vld [tilespmem:s8+$0xE940];
	[tilespmem:s8+$0x44A0] =	vst v3;
	v3 =	vadd.f32 v46, v45  }
0x4c8: {  	v36 =	vld [tilespmem:s8+$0xE170];
	[tilespmem:s8+$0x44E0] =	vst v2;
	v2 =	vadd.f32 v53, v52  }
0x4c9: {  	[tilespmem:s8+$0x44C0] =	vst v3;
	v3 =	vld [tilespmem:s8+$0x48E0]  }
0x4ca: {  	v54 =	vld [tilespmem:s8+$0x4090];
	[tilespmem:s8+$0x4880] =	vst v2;
	v2 =	vadd.f32 v57, v56  }
0x4cb: {  	v55 =	vld [tilespmem:s8+$0xE110];
	[dreg:$0x1a] =	wrdreg s21;
	s21 =	sand.u32 $0x200, s13;
	s23 =	sand.u32 $0x7FFFE000, s14  }
0x4cc: {  	v58 =	vld [tilespmem:s8+$0x40B0];
	[dreg:$0x18] =	wrdreg s22;
	s22 =	sor.u32 s21, s23;
	[tilespmem:s8+$0x48A0] =	vst v2;
	v2 =	vadd.f32 v61, v60  }
0x4cd: {  	v24 =	vld [tilespmem:s22+$0xE000]  }
0x4ce: {  	[tilespmem:s8+$0x48C0] =	vst v2;
	v2 =	vadd.f32 v19, v3;
	v3 =	vld [tilespmem:s8+$0x4180]  }
0x4cf: {  	v59 =	vld [tilespmem:s8+$0xE130]  }
0x4d0: {  	v62 =	vld [tilespmem:s8+$0x40D0]  }
0x4d1: {  	v63 =	vld [tilespmem:s8+$0xE150]  }
0x4d2: {  	v44 =	vld [tilespmem:s8+$0xE530]  }
0x4d3: {  	v39 =	vld [tilespmem:s8+$0x4490];
	v3 =	vadd.f32 v24, v3  }
0x4d4: {  	v40 =	vld [tilespmem:s8+$0xE510];
	[tilespmem:s18+$0x4000] =	vst v1;
	v1 =	vadd.f32 v55, v54  }
0x4d5: {  	[tilespmem:s8+$0x4180] =	vst v3;
	v3 =	vld [tilespmem:s8+$0x4190]  }
0x4d6: {  	[tilespmem:s8+$0x4090] =	vst v1;
	v1 =	vadd.f32 v59, v58;
	v25 =	vld [tilespmem:s22+$0xE010]  }
0x4d7: {  	v47 =	vld [tilespmem:s8+$0x44D0]  }
0x4d8: {  	v48 =	vld [tilespmem:s8+$0xE550];
	[tilespmem:s8+$0x40B0] =	vst v1;
	v1 =	vadd.f32 v63, v62  }
0x4d9: {  	v43 =	vld [tilespmem:s8+$0x44B0]  }
0x4da: {  	v51 =	vld [tilespmem:s8+$0xE570];
	[tilespmem:s8+$0x40D0] =	vst v1;
	v1 =	vadd.f32 v36, v35  }
0x4db: {  	v50 =	vld [tilespmem:s8+$0x44F0];
	v3 =	vadd.f32 v25, v3  }
0x4dc: {  	v54 =	vld [tilespmem:s8+$0x4890];
	[tilespmem:s8+$0x40F0] =	vst v1;
	v1 =	vadd.f32 v40, v39  }
0x4dd: {  	[tilespmem:s8+$0x4190] =	vst v3;
	v3 =	vld [tilespmem:s8+$0x41A0]  }
0x4de: {  	[tilespmem:s8+$0x4490] =	vst v1;
	v1 =	vadd.f32 v44, v43;
	v26 =	vld [tilespmem:s22+$0xE020]  }
0x4df: {  	v55 =	vld [tilespmem:s8+$0xE910]  }
0x4e0: {  	v58 =	vld [tilespmem:s8+$0x48B0];
	[tilespmem:s8+$0x44B0] =	vst v1;
	v1 =	vadd.f32 v48, v47  }
0x4e1: {  	v59 =	vld [tilespmem:s8+$0xE930]  }
0x4e2: {  	v62 =	vld [tilespmem:s8+$0x48D0];
	[tilespmem:s8+$0x44D0] =	vst v1;
	v1 =	vadd.f32 v51, v50  }
0x4e3: {  	v63 =	vld [tilespmem:s8+$0xE950];
	v3 =	vadd.f32 v26, v3  }
0x4e4: {  	v23 =	vld [tilespmem:s8+$0xED00];
	[tilespmem:s8+$0x44F0] =	vst v1;
	v1 =	vadd.f32 v55, v54  }
0x4e5: {  	[tilespmem:s8+$0x41A0] =	vst v3;
	v3 =	vld [tilespmem:s8+$0x41B0]  }
0x4e6: {  	[tilespmem:s8+$0x4890] =	vst v1;
	v1 =	vadd.f32 v59, v58;
	v27 =	vld [tilespmem:s22+$0xE030];
	_ =	sdelay $0x1  }
0x4e7: {  	[tilespmem:s8+$0x48B0] =	vst v1;
	v1 =	vadd.f32 v63, v62  }
0x4e8: {  	[tilespmem:s8+$0x48E0] =	vst v2;
	v2 =	vadd.f32 v23, v22  }
0x4e9: {  	[tilespmem:s8+$0x48D0] =	vst v1;
	v1 =	vadd.f32 v21, v20  }
0x4ea: {  	[tilespmem:s8+$0x4C80] =	vst v2;
	v3 =	vadd.f32 v27, v3  }
0x4eb: {  	v2 =	vld [tilespmem:s8+$0xED10];
	[tilespmem:s8+$0x48F0] =	vst v1  }
0x4ec: {  	v1 =	vld [tilespmem:s8+$0x4C90];
	[tilespmem:s8+$0x41B0] =	vst v3  }
0x4ed: {  	v3 =	vld [tilespmem:s8+$0x41C0]  }
0x4ee: {  	v28 =	vld [tilespmem:s22+$0xE040];
	_ =	sdelay $0x4  }
0x4ef: {  	v3 =	vadd.f32 v28, v3;
	_ =	sdelay $0x1  }
0x4f0: {  	[tilespmem:s8+$0x41C0] =	vst v3;
	v3 =	vld [tilespmem:s8+$0x41D0]  }
0x4f1: {  	v29 =	vld [tilespmem:s22+$0xE050];
	_ =	sdelay $0x4  }
0x4f2: {  	v3 =	vadd.f32 v29, v3;
	_ =	sdelay $0x1  }
0x4f3: {  	[tilespmem:s8+$0x41D0] =	vst v3;
	v3 =	vld [tilespmem:s8+$0x41E0]  }
0x4f4: {  	v30 =	vld [tilespmem:s22+$0xE060];
	_ =	sdelay $0x4  }
0x4f5: {  	v3 =	vadd.f32 v30, v3;
	_ =	sdelay $0x1  }
0x4f6: {  	[tilespmem:s8+$0x41E0] =	vst v3;
	v3 =	vld [tilespmem:s8+$0x41F0]  }
0x4f7: {  	v31 =	vld [tilespmem:s22+$0xE070];
	_ =	sdelay $0x4  }
0x4f8: {  	v3 =	vadd.f32 v31, v3;
	_ =	sdelay $0x1  }
0x4f9: {  	[tilespmem:s8+$0x41F0] =	vst v3;
	v3 =	vld [tilespmem:s8+$0x4580]  }
0x4fa: {  	v32 =	vld [tilespmem:s22+$0xE400];
	_ =	sdelay $0x4  }
0x4fb: {  	v3 =	vadd.f32 v32, v3;
	_ =	sdelay $0x1  }
0x4fc: {  	[tilespmem:s8+$0x4580] =	vst v3;
	v3 =	vld [tilespmem:s8+$0x4590]  }
0x4fd: {  	v33 =	vld [tilespmem:s22+$0xE410];
	_ =	sdelay $0x4  }
0x4fe: {  	v3 =	vadd.f32 v33, v3;
	_ =	sdelay $0x1  }
0x4ff: {  	[tilespmem:s8+$0x4590] =	vst v3;
	v3 =	vld [tilespmem:s8+$0x45A0]  }
0x500: {  	v34 =	vld [tilespmem:s22+$0xE420];
	_ =	sdelay $0x4  }
0x501: {  	v3 =	vadd.f32 v34, v3;
	_ =	sdelay $0x1  }
0x502: {  	[tilespmem:s8+$0x45A0] =	vst v3;
	v3 =	vld [tilespmem:s8+$0x45B0]  }
0x503: {  	v35 =	vld [tilespmem:s22+$0xE430];
	_ =	sdelay $0x4  }
0x504: {  	v3 =	vadd.f32 v35, v3;
	_ =	sdelay $0x1  }
0x505: {  	[tilespmem:s8+$0x45B0] =	vst v3;
	v3 =	vld [tilespmem:s8+$0x45C0]  }
0x506: {  	v36 =	vld [tilespmem:s22+$0xE440];
	_ =	sdelay $0x4  }
0x507: {  	v3 =	vadd.f32 v36, v3;
	_ =	sdelay $0x1  }
0x508: {  	[tilespmem:s8+$0x45C0] =	vst v3;
	v3 =	vld [tilespmem:s8+$0x45D0]  }
0x509: {  	v37 =	vld [tilespmem:s22+$0xE450];
	_ =	sdelay $0x4  }
0x50a: {  	v3 =	vadd.f32 v37, v3;
	_ =	sdelay $0x1  }
0x50b: {  	[tilespmem:s8+$0x45D0] =	vst v3;
	v3 =	vld [tilespmem:s8+$0x45E0]  }
0x50c: {  	v38 =	vld [tilespmem:s22+$0xE460];
	_ =	sdelay $0x4  }
0x50d: {  	v3 =	vadd.f32 v38, v3;
	_ =	sdelay $0x1  }
0x50e: {  	[tilespmem:s8+$0x45E0] =	vst v3;
	v3 =	vld [tilespmem:s8+$0x45F0]  }
0x50f: {  	v39 =	vld [tilespmem:s22+$0xE470];
	_ =	sdelay $0x4  }
0x510: {  	v3 =	vadd.f32 v39, v3;
	_ =	sdelay $0x1  }
0x511: {  	[tilespmem:s8+$0x45F0] =	vst v3;
	v3 =	vld [tilespmem:s8+$0x4980]  }
0x512: {  	v40 =	vld [tilespmem:s22+$0xE800];
	_ =	sdelay $0x4  }
0x513: {  	v3 =	vadd.f32 v40, v3;
	_ =	sdelay $0x1  }
0x514: {  	[tilespmem:s8+$0x4980] =	vst v3;
	v3 =	vld [tilespmem:s8+$0x4990]  }
0x515: {  	v41 =	vld [tilespmem:s22+$0xE810];
	_ =	sdelay $0x4  }
0x516: {  	v3 =	vadd.f32 v41, v3;
	_ =	sdelay $0x1  }
0x517: {  	[tilespmem:s8+$0x4990] =	vst v3;
	v3 =	vld [tilespmem:s8+$0x49A0]  }
0x518: {  	v42 =	vld [tilespmem:s22+$0xE820];
	_ =	sdelay $0x4  }
0x519: {  	v3 =	vadd.f32 v42, v3;
	_ =	sdelay $0x1  }
0x51a: {  	[tilespmem:s8+$0x49A0] =	vst v3;
	v3 =	vld [tilespmem:s8+$0x49B0]  }
0x51b: {  	v43 =	vld [tilespmem:s22+$0xE830];
	_ =	sdelay $0x4  }
0x51c: {  	v3 =	vadd.f32 v43, v3  }
0x51d: {  	v4 =	vld [tilespmem:s8+$0x4CA0]  }
0x51e: {  	[tilespmem:s8+$0x49B0] =	vst v3;
	v3 =	vld [tilespmem:s8+$0x49C0]  }
0x51f: {  	v44 =	vld [tilespmem:s22+$0xE840]  }
0x520: {  	v5 =	vld [tilespmem:s8+$0xED20]  }
0x521: {  	v6 =	vld [tilespmem:s8+$0x4CB0]  }
0x522: {  	v7 =	vld [tilespmem:s8+$0xED30]  }
0x523: {  	v55 =	vld [tilespmem:s8+$0x4CC0]  }
0x524: {  	v56 =	vld [tilespmem:s8+$0xED40];
	v3 =	vadd.f32 v44, v3  }
0x525: {  	v10 =	vld [tilespmem:s8+$0x4CD0]  }
0x526: {  	[tilespmem:s8+$0x49C0] =	vst v3;
	v3 =	vld [tilespmem:s8+$0x49D0]  }
0x527: {  	v45 =	vld [tilespmem:s22+$0xE850]  }
0x528: {  	v11 =	vld [tilespmem:s8+$0xED50]  }
0x529: {  	v12 =	vld [tilespmem:s8+$0x4CE0]  }
0x52a: {  	v57 =	vld [tilespmem:s8+$0xED60]  }
0x52b: {  	v14 =	vld [tilespmem:s8+$0x4CF0]  }
0x52c: {  	v15 =	vld [tilespmem:s8+$0xED70];
	v3 =	vadd.f32 v45, v3  }
0x52d: {  	v58 =	vld [tilespmem:s8+$0x4100]  }
0x52e: {  	[tilespmem:s8+$0x49D0] =	vst v3;
	v3 =	vld [tilespmem:s8+$0x49E0]  }
0x52f: {  	v46 =	vld [tilespmem:s22+$0xE860]  }
0x530: {  	v59 =	vld [tilespmem:s8+$0xE180]  }
0x531: {  	v18 =	vld [tilespmem:s8+$0x4110]  }
0x532: {  	v19 =	vld [tilespmem:s8+$0xE190]  }
0x533: {  	v60 =	vld [tilespmem:s8+$0x4120]  }
0x534: {  	v61 =	vld [tilespmem:s8+$0xE1A0];
	v3 =	vadd.f32 v46, v3  }
0x535: {  	v22 =	vld [tilespmem:s8+$0x4130]  }
0x536: {  	[tilespmem:s8+$0x49E0] =	vst v3;
	v3 =	vld [tilespmem:s8+$0x49F0]  }
0x537: {  	v47 =	vld [tilespmem:s22+$0xE870]  }
0x538: {  	v23 =	vld [tilespmem:s8+$0xE1B0]  }
0x539: {  	v62 =	vld [tilespmem:s8+$0x4140]  }
0x53a: {  	v63 =	vld [tilespmem:s8+$0xE1C0]  }
0x53b: {  	v26 =	vld [tilespmem:s8+$0x4150]  }
0x53c: {  	v27 =	vld [tilespmem:s8+$0xE1D0];
	v3 =	vadd.f32 v47, v3  }
0x53d: {  	v1 =	vadd.f32 v2, v1;
	v2 =	vld [tilespmem:s8+$0x4570]  }
0x53e: {  	[tilespmem:s8+$0x49F0] =	vst v3;
	v3 =	vld [tilespmem:s8+$0x4D80]  }
0x53f: {  	v48 =	vld [tilespmem:s22+$0xEC00]  }
0x540: {  	v8 =	vld [tilespmem:s8+$0x4910]  }
0x541: {  	v9 =	vld [tilespmem:s8+$0xE990]  }
0x542: {  	v16 =	vld [tilespmem:s8+$0x4950]  }
0x543: {  	v17 =	vld [tilespmem:s8+$0x4D50]  }
0x544: {  	v21 =	vld [tilespmem:s8+$0x4D60];
	v3 =	vadd.f32 v48, v3  }
0x545: {  	v28 =	vld [tilespmem:s8+$0x4160]  }
0x546: {  	[tilespmem:s8+$0x4D80] =	vst v3;
	v3 =	vld [tilespmem:s8+$0x4D90]  }
0x547: {  	v49 =	vld [tilespmem:s22+$0xEC10]  }
0x548: {  	v4 =	vadd.f32 v5, v4;
	v5 =	vld [tilespmem:s8+$0xE5F0]  }
0x549: {  	[tilespmem:s8+$0x4C90] =	vst v1;
	v1 =	vadd.f32 v7, v6;
	v6 =	vld [tilespmem:s8+$0x4900]  }
0x54a: {  	v55 =	vadd.f32 v56, v55;
	v56 =	vld [tilespmem:s8+$0xE980]  }
0x54b: {  	v58 =	vadd.f32 v59, v58;
	v59 =	vld [tilespmem:s8+$0xE9A0]  }
0x54c: {  	v57 =	vadd.f32 v57, v12;
	v12 =	vld [tilespmem:s8+$0x4930];
	v3 =	vadd.f32 v49, v3  }
0x54d: {  	v60 =	vadd.f32 v61, v60;
	v61 =	vld [tilespmem:s8+$0xE9B0]  }
0x54e: {  	[tilespmem:s8+$0x4D90] =	vst v3;
	v3 =	vld [tilespmem:s8+$0x4DA0]  }
0x54f: {  	v50 =	vld [tilespmem:s22+$0xEC20]  }
0x550: {  	v62 =	vadd.f32 v63, v62;
	v63 =	vld [tilespmem:s8+$0xE9C0]  }
0x551: {  	[tilespmem:s8+$0x4CB0] =	vst v1;
	v1 =	vadd.f32 v11, v10;
	v10 =	vld [tilespmem:s8+$0x4920]  }
0x552: {  	[tilespmem:s8+$0x4CC0] =	vst v55;
	v55 =	vld [tilespmem:s8+$0xED90]  }
0x553: {  	[tilespmem:s8+$0x4CE0] =	vst v57;
	v57 =	vld [tilespmem:s8+$0xEDA0]  }
0x554: {  	[tilespmem:s8+$0x4CD0] =	vst v1;
	v1 =	vadd.f32 v15, v14;
	v14 =	vld [tilespmem:s8+$0x4940];
	v3 =	vadd.f32 v50, v3  }
0x555: {  	v29 =	vld [tilespmem:s8+$0xE1E0]  }
0x556: {  	[tilespmem:s8+$0x4DA0] =	vst v3;
	v3 =	vld [tilespmem:s8+$0x4DB0]  }
0x557: {  	v51 =	vld [tilespmem:s22+$0xEC30]  }
0x558: {  	[tilespmem:s8+$0x4100] =	vst v58;
	v58 =	vld [tilespmem:s8+$0x4D30]  }
0x559: {  	[tilespmem:s8+$0x4120] =	vst v60;
	v60 =	vld [tilespmem:s8+$0xEDB0]  }
0x55a: {  	[tilespmem:s8+$0x4CF0] =	vst v1;
	v1 =	vadd.f32 v19, v18;
	v19 =	vld [tilespmem:s8+$0xEDD0]  }
0x55b: {  	[tilespmem:s8+$0x4140] =	vst v62;
	v62 =	vadd.f32 v63, v14;
	v63 =	vld [tilespmem:s8+$0xEDC0];
	v28 =	vadd.f32 v29, v28  }
0x55c: {  	v29 =	vld [tilespmem:s8+$0xE9D0];
	v3 =	vadd.f32 v51, v3  }
0x55d: {  	[tilespmem:s8+$0x4160] =	vst v28;
	v28 =	vld [tilespmem:s8+$0xEDE0]  }
0x55e: {  	[tilespmem:s8+$0x4DB0] =	vst v3;
	v3 =	vld [tilespmem:s8+$0x4DC0]  }
0x55f: {  	v52 =	vld [tilespmem:s22+$0xEC40]  }
0x560: {  	v30 =	vld [tilespmem:s8+$0x4170]  }
0x561: {  	v31 =	vld [tilespmem:s8+$0x4960]  }
0x562: {  	v38 =	vld [tilespmem:s8+$0x4530]  }
0x563: {  	v39 =	vld [tilespmem:s8+$0xE5B0]  }
0x564: {  	v40 =	vld [tilespmem:s8+$0x4540];
	v3 =	vadd.f32 v52, v3  }
0x565: {  	v48 =	vld [tilespmem:s8+$0xE1F0]  }
0x566: {  	[tilespmem:s8+$0x4DC0] =	vst v3;
	v3 =	vld [tilespmem:s8+$0x4DD0]  }
0x567: {  	[tilespmem:s8+$0x4110] =	vst v1;
	v1 =	vadd.f32 v23, v22;
	v53 =	vld [tilespmem:s22+$0xEC50]  }
0x568: {  	v51 =	vld [tilespmem:s8+$0x4510]  }
0x569: {  	[tilespmem:s8+$0x4130] =	vst v1;
	v1 =	vadd.f32 v27, v26;
	v52 =	vld [tilespmem:s8+$0xE590]  }
0x56a: {  	[tilespmem:s8+$0x4CA0] =	vst v4;
	v56 =	vadd.f32 v56, v6;
	v42 =	vld [tilespmem:s8+$0x4550]  }
0x56b: {  	[tilespmem:s8+$0x4150] =	vst v1;
	v43 =	vld [tilespmem:s8+$0xE5D0];
	v1 =	vadd.f32 v48, v30  }
0x56c: {  	[tilespmem:s8+$0x4900] =	vst v56;
	v46 =	vld [tilespmem:s8+$0xE9E0];
	v3 =	vadd.f32 v53, v3  }
0x56d: {  	v59 =	vadd.f32 v59, v10;
	[tilespmem:s8+$0x4170] =	vst v1;
	v49 =	vld [tilespmem:s8+$0x4500]  }
0x56e: {  	v1 =	vadd.f32 v52, v51;
	[tilespmem:s8+$0x4DD0] =	vst v3;
	v3 =	vld [tilespmem:s8+$0x4DE0]  }
0x56f: {  	[tilespmem:s8+$0x4920] =	vst v59;
	v54 =	vld [tilespmem:s22+$0xEC60]  }
0x570: {  	v50 =	vld [tilespmem:s8+$0xE580];
	[tilespmem:s8+$0x4510] =	vst v1;
	v1 =	vadd.f32 v39, v38  }
0x571: {  	[tilespmem:s8+$0x4940] =	vst v62;
	v41 =	vld [tilespmem:s8+$0xE5C0];
	v18 =	vadd.f32 v46, v31  }
0x572: {  	v47 =	vld [tilespmem:s8+$0x4970];
	[tilespmem:s8+$0x4530] =	vst v1;
	v1 =	vadd.f32 v43, v42  }
0x573: {  	v31 =	vadd.f32 v28, v21;
	[tilespmem:s8+$0x4960] =	vst v18;
	v53 =	vld [tilespmem:s8+$0x4520]  }
0x574: {  	[tilespmem:s8+$0x4550] =	vst v1;
	v1 =	vadd.f32 v5, v2;
	v3 =	vadd.f32 v54, v3;
	v54 =	vld [tilespmem:s8+$0xE5A0]  }
0x575: {  	[tilespmem:s8+$0x4D60] =	vst v31;
	v33 =	vadd.f32 v50, v49;
	v50 =	vld [tilespmem:s8+$0x4D00]  }
0x576: {  	v52 =	vld [tilespmem:s8+$0xED80];
	[tilespmem:s8+$0x4570] =	vst v1;
	v1 =	vadd.f32 v9, v8  }
0x577: {  	v49 =	vld [tilespmem:s8+$0xE9F0];
	[tilespmem:s8+$0x4500] =	vst v33;
	v51 =	vadd.f32 v41, v40  }
0x578: {  	v2 =	vld [tilespmem:s8+$0x4D20];
	[tilespmem:s8+$0x4910] =	vst v1;
	v1 =	vadd.f32 v61, v12  }
0x579: {  	[tilespmem:s8+$0x4540] =	vst v51;
	v48 =	vadd.f32 v54, v53;
	v53 =	vld [tilespmem:s8+$0x4D10]  }
0x57a: {  	v61 =	vld [tilespmem:s8+$0x4D40];
	[tilespmem:s8+$0x4930] =	vst v1;
	v1 =	vadd.f32 v29, v16  }
0x57b: {  	v27 =	vld [tilespmem:s8+$0x4DF0];
	v26 =	vadd.f32 v52, v50;
	[tilespmem:s8+$0x4DE0] =	vst v3  }
0x57c: {  	v44 =	vld [tilespmem:s8+$0x4560];
	[tilespmem:s8+$0x4950] =	vst v1;
	v1 =	vadd.f32 v49, v47  }
0x57d: {  	[tilespmem:s8+$0x4D00] =	vst v26;
	v2 =	vadd.f32 v57, v2;
	v3 =	vld [tilespmem:s22+$0xEC70]  }
0x57e: {  	s18 =	simm.s32 $0x1;
	s23 =	sld [smem:$0x7F1];
	v45 =	vld [tilespmem:s8+$0xE5E0];
	[tilespmem:s8+$0x4970] =	vst v1;
	v1 =	vadd.f32 v55, v53  }
0x57f: {  	s18 =	simm.s32 @!p0 $0x0;
	v30 =	vld [tilespmem:s8+$0xEDF0];
	[tilespmem:s8+$0x4D20] =	vst v2;
	v2 =	vadd.f32 v63, v61  }
0x580: {  	s18 =	sshll.u32 s18, $0x9;
	v29 =	vld [tilespmem:s8+$0x4D70];
	[tilespmem:s8+$0x4D10] =	vst v1;
	v1 =	vadd.f32 v60, v58  }
0x581: {  	s18 =	sadd.s32 s23, s18;
	s22 =	sadd.s32 $0xFFFFF100, s12;
	[tilespmem:s8+$0x4D40] =	vst v2  }
0x582: {  	s23 =	sadd.s32 $0x1000, s18;
	s18 =	sor.u32 $0x1000, s22;
	[tilespmem:s8+$0x4D30] =	vst v1;
	v1 =	vadd.f32 v3, v27  }
0x583: {  	v32 =	vld [tilespmem:s18+$0xE000];
	v2 =	vadd.f32 v19, v17;
	[tilespmem:s8+$0x4520] =	vst v48  }
0x584: {  	s21 =	sor.u32 $0x1000, s23;
	s12 =	sadd.s32 $0xFFFFF180, s12;
	v54 =	vadd.f32 v45, v44;
	v3 =	vld [tilespmem:s11+$0x4000];
	[tilespmem:s8+$0x4DF0] =	vst v1  }
0x585: {  	[tilespmem:s8+$0x4D50] =	vst v2;
	v2 =	vadd.f32 v30, v29;
	v1 =	vld [tilespmem:s21+$0xE000];
	s21 =	sor.u32 $0x1000, s12  }
0x586: {  	[tilespmem:s8+$0x4560] =	vst v54;
	v33 =	vld [tilespmem:s21+$0x4000]  }
0x587: {  	[tilespmem:s8+$0x4D70] =	vst v2  }
0x588: {  	v2 =	vld [tilespmem:s18+$0x4000]  }
0x589: {  	v34 =	vld [tilespmem:s21+$0xE000];
	v3 =	vadd.f32 v32, v3;
	_ =	sdelay $0x1  }
0x58a: {  	[tilespmem:s11+$0x4000] =	vst v3;
	v1 =	vadd.f32 v1, v33  }
0x58b: {  	s8 =	sor.u32 $0x1010, s22;
	v3 =	vld [tilespmem:s10+$0x4000]  }
0x58c: {  	[tilespmem:s21+$0x4000] =	vst v1;
	v1 =	vld [tilespmem:s8+$0xE000];
	s21 =	sor.u32 $0x1010, s23  }
0x58d: {  	v2 =	vadd.f32 v34, v2;
	v35 =	vld [tilespmem:s21+$0xE000];
	s21 =	sor.u32 $0x1010, s12  }
0x58e: {  	v36 =	vld [tilespmem:s21+$0x4000]  }
0x58f: {  	[tilespmem:s18+$0x4000] =	vst v2  }
0x590: {  	v2 =	vld [tilespmem:s8+$0x4000]  }
0x591: {  	v1 =	vadd.f32 v1, v3;
	v3 =	vld [tilespmem:s21+$0xE000];
	_ =	sdelay $0x1  }
0x592: {  	[tilespmem:s10+$0x4000] =	vst v1;
	v1 =	vadd.f32 v35, v36  }
0x593: {  	s10 =	sor.u32 $0x1020, s22;
	v37 =	vld [tilespmem:s9+$0x4000]  }
0x594: {  	s18 =	sor.u32 $0x1020, s23;
	[tilespmem:s21+$0x4000] =	vst v1;
	v1 =	vld [tilespmem:s10+$0xE000]  }
0x595: {  	s21 =	sor.u32 $0x1020, s12;
	v38 =	vld [tilespmem:s18+$0xE000];
	v2 =	vadd.f32 v3, v2  }
0x596: {  	v3 =	vld [tilespmem:s21+$0x4000]  }
0x597: {  	[tilespmem:s8+$0x4000] =	vst v2  }
0x598: {  	v2 =	vld [tilespmem:s10+$0x4000]  }
0x599: {  	v39 =	vld [tilespmem:s21+$0xE000];
	v1 =	vadd.f32 v1, v37;
	_ =	sdelay $0x1  }
0x59a: {  	[tilespmem:s9+$0x4000] =	vst v1;
	v1 =	vadd.f32 v38, v3  }
0x59b: {  	s8 =	sor.u32 $0x1030, s22;
	v3 =	vld [tilespmem:s15+$0x4000]  }
0x59c: {  	s18 =	sor.u32 $0x1030, s23;
	[tilespmem:s21+$0x4000] =	vst v1;
	v1 =	vld [tilespmem:s8+$0xE000]  }
0x59d: {  	v2 =	vadd.f32 v39, v2;
	s21 =	sor.u32 $0x1030, s12;
	v40 =	vld [tilespmem:s18+$0xE000]  }
0x59e: {  	v41 =	vld [tilespmem:s21+$0x4000]  }
0x59f: {  	[tilespmem:s10+$0x4000] =	vst v2  }
0x5a0: {  	v2 =	vld [tilespmem:s8+$0x4000]  }
0x5a1: {  	v1 =	vadd.f32 v1, v3;
	v3 =	vld [tilespmem:s21+$0xE000];
	_ =	sdelay $0x1  }
0x5a2: {  	[tilespmem:s15+$0x4000] =	vst v1;
	v1 =	vadd.f32 v40, v41  }
0x5a3: {  	s10 =	sor.u32 $0x1040, s22;
	v42 =	vld [tilespmem:s2+$0x4000]  }
0x5a4: {  	s11 =	sor.u32 $0x1040, s23;
	[tilespmem:s21+$0x4000] =	vst v1;
	v1 =	vld [tilespmem:s10+$0xE000]  }
0x5a5: {  	s15 =	sor.u32 $0x1040, s12;
	v43 =	vld [tilespmem:s11+$0xE000];
	v2 =	vadd.f32 v3, v2  }
0x5a6: {  	v3 =	vld [tilespmem:s15+$0x4000]  }
0x5a7: {  	[tilespmem:s8+$0x4000] =	vst v2  }
0x5a8: {  	v2 =	vld [tilespmem:s10+$0x4000]  }
0x5a9: {  	v44 =	vld [tilespmem:s15+$0xE000];
	v1 =	vadd.f32 v1, v42;
	_ =	sdelay $0x1  }
0x5aa: {  	[tilespmem:s2+$0x4000] =	vst v1;
	v1 =	vadd.f32 v43, v3  }
0x5ab: {  	s18 =	sor.u32 $0x1050, s22;
	v3 =	vld [tilespmem:s25+$0x4000]  }
0x5ac: {  	s21 =	sor.u32 $0x1050, s23;
	[tilespmem:s15+$0x4000] =	vst v1;
	v1 =	vld [tilespmem:s18+$0xE000]  }
0x5ad: {  	s9 =	sor.u32 $0x1050, s12;
	v2 =	vadd.f32 v44, v2;
	v45 =	vld [tilespmem:s21+$0xE000]  }
0x5ae: {  	v46 =	vld [tilespmem:s9+$0x4000]  }
0x5af: {  	[tilespmem:s10+$0x4000] =	vst v2  }
0x5b0: {  	v2 =	vld [tilespmem:s18+$0x4000]  }
0x5b1: {  	v1 =	vadd.f32 v1, v3;
	v3 =	vld [tilespmem:s9+$0xE000];
	_ =	sdelay $0x1  }
0x5b2: {  	[tilespmem:s25+$0x4000] =	vst v1;
	v1 =	vadd.f32 v45, v46  }
0x5b3: {  	s10 =	sor.u32 $0x1060, s22;
	v47 =	vld [tilespmem:s4+$0x4000]  }
0x5b4: {  	s11 =	sor.u32 $0x1060, s23;
	[tilespmem:s9+$0x4000] =	vst v1;
	v1 =	vld [tilespmem:s10+$0xE000]  }
0x5b5: {  	s15 =	sor.u32 $0x1060, s12;
	v48 =	vld [tilespmem:s11+$0xE000];
	v2 =	vadd.f32 v3, v2  }
0x5b6: {  	v3 =	vld [tilespmem:s15+$0x4000]  }
0x5b7: {  	[tilespmem:s18+$0x4000] =	vst v2  }
0x5b8: {  	v2 =	vld [tilespmem:s10+$0x4000]  }
0x5b9: {  	v49 =	vld [tilespmem:s15+$0xE000];
	v1 =	vadd.f32 v1, v47;
	_ =	sdelay $0x1  }
0x5ba: {  	[tilespmem:s4+$0x4000] =	vst v1;
	v1 =	vadd.f32 v48, v3  }
0x5bb: {  	s18 =	sor.u32 $0x1070, s22;
	v3 =	vld [tilespmem:s0+$0x4000]  }
0x5bc: {  	s21 =	sor.u32 $0x1070, s23;
	[tilespmem:s15+$0x4000] =	vst v1;
	v1 =	vld [tilespmem:s18+$0xE000]  }
0x5bd: {  	s25 =	sor.u32 $0x1070, s12;
	v2 =	vadd.f32 v49, v2;
	v50 =	vld [tilespmem:s21+$0xE000]  }
0x5be: {  	v51 =	vld [tilespmem:s25+$0x4000]  }
0x5bf: {  	[tilespmem:s10+$0x4000] =	vst v2  }
0x5c0: {  	v2 =	vld [tilespmem:s18+$0x4000]  }
0x5c1: {  	v1 =	vadd.f32 v1, v3;
	v3 =	vld [tilespmem:s25+$0xE000];
	_ =	sdelay $0x1  }
0x5c2: {  	[tilespmem:s0+$0x4000] =	vst v1;
	v1 =	vadd.f32 v50, v51  }
0x5c3: {  	s8 =	sor.u32 $0x1400, s22;
	v52 =	vld [tilespmem:s31+$0x4000]  }
0x5c4: {  	s9 =	sor.u32 $0x1400, s23;
	[tilespmem:s25+$0x4000] =	vst v1;
	v1 =	vld [tilespmem:s8+$0xE000]  }
0x5c5: {  	s10 =	sor.u32 $0x1400, s12;
	v53 =	vld [tilespmem:s9+$0xE000];
	v2 =	vadd.f32 v3, v2  }
0x5c6: {  	v3 =	vld [tilespmem:s10+$0x4000]  }
0x5c7: {  	[tilespmem:s18+$0x4000] =	vst v2  }
0x5c8: {  	v2 =	vld [tilespmem:s8+$0x4000]  }
0x5c9: {  	v54 =	vld [tilespmem:s10+$0xE000];
	v1 =	vadd.f32 v1, v52;
	_ =	sdelay $0x1  }
0x5ca: {  	[tilespmem:s31+$0x4000] =	vst v1;
	v1 =	vadd.f32 v53, v3  }
0x5cb: {  	s11 =	sor.u32 $0x1410, s22;
	v3 =	vld [tilespmem:s28+$0x4000]  }
0x5cc: {  	s15 =	sor.u32 $0x1410, s23;
	[tilespmem:s10+$0x4000] =	vst v1;
	v1 =	vld [tilespmem:s11+$0xE000]  }
0x5cd: {  	s18 =	sor.u32 $0x1410, s12;
	v2 =	vadd.f32 v54, v2;
	v55 =	vld [tilespmem:s15+$0xE000]  }
0x5ce: {  	v56 =	vld [tilespmem:s18+$0x4000]  }
0x5cf: {  	[tilespmem:s8+$0x4000] =	vst v2  }
0x5d0: {  	v2 =	vld [tilespmem:s11+$0x4000]  }
0x5d1: {  	v1 =	vadd.f32 v1, v3;
	v3 =	vld [tilespmem:s18+$0xE000];
	_ =	sdelay $0x1  }
0x5d2: {  	[tilespmem:s28+$0x4000] =	vst v1;
	v1 =	vadd.f32 v55, v56  }
0x5d3: {  	s21 =	sor.u32 $0x1420, s22;
	v57 =	vld [tilespmem:s30+$0x4000]  }
0x5d4: {  	s25 =	sor.u32 $0x1420, s23;
	[tilespmem:s18+$0x4000] =	vst v1;
	v1 =	vld [tilespmem:s21+$0xE000]  }
0x5d5: {  	s28 =	sor.u32 $0x1420, s12;
	v58 =	vld [tilespmem:s25+$0xE000];
	v2 =	vadd.f32 v3, v2  }
0x5d6: {  	v3 =	vld [tilespmem:s28+$0x4000]  }
0x5d7: {  	[tilespmem:s11+$0x4000] =	vst v2  }
0x5d8: {  	v2 =	vld [tilespmem:s21+$0x4000]  }
0x5d9: {  	v59 =	vld [tilespmem:s28+$0xE000];
	v1 =	vadd.f32 v1, v57;
	_ =	sdelay $0x1  }
0x5da: {  	[tilespmem:s30+$0x4000] =	vst v1;
	v1 =	vadd.f32 v58, v3  }
0x5db: {  	s30 =	sor.u32 $0x1430, s22;
	v3 =	vld [tilespmem:s24+$0x4000]  }
0x5dc: {  	s31 =	sor.u32 $0x1430, s23;
	[tilespmem:s28+$0x4000] =	vst v1;
	v1 =	vld [tilespmem:s30+$0xE000]  }
0x5dd: {  	s8 =	sor.u32 $0x1430, s12;
	v2 =	vadd.f32 v59, v2;
	v60 =	vld [tilespmem:s31+$0xE000]  }
0x5de: {  	v61 =	vld [tilespmem:s8+$0x4000]  }
0x5df: {  	[tilespmem:s21+$0x4000] =	vst v2  }
0x5e0: {  	v2 =	vld [tilespmem:s30+$0x4000]  }
0x5e1: {  	v1 =	vadd.f32 v1, v3;
	v3 =	vld [tilespmem:s8+$0xE000];
	_ =	sdelay $0x1  }
0x5e2: {  	[tilespmem:s24+$0x4000] =	vst v1;
	v1 =	vadd.f32 v60, v61;
	_ =	sdelay $0x1  }
0x5e3: {  	s10 =	sor.u32 $0x1440, s23;
	[tilespmem:s8+$0x4000] =	vst v1  }
0x5e4: {  	s11 =	sor.u32 $0x1440, s12;
	v1 =	vadd.f32 v3, v2;
	v2 =	vld [tilespmem:s10+$0xE000]  }
0x5e5: {  	v3 =	vld [tilespmem:s11+$0x4000]  }
0x5e6: {  	s9 =	sor.u32 $0x1440, s22;
	v62 =	vld [tilespmem:s26+$0x4000]  }
0x5e7: {  	v63 =	vld [tilespmem:s9+$0xE000];
	[tilespmem:s30+$0x4000] =	vst v1  }
0x5e8: {  	v1 =	vld [tilespmem:s9+$0x4000]  }
0x5e9: {  	v8 =	vld [tilespmem:s11+$0xE000]  }
0x5ea: {  	v2 =	vadd.f32 v2, v3;
	_ =	sdelay $0x1  }
0x5eb: {  	s18 =	sor.u32 $0x1450, s23;
	v4 =	vadd.f32 v63, v62;
	[tilespmem:s11+$0x4000] =	vst v2  }
0x5ec: {  	s21 =	sor.u32 $0x1450, s12;
	v2 =	vld [tilespmem:s18+$0xE000]  }
0x5ed: {  	[tilespmem:s26+$0x4000] =	vst v4;
	v1 =	vadd.f32 v8, v1;
	v9 =	vld [tilespmem:s21+$0x4000]  }
0x5ee: {  	s15 =	sor.u32 $0x1450, s22;
	v3 =	vld [tilespmem:s29+$0x4000]  }
0x5ef: {  	v4 =	vld [tilespmem:s15+$0xE000];
	[tilespmem:s9+$0x4000] =	vst v1  }
0x5f0: {  	v1 =	vld [tilespmem:s15+$0x4000]  }
0x5f1: {  	v10 =	vld [tilespmem:s21+$0xE000]  }
0x5f2: {  	v2 =	vadd.f32 v2, v9;
	_ =	sdelay $0x1  }
0x5f3: {  	s25 =	sor.u32 $0x1460, s23;
	v3 =	vadd.f32 v4, v3;
	[tilespmem:s21+$0x4000] =	vst v2  }
0x5f4: {  	s26 =	sor.u32 $0x1460, s12;
	v2 =	vld [tilespmem:s25+$0xE000]  }
0x5f5: {  	[tilespmem:s29+$0x4000] =	vst v3;
	v1 =	vadd.f32 v10, v1;
	v12 =	vld [tilespmem:s26+$0x4000]  }
0x5f6: {  	s24 =	sor.u32 $0x1460, s22;
	v3 =	vld [tilespmem:s7+$0x4000]  }
0x5f7: {  	v11 =	vld [tilespmem:s24+$0xE000];
	[tilespmem:s15+$0x4000] =	vst v1  }
0x5f8: {  	v1 =	vld [tilespmem:s24+$0x4000]  }
0x5f9: {  	v13 =	vld [tilespmem:s26+$0xE000]  }
0x5fa: {  	v2 =	vadd.f32 v2, v12;
	_ =	sdelay $0x1  }
0x5fb: {  	s29 =	sor.u32 $0x1470, s23;
	v3 =	vadd.f32 v11, v3;
	[tilespmem:s26+$0x4000] =	vst v2  }
0x5fc: {  	s30 =	sor.u32 $0x1470, s12;
	v2 =	vld [tilespmem:s29+$0xE000]  }
0x5fd: {  	[tilespmem:s7+$0x4000] =	vst v3;
	v1 =	vadd.f32 v13, v1;
	v15 =	vld [tilespmem:s30+$0x4000]  }
0x5fe: {  	s28 =	sor.u32 $0x1470, s22;
	v3 =	vld [tilespmem:s16+$0x4000]  }
0x5ff: {  	v14 =	vld [tilespmem:s28+$0xE000];
	[tilespmem:s24+$0x4000] =	vst v1  }
0x600: {  	v1 =	vld [tilespmem:s28+$0x4000]  }
0x601: {  	v16 =	vld [tilespmem:s30+$0xE000]  }
0x602: {  	v2 =	vadd.f32 v2, v15;
	_ =	sdelay $0x1  }
0x603: {  	s7 =	sor.u32 $0x1800, s23;
	v3 =	vadd.f32 v14, v3;
	[tilespmem:s30+$0x4000] =	vst v2  }
0x604: {  	s8 =	sor.u32 $0x1800, s12;
	v2 =	vld [tilespmem:s7+$0xE000]  }
0x605: {  	[tilespmem:s16+$0x4000] =	vst v3;
	v1 =	vadd.f32 v16, v1;
	v18 =	vld [tilespmem:s8+$0x4000]  }
0x606: {  	s31 =	sor.u32 $0x1800, s22;
	v3 =	vld [tilespmem:s6+$0x4000]  }
0x607: {  	v17 =	vld [tilespmem:s31+$0xE000];
	[tilespmem:s28+$0x4000] =	vst v1  }
0x608: {  	v1 =	vld [tilespmem:s31+$0x4000]  }
0x609: {  	v19 =	vld [tilespmem:s8+$0xE000]  }
0x60a: {  	v2 =	vadd.f32 v2, v18;
	_ =	sdelay $0x1  }
0x60b: {  	s10 =	sor.u32 $0x1810, s23;
	v3 =	vadd.f32 v17, v3;
	[tilespmem:s8+$0x4000] =	vst v2  }
0x60c: {  	s11 =	sor.u32 $0x1810, s12;
	v2 =	vld [tilespmem:s10+$0xE000]  }
0x60d: {  	[tilespmem:s6+$0x4000] =	vst v3;
	v1 =	vadd.f32 v19, v1;
	v21 =	vld [tilespmem:s11+$0x4000]  }
0x60e: {  	s9 =	sor.u32 $0x1810, s22;
	v3 =	vld [tilespmem:s20+$0x4000]  }
0x60f: {  	v20 =	vld [tilespmem:s9+$0xE000];
	[tilespmem:s31+$0x4000] =	vst v1  }
0x610: {  	v1 =	vld [tilespmem:s9+$0x4000]  }
0x611: {  	v22 =	vld [tilespmem:s11+$0xE000]  }
0x612: {  	v2 =	vadd.f32 v2, v21;
	_ =	sdelay $0x1  }
0x613: {  	s16 =	sor.u32 $0x1820, s23;
	v3 =	vadd.f32 v20, v3;
	[tilespmem:s11+$0x4000] =	vst v2  }
0x614: {  	s18 =	sor.u32 $0x1820, s12;
	v2 =	vld [tilespmem:s16+$0xE000]  }
0x615: {  	[tilespmem:s20+$0x4000] =	vst v3;
	v1 =	vadd.f32 v22, v1;
	v24 =	vld [tilespmem:s18+$0x4000]  }
0x616: {  	s15 =	sor.u32 $0x1820, s22;
	v3 =	vld [tilespmem:s19+$0x4000]  }
0x617: {  	v23 =	vld [tilespmem:s15+$0xE000];
	[tilespmem:s9+$0x4000] =	vst v1  }
0x618: {  	v1 =	vld [tilespmem:s15+$0x4000]  }
0x619: {  	v25 =	vld [tilespmem:s18+$0xE000]  }
0x61a: {  	v2 =	vadd.f32 v2, v24;
	_ =	sdelay $0x1  }
0x61b: {  	s21 =	sor.u32 $0x1830, s23;
	v3 =	vadd.f32 v23, v3;
	[tilespmem:s18+$0x4000] =	vst v2  }
0x61c: {  	s24 =	sor.u32 $0x1830, s12;
	v2 =	vld [tilespmem:s21+$0xE000]  }
0x61d: {  	[tilespmem:s19+$0x4000] =	vst v3;
	v1 =	vadd.f32 v25, v1;
	v27 =	vld [tilespmem:s24+$0x4000]  }
0x61e: {  	s19 =	sor.u32 $0x1830, s22;
	v3 =	vld [tilespmem:s17+$0x4000]  }
0x61f: {  	v26 =	vld [tilespmem:s19+$0xE000];
	[tilespmem:s15+$0x4000] =	vst v1  }
0x620: {  	v1 =	vld [tilespmem:s19+$0x4000]  }
0x621: {  	v28 =	vld [tilespmem:s24+$0xE000]  }
0x622: {  	v2 =	vadd.f32 v2, v27;
	_ =	sdelay $0x1  }
0x623: {  	s26 =	sor.u32 $0x1840, s23;
	v3 =	vadd.f32 v26, v3;
	[tilespmem:s24+$0x4000] =	vst v2  }
0x624: {  	s28 =	sor.u32 $0x1840, s12;
	v2 =	vld [tilespmem:s26+$0xE000]  }
0x625: {  	[tilespmem:s17+$0x4000] =	vst v3;
	v1 =	vadd.f32 v28, v1;
	v30 =	vld [tilespmem:s28+$0x4000]  }
0x626: {  	s25 =	sor.u32 $0x1840, s22;
	v3 =	vld [tilespmem:s3+$0x4000]  }
0x627: {  	v29 =	vld [tilespmem:s25+$0xE000];
	[tilespmem:s19+$0x4000] =	vst v1  }
0x628: {  	v1 =	vld [tilespmem:s25+$0x4000]  }
0x629: {  	v31 =	vld [tilespmem:s28+$0xE000]  }
0x62a: {  	v2 =	vadd.f32 v2, v30;
	_ =	sdelay $0x1  }
0x62b: {  	s29 =	sld [smem:$0x7F2];
	s31 =	sor.u32 $0x1850, s23;
	v3 =	vadd.f32 v29, v3;
	[tilespmem:s28+$0x4000] =	vst v2  }
0x62c: {  	s4 =	sor.u32 $0x1850, s12;
	v2 =	vld [tilespmem:s31+$0xE000]  }
0x62d: {  	[tilespmem:s3+$0x4000] =	vst v3;
	v1 =	vadd.f32 v31, v1;
	v33 =	vld [tilespmem:s4+$0x4000]  }
0x62e: {  	s30 =	sor.u32 $0x1850, s22;
	v3 =	vld [tilespmem:s29+$0x4000]  }
0x62f: {  	v32 =	vld [tilespmem:s30+$0xE000];
	[tilespmem:s25+$0x4000] =	vst v1  }
0x630: {  	v1 =	vld [tilespmem:s30+$0x4000]  }
0x631: {  	v34 =	vld [tilespmem:s4+$0xE000]  }
0x632: {  	v2 =	vadd.f32 v2, v33;
	_ =	sdelay $0x1  }
0x633: {  	s7 =	sor.u32 $0x1860, s23;
	v3 =	vadd.f32 v32, v3;
	[tilespmem:s4+$0x4000] =	vst v2  }
0x634: {  	s8 =	sor.u32 $0x1860, s12;
	v2 =	vld [tilespmem:s7+$0xE000]  }
0x635: {  	[tilespmem:s29+$0x4000] =	vst v3;
	v1 =	vadd.f32 v34, v1;
	v36 =	vld [tilespmem:s8+$0x4000]  }
0x636: {  	s6 =	sor.u32 $0x1860, s22;
	v3 =	vld [tilespmem:s1+$0x4000]  }
0x637: {  	v35 =	vld [tilespmem:s6+$0xE000];
	[tilespmem:s30+$0x4000] =	vst v1  }
0x638: {  	v1 =	vld [tilespmem:s6+$0x4000]  }
0x639: {  	v37 =	vld [tilespmem:s8+$0xE000]  }
0x63a: {  	v2 =	vadd.f32 v2, v36;
	_ =	sdelay $0x1  }
0x63b: {  	s11 =	sor.u32 $0x1870, s23;
	s9 =	sld [smem:$0x7F3];
	v3 =	vadd.f32 v35, v3;
	[tilespmem:s8+$0x4000] =	vst v2  }
0x63c: {  	s15 =	sor.u32 $0x1870, s12;
	v2 =	vld [tilespmem:s11+$0xE000]  }
0x63d: {  	[tilespmem:s1+$0x4000] =	vst v3;
	v1 =	vadd.f32 v37, v1;
	v39 =	vld [tilespmem:s15+$0x4000]  }
0x63e: {  	s10 =	sor.u32 $0x1870, s22;
	v3 =	vld [tilespmem:s9+$0x4000]  }
0x63f: {  	v38 =	vld [tilespmem:s10+$0xE000];
	[tilespmem:s6+$0x4000] =	vst v1  }
0x640: {  	v1 =	vld [tilespmem:s10+$0x4000]  }
0x641: {  	v40 =	vld [tilespmem:s15+$0xE000]  }
0x642: {  	v2 =	vadd.f32 v2, v39;
	_ =	sdelay $0x1  }
0x643: {  	s16 =	sld [smem:$0x7F4];
	s18 =	sor.u32 $0x1C00, s23;
	v3 =	vadd.f32 v38, v3;
	[tilespmem:s15+$0x4000] =	vst v2  }
0x644: {  	s19 =	sor.u32 $0x1C00, s12;
	v2 =	vld [tilespmem:s18+$0xE000]  }
0x645: {  	[tilespmem:s9+$0x4000] =	vst v3;
	v1 =	vadd.f32 v40, v1;
	v42 =	vld [tilespmem:s19+$0x4000]  }
0x646: {  	s17 =	sor.u32 $0x1C00, s22;
	v3 =	vld [tilespmem:s16+$0x4000]  }
0x647: {  	v41 =	vld [tilespmem:s17+$0xE000];
	[tilespmem:s10+$0x4000] =	vst v1  }
0x648: {  	v1 =	vld [tilespmem:s17+$0x4000]  }
0x649: {  	v43 =	vld [tilespmem:s19+$0xE000]  }
0x64a: {  	v2 =	vadd.f32 v2, v42;
	_ =	sdelay $0x1  }
0x64b: {  	s21 =	sld [smem:$0x7F5];
	s25 =	sor.u32 $0x1C10, s23;
	v3 =	vadd.f32 v41, v3;
	[tilespmem:s19+$0x4000] =	vst v2  }
0x64c: {  	s26 =	sor.u32 $0x1C10, s12;
	v2 =	vld [tilespmem:s25+$0xE000]  }
0x64d: {  	[tilespmem:s16+$0x4000] =	vst v3;
	v1 =	vadd.f32 v43, v1;
	v45 =	vld [tilespmem:s26+$0x4000]  }
0x64e: {  	s24 =	sor.u32 $0x1C10, s22;
	v3 =	vld [tilespmem:s21+$0x4000]  }
0x64f: {  	v44 =	vld [tilespmem:s24+$0xE000];
	[tilespmem:s17+$0x4000] =	vst v1  }
0x650: {  	v1 =	vld [tilespmem:s24+$0x4000]  }
0x651: {  	v46 =	vld [tilespmem:s26+$0xE000]  }
0x652: {  	v2 =	vadd.f32 v2, v45;
	_ =	sdelay $0x1  }
0x653: {  	s28 =	sld [smem:$0x7F6];
	s30 =	sor.u32 $0x1C20, s23;
	v3 =	vadd.f32 v44, v3;
	[tilespmem:s26+$0x4000] =	vst v2  }
0x654: {  	s31 =	sor.u32 $0x1C20, s12;
	v2 =	vld [tilespmem:s30+$0xE000]  }
0x655: {  	[tilespmem:s21+$0x4000] =	vst v3;
	v1 =	vadd.f32 v46, v1;
	v48 =	vld [tilespmem:s31+$0x4000]  }
0x656: {  	s29 =	sor.u32 $0x1C20, s22;
	v3 =	vld [tilespmem:s28+$0x4000]  }
0x657: {  	v47 =	vld [tilespmem:s29+$0xE000];
	[tilespmem:s24+$0x4000] =	vst v1  }
0x658: {  	v1 =	vld [tilespmem:s29+$0x4000]  }
0x659: {  	v49 =	vld [tilespmem:s31+$0xE000]  }
0x65a: {  	v2 =	vadd.f32 v2, v48;
	_ =	sdelay $0x1  }
0x65b: {  	s4 =	sld [smem:$0x7F7];
	s7 =	sor.u32 $0x1C30, s23;
	v3 =	vadd.f32 v47, v3;
	[tilespmem:s31+$0x4000] =	vst v2  }
0x65c: {  	s8 =	sor.u32 $0x1C30, s12;
	v2 =	vld [tilespmem:s7+$0xE000]  }
0x65d: {  	[tilespmem:s28+$0x4000] =	vst v3;
	v1 =	vadd.f32 v49, v1;
	v51 =	vld [tilespmem:s8+$0x4000]  }
0x65e: {  	s6 =	sor.u32 $0x1C30, s22;
	v3 =	vld [tilespmem:s4+$0x4000]  }
0x65f: {  	v50 =	vld [tilespmem:s6+$0xE000];
	[tilespmem:s29+$0x4000] =	vst v1  }
0x660: {  	v1 =	vld [tilespmem:s6+$0x4000]  }
0x661: {  	v52 =	vld [tilespmem:s8+$0xE000]  }
0x662: {  	v2 =	vadd.f32 v2, v51;
	_ =	sdelay $0x1  }
0x663: {  	s11 =	sor.u32 $0x1C40, s23;
	v3 =	vadd.f32 v50, v3;
	[tilespmem:s8+$0x4000] =	vst v2  }
0x664: {  	s15 =	sor.u32 $0x1C40, s12;
	v2 =	vld [tilespmem:s11+$0xE000]  }
0x665: {  	s9 =	rddreg [dreg:$0x1e];
	[tilespmem:s4+$0x4000] =	vst v3;
	v1 =	vadd.f32 v52, v1;
	v54 =	vld [tilespmem:s15+$0x4000]  }
0x666: {  	s10 =	sor.u32 $0x1C40, s22;
	v3 =	vld [tilespmem:s9+$0x4000]  }
0x667: {  	v53 =	vld [tilespmem:s10+$0xE000];
	[tilespmem:s6+$0x4000] =	vst v1  }
0x668: {  	v1 =	vld [tilespmem:s10+$0x4000]  }
0x669: {  	v55 =	vld [tilespmem:s15+$0xE000]  }
0x66a: {  	v2 =	vadd.f32 v2, v54;
	_ =	sdelay $0x1  }
0x66b: {  	s18 =	sor.u32 $0x1C50, s23;
	v3 =	vadd.f32 v53, v3;
	[tilespmem:s15+$0x4000] =	vst v2  }
0x66c: {  	s19 =	sor.u32 $0x1C50, s12;
	v2 =	vld [tilespmem:s18+$0xE000]  }
0x66d: {  	s16 =	rddreg [dreg:$0x1c];
	[tilespmem:s9+$0x4000] =	vst v3;
	v1 =	vadd.f32 v55, v1;
	v57 =	vld [tilespmem:s19+$0x4000]  }
0x66e: {  	s17 =	sor.u32 $0x1C50, s22;
	v3 =	vld [tilespmem:s16+$0x4000]  }
0x66f: {  	v56 =	vld [tilespmem:s17+$0xE000];
	[tilespmem:s10+$0x4000] =	vst v1  }
0x670: {  	v1 =	vld [tilespmem:s17+$0x4000]  }
0x671: {  	v6 =	vld [tilespmem:s19+$0xE000]  }
0x672: {  	v2 =	vadd.f32 v2, v57;
	_ =	sdelay $0x1  }
0x673: {  	s24 =	sor.u32 $0x1C60, s23;
	v3 =	vadd.f32 v56, v3;
	[tilespmem:s19+$0x4000] =	vst v2  }
0x674: {  	s25 =	sor.u32 $0x1C60, s12;
	v2 =	vld [tilespmem:s24+$0xE000]  }
0x675: {  	s21 =	rddreg [dreg:$0x1a];
	[tilespmem:s16+$0x4000] =	vst v3;
	v1 =	vadd.f32 v6, v1;
	v58 =	vld [tilespmem:s25+$0x4000]  }
0x676: {  	s26 =	sor.u32 $0x1C60, s22;
	v3 =	vld [tilespmem:s21+$0x4000]  }
0x677: {  	[tilespmem:s17+$0x4000] =	vst v1;
	v1 =	vld [tilespmem:s26+$0xE000]  }
0x678: {  	v59 =	vld [tilespmem:s26+$0x4000]  }
0x679: {  	v60 =	vld [tilespmem:s25+$0xE000]  }
0x67a: {  	v2 =	vadd.f32 v2, v58;
	_ =	sdelay $0x1  }
0x67b: {  	s31 =	sor.u32 $0x1C70, s12;
	v1 =	vadd.f32 v1, v3;
	[tilespmem:s25+$0x4000] =	vst v2  }
0x67c: {  	s28 =	sor.u32 $0x1C70, s23;
	v63 =	vld [tilespmem:s31+$0x4000]  }
0x67d: {  	s29 =	rddreg [dreg:$0x18];
	v2 =	vadd.f32 v60, v59;
	[tilespmem:s21+$0x4000] =	vst v1;
	v1 =	vld [tilespmem:s28+$0xE000]  }
0x67e: {  	s30 =	sor.u32 $0x1C70, s22;
	v3 =	vld [tilespmem:s29+$0x4000]  }
0x67f: {  	[tilespmem:s26+$0x4000] =	vst v2;
	v2 =	vld [tilespmem:s30+$0xE000]  }
0x680: {  	v61 =	vld [tilespmem:s30+$0x4000]  }
0x681: {  	v62 =	vld [tilespmem:s31+$0xE000]  }
0x682: {  	s5 =	sadd.s32 $0x4, s5;
	s20 =	rddreg [dreg:$0x16]  }
0x683: {  	p2 =	slt.u32 s5, s20  }
.Ltmp11:
0x684: {  	v1 =	vadd.f32 v1, v63;
	(pc) =	sbr.rel @p2 .LBB2_12-.Ltmp11, $4  }
0x685: {  	v2 =	vadd.f32 v2, v3  }
0x686: {  	v3 =	vadd.f32 v62, v61;
	[tilespmem:s31+$0x4000] =	vst v1  }
0x687: {  	p1 =	por !p1, !p1;
	[tilespmem:s29+$0x4000] =	vst v2  }
0x688: {  	s13 =	sadd.s32 $0x200, s13;
	s14 =	sadd.s32 $0x1000, s14;
	p0 =	por !p0, !p0;
	[tilespmem:s30+$0x4000] =	vst v3  }
.LBB2_13:
0x689: {  	s19 =	rddreg [dreg:$0x14]  }
0x68a: {  	s9 =	rddreg [dreg:$0x0]  }
0x68b: {  	s10 =	rddreg [dreg:$0x2]  }
0x68c: {  	s11 =	rddreg [dreg:$0x3]  }
0x68d: {  	s13 =	rddreg [dreg:$0x5];
	p0 =	seq.s32 s20, s19  }
.Ltmp12:
0x68e: {  	s14 =	rddreg [dreg:$0x6];
	(pc) =	sbr.rel @p0 .LBB2_16-.Ltmp12, $4  }
0x68f: {  	s15 =	rddreg [dreg:$0xc]  }
0x690: {  	s16 =	rddreg [dreg:$0xd]  }
0x691: {  	s17 =	rddreg [dreg:$0xe]  }
0x692: {  	s12 =	simm.s32 $0x0;
	s18 =	rddreg [dreg:$0xf]  }
0x693: {  	p0 =	slt.s32 s17, $0x10;
	s0 =	smov.u32 s17  }
0x694: {  	s0 =	simm.s32 @!p0 $0x10  }
0x695: {  	s1 =	sshrl.u32 s0, $0x2  }
0x696: {  	s1 =	sand.u32 $0x7, s1  }
0x697: {  	s0 =	sand.u32 $0xFFFFFFFC, s0;
	s2 =	sshll.u32 s1, $0x9;
	s5 =	sshll.u32 s1, $0xC  }
0x698: {  	s3 =	sor.u32 $0x1, s0;
	s1 =	sor.u32 $0x80, s2;
	s2 =	sor.u32 $0x400, s5  }
.LBB2_15:
0x699: {  	s4 =	sadd.s32 $0xFFFFFF80, s1  }
0x69a: {  	s6 =	sand.u32 $0x7FFFE000, s5;
	s7 =	sand.u32 $0x380, s4;
	s4 =	sadd.s32 $0x400, s5  }
0x69b: {  	s8 =	sand.u32 $0x380, s1;
	s6 =	sor.u32 s7, s6;
	s24 =	sand.u32 $0x7FFFE000, s4  }
0x69c: {  	v1 =	vld [tilespmem:s6+$0x4000];
	s7 =	sor.u32 s8, s24  }
0x69d: {  	v2 =	vld [tilespmem:s7+$0xE000];
	_ =	sdelay $0x4  }
0x69e: {  	v1 =	vadd.f32 v2, v1;
	_ =	sdelay $0x1  }
0x69f: {  	[tilespmem:s6+$0x4000] =	vst v1;
	v1 =	vld [tilespmem:s6+$0x4010]  }
0x6a0: {  	v2 =	vld [tilespmem:s7+$0xE010];
	_ =	sdelay $0x4  }
0x6a1: {  	v1 =	vadd.f32 v2, v1;
	_ =	sdelay $0x1  }
0x6a2: {  	[tilespmem:s6+$0x4010] =	vst v1;
	v1 =	vld [tilespmem:s6+$0x4020]  }
0x6a3: {  	v2 =	vld [tilespmem:s7+$0xE020];
	_ =	sdelay $0x4  }
0x6a4: {  	v1 =	vadd.f32 v2, v1;
	_ =	sdelay $0x1  }
0x6a5: {  	[tilespmem:s6+$0x4020] =	vst v1;
	v1 =	vld [tilespmem:s6+$0x4030]  }
0x6a6: {  	v2 =	vld [tilespmem:s7+$0xE030];
	_ =	sdelay $0x4  }
0x6a7: {  	v1 =	vadd.f32 v2, v1;
	_ =	sdelay $0x1  }
0x6a8: {  	[tilespmem:s6+$0x4030] =	vst v1;
	v1 =	vld [tilespmem:s6+$0x4040]  }
0x6a9: {  	v2 =	vld [tilespmem:s7+$0xE040];
	_ =	sdelay $0x4  }
0x6aa: {  	v1 =	vadd.f32 v2, v1;
	_ =	sdelay $0x1  }
0x6ab: {  	[tilespmem:s6+$0x4040] =	vst v1;
	v1 =	vld [tilespmem:s6+$0x4050]  }
0x6ac: {  	v2 =	vld [tilespmem:s7+$0xE050];
	_ =	sdelay $0x4  }
0x6ad: {  	v1 =	vadd.f32 v2, v1;
	_ =	sdelay $0x1  }
0x6ae: {  	[tilespmem:s6+$0x4050] =	vst v1;
	v1 =	vld [tilespmem:s6+$0x4060]  }
0x6af: {  	v2 =	vld [tilespmem:s7+$0xE060];
	_ =	sdelay $0x4  }
0x6b0: {  	v1 =	vadd.f32 v2, v1;
	_ =	sdelay $0x1  }
0x6b1: {  	[tilespmem:s6+$0x4060] =	vst v1;
	v1 =	vld [tilespmem:s6+$0x4070]  }
0x6b2: {  	v2 =	vld [tilespmem:s7+$0xE070];
	_ =	sdelay $0x4  }
0x6b3: {  	v1 =	vadd.f32 v2, v1;
	_ =	sdelay $0x1  }
0x6b4: {  	[tilespmem:s6+$0x4070] =	vst v1;
	v1 =	vld [tilespmem:s6+$0x4400]  }
0x6b5: {  	v2 =	vld [tilespmem:s7+$0xE400];
	_ =	sdelay $0x4  }
0x6b6: {  	v1 =	vadd.f32 v2, v1;
	_ =	sdelay $0x1  }
0x6b7: {  	[tilespmem:s6+$0x4400] =	vst v1;
	v1 =	vld [tilespmem:s6+$0x4410]  }
0x6b8: {  	v2 =	vld [tilespmem:s7+$0xE410];
	_ =	sdelay $0x4  }
0x6b9: {  	v1 =	vadd.f32 v2, v1;
	_ =	sdelay $0x1  }
0x6ba: {  	[tilespmem:s6+$0x4410] =	vst v1;
	v1 =	vld [tilespmem:s6+$0x4420]  }
0x6bb: {  	v2 =	vld [tilespmem:s7+$0xE420];
	_ =	sdelay $0x4  }
0x6bc: {  	v1 =	vadd.f32 v2, v1;
	_ =	sdelay $0x1  }
0x6bd: {  	[tilespmem:s6+$0x4420] =	vst v1;
	v1 =	vld [tilespmem:s6+$0x4430]  }
0x6be: {  	v2 =	vld [tilespmem:s7+$0xE430];
	_ =	sdelay $0x4  }
0x6bf: {  	v1 =	vadd.f32 v2, v1;
	_ =	sdelay $0x1  }
0x6c0: {  	[tilespmem:s6+$0x4430] =	vst v1;
	v1 =	vld [tilespmem:s6+$0x4440]  }
0x6c1: {  	v2 =	vld [tilespmem:s7+$0xE440];
	_ =	sdelay $0x4  }
0x6c2: {  	v1 =	vadd.f32 v2, v1;
	_ =	sdelay $0x1  }
0x6c3: {  	[tilespmem:s6+$0x4440] =	vst v1;
	v1 =	vld [tilespmem:s6+$0x4450]  }
0x6c4: {  	v2 =	vld [tilespmem:s7+$0xE450];
	_ =	sdelay $0x4  }
0x6c5: {  	v1 =	vadd.f32 v2, v1;
	_ =	sdelay $0x1  }
0x6c6: {  	[tilespmem:s6+$0x4450] =	vst v1;
	v1 =	vld [tilespmem:s6+$0x4460]  }
0x6c7: {  	v2 =	vld [tilespmem:s7+$0xE460];
	_ =	sdelay $0x4  }
0x6c8: {  	v1 =	vadd.f32 v2, v1;
	_ =	sdelay $0x1  }
0x6c9: {  	[tilespmem:s6+$0x4460] =	vst v1;
	v1 =	vld [tilespmem:s6+$0x4470]  }
0x6ca: {  	v2 =	vld [tilespmem:s7+$0xE470];
	_ =	sdelay $0x4  }
0x6cb: {  	v1 =	vadd.f32 v2, v1;
	_ =	sdelay $0x1  }
0x6cc: {  	[tilespmem:s6+$0x4470] =	vst v1;
	v1 =	vld [tilespmem:s6+$0x4800]  }
0x6cd: {  	v2 =	vld [tilespmem:s7+$0xE800];
	_ =	sdelay $0x4  }
0x6ce: {  	v1 =	vadd.f32 v2, v1;
	_ =	sdelay $0x1  }
0x6cf: {  	[tilespmem:s6+$0x4800] =	vst v1;
	v1 =	vld [tilespmem:s6+$0x4810]  }
0x6d0: {  	v2 =	vld [tilespmem:s7+$0xE810];
	_ =	sdelay $0x4  }
0x6d1: {  	v1 =	vadd.f32 v2, v1;
	_ =	sdelay $0x1  }
0x6d2: {  	[tilespmem:s6+$0x4810] =	vst v1;
	v1 =	vld [tilespmem:s6+$0x4820]  }
0x6d3: {  	v2 =	vld [tilespmem:s7+$0xE820];
	_ =	sdelay $0x4  }
0x6d4: {  	v1 =	vadd.f32 v2, v1;
	_ =	sdelay $0x1  }
0x6d5: {  	[tilespmem:s6+$0x4820] =	vst v1;
	v1 =	vld [tilespmem:s6+$0x4830]  }
0x6d6: {  	v2 =	vld [tilespmem:s7+$0xE830];
	_ =	sdelay $0x4  }
0x6d7: {  	v1 =	vadd.f32 v2, v1;
	_ =	sdelay $0x1  }
0x6d8: {  	[tilespmem:s6+$0x4830] =	vst v1;
	v1 =	vld [tilespmem:s6+$0x4840]  }
0x6d9: {  	v2 =	vld [tilespmem:s7+$0xE840];
	_ =	sdelay $0x4  }
0x6da: {  	v1 =	vadd.f32 v2, v1;
	_ =	sdelay $0x1  }
0x6db: {  	[tilespmem:s6+$0x4840] =	vst v1;
	v1 =	vld [tilespmem:s6+$0x4850]  }
0x6dc: {  	v2 =	vld [tilespmem:s7+$0xE850];
	_ =	sdelay $0x4  }
0x6dd: {  	v1 =	vadd.f32 v2, v1;
	_ =	sdelay $0x1  }
0x6de: {  	[tilespmem:s6+$0x4850] =	vst v1;
	v1 =	vld [tilespmem:s6+$0x4860]  }
0x6df: {  	v2 =	vld [tilespmem:s7+$0xE860];
	_ =	sdelay $0x4  }
0x6e0: {  	v1 =	vadd.f32 v2, v1;
	_ =	sdelay $0x1  }
0x6e1: {  	[tilespmem:s6+$0x4860] =	vst v1;
	v1 =	vld [tilespmem:s6+$0x4870]  }
0x6e2: {  	v2 =	vld [tilespmem:s7+$0xE870];
	_ =	sdelay $0x4  }
0x6e3: {  	v1 =	vadd.f32 v2, v1;
	_ =	sdelay $0x1  }
0x6e4: {  	[tilespmem:s6+$0x4870] =	vst v1;
	v1 =	vld [tilespmem:s6+$0x4C00]  }
0x6e5: {  	v2 =	vld [tilespmem:s7+$0xEC00];
	_ =	sdelay $0x4  }
0x6e6: {  	v1 =	vadd.f32 v2, v1;
	_ =	sdelay $0x1  }
0x6e7: {  	[tilespmem:s6+$0x4C00] =	vst v1;
	v1 =	vld [tilespmem:s6+$0x4C10]  }
0x6e8: {  	v2 =	vld [tilespmem:s7+$0xEC10];
	_ =	sdelay $0x4  }
0x6e9: {  	v1 =	vadd.f32 v2, v1;
	_ =	sdelay $0x1  }
0x6ea: {  	[tilespmem:s6+$0x4C10] =	vst v1;
	v1 =	vld [tilespmem:s6+$0x4C20]  }
0x6eb: {  	v2 =	vld [tilespmem:s7+$0xEC20];
	_ =	sdelay $0x4  }
0x6ec: {  	v1 =	vadd.f32 v2, v1;
	_ =	sdelay $0x1  }
0x6ed: {  	[tilespmem:s6+$0x4C20] =	vst v1;
	v1 =	vld [tilespmem:s6+$0x4C30]  }
0x6ee: {  	v2 =	vld [tilespmem:s7+$0xEC30];
	_ =	sdelay $0x4  }
0x6ef: {  	v1 =	vadd.f32 v2, v1;
	_ =	sdelay $0x1  }
0x6f0: {  	[tilespmem:s6+$0x4C30] =	vst v1;
	v1 =	vld [tilespmem:s6+$0x4C40]  }
0x6f1: {  	v2 =	vld [tilespmem:s7+$0xEC40];
	_ =	sdelay $0x4  }
0x6f2: {  	v1 =	vadd.f32 v2, v1;
	_ =	sdelay $0x1  }
0x6f3: {  	[tilespmem:s6+$0x4C40] =	vst v1;
	v1 =	vld [tilespmem:s6+$0x4C50]  }
0x6f4: {  	v2 =	vld [tilespmem:s7+$0xEC50];
	_ =	sdelay $0x4  }
0x6f5: {  	v1 =	vadd.f32 v2, v1;
	_ =	sdelay $0x1  }
0x6f6: {  	[tilespmem:s6+$0x4C50] =	vst v1;
	v1 =	vld [tilespmem:s6+$0x4C60]  }
0x6f7: {  	v2 =	vld [tilespmem:s7+$0xEC60];
	_ =	sdelay $0x4  }
0x6f8: {  	v1 =	vadd.f32 v2, v1;
	_ =	sdelay $0x1  }
0x6f9: {  	[tilespmem:s6+$0x4C60] =	vst v1;
	v1 =	vld [tilespmem:s6+$0x4C70]  }
0x6fa: {  	v2 =	vld [tilespmem:s7+$0xEC70];
	_ =	sdelay $0x4  }
0x6fb: {  	v1 =	vadd.f32 v2, v1;
	_ =	sdelay $0x1  }
0x6fc: {  	[tilespmem:s6+$0x4C70] =	vst v1;
	v1 =	vld [tilespmem:s6+$0x5000]  }
0x6fd: {  	v2 =	vld [tilespmem:s7+$0xF000];
	_ =	sdelay $0x4  }
0x6fe: {  	v1 =	vadd.f32 v2, v1;
	_ =	sdelay $0x1  }
0x6ff: {  	[tilespmem:s6+$0x5000] =	vst v1;
	v1 =	vld [tilespmem:s6+$0x5010]  }
0x700: {  	v2 =	vld [tilespmem:s7+$0xF010];
	_ =	sdelay $0x4  }
0x701: {  	v1 =	vadd.f32 v2, v1;
	_ =	sdelay $0x1  }
0x702: {  	[tilespmem:s6+$0x5010] =	vst v1;
	v1 =	vld [tilespmem:s6+$0x5020]  }
0x703: {  	v2 =	vld [tilespmem:s7+$0xF020];
	_ =	sdelay $0x4  }
0x704: {  	v1 =	vadd.f32 v2, v1;
	_ =	sdelay $0x1  }
0x705: {  	[tilespmem:s6+$0x5020] =	vst v1;
	v1 =	vld [tilespmem:s6+$0x5030]  }
0x706: {  	v2 =	vld [tilespmem:s7+$0xF030];
	_ =	sdelay $0x4  }
0x707: {  	v1 =	vadd.f32 v2, v1;
	_ =	sdelay $0x1  }
0x708: {  	[tilespmem:s6+$0x5030] =	vst v1;
	v1 =	vld [tilespmem:s6+$0x5040]  }
0x709: {  	v2 =	vld [tilespmem:s7+$0xF040];
	_ =	sdelay $0x4  }
0x70a: {  	v1 =	vadd.f32 v2, v1;
	_ =	sdelay $0x1  }
0x70b: {  	[tilespmem:s6+$0x5040] =	vst v1;
	v1 =	vld [tilespmem:s6+$0x5050]  }
0x70c: {  	v2 =	vld [tilespmem:s7+$0xF050];
	_ =	sdelay $0x4  }
0x70d: {  	v1 =	vadd.f32 v2, v1;
	_ =	sdelay $0x1  }
0x70e: {  	[tilespmem:s6+$0x5050] =	vst v1;
	v1 =	vld [tilespmem:s6+$0x5060]  }
0x70f: {  	v2 =	vld [tilespmem:s7+$0xF060];
	_ =	sdelay $0x4  }
0x710: {  	v1 =	vadd.f32 v2, v1;
	_ =	sdelay $0x1  }
0x711: {  	[tilespmem:s6+$0x5060] =	vst v1;
	v1 =	vld [tilespmem:s6+$0x5070]  }
0x712: {  	v2 =	vld [tilespmem:s7+$0xF070];
	_ =	sdelay $0x4  }
0x713: {  	v1 =	vadd.f32 v2, v1;
	_ =	sdelay $0x1  }
0x714: {  	[tilespmem:s6+$0x5070] =	vst v1;
	v1 =	vld [tilespmem:s6+$0x5400]  }
0x715: {  	v2 =	vld [tilespmem:s7+$0xF400];
	_ =	sdelay $0x4  }
0x716: {  	v1 =	vadd.f32 v2, v1;
	_ =	sdelay $0x1  }
0x717: {  	[tilespmem:s6+$0x5400] =	vst v1;
	v1 =	vld [tilespmem:s6+$0x5410]  }
0x718: {  	v2 =	vld [tilespmem:s7+$0xF410];
	_ =	sdelay $0x4  }
0x719: {  	v1 =	vadd.f32 v2, v1;
	_ =	sdelay $0x1  }
0x71a: {  	[tilespmem:s6+$0x5410] =	vst v1;
	v1 =	vld [tilespmem:s6+$0x5420]  }
0x71b: {  	v2 =	vld [tilespmem:s7+$0xF420];
	_ =	sdelay $0x4  }
0x71c: {  	v1 =	vadd.f32 v2, v1;
	_ =	sdelay $0x1  }
0x71d: {  	[tilespmem:s6+$0x5420] =	vst v1;
	v1 =	vld [tilespmem:s6+$0x5430]  }
0x71e: {  	v2 =	vld [tilespmem:s7+$0xF430];
	_ =	sdelay $0x4  }
0x71f: {  	v1 =	vadd.f32 v2, v1;
	_ =	sdelay $0x1  }
0x720: {  	[tilespmem:s6+$0x5430] =	vst v1;
	v1 =	vld [tilespmem:s6+$0x5440]  }
0x721: {  	v2 =	vld [tilespmem:s7+$0xF440];
	_ =	sdelay $0x4  }
0x722: {  	v1 =	vadd.f32 v2, v1;
	_ =	sdelay $0x1  }
0x723: {  	[tilespmem:s6+$0x5440] =	vst v1;
	v1 =	vld [tilespmem:s6+$0x5450]  }
0x724: {  	v2 =	vld [tilespmem:s7+$0xF450];
	_ =	sdelay $0x4  }
0x725: {  	v1 =	vadd.f32 v2, v1;
	_ =	sdelay $0x1  }
0x726: {  	[tilespmem:s6+$0x5450] =	vst v1;
	v1 =	vld [tilespmem:s6+$0x5460]  }
0x727: {  	v2 =	vld [tilespmem:s7+$0xF460];
	_ =	sdelay $0x4  }
0x728: {  	v1 =	vadd.f32 v2, v1;
	_ =	sdelay $0x1  }
0x729: {  	[tilespmem:s6+$0x5460] =	vst v1;
	v1 =	vld [tilespmem:s6+$0x5470]  }
0x72a: {  	v2 =	vld [tilespmem:s7+$0xF470];
	_ =	sdelay $0x4  }
0x72b: {  	v1 =	vadd.f32 v2, v1;
	_ =	sdelay $0x1  }
0x72c: {  	[tilespmem:s6+$0x5470] =	vst v1;
	v1 =	vld [tilespmem:s6+$0x5800]  }
0x72d: {  	v2 =	vld [tilespmem:s7+$0xF800];
	_ =	sdelay $0x4  }
0x72e: {  	v1 =	vadd.f32 v2, v1;
	_ =	sdelay $0x1  }
0x72f: {  	[tilespmem:s6+$0x5800] =	vst v1;
	v1 =	vld [tilespmem:s6+$0x5810]  }
0x730: {  	v2 =	vld [tilespmem:s7+$0xF810];
	_ =	sdelay $0x4  }
0x731: {  	v1 =	vadd.f32 v2, v1;
	_ =	sdelay $0x1  }
0x732: {  	[tilespmem:s6+$0x5810] =	vst v1;
	v1 =	vld [tilespmem:s6+$0x5820]  }
0x733: {  	v2 =	vld [tilespmem:s7+$0xF820];
	_ =	sdelay $0x4  }
0x734: {  	v1 =	vadd.f32 v2, v1;
	_ =	sdelay $0x1  }
0x735: {  	[tilespmem:s6+$0x5820] =	vst v1;
	v1 =	vld [tilespmem:s6+$0x5830]  }
0x736: {  	v2 =	vld [tilespmem:s7+$0xF830];
	_ =	sdelay $0x4  }
0x737: {  	v1 =	vadd.f32 v2, v1;
	_ =	sdelay $0x1  }
0x738: {  	[tilespmem:s6+$0x5830] =	vst v1;
	v1 =	vld [tilespmem:s6+$0x5840]  }
0x739: {  	v2 =	vld [tilespmem:s7+$0xF840];
	_ =	sdelay $0x4  }
0x73a: {  	v1 =	vadd.f32 v2, v1;
	_ =	sdelay $0x1  }
0x73b: {  	[tilespmem:s6+$0x5840] =	vst v1;
	v1 =	vld [tilespmem:s6+$0x5850]  }
0x73c: {  	v2 =	vld [tilespmem:s7+$0xF850];
	_ =	sdelay $0x4  }
0x73d: {  	v1 =	vadd.f32 v2, v1;
	_ =	sdelay $0x1  }
0x73e: {  	[tilespmem:s6+$0x5850] =	vst v1;
	v1 =	vld [tilespmem:s6+$0x5860]  }
0x73f: {  	v2 =	vld [tilespmem:s7+$0xF860];
	_ =	sdelay $0x4  }
0x740: {  	v1 =	vadd.f32 v2, v1;
	_ =	sdelay $0x1  }
0x741: {  	[tilespmem:s6+$0x5860] =	vst v1;
	v1 =	vld [tilespmem:s6+$0x5870]  }
0x742: {  	v2 =	vld [tilespmem:s7+$0xF870];
	_ =	sdelay $0x3  }
0x743: {  	s25 =	sand.u32 $0x7, s0  }
0x744: {  	s26 =	sand.u32 $0x7, s3;
	s7 =	sshll.u32 s25, $0x7;
	v1 =	vadd.f32 v2, v1  }
0x745: {  	s8 =	sshll.u32 s26, $0x7;
	s5 =	sadd.s32 s7, s5  }
0x746: {  	s7 =	sadd.s32 s8, s2;
	s28 =	sor.u32 $0x1C00, s5;
	[tilespmem:s6+$0x5870] =	vst v1  }
0x747: {  	s8 =	sor.u32 $0x1C00, s7;
	v1 =	vld [tilespmem:s28+$0x4000]  }
0x748: {  	v2 =	vld [tilespmem:s8+$0xE000];
	_ =	sdelay $0x4  }
0x749: {  	v1 =	vadd.f32 v2, v1;
	_ =	sdelay $0x1  }
0x74a: {  	s29 =	sor.u32 $0x1C10, s5;
	[tilespmem:s28+$0x4000] =	vst v1  }
0x74b: {  	s30 =	sor.u32 $0x1C10, s7;
	v1 =	vld [tilespmem:s29+$0x4000]  }
0x74c: {  	v2 =	vld [tilespmem:s30+$0xE000];
	_ =	sdelay $0x4  }
0x74d: {  	v1 =	vadd.f32 v2, v1;
	_ =	sdelay $0x1  }
0x74e: {  	s31 =	sor.u32 $0x1C20, s5;
	[tilespmem:s29+$0x4000] =	vst v1  }
0x74f: {  	s21 =	sor.u32 $0x1C20, s7;
	v1 =	vld [tilespmem:s31+$0x4000]  }
0x750: {  	v2 =	vld [tilespmem:s21+$0xE000];
	_ =	sdelay $0x4  }
0x751: {  	v1 =	vadd.f32 v2, v1;
	_ =	sdelay $0x1  }
0x752: {  	s22 =	sor.u32 $0x1C30, s5;
	[tilespmem:s31+$0x4000] =	vst v1  }
0x753: {  	s23 =	sor.u32 $0x1C30, s7;
	v1 =	vld [tilespmem:s22+$0x4000]  }
0x754: {  	v2 =	vld [tilespmem:s23+$0xE000];
	_ =	sdelay $0x4  }
0x755: {  	v1 =	vadd.f32 v2, v1;
	_ =	sdelay $0x1  }
0x756: {  	s24 =	sor.u32 $0x1C40, s5;
	[tilespmem:s22+$0x4000] =	vst v1  }
0x757: {  	s25 =	sor.u32 $0x1C40, s7;
	v1 =	vld [tilespmem:s24+$0x4000]  }
0x758: {  	v2 =	vld [tilespmem:s25+$0xE000];
	_ =	sdelay $0x4  }
0x759: {  	v1 =	vadd.f32 v2, v1;
	_ =	sdelay $0x1  }
0x75a: {  	s26 =	sor.u32 $0x1C50, s5;
	[tilespmem:s24+$0x4000] =	vst v1  }
0x75b: {  	s28 =	sor.u32 $0x1C50, s7;
	v1 =	vld [tilespmem:s26+$0x4000]  }
0x75c: {  	v2 =	vld [tilespmem:s28+$0xE000];
	_ =	sdelay $0x4  }
0x75d: {  	v1 =	vadd.f32 v2, v1;
	_ =	sdelay $0x1  }
0x75e: {  	s29 =	sor.u32 $0x1C60, s5;
	[tilespmem:s26+$0x4000] =	vst v1  }
0x75f: {  	s30 =	sor.u32 $0x1C60, s7;
	v1 =	vld [tilespmem:s29+$0x4000]  }
0x760: {  	v2 =	vld [tilespmem:s30+$0xE000];
	_ =	sdelay $0x4  }
0x761: {  	v1 =	vadd.f32 v2, v1;
	_ =	sdelay $0x1  }
0x762: {  	s5 =	sor.u32 $0x1C70, s5;
	[tilespmem:s29+$0x4000] =	vst v1  }
0x763: {  	s31 =	sor.u32 $0x1C70, s7;
	v1 =	vld [tilespmem:s5+$0x4000]  }
0x764: {  	v2 =	vld [tilespmem:s31+$0xE000]  }
0x765: {  	s20 =	sadd.s32 $0x1, s20  }
0x766: {  	p0 =	slt.u32 s20, s19  }
.Ltmp13:
0x767: {  	_ = 	snop;
	(pc) =	sbr.rel @p0 .LBB2_15-.Ltmp13, $4  }
0x768: {  	_ = 	snop  }
0x769: {  	v1 =	vadd.f32 v2, v1  }
0x76a: {  	s1 =	sadd.s32 $0x80, s1;
	s3 =	sadd.s32 $0x1, s3  }
0x76b: {  	s0 =	sadd.s32 $0x1, s0;
	s2 =	sadd.s32 $0x400, s2;
	[tilespmem:s5+$0x4000] =	vst v1;
	s5 =	smov.u32 s4  }
.Ltmp14:
0x76c: {  	_ = 	snop;
	(pc) =	sbr.rel .LBB2_16-.Ltmp14, $1  }
0x76d: {  	_ =	sdelay $0x3  }
.LBB2_18:
0x76e: {  	_ =	sfence.sel $0x180000  }
0x76f: {  	[bflag:$0x0] =	sbarrier.arrive $0xFFFF  }
0x770: {  	_ =	strace $0x90000047  }
0x771: {  	s0 =	stileid.u32;
	[bflag:$0x2] =	sbarrier.arrive $0xFFFF  }
0x772: {  	p0 =	sne.s32 s0, $0x0;
	s0 =	rddreg [dreg:$0x4]  }
0x773: {  	s0 =	sadd.s32 @!p0 $0x100000, s0  }
0x774: {  	[sflag:s0] =	ssyncadd.tile.s32 @!p0 $0x1;
	_ =	shalt  }
.Lfunc_end2:
_tile_overlayer_lowered:
.L_overlay_start_2:
0x775: {  	(tag) =	ssettag $0x2  }
0x776: {  	s0 =	rddreg [dreg:$0x0];
	s2 =	stileid.u32  }
0x777: {  	s1 =	rddreg [dreg:$0x1];
	p0 =	sne.s32 s2, $0x0  }
0x778: {  	s3 =	rddreg [dreg:$0x2];
	[bflag:$0x3] =	sbarrier.arrive $0xFFFF;
	s2 =	simm.s32 @!p0 $0x1C07  }
0x779: {  	[timem:s3], [sflag:s2] =	dma.local @!p0 [hbm:s0], s1  }
0x77a: {  	s0 =	simm.s32 @!p0 $0x7  }
0x77b: {  	_ =	swait.ge @!p0 [sflag:s0], s1  }
0x77c: {  	s1 =	ssub.s32 @!p0 $0x0, s1;
	[sflag:s0] =	ssyncset.done @!p0 $0x0  }
0x77d: {  	[sflag:s0] =	ssyncadd.s32 @!p0 s1  }
0x77e: {  	[bflag:$0x3] =	sbarrier.arrive $0xFFFF  }
0x77f: {  	_ =	shalt  }

</sc_bundles>
